<compile_context>
chip_gen: v7x
topology: tpu7x:2x2x1
jax: 0.10.2.dev20260603
libtpu: 0.0.44.dev20260713+nightly
codegen_flags: <defaults>
</compile_context>

<pallas_src>
import functools

import jax
import jax.numpy as jnp
from jax import lax
from jax.experimental import pallas as pl
from jax.experimental.pallas import tpu as pltpu
from jax.experimental.pallas import tpu_sc as plsc

N = 10000
E = 320000
D = 128

NC = 2
NS = 16
NW = NC * NS
CHUNK = 128
NCH = 80
EPW = NCH * CHUNK
E_PAD = EPW * NW
RPT = -(-(N + 1) // (NS * 8)) * 8
ACC_ROWS = RPT * NS



def _copy_out(c, s, acc_sh, agg_out):
    base = s * RPT
    last = N - (NS - 1) * RPT

    @pl.when(s < NS - 1)
    def _():
        pltpu.sync_copy(acc_sh.at[pl.ds(base, RPT)],
                        agg_out.at[c, pl.ds(base, RPT)])

    @pl.when(s == NS - 1)
    def _():
        pltpu.sync_copy(acc_sh.at[pl.ds(base, last)],
                        agg_out.at[c, pl.ds(base, last)])


def _zero_acc(s, rows_a, acc_sh):
    z16 = jnp.zeros((16,), jnp.float32)

    def zrow(r, carry):
        for k in range(CHUNK // 16):
            rows_a[r, pl.ds(k * 16, 16)] = z16
        return carry

    lax.fori_loop(0, CHUNK, zrow, 0)
    base = s * RPT
    for t in range(RPT // CHUNK):
        pltpu.sync_copy(rows_a, acc_sh.at[pl.ds(base + t * CHUNK, CHUNK)])
    rem = RPT % CHUNK
    pltpu.sync_copy(rows_a.at[pl.ds(0, rem)],
                    acc_sh.at[pl.ds(base + RPT - rem, rem)])


def _ring(h, srcg, gwid, base_j, nch, src_i, dst_v, rows_a, rows_b, acc_sh,
          sem_a, sem_b, sem_sa, sem_sb, sem_ia, sem_ib, cnt_priv=None):
    ones16 = jnp.ones((16,), jnp.float32)

    def fire_idx(j, p, sem_i):
        pltpu.async_copy(srcg.at[gwid, base_j + j], src_i.at[p], sem_i)

    def wait_idx(p, sem_i):
        pltpu.make_async_copy(srcg.at[gwid, 0], src_i.at[p], sem_i).wait()

    def fire_g(p, buf, sem):
        pltpu.async_copy(h.at[src_i.at[p]], buf, sem)

    def drain_g(buf, sem):
        pltpu.make_async_copy(h.at[src_i.at[0]], buf, sem).wait()

    def fire_s(j, buf, sem):
        pltpu.async_copy(buf, acc_sh.at[dst_v.at[j]], sem, add=True)
        if cnt_priv is not None:
            for k in range(CHUNK // 16):
                idx = dst_v[j, pl.ds(k * 16, 16)]
                plsc.addupdate_scatter(cnt_priv, [idx], ones16)

    def drain_s(buf, sem):
        pltpu.make_async_copy(buf, acc_sh.at[dst_v.at[0]], sem).wait()

    fire_idx(0, 0, sem_ia)
    fire_idx(1, 1, sem_ib)
    wait_idx(0, sem_ia)
    fire_g(0, rows_a, sem_a)
    drain_g(rows_a, sem_a)
    fire_s(0, rows_a, sem_sa)
    fire_idx(2, 0, sem_ia)
    wait_idx(1, sem_ib)
    fire_g(1, rows_b, sem_b)

    def step(i, carry):
        j0 = 2 * i
        drain_g(rows_b, sem_b)
        fire_s(j0 + 1, rows_b, sem_sb)
        fire_idx(j0 + 3, 1, sem_ib)
        drain_s(rows_a, sem_sa)
        wait_idx(0, sem_ia)
        fire_g(0, rows_a, sem_a)
        drain_g(rows_a, sem_a)
        fire_s(j0 + 2, rows_a, sem_sa)
        fire_idx(j0 + 4, 0, sem_ia)
        drain_s(rows_b, sem_sb)
        wait_idx(1, sem_ib)
        fire_g(1, rows_b, sem_b)
        return carry

    lax.fori_loop(0, nch // 2 - 1, step, 0)
    drain_g(rows_b, sem_b)
    fire_s(nch - 1, rows_b, sem_sb)
    drain_s(rows_a, sem_sa)
    drain_s(rows_b, sem_sb)
    wait_idx(0, sem_ia)


NHALF = NCH // 2


def _sc_body_cnt(h, srcg, dstg, agg_out, cnt_out,
                 src_i, dst_v, rows_a, rows_b, cnt_priv, acc_sh,
                 sem_a, sem_b, sem_sa, sem_sb, sem_ia, sem_ib):
    c = lax.axis_index("c")
    s = lax.axis_index("s")
    gwid = c * NS + s

    _zero_acc(s, rows_a, acc_sh)
    z16 = jnp.zeros((16,), jnp.float32)

    def zcnt(i, carry):
        cnt_priv[pl.ds(i * 16, 16)] = z16
        return carry

    lax.fori_loop(0, ACC_ROWS // 16, zcnt, 0)
    plsc.subcore_barrier()

    for hb in range(2):
        pltpu.sync_copy(dstg.at[gwid, pl.ds(hb * NHALF, NHALF)], dst_v)
        _ring(h, srcg, gwid, hb * NHALF, NHALF, src_i, dst_v,
              rows_a, rows_b, acc_sh,
              sem_a, sem_b, sem_sa, sem_sb, sem_ia, sem_ib,
              cnt_priv=cnt_priv)
    plsc.subcore_barrier()
    _copy_out(c, s, acc_sh, agg_out)
    pltpu.sync_copy(cnt_priv, cnt_out.at[c, s])


def _fast_ring(base_j, nch, src_v, dst_v, rows_a, rows_b, acc_sh, h,
               sem_a, sem_b, sem_sa, sem_sb):
    def fire_g(j, buf, sem):
        pltpu.async_copy(h.at[src_v.at[j]], buf, sem)

    def drain_g(buf, sem):
        pltpu.make_async_copy(h.at[src_v.at[0]], buf, sem).wait()

    def fire_s(j, buf, sem):
        pltpu.async_copy(buf, acc_sh.at[dst_v.at[base_j + j]], sem, add=True)

    def drain_s(buf, sem):
        pltpu.make_async_copy(buf, acc_sh.at[dst_v.at[0]], sem).wait()

    fire_g(0, rows_a, sem_a)
    drain_g(rows_a, sem_a)
    fire_s(0, rows_a, sem_sa)
    fire_g(1, rows_b, sem_b)

    def step(i, carry):
        j0 = 2 * i
        drain_g(rows_b, sem_b)
        fire_s(j0 + 1, rows_b, sem_sb)
        drain_s(rows_a, sem_sa)
        fire_g(j0 + 2, rows_a, sem_a)
        drain_g(rows_a, sem_a)
        fire_s(j0 + 2, rows_a, sem_sa)
        drain_s(rows_b, sem_sb)
        fire_g(j0 + 3, rows_b, sem_b)
        return carry

    lax.fori_loop(0, nch // 2 - 1, step, 0)
    drain_g(rows_b, sem_b)
    fire_s(nch - 1, rows_b, sem_sb)
    drain_s(rows_a, sem_sa)
    drain_s(rows_b, sem_sb)


def _sc_body_fast(h, srcg, dstg, agg_out,
                  src_v, dst_v, rows_a, rows_b, acc_sh,
                  sem_a, sem_b, sem_sa, sem_sb):
    c = lax.axis_index("c")
    s = lax.axis_index("s")
    gwid = c * NS + s

    _zero_acc(s, rows_a, acc_sh)
    pltpu.sync_copy(dstg.at[gwid], dst_v)
    plsc.subcore_barrier()

    for hb in range(2):
        pltpu.sync_copy(srcg.at[gwid, pl.ds(hb * NHALF, NHALF)], src_v)
        _fast_ring(hb * NHALF, NHALF, src_v, dst_v, rows_a, rows_b, acc_sh,
                   h, sem_a, sem_b, sem_sa, sem_sb)
    plsc.subcore_barrier()
    _copy_out(c, s, acc_sh, agg_out)


@functools.lru_cache(maxsize=None)
def _sc_kernels():
    mesh = plsc.VectorSubcoreMesh(core_axis_name="c", subcore_axis_name="s",
                                  num_cores=NC, num_subcores=NS)
    params = pltpu.CompilerParams(needs_layout_passes=False)
    agg_cnt = pl.kernel(
        _sc_body_cnt,
        out_type=(jax.ShapeDtypeStruct((NC, N, D), jnp.float32),
                  jax.ShapeDtypeStruct((NC, NS, ACC_ROWS), jnp.float32)),
        mesh=mesh,
        compiler_params=params,
        scratch_types=[
            pltpu.VMEM((2, CHUNK), jnp.int32),
            pltpu.VMEM((NHALF, CHUNK), jnp.int32),
            pltpu.VMEM((CHUNK, D), jnp.float32),
            pltpu.VMEM((CHUNK, D), jnp.float32),
            pltpu.VMEM((ACC_ROWS,), jnp.float32),
            pltpu.VMEM_SHARED((ACC_ROWS, D), jnp.float32),
        ] + [pltpu.SemaphoreType.DMA] * 6,
    )
    agg = pl.kernel(
        _sc_body_fast,
        out_type=jax.ShapeDtypeStruct((NC, N, D), jnp.float32),
        mesh=mesh,
        compiler_params=params,
        scratch_types=[
            pltpu.VMEM((NHALF, CHUNK), jnp.int32),
            pltpu.VMEM((NCH, CHUNK), jnp.int32),
            pltpu.VMEM((CHUNK, D), jnp.float32),
            pltpu.VMEM((CHUNK, D), jnp.float32),
            pltpu.VMEM_SHARED((ACC_ROWS, D), jnp.float32),
        ] + [pltpu.SemaphoreType.DMA] * 4,
    )
    return agg_cnt, agg


RB = 1000


def _tc_body(relu, p_ref, cnt_ref, h_ref, wlt_ref, wrt_ref, bl_ref, out_ref):
    cnt = jnp.sum(cnt_ref[...], axis=1, keepdims=True)
    rcp = 1.0 / jnp.maximum(cnt, 1.0)
    mean = (p_ref[0] + p_ref[1]) * rcp
    out = (jnp.dot(mean, wlt_ref[...], preferred_element_type=jnp.float32)
           + jnp.dot(h_ref[...], wrt_ref[...],
                     preferred_element_type=jnp.float32)
           + bl_ref[...])
    if relu:
        out = jnp.maximum(out, 0.0)
    out_ref[...] = out


def _tc_layer(p, cntp, h, wlt, wrt, bl, relu):
    grid = (N // RB,)
    return pl.pallas_call(
        functools.partial(_tc_body, relu),
        grid=grid,
        in_specs=[
            pl.BlockSpec((NC, RB, D), lambda i: (0, i, 0)),
            pl.BlockSpec((RB, NW), lambda i: (i, 0)),
            pl.BlockSpec((RB, D), lambda i: (i, 0)),
            pl.BlockSpec((D, D), lambda i: (0, 0)),
            pl.BlockSpec((D, D), lambda i: (0, 0)),
            pl.BlockSpec((1, D), lambda i: (0, 0)),
        ],
        out_specs=pl.BlockSpec((RB, D), lambda i: (i, 0)),
        out_shape=jax.ShapeDtypeStruct((N, D), jnp.float32),
    )(p, cntp, h, wlt, wrt, bl)


def kernel(x, edge_index, Wl0, bl0, Wr0, Wl1, bl1, Wr1, Wl2, bl2, Wr2):
    src = edge_index[0]
    dst = edge_index[1]
    pad = E_PAD - E
    pad_src = (jnp.arange(pad, dtype=jnp.int32) * 31) % N
    pad_dst = N + (jnp.arange(pad, dtype=jnp.int32) % (ACC_ROWS - N))
    src_p = jnp.concatenate([src, pad_src])
    dst_p = jnp.concatenate([dst, pad_dst])
    srcg = src_p.reshape(EPW, NW).T.reshape(NW, NCH, CHUNK)
    srcg = jnp.concatenate(
        [srcg, jnp.zeros((NW, 2, CHUNK), jnp.int32)], axis=1)
    dstg = dst_p.reshape(EPW, NW).T.reshape(NW, NCH, CHUNK)
    sc_agg_cnt, sc_agg = _sc_kernels()
    a0, cntp = sc_agg_cnt(x, srcg, dstg)
    cntp = cntp.reshape(NW, ACC_ROWS).T
    h1 = _tc_layer(a0, cntp, x, Wl0.T, Wr0.T, bl0.reshape(1, D), relu=True)
    a1 = sc_agg(h1, srcg, dstg)
    h2 = _tc_layer(a1, cntp, h1, Wl1.T, Wr1.T, bl1.reshape(1, D), relu=True)
    a2 = sc_agg(h2, srcg, dstg)
    h3 = _tc_layer(a2, cntp, h2, Wl2.T, Wr2.T, bl2.reshape(1, D), relu=False)
    return h3

# --- scband reference (transcript-rebuilt; emitter-appended) ---
"""Pipeline reference for scband-gnn-16999480557861 (READ-ONLY COPY).

The authoritative reference and input builder live on the scoring server;
editing this copy changes nothing except your own understanding.
"""

import jax, jax.numpy as jnp
import numpy as np

N = 10000
E = 320000
D = 128


def setup_inputs(seed: int = 0) -> dict:
    key = jax.random.key(seed)
    ks = jax.random.split(key, 16)
    inp = {}
    inp["x"] = jax.random.normal(ks[0], (N, D), dtype=jnp.float32)
    inp["edge_index"] = jax.random.randint(ks[1], (2, E), 0, N, dtype=jnp.int32)
    s = 1.0 / np.sqrt(D)
    for i in range(3):
        inp[f"Wl{i}"] = jax.random.normal(ks[2 + 3 * i], (D, D), dtype=jnp.float32) * s
        inp[f"bl{i}"] = jnp.zeros((D,), dtype=jnp.float32)
        inp[f"Wr{i}"] = jax.random.normal(ks[3 + 3 * i], (D, D), dtype=jnp.float32) * s
    return inp


def _sage_conv(x, src, dst, Wl, bl, Wr):
    # SAGEConv(aggr='mean', project=False, root_weight=True):
    # out = lin_l(mean_{j in N(i)} x_j) + lin_r(x_i)
    msg = jnp.take(x, src, axis=0)
    agg = jax.ops.segment_sum(msg, dst, num_segments=N)
    cnt = jax.ops.segment_sum(jnp.ones((E,), dtype=x.dtype), dst, num_segments=N)
    mean = agg / jnp.clip(cnt, 1.0, None)[:, None]
    return mean @ Wl.T + bl + x @ Wr.T


def reference(x, edge_index, Wl0, bl0, Wr0, Wl1, bl1, Wr1, Wl2, bl2, Wr2):
    src = edge_index[0]
    dst = edge_index[1]
    h = jax.nn.relu(_sage_conv(x, src, dst, Wl0, bl0, Wr0))
    h = jax.nn.relu(_sage_conv(h, src, dst, Wl1, bl1, Wr1))
    h = _sage_conv(h, src, dst, Wl2, bl2, Wr2)
    return h

if __name__ == "__main__":
    import jax
    _d = setup_inputs()
    print(jax.jit(kernel)(*tuple(_d.values())))

</pallas_src>

<mosaic_0001>
#map = affine_map<(d0, d1) -> (0, 0)>
#map1 = affine_map<(d0, d1) -> (0, 0, 0)>
module attributes {stable_mosaic.version = 14 : i64} {
  func.func @_sc_body_cnt(%arg0: i32, %arg1: i32, %arg2: memref<10000x128xf32, #tpu.memory_space<hbm>>, %arg3: memref<32x82x128xi32, #tpu.memory_space<hbm>>, %arg4: memref<32x80x128xi32, #tpu.memory_space<hbm>>, %arg5: memref<2x10000x128xf32, #tpu.memory_space<hbm>>, %arg6: memref<2x16x10112xf32, #tpu.memory_space<hbm>>, %arg7: memref<2x128xi32, #tpu.memory_space<vmem>>, %arg8: memref<40x128xi32, #tpu.memory_space<vmem>>, %arg9: memref<128x128xf32, #tpu.memory_space<vmem>>, %arg10: memref<128x128xf32, #tpu.memory_space<vmem>>, %arg11: memref<10112xf32, #tpu.memory_space<vmem>>, %arg12: memref<10112x128xf32, #tpu.memory_space<vmem_shared>>, %arg13: memref<!tpu.dma_semaphore, #tpu.memory_space<semaphore_mem>>, %arg14: memref<!tpu.dma_semaphore, #tpu.memory_space<semaphore_mem>>, %arg15: memref<!tpu.dma_semaphore, #tpu.memory_space<semaphore_mem>>, %arg16: memref<!tpu.dma_semaphore, #tpu.memory_space<semaphore_mem>>, %arg17: memref<!tpu.dma_semaphore, #tpu.memory_space<semaphore_mem>>, %arg18: memref<!tpu.dma_semaphore, #tpu.memory_space<semaphore_mem>>) attributes {dimension_semantics = [#tpu.dimension_semantics<core_parallel>, #tpu.dimension_semantics<subcore_parallel>], iteration_bounds = array<i64: 2, 16>, scalar_prefetch = 0 : i64, scratch_operands = 12 : i64, tpu.core_type = #tpu.core_type<sc_vector_subcore>, window_params = [{transform_indices = #map}, {transform_indices = #map1}, {transform_indices = #map1}, {transform_indices = #map1}, {transform_indices = #map1}]} {
    %mul3A = arith.constant 16 : i32
    %mul3A_0 = arith.muli %arg0, %mul3A : i32
    %add3A = arith.addi %mul3A_0, %arg1 : i32
    %broadcast_in_dim3A = arith.constant 0.000000e+00 : f32
    %broadcast_in_dim3A_1 = vector.broadcast %broadcast_in_dim3A : f32 to vector<16xf32>
    %scan3A = arith.constant 0 : i32
    %scan3A_2 = arith.constant 0 : i32
    %scan3A_3 = arith.constant 128 : i32
    %scan3A_4 = arith.addi %scan3A_2, %scan3A_3 : i32
    %scan3A_5 = arith.constant 1 : i32
    scf.for %scan3A_458 = %scan3A_2 to %scan3A_4 step %scan3A_5  : i32 {
      %swap3A = arith.index_cast %scan3A_458 : i32 to index
      %swap3A_459 = arith.constant 0 : index
      %swap3A_460 = tpu.vector_load %arg9[%swap3A, %swap3A_459] {strides = array<i32>} : memref<128x128xf32, #tpu.memory_space<vmem>>, vector<16xf32>,
      tpu.vector_store %arg9[%swap3A, %swap3A_459], %broadcast_in_dim3A_1 {strides = array<i32>} : memref<128x128xf32, #tpu.memory_space<vmem>>, vector<16xf32>,
      %swap3A_461 = arith.index_cast %scan3A_458 : i32 to index
      %swap3A_462 = arith.constant 16 : index
      %swap3A_463 = tpu.vector_load %arg9[%swap3A_461, %swap3A_462] {strides = array<i32>} : memref<128x128xf32, #tpu.memory_space<vmem>>, vector<16xf32>,
      tpu.vector_store %arg9[%swap3A_461, %swap3A_462], %broadcast_in_dim3A_1 {strides = array<i32>} : memref<128x128xf32, #tpu.memory_space<vmem>>, vector<16xf32>,
      %swap3A_464 = arith.index_cast %scan3A_458 : i32 to index
      %swap3A_465 = arith.constant 32 : index
      %swap3A_466 = tpu.vector_load %arg9[%swap3A_464, %swap3A_465] {strides = array<i32>} : memref<128x128xf32, #tpu.memory_space<vmem>>, vector<16xf32>,
      tpu.vector_store %arg9[%swap3A_464, %swap3A_465], %broadcast_in_dim3A_1 {strides = array<i32>} : memref<128x128xf32, #tpu.memory_space<vmem>>, vector<16xf32>,
      %swap3A_467 = arith.index_cast %scan3A_458 : i32 to index
      %swap3A_468 = arith.constant 48 : index
      %swap3A_469 = tpu.vector_load %arg9[%swap3A_467, %swap3A_468] {strides = array<i32>} : memref<128x128xf32, #tpu.memory_space<vmem>>, vector<16xf32>,
      tpu.vector_store %arg9[%swap3A_467, %swap3A_468], %broadcast_in_dim3A_1 {strides = array<i32>} : memref<128x128xf32, #tpu.memory_space<vmem>>, vector<16xf32>,
      %swap3A_470 = arith.index_cast %scan3A_458 : i32 to index
      %swap3A_471 = arith.constant 64 : index
      %swap3A_472 = tpu.vector_load %arg9[%swap3A_470, %swap3A_471] {strides = array<i32>} : memref<128x128xf32, #tpu.memory_space<vmem>>, vector<16xf32>,
      tpu.vector_store %arg9[%swap3A_470, %swap3A_471], %broadcast_in_dim3A_1 {strides = array<i32>} : memref<128x128xf32, #tpu.memory_space<vmem>>, vector<16xf32>,
      %swap3A_473 = arith.index_cast %scan3A_458 : i32 to index
      %swap3A_474 = arith.constant 80 : index
      %swap3A_475 = tpu.vector_load %arg9[%swap3A_473, %swap3A_474] {strides = array<i32>} : memref<128x128xf32, #tpu.memory_space<vmem>>, vector<16xf32>,
      tpu.vector_store %arg9[%swap3A_473, %swap3A_474], %broadcast_in_dim3A_1 {strides = array<i32>} : memref<128x128xf32, #tpu.memory_space<vmem>>, vector<16xf32>,
      %swap3A_476 = arith.index_cast %scan3A_458 : i32 to index
      %swap3A_477 = arith.constant 96 : index
      %swap3A_478 = tpu.vector_load %arg9[%swap3A_476, %swap3A_477] {strides = array<i32>} : memref<128x128xf32, #tpu.memory_space<vmem>>, vector<16xf32>,
      tpu.vector_store %arg9[%swap3A_476, %swap3A_477], %broadcast_in_dim3A_1 {strides = array<i32>} : memref<128x128xf32, #tpu.memory_space<vmem>>, vector<16xf32>,
      %swap3A_479 = arith.index_cast %scan3A_458 : i32 to index
      %swap3A_480 = arith.constant 112 : index
      %swap3A_481 = tpu.vector_load %arg9[%swap3A_479, %swap3A_480] {strides = array<i32>} : memref<128x128xf32, #tpu.memory_space<vmem>>, vector<16xf32>,
      tpu.vector_store %arg9[%swap3A_479, %swap3A_480], %broadcast_in_dim3A_1 {strides = array<i32>} : memref<128x128xf32, #tpu.memory_space<vmem>>, vector<16xf32>,
    }
    %scan3A_6 = arith.constant 128 : i32
    %mul3A_7 = arith.constant 632 : i32
    %mul3A_8 = arith.muli %arg1, %mul3A_7 : i32
    %add3A_9 = arith.constant 0 : i32
    %add3A_10 = arith.addi %mul3A_8, %add3A_9 : i32
    "tpu.region"() ({
      %run_scoped3A = tpu.sem_alloc : memref<!tpu.dma_semaphore, #tpu.memory_space<semaphore_mem>>
      %dma_start3A_458 = arith.constant 0 : i32
      %dma_start3A_459 = tpu.memref_slice %arg12[%add3A_10, %dma_start3A_458] : memref<10112x128xf32, #tpu.memory_space<vmem_shared>> -> memref<128x128xf32, #tpu.memory_space<vmem_shared>>
      %dma_start3A_460 = arith.constant 0 : i32
      %dma_start3A_461 = tpu.memref_slice %arg12[%add3A_10, %dma_start3A_460] : memref<10112x128xf32, #tpu.memory_space<vmem_shared>> -> memref<128x128xf32, #tpu.memory_space<vmem_shared>>
      tpu.enqueue_dma source(%arg9 : memref<128x128xf32, #tpu.memory_space<vmem>>) target(%dma_start3A_461 : memref<128x128xf32, #tpu.memory_space<vmem_shared>>) target_semaphore(%run_scoped3A : memref<!tpu.dma_semaphore, #tpu.memory_space<semaphore_mem>>)
      %dma_wait3A_462 = arith.constant 0 : i32
      %dma_wait3A_463 = tpu.memref_slice %arg12[%add3A_10, %dma_wait3A_462] : memref<10112x128xf32, #tpu.memory_space<vmem_shared>> -> memref<128x128xf32, #tpu.memory_space<vmem_shared>>
      %dma_wait3A_464 = arith.constant 0 : i32
      %dma_wait3A_465 = tpu.memref_slice %arg12[%add3A_10, %dma_wait3A_464] : memref<10112x128xf32, #tpu.memory_space<vmem_shared>> -> memref<128x128xf32, #tpu.memory_space<vmem_shared>>
      tpu.wait_dma2 semaphore(%run_scoped3A : memref<!tpu.dma_semaphore, #tpu.memory_space<semaphore_mem>>) src(%arg9 : memref<128x128xf32, #tpu.memory_space<vmem>>) dst(%dma_wait3A_465 : memref<128x128xf32, #tpu.memory_space<vmem_shared>>)
      tpu.yield
    }) : () -> ()
    %add3A_11 = arith.constant 128 : i32
    %add3A_12 = arith.addi %mul3A_8, %add3A_11 : i32
    "tpu.region"() ({
      %run_scoped3A = tpu.sem_alloc : memref<!tpu.dma_semaphore, #tpu.memory_space<semaphore_mem>>
      %dma_start3A_458 = arith.constant 0 : i32
      %dma_start3A_459 = tpu.memref_slice %arg12[%add3A_12, %dma_start3A_458] : memref<10112x128xf32, #tpu.memory_space<vmem_shared>> -> memref<128x128xf32, #tpu.memory_space<vmem_shared>>
      %dma_start3A_460 = arith.constant 0 : i32
      %dma_start3A_461 = tpu.memref_slice %arg12[%add3A_12, %dma_start3A_460] : memref<10112x128xf32, #tpu.memory_space<vmem_shared>> -> memref<128x128xf32, #tpu.memory_space<vmem_shared>>
      tpu.enqueue_dma source(%arg9 : memref<128x128xf32, #tpu.memory_space<vmem>>) target(%dma_start3A_461 : memref<128x128xf32, #tpu.memory_space<vmem_shared>>) target_semaphore(%run_scoped3A : memref<!tpu.dma_semaphore, #tpu.memory_space<semaphore_mem>>)
      %dma_wait3A_462 = arith.constant 0 : i32
      %dma_wait3A_463 = tpu.memref_slice %arg12[%add3A_12, %dma_wait3A_462] : memref<10112x128xf32, #tpu.memory_space<vmem_shared>> -> memref<128x128xf32, #tpu.memory_space<vmem_shared>>
      %dma_wait3A_464 = arith.constant 0 : i32
      %dma_wait3A_465 = tpu.memref_slice %arg12[%add3A_12, %dma_wait3A_464] : memref<10112x128xf32, #tpu.memory_space<vmem_shared>> -> memref<128x128xf32, #tpu.memory_space<vmem_shared>>
      tpu.wait_dma2 semaphore(%run_scoped3A : memref<!tpu.dma_semaphore, #tpu.memory_space<semaphore_mem>>) src(%arg9 : memref<128x128xf32, #tpu.memory_space<vmem>>) dst(%dma_wait3A_465 : memref<128x128xf32, #tpu.memory_space<vmem_shared>>)
      tpu.yield
    }) : () -> ()
    %add3A_13 = arith.constant 256 : i32
    %add3A_14 = arith.addi %mul3A_8, %add3A_13 : i32
    "tpu.region"() ({
      %run_scoped3A = tpu.sem_alloc : memref<!tpu.dma_semaphore, #tpu.memory_space<semaphore_mem>>
      %dma_start3A_458 = arith.constant 0 : i32
      %dma_start3A_459 = tpu.memref_slice %arg12[%add3A_14, %dma_start3A_458] : memref<10112x128xf32, #tpu.memory_space<vmem_shared>> -> memref<128x128xf32, #tpu.memory_space<vmem_shared>>
      %dma_start3A_460 = arith.constant 0 : i32
      %dma_start3A_461 = tpu.memref_slice %arg12[%add3A_14, %dma_start3A_460] : memref<10112x128xf32, #tpu.memory_space<vmem_shared>> -> memref<128x128xf32, #tpu.memory_space<vmem_shared>>
      tpu.enqueue_dma source(%arg9 : memref<128x128xf32, #tpu.memory_space<vmem>>) target(%dma_start3A_461 : memref<128x128xf32, #tpu.memory_space<vmem_shared>>) target_semaphore(%run_scoped3A : memref<!tpu.dma_semaphore, #tpu.memory_space<semaphore_mem>>)
      %dma_wait3A_462 = arith.constant 0 : i32
      %dma_wait3A_463 = tpu.memref_slice %arg12[%add3A_14, %dma_wait3A_462] : memref<10112x128xf32, #tpu.memory_space<vmem_shared>> -> memref<128x128xf32, #tpu.memory_space<vmem_shared>>
      %dma_wait3A_464 = arith.constant 0 : i32
      %dma_wait3A_465 = tpu.memref_slice %arg12[%add3A_14, %dma_wait3A_464] : memref<10112x128xf32, #tpu.memory_space<vmem_shared>> -> memref<128x128xf32, #tpu.memory_space<vmem_shared>>
      tpu.wait_dma2 semaphore(%run_scoped3A : memref<!tpu.dma_semaphore, #tpu.memory_space<semaphore_mem>>) src(%arg9 : memref<128x128xf32, #tpu.memory_space<vmem>>) dst(%dma_wait3A_465 : memref<128x128xf32, #tpu.memory_space<vmem_shared>>)
      tpu.yield
    }) : () -> ()
    %add3A_15 = arith.constant 384 : i32
    %add3A_16 = arith.addi %mul3A_8, %add3A_15 : i32
    "tpu.region"() ({
      %run_scoped3A = tpu.sem_alloc : memref<!tpu.dma_semaphore, #tpu.memory_space<semaphore_mem>>
      %dma_start3A_458 = arith.constant 0 : i32
      %dma_start3A_459 = tpu.memref_slice %arg12[%add3A_16, %dma_start3A_458] : memref<10112x128xf32, #tpu.memory_space<vmem_shared>> -> memref<128x128xf32, #tpu.memory_space<vmem_shared>>
      %dma_start3A_460 = arith.constant 0 : i32
      %dma_start3A_461 = tpu.memref_slice %arg12[%add3A_16, %dma_start3A_460] : memref<10112x128xf32, #tpu.memory_space<vmem_shared>> -> memref<128x128xf32, #tpu.memory_space<vmem_shared>>
      tpu.enqueue_dma source(%arg9 : memref<128x128xf32, #tpu.memory_space<vmem>>) target(%dma_start3A_461 : memref<128x128xf32, #tpu.memory_space<vmem_shared>>) target_semaphore(%run_scoped3A : memref<!tpu.dma_semaphore, #tpu.memory_space<semaphore_mem>>)
      %dma_wait3A_462 = arith.constant 0 : i32
      %dma_wait3A_463 = tpu.memref_slice %arg12[%add3A_16, %dma_wait3A_462] : memref<10112x128xf32, #tpu.memory_space<vmem_shared>> -> memref<128x128xf32, #tpu.memory_space<vmem_shared>>
      %dma_wait3A_464 = arith.constant 0 : i32
      %dma_wait3A_465 = tpu.memref_slice %arg12[%add3A_16, %dma_wait3A_464] : memref<10112x128xf32, #tpu.memory_space<vmem_shared>> -> memref<128x128xf32, #tpu.memory_space<vmem_shared>>
      tpu.wait_dma2 semaphore(%run_scoped3A : memref<!tpu.dma_semaphore, #tpu.memory_space<semaphore_mem>>) src(%arg9 : memref<128x128xf32, #tpu.memory_space<vmem>>) dst(%dma_wait3A_465 : memref<128x128xf32, #tpu.memory_space<vmem_shared>>)
      tpu.yield
    }) : () -> ()
    %add3A_17 = arith.constant 632 : i32
    %add3A_18 = arith.addi %mul3A_8, %add3A_17 : i32
    %sub3A = arith.constant 120 : i32
    %sub3A_19 = arith.subi %add3A_18, %sub3A : i32
    "tpu.region"() ({
      %run_scoped3A = tpu.sem_alloc : memref<!tpu.dma_semaphore, #tpu.memory_space<semaphore_mem>>
      %dma_start3A_458 = arith.constant 0 : i32
      %dma_start3A_459 = arith.constant 0 : i32
      %dma_start3A_460 = tpu.memref_slice %arg9[%dma_start3A_458, %dma_start3A_459] : memref<128x128xf32, #tpu.memory_space<vmem>> -> memref<120x128xf32, #tpu.memory_space<vmem>>
      %dma_start3A_461 = arith.constant 0 : i32
      %dma_start3A_462 = tpu.memref_slice %arg12[%sub3A_19, %dma_start3A_461] : memref<10112x128xf32, #tpu.memory_space<vmem_shared>> -> memref<120x128xf32, #tpu.memory_space<vmem_shared>>
      %dma_start3A_463 = arith.constant 0 : i32
      %dma_start3A_464 = tpu.memref_slice %arg12[%sub3A_19, %dma_start3A_463] : memref<10112x128xf32, #tpu.memory_space<vmem_shared>> -> memref<120x128xf32, #tpu.memory_space<vmem_shared>>
      %dma_start3A_465 = arith.constant 0 : i32
      %dma_start3A_466 = arith.constant 0 : i32
      %dma_start3A_467 = tpu.memref_slice %arg9[%dma_start3A_465, %dma_start3A_466] : memref<128x128xf32, #tpu.memory_space<vmem>> -> memref<120x128xf32, #tpu.memory_space<vmem>>
      tpu.enqueue_dma source(%dma_start3A_467 : memref<120x128xf32, #tpu.memory_space<vmem>>) target(%dma_start3A_464 : memref<120x128xf32, #tpu.memory_space<vmem_shared>>) target_semaphore(%run_scoped3A : memref<!tpu.dma_semaphore, #tpu.memory_space<semaphore_mem>>)
      %dma_wait3A_468 = arith.constant 0 : i32
      %dma_wait3A_469 = arith.constant 0 : i32
      %dma_wait3A_470 = tpu.memref_slice %arg9[%dma_wait3A_468, %dma_wait3A_469] : memref<128x128xf32, #tpu.memory_space<vmem>> -> memref<120x128xf32, #tpu.memory_space<vmem>>
      %dma_wait3A_471 = arith.constant 0 : i32
      %dma_wait3A_472 = tpu.memref_slice %arg12[%sub3A_19, %dma_wait3A_471] : memref<10112x128xf32, #tpu.memory_space<vmem_shared>> -> memref<120x128xf32, #tpu.memory_space<vmem_shared>>
      %dma_wait3A_473 = arith.constant 0 : i32
      %dma_wait3A_474 = tpu.memref_slice %arg12[%sub3A_19, %dma_wait3A_473] : memref<10112x128xf32, #tpu.memory_space<vmem_shared>> -> memref<120x128xf32, #tpu.memory_space<vmem_shared>>
      %dma_wait3A_475 = arith.constant 0 : i32
      %dma_wait3A_476 = arith.constant 0 : i32
      %dma_wait3A_477 = tpu.memref_slice %arg9[%dma_wait3A_475, %dma_wait3A_476] : memref<128x128xf32, #tpu.memory_space<vmem>> -> memref<120x128xf32, #tpu.memory_space<vmem>>
      tpu.wait_dma2 semaphore(%run_scoped3A : memref<!tpu.dma_semaphore, #tpu.memory_space<semaphore_mem>>) src(%dma_wait3A_477 : memref<120x128xf32, #tpu.memory_space<vmem>>) dst(%dma_wait3A_474 : memref<120x128xf32, #tpu.memory_space<vmem_shared>>)
      tpu.yield
    }) : () -> ()
    %broadcast_in_dim3A_20 = arith.constant 0.000000e+00 : f32
    %broadcast_in_dim3A_21 = vector.broadcast %broadcast_in_dim3A_20 : f32 to vector<16xf32>
    %scan3A_22 = arith.constant 0 : i32
    %scan3A_23 = arith.constant 0 : i32
    %scan3A_24 = arith.constant 632 : i32
    %scan3A_25 = arith.addi %scan3A_23, %scan3A_24 : i32
    %scan3A_26 = arith.constant 1 : i32
    scf.for %scan3A_458 = %scan3A_23 to %scan3A_25 step %scan3A_26  : i32 {
      %mul3A_459 = arith.constant 16 : i32
      %mul3A_460 = arith.muli %scan3A_458, %mul3A_459 : i32
      %swap3A = arith.index_cast %mul3A_460 : i32 to index
      %swap3A_461 = tpu.vector_load %arg11[%swap3A] {strides = array<i32>} : memref<10112xf32, #tpu.memory_space<vmem>>, vector<16xf32>,
      tpu.vector_store %arg11[%swap3A], %broadcast_in_dim3A_21 {strides = array<i32>} : memref<10112xf32, #tpu.memory_space<vmem>>, vector<16xf32>,
    }
    %scan3A_27 = arith.constant 632 : i32
    %barrier3A = arith.constant 0 : index
    tpu.barrier barrier_id(%barrier3A)
    "tpu.region"() ({
      %run_scoped3A = tpu.sem_alloc : memref<!tpu.dma_semaphore, #tpu.memory_space<semaphore_mem>>
      %dma_start3A_458 = arith.constant 0 : i32
      %dma_start3A_459 = arith.constant 0 : i32
      %dma_start3A_460 = tpu.memref_slice %arg4[%add3A, %dma_start3A_458, %dma_start3A_459] : memref<32x80x128xi32, #tpu.memory_space<hbm>> -> memref<1x40x128xi32, #tpu.memory_space<hbm>>
      %dma_start3A_461 = tpu.memref_squeeze %dma_start3A_460 : memref<1x40x128xi32, #tpu.memory_space<hbm>> -> memref<40x128xi32, #tpu.memory_space<hbm>>
      %dma_start3A_462 = arith.constant 0 : i32
      %dma_start3A_463 = arith.constant 0 : i32
      %dma_start3A_464 = tpu.memref_slice %arg4[%add3A, %dma_start3A_462, %dma_start3A_463] : memref<32x80x128xi32, #tpu.memory_space<hbm>> -> memref<1x40x128xi32, #tpu.memory_space<hbm>>
      %dma_start3A_465 = tpu.memref_squeeze %dma_start3A_464 : memref<1x40x128xi32, #tpu.memory_space<hbm>> -> memref<40x128xi32, #tpu.memory_space<hbm>>
      tpu.enqueue_dma source(%dma_start3A_465 : memref<40x128xi32, #tpu.memory_space<hbm>>) target(%arg8 : memref<40x128xi32, #tpu.memory_space<vmem>>) target_semaphore(%run_scoped3A : memref<!tpu.dma_semaphore, #tpu.memory_space<semaphore_mem>>)
      %dma_wait3A_466 = arith.constant 0 : i32
      %dma_wait3A_467 = arith.constant 0 : i32
      %dma_wait3A_468 = tpu.memref_slice %arg4[%add3A, %dma_wait3A_466, %dma_wait3A_467] : memref<32x80x128xi32, #tpu.memory_space<hbm>> -> memref<1x40x128xi32, #tpu.memory_space<hbm>>
      %dma_wait3A_469 = tpu.memref_squeeze %dma_wait3A_468 : memref<1x40x128xi32, #tpu.memory_space<hbm>> -> memref<40x128xi32, #tpu.memory_space<hbm>>
      %dma_wait3A_470 = arith.constant 0 : i32
      %dma_wait3A_471 = arith.constant 0 : i32
      %dma_wait3A_472 = tpu.memref_slice %arg4[%add3A, %dma_wait3A_470, %dma_wait3A_471] : memref<32x80x128xi32, #tpu.memory_space<hbm>> -> memref<1x40x128xi32, #tpu.memory_space<hbm>>
      %dma_wait3A_473 = tpu.memref_squeeze %dma_wait3A_472 : memref<1x40x128xi32, #tpu.memory_space<hbm>> -> memref<40x128xi32, #tpu.memory_space<hbm>>
      tpu.wait_dma2 semaphore(%run_scoped3A : memref<!tpu.dma_semaphore, #tpu.memory_space<semaphore_mem>>) src(%dma_wait3A_473 : memref<40x128xi32, #tpu.memory_space<hbm>>) dst(%arg8 : memref<40x128xi32, #tpu.memory_space<vmem>>)
      tpu.yield
    }) : () -> ()
    %broadcast_in_dim3A_28 = arith.constant 1.000000e+00 : f32
    %broadcast_in_dim3A_29 = vector.broadcast %broadcast_in_dim3A_28 : f32 to vector<16xf32>
    %dma_start3A = arith.constant 0 : i32
    %dma_start3A_30 = arith.constant 0 : i32
    %dma_start3A_31 = arith.constant 0 : i32
    %dma_start3A_32 = tpu.memref_slice %arg7[%dma_start3A_30, %dma_start3A_31] : memref<2x128xi32, #tpu.memory_space<vmem>> -> memref<1x128xi32, #tpu.memory_space<vmem>>
    %dma_start3A_33 = tpu.memref_squeeze %dma_start3A_32 : memref<1x128xi32, #tpu.memory_space<vmem>> -> memref<128xi32, #tpu.memory_space<vmem>>
    %dma_start3A_34 = arith.constant 0 : i32
    %dma_start3A_35 = tpu.memref_slice %arg3[%add3A, %dma_start3A, %dma_start3A_34] : memref<32x82x128xi32, #tpu.memory_space<hbm>> -> memref<1x1x128xi32, #tpu.memory_space<hbm>>
    %dma_start3A_36 = tpu.memref_squeeze %dma_start3A_35 : memref<1x1x128xi32, #tpu.memory_space<hbm>> -> memref<128xi32, #tpu.memory_space<hbm>>
    %dma_start3A_37 = arith.constant 0 : i32
    %dma_start3A_38 = tpu.memref_slice %arg7[%dma_start3A_30, %dma_start3A_37] : memref<2x128xi32, #tpu.memory_space<vmem>> -> memref<1x128xi32, #tpu.memory_space<vmem>>
    %dma_start3A_39 = tpu.memref_squeeze %dma_start3A_38 : memref<1x128xi32, #tpu.memory_space<vmem>> -> memref<128xi32, #tpu.memory_space<vmem>>
    %dma_start3A_40 = arith.constant 0 : i32
    %dma_start3A_41 = tpu.memref_slice %arg3[%add3A, %dma_start3A, %dma_start3A_40] : memref<32x82x128xi32, #tpu.memory_space<hbm>> -> memref<1x1x128xi32, #tpu.memory_space<hbm>>
    %dma_start3A_42 = tpu.memref_squeeze %dma_start3A_41 : memref<1x1x128xi32, #tpu.memory_space<hbm>> -> memref<128xi32, #tpu.memory_space<hbm>>
    tpu.enqueue_dma source(%dma_start3A_42 : memref<128xi32, #tpu.memory_space<hbm>>) target(%dma_start3A_39 : memref<128xi32, #tpu.memory_space<vmem>>) target_semaphore(%arg17 : memref<!tpu.dma_semaphore, #tpu.memory_space<semaphore_mem>>)
    %dma_start3A_43 = arith.constant 1 : i32
    %dma_start3A_44 = arith.constant 1 : i32
    %dma_start3A_45 = arith.constant 0 : i32
    %dma_start3A_46 = tpu.memref_slice %arg7[%dma_start3A_44, %dma_start3A_45] : memref<2x128xi32, #tpu.memory_space<vmem>> -> memref<1x128xi32, #tpu.memory_space<vmem>>
    %dma_start3A_47 = tpu.memref_squeeze %dma_start3A_46 : memref<1x128xi32, #tpu.memory_space<vmem>> -> memref<128xi32, #tpu.memory_space<vmem>>
    %dma_start3A_48 = arith.constant 0 : i32
    %dma_start3A_49 = tpu.memref_slice %arg3[%add3A, %dma_start3A_43, %dma_start3A_48] : memref<32x82x128xi32, #tpu.memory_space<hbm>> -> memref<1x1x128xi32, #tpu.memory_space<hbm>>
    %dma_start3A_50 = tpu.memref_squeeze %dma_start3A_49 : memref<1x1x128xi32, #tpu.memory_space<hbm>> -> memref<128xi32, #tpu.memory_space<hbm>>
    %dma_start3A_51 = arith.constant 0 : i32
    %dma_start3A_52 = tpu.memref_slice %arg7[%dma_start3A_44, %dma_start3A_51] : memref<2x128xi32, #tpu.memory_space<vmem>> -> memref<1x128xi32, #tpu.memory_space<vmem>>
    %dma_start3A_53 = tpu.memref_squeeze %dma_start3A_52 : memref<1x128xi32, #tpu.memory_space<vmem>> -> memref<128xi32, #tpu.memory_space<vmem>>
    %dma_start3A_54 = arith.constant 0 : i32
    %dma_start3A_55 = tpu.memref_slice %arg3[%add3A, %dma_start3A_43, %dma_start3A_54] : memref<32x82x128xi32, #tpu.memory_space<hbm>> -> memref<1x1x128xi32, #tpu.memory_space<hbm>>
    %dma_start3A_56 = tpu.memref_squeeze %dma_start3A_55 : memref<1x1x128xi32, #tpu.memory_space<hbm>> -> memref<128xi32, #tpu.memory_space<hbm>>
    tpu.enqueue_dma source(%dma_start3A_56 : memref<128xi32, #tpu.memory_space<hbm>>) target(%dma_start3A_53 : memref<128xi32, #tpu.memory_space<vmem>>) target_semaphore(%arg18 : memref<!tpu.dma_semaphore, #tpu.memory_space<semaphore_mem>>)
    %dma_wait3A = arith.constant 0 : i32
    %dma_wait3A_57 = arith.constant 0 : i32
    %dma_wait3A_58 = arith.constant 0 : i32
    %dma_wait3A_59 = tpu.memref_slice %arg7[%dma_wait3A_57, %dma_wait3A_58] : memref<2x128xi32, #tpu.memory_space<vmem>> -> memref<1x128xi32, #tpu.memory_space<vmem>>
    %dma_wait3A_60 = tpu.memref_squeeze %dma_wait3A_59 : memref<1x128xi32, #tpu.memory_space<vmem>> -> memref<128xi32, #tpu.memory_space<vmem>>
    %dma_wait3A_61 = arith.constant 0 : i32
    %dma_wait3A_62 = tpu.memref_slice %arg3[%add3A, %dma_wait3A, %dma_wait3A_61] : memref<32x82x128xi32, #tpu.memory_space<hbm>> -> memref<1x1x128xi32, #tpu.memory_space<hbm>>
    %dma_wait3A_63 = tpu.memref_squeeze %dma_wait3A_62 : memref<1x1x128xi32, #tpu.memory_space<hbm>> -> memref<128xi32, #tpu.memory_space<hbm>>
    %dma_wait3A_64 = arith.constant 0 : i32
    %dma_wait3A_65 = tpu.memref_slice %arg7[%dma_wait3A_57, %dma_wait3A_64] : memref<2x128xi32, #tpu.memory_space<vmem>> -> memref<1x128xi32, #tpu.memory_space<vmem>>
    %dma_wait3A_66 = tpu.memref_squeeze %dma_wait3A_65 : memref<1x128xi32, #tpu.memory_space<vmem>> -> memref<128xi32, #tpu.memory_space<vmem>>
    %dma_wait3A_67 = arith.constant 0 : i32
    %dma_wait3A_68 = tpu.memref_slice %arg3[%add3A, %dma_wait3A, %dma_wait3A_67] : memref<32x82x128xi32, #tpu.memory_space<hbm>> -> memref<1x1x128xi32, #tpu.memory_space<hbm>>
    %dma_wait3A_69 = tpu.memref_squeeze %dma_wait3A_68 : memref<1x1x128xi32, #tpu.memory_space<hbm>> -> memref<128xi32, #tpu.memory_space<hbm>>
    tpu.wait_dma2 semaphore(%arg17 : memref<!tpu.dma_semaphore, #tpu.memory_space<semaphore_mem>>) src(%dma_wait3A_69 : memref<128xi32, #tpu.memory_space<hbm>>) dst(%dma_wait3A_66 : memref<128xi32, #tpu.memory_space<vmem>>)
    %dma_start3A_70 = arith.constant 0 : i32
    %dma_start3A_71 = arith.constant 0 : i32
    %dma_start3A_72 = tpu.memref_slice %arg7[%dma_start3A_70, %dma_start3A_71] : memref<2x128xi32, #tpu.memory_space<vmem>> -> memref<1x128xi32, #tpu.memory_space<vmem>>
    %dma_start3A_73 = tpu.memref_squeeze %dma_start3A_72 : memref<1x128xi32, #tpu.memory_space<vmem>> -> memref<128xi32, #tpu.memory_space<vmem>>
    %dma_start3A_74 = arith.constant 0 : i32
    %dma_start3A_75 = arith.constant 0 : i32
    %dma_start3A_76 = tpu.memref_slice %arg2[%dma_start3A_74, %dma_start3A_75] : memref<10000x128xf32, #tpu.memory_space<hbm>> -> memref<10000x128xf32, #tpu.memory_space<hbm>>
    tpu.enqueue_indirect_dma source(%dma_start3A_76 : memref<10000x128xf32, #tpu.memory_space<hbm>>) target(%arg9 : memref<128x128xf32, #tpu.memory_space<vmem>>) offsets(%dma_start3A_73 : memref<128xi32, #tpu.memory_space<vmem>>) semaphore(%arg13 : memref<!tpu.dma_semaphore, #tpu.memory_space<semaphore_mem>>)
    %dma_wait3A_77 = arith.constant 0 : i32
    %dma_wait3A_78 = arith.constant 0 : i32
    %dma_wait3A_79 = tpu.memref_slice %arg7[%dma_wait3A_77, %dma_wait3A_78] : memref<2x128xi32, #tpu.memory_space<vmem>> -> memref<1x128xi32, #tpu.memory_space<vmem>>
    %dma_wait3A_80 = tpu.memref_squeeze %dma_wait3A_79 : memref<1x128xi32, #tpu.memory_space<vmem>> -> memref<128xi32, #tpu.memory_space<vmem>>
    %dma_wait3A_81 = arith.constant 0 : i32
    %dma_wait3A_82 = arith.constant 0 : i32
    %dma_wait3A_83 = tpu.memref_slice %arg2[%dma_wait3A_81, %dma_wait3A_82] : memref<10000x128xf32, #tpu.memory_space<hbm>> -> memref<10000x128xf32, #tpu.memory_space<hbm>>
    tpu.wait_indirect_dma semaphore(%arg13 : memref<!tpu.dma_semaphore, #tpu.memory_space<semaphore_mem>>) src(%dma_wait3A_83 : memref<10000x128xf32, #tpu.memory_space<hbm>>) dst(%arg9 : memref<128x128xf32, #tpu.memory_space<vmem>>)
    %dma_start3A_84 = arith.constant 0 : i32
    %dma_start3A_85 = arith.constant 0 : i32
    %dma_start3A_86 = tpu.memref_slice %arg8[%dma_start3A_84, %dma_start3A_85] : memref<40x128xi32, #tpu.memory_space<vmem>> -> memref<1x128xi32, #tpu.memory_space<vmem>>
    %dma_start3A_87 = tpu.memref_squeeze %dma_start3A_86 : memref<1x128xi32, #tpu.memory_space<vmem>> -> memref<128xi32, #tpu.memory_space<vmem>>
    %dma_start3A_88 = arith.constant 0 : i32
    %dma_start3A_89 = arith.constant 0 : i32
    %dma_start3A_90 = tpu.memref_slice %arg12[%dma_start3A_88, %dma_start3A_89] : memref<10112x128xf32, #tpu.memory_space<vmem_shared>> -> memref<10112x128xf32, #tpu.memory_space<vmem_shared>>
    tpu.enqueue_indirect_dma source(%arg9 : memref<128x128xf32, #tpu.memory_space<vmem>>) target(%dma_start3A_90 : memref<10112x128xf32, #tpu.memory_space<vmem_shared>>) offsets(%dma_start3A_87 : memref<128xi32, #tpu.memory_space<vmem>>) semaphore(%arg15 : memref<!tpu.dma_semaphore, #tpu.memory_space<semaphore_mem>>) {add = true}
    %get3A = arith.constant 0 : i32
    %get3A_91 = arith.index_cast %get3A : i32 to index
    %get3A_92 = arith.constant 0 : index
    %get3A_93 = tpu.vector_load %arg8[%get3A_91, %get3A_92] {strides = array<i32>} : memref<40x128xi32, #tpu.memory_space<vmem>>, vector<16xi32>,
    tpu.vector_store_idx %arg11[%get3A_93], %broadcast_in_dim3A_29 {add = true} : memref<10112xf32, #tpu.memory_space<vmem>>[vector<16xi32>], vector<16xf32>,
    %get3A_94 = arith.constant 0 : i32
    %get3A_95 = arith.index_cast %get3A_94 : i32 to index
    %get3A_96 = arith.constant 16 : index
    %get3A_97 = tpu.vector_load %arg8[%get3A_95, %get3A_96] {strides = array<i32>} : memref<40x128xi32, #tpu.memory_space<vmem>>, vector<16xi32>,
    tpu.vector_store_idx %arg11[%get3A_97], %broadcast_in_dim3A_29 {add = true} : memref<10112xf32, #tpu.memory_space<vmem>>[vector<16xi32>], vector<16xf32>,
    %get3A_98 = arith.constant 0 : i32
    %get3A_99 = arith.index_cast %get3A_98 : i32 to index
    %get3A_100 = arith.constant 32 : index
    %get3A_101 = tpu.vector_load %arg8[%get3A_99, %get3A_100] {strides = array<i32>} : memref<40x128xi32, #tpu.memory_space<vmem>>, vector<16xi32>,
    tpu.vector_store_idx %arg11[%get3A_101], %broadcast_in_dim3A_29 {add = true} : memref<10112xf32, #tpu.memory_space<vmem>>[vector<16xi32>], vector<16xf32>,
    %get3A_102 = arith.constant 0 : i32
    %get3A_103 = arith.index_cast %get3A_102 : i32 to index
    %get3A_104 = arith.constant 48 : index
    %get3A_105 = tpu.vector_load %arg8[%get3A_103, %get3A_104] {strides = array<i32>} : memref<40x128xi32, #tpu.memory_space<vmem>>, vector<16xi32>,
    tpu.vector_store_idx %arg11[%get3A_105], %broadcast_in_dim3A_29 {add = true} : memref<10112xf32, #tpu.memory_space<vmem>>[vector<16xi32>], vector<16xf32>,
    %get3A_106 = arith.constant 0 : i32
    %get3A_107 = arith.index_cast %get3A_106 : i32 to index
    %get3A_108 = arith.constant 64 : index
    %get3A_109 = tpu.vector_load %arg8[%get3A_107, %get3A_108] {strides = array<i32>} : memref<40x128xi32, #tpu.memory_space<vmem>>, vector<16xi32>,
    tpu.vector_store_idx %arg11[%get3A_109], %broadcast_in_dim3A_29 {add = true} : memref<10112xf32, #tpu.memory_space<vmem>>[vector<16xi32>], vector<16xf32>,
    %get3A_110 = arith.constant 0 : i32
    %get3A_111 = arith.index_cast %get3A_110 : i32 to index
    %get3A_112 = arith.constant 80 : index
    %get3A_113 = tpu.vector_load %arg8[%get3A_111, %get3A_112] {strides = array<i32>} : memref<40x128xi32, #tpu.memory_space<vmem>>, vector<16xi32>,
    tpu.vector_store_idx %arg11[%get3A_113], %broadcast_in_dim3A_29 {add = true} : memref<10112xf32, #tpu.memory_space<vmem>>[vector<16xi32>], vector<16xf32>,
    %get3A_114 = arith.constant 0 : i32
    %get3A_115 = arith.index_cast %get3A_114 : i32 to index
    %get3A_116 = arith.constant 96 : index
    %get3A_117 = tpu.vector_load %arg8[%get3A_115, %get3A_116] {strides = array<i32>} : memref<40x128xi32, #tpu.memory_space<vmem>>, vector<16xi32>,
    tpu.vector_store_idx %arg11[%get3A_117], %broadcast_in_dim3A_29 {add = true} : memref<10112xf32, #tpu.memory_space<vmem>>[vector<16xi32>], vector<16xf32>,
    %get3A_118 = arith.constant 0 : i32
    %get3A_119 = arith.index_cast %get3A_118 : i32 to index
    %get3A_120 = arith.constant 112 : index
    %get3A_121 = tpu.vector_load %arg8[%get3A_119, %get3A_120] {strides = array<i32>} : memref<40x128xi32, #tpu.memory_space<vmem>>, vector<16xi32>,
    tpu.vector_store_idx %arg11[%get3A_121], %broadcast_in_dim3A_29 {add = true} : memref<10112xf32, #tpu.memory_space<vmem>>[vector<16xi32>], vector<16xf32>,
    %dma_start3A_122 = arith.constant 2 : i32
    %dma_start3A_123 = arith.constant 0 : i32
    %dma_start3A_124 = arith.constant 0 : i32
    %dma_start3A_125 = tpu.memref_slice %arg7[%dma_start3A_123, %dma_start3A_124] : memref<2x128xi32, #tpu.memory_space<vmem>> -> memref<1x128xi32, #tpu.memory_space<vmem>>
    %dma_start3A_126 = tpu.memref_squeeze %dma_start3A_125 : memref<1x128xi32, #tpu.memory_space<vmem>> -> memref<128xi32, #tpu.memory_space<vmem>>
    %dma_start3A_127 = arith.constant 0 : i32
    %dma_start3A_128 = tpu.memref_slice %arg3[%add3A, %dma_start3A_122, %dma_start3A_127] : memref<32x82x128xi32, #tpu.memory_space<hbm>> -> memref<1x1x128xi32, #tpu.memory_space<hbm>>
    %dma_start3A_129 = tpu.memref_squeeze %dma_start3A_128 : memref<1x1x128xi32, #tpu.memory_space<hbm>> -> memref<128xi32, #tpu.memory_space<hbm>>
    %dma_start3A_130 = arith.constant 0 : i32
    %dma_start3A_131 = tpu.memref_slice %arg7[%dma_start3A_123, %dma_start3A_130] : memref<2x128xi32, #tpu.memory_space<vmem>> -> memref<1x128xi32, #tpu.memory_space<vmem>>
    %dma_start3A_132 = tpu.memref_squeeze %dma_start3A_131 : memref<1x128xi32, #tpu.memory_space<vmem>> -> memref<128xi32, #tpu.memory_space<vmem>>
    %dma_start3A_133 = arith.constant 0 : i32
    %dma_start3A_134 = tpu.memref_slice %arg3[%add3A, %dma_start3A_122, %dma_start3A_133] : memref<32x82x128xi32, #tpu.memory_space<hbm>> -> memref<1x1x128xi32, #tpu.memory_space<hbm>>
    %dma_start3A_135 = tpu.memref_squeeze %dma_start3A_134 : memref<1x1x128xi32, #tpu.memory_space<hbm>> -> memref<128xi32, #tpu.memory_space<hbm>>
    tpu.enqueue_dma source(%dma_start3A_135 : memref<128xi32, #tpu.memory_space<hbm>>) target(%dma_start3A_132 : memref<128xi32, #tpu.memory_space<vmem>>) target_semaphore(%arg17 : memref<!tpu.dma_semaphore, #tpu.memory_space<semaphore_mem>>)
    %dma_wait3A_136 = arith.constant 0 : i32
    %dma_wait3A_137 = arith.constant 1 : i32
    %dma_wait3A_138 = arith.constant 0 : i32
    %dma_wait3A_139 = tpu.memref_slice %arg7[%dma_wait3A_137, %dma_wait3A_138] : memref<2x128xi32, #tpu.memory_space<vmem>> -> memref<1x128xi32, #tpu.memory_space<vmem>>
    %dma_wait3A_140 = tpu.memref_squeeze %dma_wait3A_139 : memref<1x128xi32, #tpu.memory_space<vmem>> -> memref<128xi32, #tpu.memory_space<vmem>>
    %dma_wait3A_141 = arith.constant 0 : i32
    %dma_wait3A_142 = tpu.memref_slice %arg3[%add3A, %dma_wait3A_136, %dma_wait3A_141] : memref<32x82x128xi32, #tpu.memory_space<hbm>> -> memref<1x1x128xi32, #tpu.memory_space<hbm>>
    %dma_wait3A_143 = tpu.memref_squeeze %dma_wait3A_142 : memref<1x1x128xi32, #tpu.memory_space<hbm>> -> memref<128xi32, #tpu.memory_space<hbm>>
    %dma_wait3A_144 = arith.constant 0 : i32
    %dma_wait3A_145 = tpu.memref_slice %arg7[%dma_wait3A_137, %dma_wait3A_144] : memref<2x128xi32, #tpu.memory_space<vmem>> -> memref<1x128xi32, #tpu.memory_space<vmem>>
    %dma_wait3A_146 = tpu.memref_squeeze %dma_wait3A_145 : memref<1x128xi32, #tpu.memory_space<vmem>> -> memref<128xi32, #tpu.memory_space<vmem>>
    %dma_wait3A_147 = arith.constant 0 : i32
    %dma_wait3A_148 = tpu.memref_slice %arg3[%add3A, %dma_wait3A_136, %dma_wait3A_147] : memref<32x82x128xi32, #tpu.memory_space<hbm>> -> memref<1x1x128xi32, #tpu.memory_space<hbm>>
    %dma_wait3A_149 = tpu.memref_squeeze %dma_wait3A_148 : memref<1x1x128xi32, #tpu.memory_space<hbm>> -> memref<128xi32, #tpu.memory_space<hbm>>
    tpu.wait_dma2 semaphore(%arg18 : memref<!tpu.dma_semaphore, #tpu.memory_space<semaphore_mem>>) src(%dma_wait3A_149 : memref<128xi32, #tpu.memory_space<hbm>>) dst(%dma_wait3A_146 : memref<128xi32, #tpu.memory_space<vmem>>)
    %dma_start3A_150 = arith.constant 1 : i32
    %dma_start3A_151 = arith.constant 0 : i32
    %dma_start3A_152 = tpu.memref_slice %arg7[%dma_start3A_150, %dma_start3A_151] : memref<2x128xi32, #tpu.memory_space<vmem>> -> memref<1x128xi32, #tpu.memory_space<vmem>>
    %dma_start3A_153 = tpu.memref_squeeze %dma_start3A_152 : memref<1x128xi32, #tpu.memory_space<vmem>> -> memref<128xi32, #tpu.memory_space<vmem>>
    %dma_start3A_154 = arith.constant 0 : i32
    %dma_start3A_155 = arith.constant 0 : i32
    %dma_start3A_156 = tpu.memref_slice %arg2[%dma_start3A_154, %dma_start3A_155] : memref<10000x128xf32, #tpu.memory_space<hbm>> -> memref<10000x128xf32, #tpu.memory_space<hbm>>
    tpu.enqueue_indirect_dma source(%dma_start3A_156 : memref<10000x128xf32, #tpu.memory_space<hbm>>) target(%arg10 : memref<128x128xf32, #tpu.memory_space<vmem>>) offsets(%dma_start3A_153 : memref<128xi32, #tpu.memory_space<vmem>>) semaphore(%arg14 : memref<!tpu.dma_semaphore, #tpu.memory_space<semaphore_mem>>)
    %scan3A_157 = arith.constant 0 : i32
    %scan3A_158 = arith.constant 0 : i32
    %scan3A_159 = arith.constant 19 : i32
    %scan3A_160 = arith.addi %scan3A_158, %scan3A_159 : i32
    %scan3A_161 = arith.constant 1 : i32
    scf.for %scan3A_458 = %scan3A_158 to %scan3A_160 step %scan3A_161  : i32 {
      %mul3A_459 = arith.constant 2 : i32
      %mul3A_460 = arith.muli %mul3A_459, %scan3A_458 : i32
      %dma_wait3A_461 = arith.constant 0 : i32
      %dma_wait3A_462 = arith.constant 0 : i32
      %dma_wait3A_463 = tpu.memref_slice %arg7[%dma_wait3A_461, %dma_wait3A_462] : memref<2x128xi32, #tpu.memory_space<vmem>> -> memref<1x128xi32, #tpu.memory_space<vmem>>
      %dma_wait3A_464 = tpu.memref_squeeze %dma_wait3A_463 : memref<1x128xi32, #tpu.memory_space<vmem>> -> memref<128xi32, #tpu.memory_space<vmem>>
      %dma_wait3A_465 = arith.constant 0 : i32
      %dma_wait3A_466 = arith.constant 0 : i32
      %dma_wait3A_467 = tpu.memref_slice %arg2[%dma_wait3A_465, %dma_wait3A_466] : memref<10000x128xf32, #tpu.memory_space<hbm>> -> memref<10000x128xf32, #tpu.memory_space<hbm>>
      tpu.wait_indirect_dma semaphore(%arg14 : memref<!tpu.dma_semaphore, #tpu.memory_space<semaphore_mem>>) src(%dma_wait3A_467 : memref<10000x128xf32, #tpu.memory_space<hbm>>) dst(%arg10 : memref<128x128xf32, #tpu.memory_space<vmem>>)
      %add3A_468 = arith.constant 1 : i32
      %add3A_469 = arith.addi %mul3A_460, %add3A_468 : i32
      %dma_start3A_470 = arith.constant 0 : i32
      %dma_start3A_471 = tpu.memref_slice %arg8[%add3A_469, %dma_start3A_470] : memref<40x128xi32, #tpu.memory_space<vmem>> -> memref<1x128xi32, #tpu.memory_space<vmem>>
      %dma_start3A_472 = tpu.memref_squeeze %dma_start3A_471 : memref<1x128xi32, #tpu.memory_space<vmem>> -> memref<128xi32, #tpu.memory_space<vmem>>
      %dma_start3A_473 = arith.constant 0 : i32
      %dma_start3A_474 = arith.constant 0 : i32
      %dma_start3A_475 = tpu.memref_slice %arg12[%dma_start3A_473, %dma_start3A_474] : memref<10112x128xf32, #tpu.memory_space<vmem_shared>> -> memref<10112x128xf32, #tpu.memory_space<vmem_shared>>
      tpu.enqueue_indirect_dma source(%arg10 : memref<128x128xf32, #tpu.memory_space<vmem>>) target(%dma_start3A_475 : memref<10112x128xf32, #tpu.memory_space<vmem_shared>>) offsets(%dma_start3A_472 : memref<128xi32, #tpu.memory_space<vmem>>) semaphore(%arg16 : memref<!tpu.dma_semaphore, #tpu.memory_space<semaphore_mem>>) {add = true}
      %get3A_476 = arith.index_cast %add3A_469 : i32 to index
      %get3A_477 = arith.constant 0 : index
      %get3A_478 = tpu.vector_load %arg8[%get3A_476, %get3A_477] {strides = array<i32>} : memref<40x128xi32, #tpu.memory_space<vmem>>, vector<16xi32>,
      tpu.vector_store_idx %arg11[%get3A_478], %broadcast_in_dim3A_29 {add = true} : memref<10112xf32, #tpu.memory_space<vmem>>[vector<16xi32>], vector<16xf32>,
      %get3A_479 = arith.index_cast %add3A_469 : i32 to index
      %get3A_480 = arith.constant 16 : index
      %get3A_481 = tpu.vector_load %arg8[%get3A_479, %get3A_480] {strides = array<i32>} : memref<40x128xi32, #tpu.memory_space<vmem>>, vector<16xi32>,
      tpu.vector_store_idx %arg11[%get3A_481], %broadcast_in_dim3A_29 {add = true} : memref<10112xf32, #tpu.memory_space<vmem>>[vector<16xi32>], vector<16xf32>,
      %get3A_482 = arith.index_cast %add3A_469 : i32 to index
      %get3A_483 = arith.constant 32 : index
      %get3A_484 = tpu.vector_load %arg8[%get3A_482, %get3A_483] {strides = array<i32>} : memref<40x128xi32, #tpu.memory_space<vmem>>, vector<16xi32>,
      tpu.vector_store_idx %arg11[%get3A_484], %broadcast_in_dim3A_29 {add = true} : memref<10112xf32, #tpu.memory_space<vmem>>[vector<16xi32>], vector<16xf32>,
      %get3A_485 = arith.index_cast %add3A_469 : i32 to index
      %get3A_486 = arith.constant 48 : index
      %get3A_487 = tpu.vector_load %arg8[%get3A_485, %get3A_486] {strides = array<i32>} : memref<40x128xi32, #tpu.memory_space<vmem>>, vector<16xi32>,
      tpu.vector_store_idx %arg11[%get3A_487], %broadcast_in_dim3A_29 {add = true} : memref<10112xf32, #tpu.memory_space<vmem>>[vector<16xi32>], vector<16xf32>,
      %get3A_488 = arith.index_cast %add3A_469 : i32 to index
      %get3A_489 = arith.constant 64 : index
      %get3A_490 = tpu.vector_load %arg8[%get3A_488, %get3A_489] {strides = array<i32>} : memref<40x128xi32, #tpu.memory_space<vmem>>, vector<16xi32>,
      tpu.vector_store_idx %arg11[%get3A_490], %broadcast_in_dim3A_29 {add = true} : memref<10112xf32, #tpu.memory_space<vmem>>[vector<16xi32>], vector<16xf32>,
      %get3A_491 = arith.index_cast %add3A_469 : i32 to index
      %get3A_492 = arith.constant 80 : index
      %get3A_493 = tpu.vector_load %arg8[%get3A_491, %get3A_492] {strides = array<i32>} : memref<40x128xi32, #tpu.memory_space<vmem>>, vector<16xi32>,
      tpu.vector_store_idx %arg11[%get3A_493], %broadcast_in_dim3A_29 {add = true} : memref<10112xf32, #tpu.memory_space<vmem>>[vector<16xi32>], vector<16xf32>,
      %get3A_494 = arith.index_cast %add3A_469 : i32 to index
      %get3A_495 = arith.constant 96 : index
      %get3A_496 = tpu.vector_load %arg8[%get3A_494, %get3A_495] {strides = array<i32>} : memref<40x128xi32, #tpu.memory_space<vmem>>, vector<16xi32>,
      tpu.vector_store_idx %arg11[%get3A_496], %broadcast_in_dim3A_29 {add = true} : memref<10112xf32, #tpu.memory_space<vmem>>[vector<16xi32>], vector<16xf32>,
      %get3A_497 = arith.index_cast %add3A_469 : i32 to index
      %get3A_498 = arith.constant 112 : index
      %get3A_499 = tpu.vector_load %arg8[%get3A_497, %get3A_498] {strides = array<i32>} : memref<40x128xi32, #tpu.memory_space<vmem>>, vector<16xi32>,
      tpu.vector_store_idx %arg11[%get3A_499], %broadcast_in_dim3A_29 {add = true} : memref<10112xf32, #tpu.memory_space<vmem>>[vector<16xi32>], vector<16xf32>,
      %add3A_500 = arith.constant 3 : i32
      %add3A_501 = arith.addi %mul3A_460, %add3A_500 : i32
      %add3A_502 = arith.constant 0 : i32
      %add3A_503 = arith.addi %add3A_502, %add3A_501 : i32
      %dma_start3A_504 = arith.constant 1 : i32
      %dma_start3A_505 = arith.constant 0 : i32
      %dma_start3A_506 = tpu.memref_slice %arg7[%dma_start3A_504, %dma_start3A_505] : memref<2x128xi32, #tpu.memory_space<vmem>> -> memref<1x128xi32, #tpu.memory_space<vmem>>
      %dma_start3A_507 = tpu.memref_squeeze %dma_start3A_506 : memref<1x128xi32, #tpu.memory_space<vmem>> -> memref<128xi32, #tpu.memory_space<vmem>>
      %dma_start3A_508 = arith.constant 0 : i32
      %dma_start3A_509 = tpu.memref_slice %arg3[%add3A, %add3A_503, %dma_start3A_508] : memref<32x82x128xi32, #tpu.memory_space<hbm>> -> memref<1x1x128xi32, #tpu.memory_space<hbm>>
      %dma_start3A_510 = tpu.memref_squeeze %dma_start3A_509 : memref<1x1x128xi32, #tpu.memory_space<hbm>> -> memref<128xi32, #tpu.memory_space<hbm>>
      %dma_start3A_511 = arith.constant 0 : i32
      %dma_start3A_512 = tpu.memref_slice %arg7[%dma_start3A_504, %dma_start3A_511] : memref<2x128xi32, #tpu.memory_space<vmem>> -> memref<1x128xi32, #tpu.memory_space<vmem>>
      %dma_start3A_513 = tpu.memref_squeeze %dma_start3A_512 : memref<1x128xi32, #tpu.memory_space<vmem>> -> memref<128xi32, #tpu.memory_space<vmem>>
      %dma_start3A_514 = arith.constant 0 : i32
      %dma_start3A_515 = tpu.memref_slice %arg3[%add3A, %add3A_503, %dma_start3A_514] : memref<32x82x128xi32, #tpu.memory_space<hbm>> -> memref<1x1x128xi32, #tpu.memory_space<hbm>>
      %dma_start3A_516 = tpu.memref_squeeze %dma_start3A_515 : memref<1x1x128xi32, #tpu.memory_space<hbm>> -> memref<128xi32, #tpu.memory_space<hbm>>
      tpu.enqueue_dma source(%dma_start3A_516 : memref<128xi32, #tpu.memory_space<hbm>>) target(%dma_start3A_513 : memref<128xi32, #tpu.memory_space<vmem>>) target_semaphore(%arg18 : memref<!tpu.dma_semaphore, #tpu.memory_space<semaphore_mem>>)
      %dma_wait3A_517 = arith.constant 0 : i32
      %dma_wait3A_518 = arith.constant 0 : i32
      %dma_wait3A_519 = tpu.memref_slice %arg8[%dma_wait3A_517, %dma_wait3A_518] : memref<40x128xi32, #tpu.memory_space<vmem>> -> memref<1x128xi32, #tpu.memory_space<vmem>>
      %dma_wait3A_520 = tpu.memref_squeeze %dma_wait3A_519 : memref<1x128xi32, #tpu.memory_space<vmem>> -> memref<128xi32, #tpu.memory_space<vmem>>
      %dma_wait3A_521 = arith.constant 0 : i32
      %dma_wait3A_522 = arith.constant 0 : i32
      %dma_wait3A_523 = tpu.memref_slice %arg12[%dma_wait3A_521, %dma_wait3A_522] : memref<10112x128xf32, #tpu.memory_space<vmem_shared>> -> memref<10112x128xf32, #tpu.memory_space<vmem_shared>>
      tpu.wait_indirect_dma semaphore(%arg15 : memref<!tpu.dma_semaphore, #tpu.memory_space<semaphore_mem>>) src(%arg9 : memref<128x128xf32, #tpu.memory_space<vmem>>) dst(%dma_wait3A_523 : memref<10112x128xf32, #tpu.memory_space<vmem_shared>>)
      %dma_wait3A_524 = arith.constant 0 : i32
      %dma_wait3A_525 = arith.constant 0 : i32
      %dma_wait3A_526 = arith.constant 0 : i32
      %dma_wait3A_527 = tpu.memref_slice %arg7[%dma_wait3A_525, %dma_wait3A_526] : memref<2x128xi32, #tpu.memory_space<vmem>> -> memref<1x128xi32, #tpu.memory_space<vmem>>
      %dma_wait3A_528 = tpu.memref_squeeze %dma_wait3A_527 : memref<1x128xi32, #tpu.memory_space<vmem>> -> memref<128xi32, #tpu.memory_space<vmem>>
      %dma_wait3A_529 = arith.constant 0 : i32
      %dma_wait3A_530 = tpu.memref_slice %arg3[%add3A, %dma_wait3A_524, %dma_wait3A_529] : memref<32x82x128xi32, #tpu.memory_space<hbm>> -> memref<1x1x128xi32, #tpu.memory_space<hbm>>
      %dma_wait3A_531 = tpu.memref_squeeze %dma_wait3A_530 : memref<1x1x128xi32, #tpu.memory_space<hbm>> -> memref<128xi32, #tpu.memory_space<hbm>>
      %dma_wait3A_532 = arith.constant 0 : i32
      %dma_wait3A_533 = tpu.memref_slice %arg7[%dma_wait3A_525, %dma_wait3A_532] : memref<2x128xi32, #tpu.memory_space<vmem>> -> memref<1x128xi32, #tpu.memory_space<vmem>>
      %dma_wait3A_534 = tpu.memref_squeeze %dma_wait3A_533 : memref<1x128xi32, #tpu.memory_space<vmem>> -> memref<128xi32, #tpu.memory_space<vmem>>
      %dma_wait3A_535 = arith.constant 0 : i32
      %dma_wait3A_536 = tpu.memref_slice %arg3[%add3A, %dma_wait3A_524, %dma_wait3A_535] : memref<32x82x128xi32, #tpu.memory_space<hbm>> -> memref<1x1x128xi32, #tpu.memory_space<hbm>>
      %dma_wait3A_537 = tpu.memref_squeeze %dma_wait3A_536 : memref<1x1x128xi32, #tpu.memory_space<hbm>> -> memref<128xi32, #tpu.memory_space<hbm>>
      tpu.wait_dma2 semaphore(%arg17 : memref<!tpu.dma_semaphore, #tpu.memory_space<semaphore_mem>>) src(%dma_wait3A_537 : memref<128xi32, #tpu.memory_space<hbm>>) dst(%dma_wait3A_534 : memref<128xi32, #tpu.memory_space<vmem>>)
      %dma_start3A_538 = arith.constant 0 : i32
      %dma_start3A_539 = arith.constant 0 : i32
      %dma_start3A_540 = tpu.memref_slice %arg7[%dma_start3A_538, %dma_start3A_539] : memref<2x128xi32, #tpu.memory_space<vmem>> -> memref<1x128xi32, #tpu.memory_space<vmem>>
      %dma_start3A_541 = tpu.memref_squeeze %dma_start3A_540 : memref<1x128xi32, #tpu.memory_space<vmem>> -> memref<128xi32, #tpu.memory_space<vmem>>
      %dma_start3A_542 = arith.constant 0 : i32
      %dma_start3A_543 = arith.constant 0 : i32
      %dma_start3A_544 = tpu.memref_slice %arg2[%dma_start3A_542, %dma_start3A_543] : memref<10000x128xf32, #tpu.memory_space<hbm>> -> memref<10000x128xf32, #tpu.memory_space<hbm>>
      tpu.enqueue_indirect_dma source(%dma_start3A_544 : memref<10000x128xf32, #tpu.memory_space<hbm>>) target(%arg9 : memref<128x128xf32, #tpu.memory_space<vmem>>) offsets(%dma_start3A_541 : memref<128xi32, #tpu.memory_space<vmem>>) semaphore(%arg13 : memref<!tpu.dma_semaphore, #tpu.memory_space<semaphore_mem>>)
      %dma_wait3A_545 = arith.constant 0 : i32
      %dma_wait3A_546 = arith.constant 0 : i32
      %dma_wait3A_547 = tpu.memref_slice %arg7[%dma_wait3A_545, %dma_wait3A_546] : memref<2x128xi32, #tpu.memory_space<vmem>> -> memref<1x128xi32, #tpu.memory_space<vmem>>
      %dma_wait3A_548 = tpu.memref_squeeze %dma_wait3A_547 : memref<1x128xi32, #tpu.memory_space<vmem>> -> memref<128xi32, #tpu.memory_space<vmem>>
      %dma_wait3A_549 = arith.constant 0 : i32
      %dma_wait3A_550 = arith.constant 0 : i32
      %dma_wait3A_551 = tpu.memref_slice %arg2[%dma_wait3A_549, %dma_wait3A_550] : memref<10000x128xf32, #tpu.memory_space<hbm>> -> memref<10000x128xf32, #tpu.memory_space<hbm>>
      tpu.wait_indirect_dma semaphore(%arg13 : memref<!tpu.dma_semaphore, #tpu.memory_space<semaphore_mem>>) src(%dma_wait3A_551 : memref<10000x128xf32, #tpu.memory_space<hbm>>) dst(%arg9 : memref<128x128xf32, #tpu.memory_space<vmem>>)
      %add3A_552 = arith.constant 2 : i32
      %add3A_553 = arith.addi %mul3A_460, %add3A_552 : i32
      %dma_start3A_554 = arith.constant 0 : i32
      %dma_start3A_555 = tpu.memref_slice %arg8[%add3A_553, %dma_start3A_554] : memref<40x128xi32, #tpu.memory_space<vmem>> -> memref<1x128xi32, #tpu.memory_space<vmem>>
      %dma_start3A_556 = tpu.memref_squeeze %dma_start3A_555 : memref<1x128xi32, #tpu.memory_space<vmem>> -> memref<128xi32, #tpu.memory_space<vmem>>
      %dma_start3A_557 = arith.constant 0 : i32
      %dma_start3A_558 = arith.constant 0 : i32
      %dma_start3A_559 = tpu.memref_slice %arg12[%dma_start3A_557, %dma_start3A_558] : memref<10112x128xf32, #tpu.memory_space<vmem_shared>> -> memref<10112x128xf32, #tpu.memory_space<vmem_shared>>
      tpu.enqueue_indirect_dma source(%arg9 : memref<128x128xf32, #tpu.memory_space<vmem>>) target(%dma_start3A_559 : memref<10112x128xf32, #tpu.memory_space<vmem_shared>>) offsets(%dma_start3A_556 : memref<128xi32, #tpu.memory_space<vmem>>) semaphore(%arg15 : memref<!tpu.dma_semaphore, #tpu.memory_space<semaphore_mem>>) {add = true}
      %get3A_560 = arith.index_cast %add3A_553 : i32 to index
      %get3A_561 = arith.constant 0 : index
      %get3A_562 = tpu.vector_load %arg8[%get3A_560, %get3A_561] {strides = array<i32>} : memref<40x128xi32, #tpu.memory_space<vmem>>, vector<16xi32>,
      tpu.vector_store_idx %arg11[%get3A_562], %broadcast_in_dim3A_29 {add = true} : memref<10112xf32, #tpu.memory_space<vmem>>[vector<16xi32>], vector<16xf32>,
      %get3A_563 = arith.index_cast %add3A_553 : i32 to index
      %get3A_564 = arith.constant 16 : index
      %get3A_565 = tpu.vector_load %arg8[%get3A_563, %get3A_564] {strides = array<i32>} : memref<40x128xi32, #tpu.memory_space<vmem>>, vector<16xi32>,
      tpu.vector_store_idx %arg11[%get3A_565], %broadcast_in_dim3A_29 {add = true} : memref<10112xf32, #tpu.memory_space<vmem>>[vector<16xi32>], vector<16xf32>,
      %get3A_566 = arith.index_cast %add3A_553 : i32 to index
      %get3A_567 = arith.constant 32 : index
      %get3A_568 = tpu.vector_load %arg8[%get3A_566, %get3A_567] {strides = array<i32>} : memref<40x128xi32, #tpu.memory_space<vmem>>, vector<16xi32>,
      tpu.vector_store_idx %arg11[%get3A_568], %broadcast_in_dim3A_29 {add = true} : memref<10112xf32, #tpu.memory_space<vmem>>[vector<16xi32>], vector<16xf32>,
      %get3A_569 = arith.index_cast %add3A_553 : i32 to index
      %get3A_570 = arith.constant 48 : index
      %get3A_571 = tpu.vector_load %arg8[%get3A_569, %get3A_570] {strides = array<i32>} : memref<40x128xi32, #tpu.memory_space<vmem>>, vector<16xi32>,
      tpu.vector_store_idx %arg11[%get3A_571], %broadcast_in_dim3A_29 {add = true} : memref<10112xf32, #tpu.memory_space<vmem>>[vector<16xi32>], vector<16xf32>,
      %get3A_572 = arith.index_cast %add3A_553 : i32 to index
      %get3A_573 = arith.constant 64 : index
      %get3A_574 = tpu.vector_load %arg8[%get3A_572, %get3A_573] {strides = array<i32>} : memref<40x128xi32, #tpu.memory_space<vmem>>, vector<16xi32>,
      tpu.vector_store_idx %arg11[%get3A_574], %broadcast_in_dim3A_29 {add = true} : memref<10112xf32, #tpu.memory_space<vmem>>[vector<16xi32>], vector<16xf32>,
      %get3A_575 = arith.index_cast %add3A_553 : i32 to index
      %get3A_576 = arith.constant 80 : index
      %get3A_577 = tpu.vector_load %arg8[%get3A_575, %get3A_576] {strides = array<i32>} : memref<40x128xi32, #tpu.memory_space<vmem>>, vector<16xi32>,
      tpu.vector_store_idx %arg11[%get3A_577], %broadcast_in_dim3A_29 {add = true} : memref<10112xf32, #tpu.memory_space<vmem>>[vector<16xi32>], vector<16xf32>,
      %get3A_578 = arith.index_cast %add3A_553 : i32 to index
      %get3A_579 = arith.constant 96 : index
      %get3A_580 = tpu.vector_load %arg8[%get3A_578, %get3A_579] {strides = array<i32>} : memref<40x128xi32, #tpu.memory_space<vmem>>, vector<16xi32>,
      tpu.vector_store_idx %arg11[%get3A_580], %broadcast_in_dim3A_29 {add = true} : memref<10112xf32, #tpu.memory_space<vmem>>[vector<16xi32>], vector<16xf32>,
      %get3A_581 = arith.index_cast %add3A_553 : i32 to index
      %get3A_582 = arith.constant 112 : index
      %get3A_583 = tpu.vector_load %arg8[%get3A_581, %get3A_582] {strides = array<i32>} : memref<40x128xi32, #tpu.memory_space<vmem>>, vector<16xi32>,
      tpu.vector_store_idx %arg11[%get3A_583], %broadcast_in_dim3A_29 {add = true} : memref<10112xf32, #tpu.memory_space<vmem>>[vector<16xi32>], vector<16xf32>,
      %add3A_584 = arith.constant 4 : i32
      %add3A_585 = arith.addi %mul3A_460, %add3A_584 : i32
      %add3A_586 = arith.constant 0 : i32
      %add3A_587 = arith.addi %add3A_586, %add3A_585 : i32
      %dma_start3A_588 = arith.constant 0 : i32
      %dma_start3A_589 = arith.constant 0 : i32
      %dma_start3A_590 = tpu.memref_slice %arg7[%dma_start3A_588, %dma_start3A_589] : memref<2x128xi32, #tpu.memory_space<vmem>> -> memref<1x128xi32, #tpu.memory_space<vmem>>
      %dma_start3A_591 = tpu.memref_squeeze %dma_start3A_590 : memref<1x128xi32, #tpu.memory_space<vmem>> -> memref<128xi32, #tpu.memory_space<vmem>>
      %dma_start3A_592 = arith.constant 0 : i32
      %dma_start3A_593 = tpu.memref_slice %arg3[%add3A, %add3A_587, %dma_start3A_592] : memref<32x82x128xi32, #tpu.memory_space<hbm>> -> memref<1x1x128xi32, #tpu.memory_space<hbm>>
      %dma_start3A_594 = tpu.memref_squeeze %dma_start3A_593 : memref<1x1x128xi32, #tpu.memory_space<hbm>> -> memref<128xi32, #tpu.memory_space<hbm>>
      %dma_start3A_595 = arith.constant 0 : i32
      %dma_start3A_596 = tpu.memref_slice %arg7[%dma_start3A_588, %dma_start3A_595] : memref<2x128xi32, #tpu.memory_space<vmem>> -> memref<1x128xi32, #tpu.memory_space<vmem>>
      %dma_start3A_597 = tpu.memref_squeeze %dma_start3A_596 : memref<1x128xi32, #tpu.memory_space<vmem>> -> memref<128xi32, #tpu.memory_space<vmem>>
      %dma_start3A_598 = arith.constant 0 : i32
      %dma_start3A_599 = tpu.memref_slice %arg3[%add3A, %add3A_587, %dma_start3A_598] : memref<32x82x128xi32, #tpu.memory_space<hbm>> -> memref<1x1x128xi32, #tpu.memory_space<hbm>>
      %dma_start3A_600 = tpu.memref_squeeze %dma_start3A_599 : memref<1x1x128xi32, #tpu.memory_space<hbm>> -> memref<128xi32, #tpu.memory_space<hbm>>
      tpu.enqueue_dma source(%dma_start3A_600 : memref<128xi32, #tpu.memory_space<hbm>>) target(%dma_start3A_597 : memref<128xi32, #tpu.memory_space<vmem>>) target_semaphore(%arg17 : memref<!tpu.dma_semaphore, #tpu.memory_space<semaphore_mem>>)
      %dma_wait3A_601 = arith.constant 0 : i32
      %dma_wait3A_602 = arith.constant 0 : i32
      %dma_wait3A_603 = tpu.memref_slice %arg8[%dma_wait3A_601, %dma_wait3A_602] : memref<40x128xi32, #tpu.memory_space<vmem>> -> memref<1x128xi32, #tpu.memory_space<vmem>>
      %dma_wait3A_604 = tpu.memref_squeeze %dma_wait3A_603 : memref<1x128xi32, #tpu.memory_space<vmem>> -> memref<128xi32, #tpu.memory_space<vmem>>
      %dma_wait3A_605 = arith.constant 0 : i32
      %dma_wait3A_606 = arith.constant 0 : i32
      %dma_wait3A_607 = tpu.memref_slice %arg12[%dma_wait3A_605, %dma_wait3A_606] : memref<10112x128xf32, #tpu.memory_space<vmem_shared>> -> memref<10112x128xf32, #tpu.memory_space<vmem_shared>>
      tpu.wait_indirect_dma semaphore(%arg16 : memref<!tpu.dma_semaphore, #tpu.memory_space<semaphore_mem>>) src(%arg10 : memref<128x128xf32, #tpu.memory_space<vmem>>) dst(%dma_wait3A_607 : memref<10112x128xf32, #tpu.memory_space<vmem_shared>>)
      %dma_wait3A_608 = arith.constant 0 : i32
      %dma_wait3A_609 = arith.constant 1 : i32
      %dma_wait3A_610 = arith.constant 0 : i32
      %dma_wait3A_611 = tpu.memref_slice %arg7[%dma_wait3A_609, %dma_wait3A_610] : memref<2x128xi32, #tpu.memory_space<vmem>> -> memref<1x128xi32, #tpu.memory_space<vmem>>
      %dma_wait3A_612 = tpu.memref_squeeze %dma_wait3A_611 : memref<1x128xi32, #tpu.memory_space<vmem>> -> memref<128xi32, #tpu.memory_space<vmem>>
      %dma_wait3A_613 = arith.constant 0 : i32
      %dma_wait3A_614 = tpu.memref_slice %arg3[%add3A, %dma_wait3A_608, %dma_wait3A_613] : memref<32x82x128xi32, #tpu.memory_space<hbm>> -> memref<1x1x128xi32, #tpu.memory_space<hbm>>
      %dma_wait3A_615 = tpu.memref_squeeze %dma_wait3A_614 : memref<1x1x128xi32, #tpu.memory_space<hbm>> -> memref<128xi32, #tpu.memory_space<hbm>>
      %dma_wait3A_616 = arith.constant 0 : i32
      %dma_wait3A_617 = tpu.memref_slice %arg7[%dma_wait3A_609, %dma_wait3A_616] : memref<2x128xi32, #tpu.memory_space<vmem>> -> memref<1x128xi32, #tpu.memory_space<vmem>>
      %dma_wait3A_618 = tpu.memref_squeeze %dma_wait3A_617 : memref<1x128xi32, #tpu.memory_space<vmem>> -> memref<128xi32, #tpu.memory_space<vmem>>
      %dma_wait3A_619 = arith.constant 0 : i32
      %dma_wait3A_620 = tpu.memref_slice %arg3[%add3A, %dma_wait3A_608, %dma_wait3A_619] : memref<32x82x128xi32, #tpu.memory_space<hbm>> -> memref<1x1x128xi32, #tpu.memory_space<hbm>>
      %dma_wait3A_621 = tpu.memref_squeeze %dma_wait3A_620 : memref<1x1x128xi32, #tpu.memory_space<hbm>> -> memref<128xi32, #tpu.memory_space<hbm>>
      tpu.wait_dma2 semaphore(%arg18 : memref<!tpu.dma_semaphore, #tpu.memory_space<semaphore_mem>>) src(%dma_wait3A_621 : memref<128xi32, #tpu.memory_space<hbm>>) dst(%dma_wait3A_618 : memref<128xi32, #tpu.memory_space<vmem>>)
      %dma_start3A_622 = arith.constant 1 : i32
      %dma_start3A_623 = arith.constant 0 : i32
      %dma_start3A_624 = tpu.memref_slice %arg7[%dma_start3A_622, %dma_start3A_623] : memref<2x128xi32, #tpu.memory_space<vmem>> -> memref<1x128xi32, #tpu.memory_space<vmem>>
      %dma_start3A_625 = tpu.memref_squeeze %dma_start3A_624 : memref<1x128xi32, #tpu.memory_space<vmem>> -> memref<128xi32, #tpu.memory_space<vmem>>
      %dma_start3A_626 = arith.constant 0 : i32
      %dma_start3A_627 = arith.constant 0 : i32
      %dma_start3A_628 = tpu.memref_slice %arg2[%dma_start3A_626, %dma_start3A_627] : memref<10000x128xf32, #tpu.memory_space<hbm>> -> memref<10000x128xf32, #tpu.memory_space<hbm>>
      tpu.enqueue_indirect_dma source(%dma_start3A_628 : memref<10000x128xf32, #tpu.memory_space<hbm>>) target(%arg10 : memref<128x128xf32, #tpu.memory_space<vmem>>) offsets(%dma_start3A_625 : memref<128xi32, #tpu.memory_space<vmem>>) semaphore(%arg14 : memref<!tpu.dma_semaphore, #tpu.memory_space<semaphore_mem>>)
    }
    %scan3A_162 = arith.constant 19 : i32
    %dma_wait3A_163 = arith.constant 0 : i32
    %dma_wait3A_164 = arith.constant 0 : i32
    %dma_wait3A_165 = tpu.memref_slice %arg7[%dma_wait3A_163, %dma_wait3A_164] : memref<2x128xi32, #tpu.memory_space<vmem>> -> memref<1x128xi32, #tpu.memory_space<vmem>>
    %dma_wait3A_166 = tpu.memref_squeeze %dma_wait3A_165 : memref<1x128xi32, #tpu.memory_space<vmem>> -> memref<128xi32, #tpu.memory_space<vmem>>
    %dma_wait3A_167 = arith.constant 0 : i32
    %dma_wait3A_168 = arith.constant 0 : i32
    %dma_wait3A_169 = tpu.memref_slice %arg2[%dma_wait3A_167, %dma_wait3A_168] : memref<10000x128xf32, #tpu.memory_space<hbm>> -> memref<10000x128xf32, #tpu.memory_space<hbm>>
    tpu.wait_indirect_dma semaphore(%arg14 : memref<!tpu.dma_semaphore, #tpu.memory_space<semaphore_mem>>) src(%dma_wait3A_169 : memref<10000x128xf32, #tpu.memory_space<hbm>>) dst(%arg10 : memref<128x128xf32, #tpu.memory_space<vmem>>)
    %dma_start3A_170 = arith.constant 39 : i32
    %dma_start3A_171 = arith.constant 0 : i32
    %dma_start3A_172 = tpu.memref_slice %arg8[%dma_start3A_170, %dma_start3A_171] : memref<40x128xi32, #tpu.memory_space<vmem>> -> memref<1x128xi32, #tpu.memory_space<vmem>>
    %dma_start3A_173 = tpu.memref_squeeze %dma_start3A_172 : memref<1x128xi32, #tpu.memory_space<vmem>> -> memref<128xi32, #tpu.memory_space<vmem>>
    %dma_start3A_174 = arith.constant 0 : i32
    %dma_start3A_175 = arith.constant 0 : i32
    %dma_start3A_176 = tpu.memref_slice %arg12[%dma_start3A_174, %dma_start3A_175] : memref<10112x128xf32, #tpu.memory_space<vmem_shared>> -> memref<10112x128xf32, #tpu.memory_space<vmem_shared>>
    tpu.enqueue_indirect_dma source(%arg10 : memref<128x128xf32, #tpu.memory_space<vmem>>) target(%dma_start3A_176 : memref<10112x128xf32, #tpu.memory_space<vmem_shared>>) offsets(%dma_start3A_173 : memref<128xi32, #tpu.memory_space<vmem>>) semaphore(%arg16 : memref<!tpu.dma_semaphore, #tpu.memory_space<semaphore_mem>>) {add = true}
    %get3A_177 = arith.constant 39 : i32
    %get3A_178 = arith.index_cast %get3A_177 : i32 to index
    %get3A_179 = arith.constant 0 : index
    %get3A_180 = tpu.vector_load %arg8[%get3A_178, %get3A_179] {strides = array<i32>} : memref<40x128xi32, #tpu.memory_space<vmem>>, vector<16xi32>,
    tpu.vector_store_idx %arg11[%get3A_180], %broadcast_in_dim3A_29 {add = true} : memref<10112xf32, #tpu.memory_space<vmem>>[vector<16xi32>], vector<16xf32>,
    %get3A_181 = arith.constant 39 : i32
    %get3A_182 = arith.index_cast %get3A_181 : i32 to index
    %get3A_183 = arith.constant 16 : index
    %get3A_184 = tpu.vector_load %arg8[%get3A_182, %get3A_183] {strides = array<i32>} : memref<40x128xi32, #tpu.memory_space<vmem>>, vector<16xi32>,
    tpu.vector_store_idx %arg11[%get3A_184], %broadcast_in_dim3A_29 {add = true} : memref<10112xf32, #tpu.memory_space<vmem>>[vector<16xi32>], vector<16xf32>,
    %get3A_185 = arith.constant 39 : i32
    %get3A_186 = arith.index_cast %get3A_185 : i32 to index
    %get3A_187 = arith.constant 32 : index
    %get3A_188 = tpu.vector_load %arg8[%get3A_186, %get3A_187] {strides = array<i32>} : memref<40x128xi32, #tpu.memory_space<vmem>>, vector<16xi32>,
    tpu.vector_store_idx %arg11[%get3A_188], %broadcast_in_dim3A_29 {add = true} : memref<10112xf32, #tpu.memory_space<vmem>>[vector<16xi32>], vector<16xf32>,
    %get3A_189 = arith.constant 39 : i32
    %get3A_190 = arith.index_cast %get3A_189 : i32 to index
    %get3A_191 = arith.constant 48 : index
    %get3A_192 = tpu.vector_load %arg8[%get3A_190, %get3A_191] {strides = array<i32>} : memref<40x128xi32, #tpu.memory_space<vmem>>, vector<16xi32>,
    tpu.vector_store_idx %arg11[%get3A_192], %broadcast_in_dim3A_29 {add = true} : memref<10112xf32, #tpu.memory_space<vmem>>[vector<16xi32>], vector<16xf32>,
    %get3A_193 = arith.constant 39 : i32
    %get3A_194 = arith.index_cast %get3A_193 : i32 to index
    %get3A_195 = arith.constant 64 : index
    %get3A_196 = tpu.vector_load %arg8[%get3A_194, %get3A_195] {strides = array<i32>} : memref<40x128xi32, #tpu.memory_space<vmem>>, vector<16xi32>,
    tpu.vector_store_idx %arg11[%get3A_196], %broadcast_in_dim3A_29 {add = true} : memref<10112xf32, #tpu.memory_space<vmem>>[vector<16xi32>], vector<16xf32>,
    %get3A_197 = arith.constant 39 : i32
    %get3A_198 = arith.index_cast %get3A_197 : i32 to index
    %get3A_199 = arith.constant 80 : index
    %get3A_200 = tpu.vector_load %arg8[%get3A_198, %get3A_199] {strides = array<i32>} : memref<40x128xi32, #tpu.memory_space<vmem>>, vector<16xi32>,
    tpu.vector_store_idx %arg11[%get3A_200], %broadcast_in_dim3A_29 {add = true} : memref<10112xf32, #tpu.memory_space<vmem>>[vector<16xi32>], vector<16xf32>,
    %get3A_201 = arith.constant 39 : i32
    %get3A_202 = arith.index_cast %get3A_201 : i32 to index
    %get3A_203 = arith.constant 96 : index
    %get3A_204 = tpu.vector_load %arg8[%get3A_202, %get3A_203] {strides = array<i32>} : memref<40x128xi32, #tpu.memory_space<vmem>>, vector<16xi32>,
    tpu.vector_store_idx %arg11[%get3A_204], %broadcast_in_dim3A_29 {add = true} : memref<10112xf32, #tpu.memory_space<vmem>>[vector<16xi32>], vector<16xf32>,
    %get3A_205 = arith.constant 39 : i32
    %get3A_206 = arith.index_cast %get3A_205 : i32 to index
    %get3A_207 = arith.constant 112 : index
    %get3A_208 = tpu.vector_load %arg8[%get3A_206, %get3A_207] {strides = array<i32>} : memref<40x128xi32, #tpu.memory_space<vmem>>, vector<16xi32>,
    tpu.vector_store_idx %arg11[%get3A_208], %broadcast_in_dim3A_29 {add = true} : memref<10112xf32, #tpu.memory_space<vmem>>[vector<16xi32>], vector<16xf32>,
    %dma_wait3A_209 = arith.constant 0 : i32
    %dma_wait3A_210 = arith.constant 0 : i32
    %dma_wait3A_211 = tpu.memref_slice %arg8[%dma_wait3A_209, %dma_wait3A_210] : memref<40x128xi32, #tpu.memory_space<vmem>> -> memref<1x128xi32, #tpu.memory_space<vmem>>
    %dma_wait3A_212 = tpu.memref_squeeze %dma_wait3A_211 : memref<1x128xi32, #tpu.memory_space<vmem>> -> memref<128xi32, #tpu.memory_space<vmem>>
    %dma_wait3A_213 = arith.constant 0 : i32
    %dma_wait3A_214 = arith.constant 0 : i32
    %dma_wait3A_215 = tpu.memref_slice %arg12[%dma_wait3A_213, %dma_wait3A_214] : memref<10112x128xf32, #tpu.memory_space<vmem_shared>> -> memref<10112x128xf32, #tpu.memory_space<vmem_shared>>
    tpu.wait_indirect_dma semaphore(%arg15 : memref<!tpu.dma_semaphore, #tpu.memory_space<semaphore_mem>>) src(%arg9 : memref<128x128xf32, #tpu.memory_space<vmem>>) dst(%dma_wait3A_215 : memref<10112x128xf32, #tpu.memory_space<vmem_shared>>)
    %dma_wait3A_216 = arith.constant 0 : i32
    %dma_wait3A_217 = arith.constant 0 : i32
    %dma_wait3A_218 = tpu.memref_slice %arg8[%dma_wait3A_216, %dma_wait3A_217] : memref<40x128xi32, #tpu.memory_space<vmem>> -> memref<1x128xi32, #tpu.memory_space<vmem>>
    %dma_wait3A_219 = tpu.memref_squeeze %dma_wait3A_218 : memref<1x128xi32, #tpu.memory_space<vmem>> -> memref<128xi32, #tpu.memory_space<vmem>>
    %dma_wait3A_220 = arith.constant 0 : i32
    %dma_wait3A_221 = arith.constant 0 : i32
    %dma_wait3A_222 = tpu.memref_slice %arg12[%dma_wait3A_220, %dma_wait3A_221] : memref<10112x128xf32, #tpu.memory_space<vmem_shared>> -> memref<10112x128xf32, #tpu.memory_space<vmem_shared>>
    tpu.wait_indirect_dma semaphore(%arg16 : memref<!tpu.dma_semaphore, #tpu.memory_space<semaphore_mem>>) src(%arg10 : memref<128x128xf32, #tpu.memory_space<vmem>>) dst(%dma_wait3A_222 : memref<10112x128xf32, #tpu.memory_space<vmem_shared>>)
    %dma_wait3A_223 = arith.constant 0 : i32
    %dma_wait3A_224 = arith.constant 0 : i32
    %dma_wait3A_225 = arith.constant 0 : i32
    %dma_wait3A_226 = tpu.memref_slice %arg7[%dma_wait3A_224, %dma_wait3A_225] : memref<2x128xi32, #tpu.memory_space<vmem>> -> memref<1x128xi32, #tpu.memory_space<vmem>>
    %dma_wait3A_227 = tpu.memref_squeeze %dma_wait3A_226 : memref<1x128xi32, #tpu.memory_space<vmem>> -> memref<128xi32, #tpu.memory_space<vmem>>
    %dma_wait3A_228 = arith.constant 0 : i32
    %dma_wait3A_229 = tpu.memref_slice %arg3[%add3A, %dma_wait3A_223, %dma_wait3A_228] : memref<32x82x128xi32, #tpu.memory_space<hbm>> -> memref<1x1x128xi32, #tpu.memory_space<hbm>>
    %dma_wait3A_230 = tpu.memref_squeeze %dma_wait3A_229 : memref<1x1x128xi32, #tpu.memory_space<hbm>> -> memref<128xi32, #tpu.memory_space<hbm>>
    %dma_wait3A_231 = arith.constant 0 : i32
    %dma_wait3A_232 = tpu.memref_slice %arg7[%dma_wait3A_224, %dma_wait3A_231] : memref<2x128xi32, #tpu.memory_space<vmem>> -> memref<1x128xi32, #tpu.memory_space<vmem>>
    %dma_wait3A_233 = tpu.memref_squeeze %dma_wait3A_232 : memref<1x128xi32, #tpu.memory_space<vmem>> -> memref<128xi32, #tpu.memory_space<vmem>>
    %dma_wait3A_234 = arith.constant 0 : i32
    %dma_wait3A_235 = tpu.memref_slice %arg3[%add3A, %dma_wait3A_223, %dma_wait3A_234] : memref<32x82x128xi32, #tpu.memory_space<hbm>> -> memref<1x1x128xi32, #tpu.memory_space<hbm>>
    %dma_wait3A_236 = tpu.memref_squeeze %dma_wait3A_235 : memref<1x1x128xi32, #tpu.memory_space<hbm>> -> memref<128xi32, #tpu.memory_space<hbm>>
    tpu.wait_dma2 semaphore(%arg17 : memref<!tpu.dma_semaphore, #tpu.memory_space<semaphore_mem>>) src(%dma_wait3A_236 : memref<128xi32, #tpu.memory_space<hbm>>) dst(%dma_wait3A_233 : memref<128xi32, #tpu.memory_space<vmem>>)
    "tpu.region"() ({
      %run_scoped3A = tpu.sem_alloc : memref<!tpu.dma_semaphore, #tpu.memory_space<semaphore_mem>>
      %dma_start3A_458 = arith.constant 40 : i32
      %dma_start3A_459 = arith.constant 0 : i32
      %dma_start3A_460 = tpu.memref_slice %arg4[%add3A, %dma_start3A_458, %dma_start3A_459] : memref<32x80x128xi32, #tpu.memory_space<hbm>> -> memref<1x40x128xi32, #tpu.memory_space<hbm>>
      %dma_start3A_461 = tpu.memref_squeeze %dma_start3A_460 : memref<1x40x128xi32, #tpu.memory_space<hbm>> -> memref<40x128xi32, #tpu.memory_space<hbm>>
      %dma_start3A_462 = arith.constant 40 : i32
      %dma_start3A_463 = arith.constant 0 : i32
      %dma_start3A_464 = tpu.memref_slice %arg4[%add3A, %dma_start3A_462, %dma_start3A_463] : memref<32x80x128xi32, #tpu.memory_space<hbm>> -> memref<1x40x128xi32, #tpu.memory_space<hbm>>
      %dma_start3A_465 = tpu.memref_squeeze %dma_start3A_464 : memref<1x40x128xi32, #tpu.memory_space<hbm>> -> memref<40x128xi32, #tpu.memory_space<hbm>>
      tpu.enqueue_dma source(%dma_start3A_465 : memref<40x128xi32, #tpu.memory_space<hbm>>) target(%arg8 : memref<40x128xi32, #tpu.memory_space<vmem>>) target_semaphore(%run_scoped3A : memref<!tpu.dma_semaphore, #tpu.memory_space<semaphore_mem>>)
      %dma_wait3A_466 = arith.constant 40 : i32
      %dma_wait3A_467 = arith.constant 0 : i32
      %dma_wait3A_468 = tpu.memref_slice %arg4[%add3A, %dma_wait3A_466, %dma_wait3A_467] : memref<32x80x128xi32, #tpu.memory_space<hbm>> -> memref<1x40x128xi32, #tpu.memory_space<hbm>>
      %dma_wait3A_469 = tpu.memref_squeeze %dma_wait3A_468 : memref<1x40x128xi32, #tpu.memory_space<hbm>> -> memref<40x128xi32, #tpu.memory_space<hbm>>
      %dma_wait3A_470 = arith.constant 40 : i32
      %dma_wait3A_471 = arith.constant 0 : i32
      %dma_wait3A_472 = tpu.memref_slice %arg4[%add3A, %dma_wait3A_470, %dma_wait3A_471] : memref<32x80x128xi32, #tpu.memory_space<hbm>> -> memref<1x40x128xi32, #tpu.memory_space<hbm>>
      %dma_wait3A_473 = tpu.memref_squeeze %dma_wait3A_472 : memref<1x40x128xi32, #tpu.memory_space<hbm>> -> memref<40x128xi32, #tpu.memory_space<hbm>>
      tpu.wait_dma2 semaphore(%run_scoped3A : memref<!tpu.dma_semaphore, #tpu.memory_space<semaphore_mem>>) src(%dma_wait3A_473 : memref<40x128xi32, #tpu.memory_space<hbm>>) dst(%arg8 : memref<40x128xi32, #tpu.memory_space<vmem>>)
      tpu.yield
    }) : () -> ()
    %broadcast_in_dim3A_237 = arith.constant 1.000000e+00 : f32
    %broadcast_in_dim3A_238 = vector.broadcast %broadcast_in_dim3A_237 : f32 to vector<16xf32>
    %dma_start3A_239 = arith.constant 40 : i32
    %dma_start3A_240 = arith.constant 0 : i32
    %dma_start3A_241 = arith.constant 0 : i32
    %dma_start3A_242 = tpu.memref_slice %arg7[%dma_start3A_240, %dma_start3A_241] : memref<2x128xi32, #tpu.memory_space<vmem>> -> memref<1x128xi32, #tpu.memory_space<vmem>>
    %dma_start3A_243 = tpu.memref_squeeze %dma_start3A_242 : memref<1x128xi32, #tpu.memory_space<vmem>> -> memref<128xi32, #tpu.memory_space<vmem>>
    %dma_start3A_244 = arith.constant 0 : i32
    %dma_start3A_245 = tpu.memref_slice %arg3[%add3A, %dma_start3A_239, %dma_start3A_244] : memref<32x82x128xi32, #tpu.memory_space<hbm>> -> memref<1x1x128xi32, #tpu.memory_space<hbm>>
    %dma_start3A_246 = tpu.memref_squeeze %dma_start3A_245 : memref<1x1x128xi32, #tpu.memory_space<hbm>> -> memref<128xi32, #tpu.memory_space<hbm>>
    %dma_start3A_247 = arith.constant 0 : i32
    %dma_start3A_248 = tpu.memref_slice %arg7[%dma_start3A_240, %dma_start3A_247] : memref<2x128xi32, #tpu.memory_space<vmem>> -> memref<1x128xi32, #tpu.memory_space<vmem>>
    %dma_start3A_249 = tpu.memref_squeeze %dma_start3A_248 : memref<1x128xi32, #tpu.memory_space<vmem>> -> memref<128xi32, #tpu.memory_space<vmem>>
    %dma_start3A_250 = arith.constant 0 : i32
    %dma_start3A_251 = tpu.memref_slice %arg3[%add3A, %dma_start3A_239, %dma_start3A_250] : memref<32x82x128xi32, #tpu.memory_space<hbm>> -> memref<1x1x128xi32, #tpu.memory_space<hbm>>
    %dma_start3A_252 = tpu.memref_squeeze %dma_start3A_251 : memref<1x1x128xi32, #tpu.memory_space<hbm>> -> memref<128xi32, #tpu.memory_space<hbm>>
    tpu.enqueue_dma source(%dma_start3A_252 : memref<128xi32, #tpu.memory_space<hbm>>) target(%dma_start3A_249 : memref<128xi32, #tpu.memory_space<vmem>>) target_semaphore(%arg17 : memref<!tpu.dma_semaphore, #tpu.memory_space<semaphore_mem>>)
    %dma_start3A_253 = arith.constant 41 : i32
    %dma_start3A_254 = arith.constant 1 : i32
    %dma_start3A_255 = arith.constant 0 : i32
    %dma_start3A_256 = tpu.memref_slice %arg7[%dma_start3A_254, %dma_start3A_255] : memref<2x128xi32, #tpu.memory_space<vmem>> -> memref<1x128xi32, #tpu.memory_space<vmem>>
    %dma_start3A_257 = tpu.memref_squeeze %dma_start3A_256 : memref<1x128xi32, #tpu.memory_space<vmem>> -> memref<128xi32, #tpu.memory_space<vmem>>
    %dma_start3A_258 = arith.constant 0 : i32
    %dma_start3A_259 = tpu.memref_slice %arg3[%add3A, %dma_start3A_253, %dma_start3A_258] : memref<32x82x128xi32, #tpu.memory_space<hbm>> -> memref<1x1x128xi32, #tpu.memory_space<hbm>>
    %dma_start3A_260 = tpu.memref_squeeze %dma_start3A_259 : memref<1x1x128xi32, #tpu.memory_space<hbm>> -> memref<128xi32, #tpu.memory_space<hbm>>
    %dma_start3A_261 = arith.constant 0 : i32
    %dma_start3A_262 = tpu.memref_slice %arg7[%dma_start3A_254, %dma_start3A_261] : memref<2x128xi32, #tpu.memory_space<vmem>> -> memref<1x128xi32, #tpu.memory_space<vmem>>
    %dma_start3A_263 = tpu.memref_squeeze %dma_start3A_262 : memref<1x128xi32, #tpu.memory_space<vmem>> -> memref<128xi32, #tpu.memory_space<vmem>>
    %dma_start3A_264 = arith.constant 0 : i32
    %dma_start3A_265 = tpu.memref_slice %arg3[%add3A, %dma_start3A_253, %dma_start3A_264] : memref<32x82x128xi32, #tpu.memory_space<hbm>> -> memref<1x1x128xi32, #tpu.memory_space<hbm>>
    %dma_start3A_266 = tpu.memref_squeeze %dma_start3A_265 : memref<1x1x128xi32, #tpu.memory_space<hbm>> -> memref<128xi32, #tpu.memory_space<hbm>>
    tpu.enqueue_dma source(%dma_start3A_266 : memref<128xi32, #tpu.memory_space<hbm>>) target(%dma_start3A_263 : memref<128xi32, #tpu.memory_space<vmem>>) target_semaphore(%arg18 : memref<!tpu.dma_semaphore, #tpu.memory_space<semaphore_mem>>)
    %dma_wait3A_267 = arith.constant 0 : i32
    %dma_wait3A_268 = arith.constant 0 : i32
    %dma_wait3A_269 = arith.constant 0 : i32
    %dma_wait3A_270 = tpu.memref_slice %arg7[%dma_wait3A_268, %dma_wait3A_269] : memref<2x128xi32, #tpu.memory_space<vmem>> -> memref<1x128xi32, #tpu.memory_space<vmem>>
    %dma_wait3A_271 = tpu.memref_squeeze %dma_wait3A_270 : memref<1x128xi32, #tpu.memory_space<vmem>> -> memref<128xi32, #tpu.memory_space<vmem>>
    %dma_wait3A_272 = arith.constant 0 : i32
    %dma_wait3A_273 = tpu.memref_slice %arg3[%add3A, %dma_wait3A_267, %dma_wait3A_272] : memref<32x82x128xi32, #tpu.memory_space<hbm>> -> memref<1x1x128xi32, #tpu.memory_space<hbm>>
    %dma_wait3A_274 = tpu.memref_squeeze %dma_wait3A_273 : memref<1x1x128xi32, #tpu.memory_space<hbm>> -> memref<128xi32, #tpu.memory_space<hbm>>
    %dma_wait3A_275 = arith.constant 0 : i32
    %dma_wait3A_276 = tpu.memref_slice %arg7[%dma_wait3A_268, %dma_wait3A_275] : memref<2x128xi32, #tpu.memory_space<vmem>> -> memref<1x128xi32, #tpu.memory_space<vmem>>
    %dma_wait3A_277 = tpu.memref_squeeze %dma_wait3A_276 : memref<1x128xi32, #tpu.memory_space<vmem>> -> memref<128xi32, #tpu.memory_space<vmem>>
    %dma_wait3A_278 = arith.constant 0 : i32
    %dma_wait3A_279 = tpu.memref_slice %arg3[%add3A, %dma_wait3A_267, %dma_wait3A_278] : memref<32x82x128xi32, #tpu.memory_space<hbm>> -> memref<1x1x128xi32, #tpu.memory_space<hbm>>
    %dma_wait3A_280 = tpu.memref_squeeze %dma_wait3A_279 : memref<1x1x128xi32, #tpu.memory_space<hbm>> -> memref<128xi32, #tpu.memory_space<hbm>>
    tpu.wait_dma2 semaphore(%arg17 : memref<!tpu.dma_semaphore, #tpu.memory_space<semaphore_mem>>) src(%dma_wait3A_280 : memref<128xi32, #tpu.memory_space<hbm>>) dst(%dma_wait3A_277 : memref<128xi32, #tpu.memory_space<vmem>>)
    %dma_start3A_281 = arith.constant 0 : i32
    %dma_start3A_282 = arith.constant 0 : i32
    %dma_start3A_283 = tpu.memref_slice %arg7[%dma_start3A_281, %dma_start3A_282] : memref<2x128xi32, #tpu.memory_space<vmem>> -> memref<1x128xi32, #tpu.memory_space<vmem>>
    %dma_start3A_284 = tpu.memref_squeeze %dma_start3A_283 : memref<1x128xi32, #tpu.memory_space<vmem>> -> memref<128xi32, #tpu.memory_space<vmem>>
    %dma_start3A_285 = arith.constant 0 : i32
    %dma_start3A_286 = arith.constant 0 : i32
    %dma_start3A_287 = tpu.memref_slice %arg2[%dma_start3A_285, %dma_start3A_286] : memref<10000x128xf32, #tpu.memory_space<hbm>> -> memref<10000x128xf32, #tpu.memory_space<hbm>>
    tpu.enqueue_indirect_dma source(%dma_start3A_287 : memref<10000x128xf32, #tpu.memory_space<hbm>>) target(%arg9 : memref<128x128xf32, #tpu.memory_space<vmem>>) offsets(%dma_start3A_284 : memref<128xi32, #tpu.memory_space<vmem>>) semaphore(%arg13 : memref<!tpu.dma_semaphore, #tpu.memory_space<semaphore_mem>>)
    %dma_wait3A_288 = arith.constant 0 : i32
    %dma_wait3A_289 = arith.constant 0 : i32
    %dma_wait3A_290 = tpu.memref_slice %arg7[%dma_wait3A_288, %dma_wait3A_289] : memref<2x128xi32, #tpu.memory_space<vmem>> -> memref<1x128xi32, #tpu.memory_space<vmem>>
    %dma_wait3A_291 = tpu.memref_squeeze %dma_wait3A_290 : memref<1x128xi32, #tpu.memory_space<vmem>> -> memref<128xi32, #tpu.memory_space<vmem>>
    %dma_wait3A_292 = arith.constant 0 : i32
    %dma_wait3A_293 = arith.constant 0 : i32
    %dma_wait3A_294 = tpu.memref_slice %arg2[%dma_wait3A_292, %dma_wait3A_293] : memref<10000x128xf32, #tpu.memory_space<hbm>> -> memref<10000x128xf32, #tpu.memory_space<hbm>>
    tpu.wait_indirect_dma semaphore(%arg13 : memref<!tpu.dma_semaphore, #tpu.memory_space<semaphore_mem>>) src(%dma_wait3A_294 : memref<10000x128xf32, #tpu.memory_space<hbm>>) dst(%arg9 : memref<128x128xf32, #tpu.memory_space<vmem>>)
    %dma_start3A_295 = arith.constant 0 : i32
    %dma_start3A_296 = arith.constant 0 : i32
    %dma_start3A_297 = tpu.memref_slice %arg8[%dma_start3A_295, %dma_start3A_296] : memref<40x128xi32, #tpu.memory_space<vmem>> -> memref<1x128xi32, #tpu.memory_space<vmem>>
    %dma_start3A_298 = tpu.memref_squeeze %dma_start3A_297 : memref<1x128xi32, #tpu.memory_space<vmem>> -> memref<128xi32, #tpu.memory_space<vmem>>
    %dma_start3A_299 = arith.constant 0 : i32
    %dma_start3A_300 = arith.constant 0 : i32
    %dma_start3A_301 = tpu.memref_slice %arg12[%dma_start3A_299, %dma_start3A_300] : memref<10112x128xf32, #tpu.memory_space<vmem_shared>> -> memref<10112x128xf32, #tpu.memory_space<vmem_shared>>
    tpu.enqueue_indirect_dma source(%arg9 : memref<128x128xf32, #tpu.memory_space<vmem>>) target(%dma_start3A_301 : memref<10112x128xf32, #tpu.memory_space<vmem_shared>>) offsets(%dma_start3A_298 : memref<128xi32, #tpu.memory_space<vmem>>) semaphore(%arg15 : memref<!tpu.dma_semaphore, #tpu.memory_space<semaphore_mem>>) {add = true}
    %get3A_302 = arith.constant 0 : i32
    %get3A_303 = arith.index_cast %get3A_302 : i32 to index
    %get3A_304 = arith.constant 0 : index
    %get3A_305 = tpu.vector_load %arg8[%get3A_303, %get3A_304] {strides = array<i32>} : memref<40x128xi32, #tpu.memory_space<vmem>>, vector<16xi32>,
    tpu.vector_store_idx %arg11[%get3A_305], %broadcast_in_dim3A_238 {add = true} : memref<10112xf32, #tpu.memory_space<vmem>>[vector<16xi32>], vector<16xf32>,
    %get3A_306 = arith.constant 0 : i32
    %get3A_307 = arith.index_cast %get3A_306 : i32 to index
    %get3A_308 = arith.constant 16 : index
    %get3A_309 = tpu.vector_load %arg8[%get3A_307, %get3A_308] {strides = array<i32>} : memref<40x128xi32, #tpu.memory_space<vmem>>, vector<16xi32>,
    tpu.vector_store_idx %arg11[%get3A_309], %broadcast_in_dim3A_238 {add = true} : memref<10112xf32, #tpu.memory_space<vmem>>[vector<16xi32>], vector<16xf32>,
    %get3A_310 = arith.constant 0 : i32
    %get3A_311 = arith.index_cast %get3A_310 : i32 to index
    %get3A_312 = arith.constant 32 : index
    %get3A_313 = tpu.vector_load %arg8[%get3A_311, %get3A_312] {strides = array<i32>} : memref<40x128xi32, #tpu.memory_space<vmem>>, vector<16xi32>,
    tpu.vector_store_idx %arg11[%get3A_313], %broadcast_in_dim3A_238 {add = true} : memref<10112xf32, #tpu.memory_space<vmem>>[vector<16xi32>], vector<16xf32>,
    %get3A_314 = arith.constant 0 : i32
    %get3A_315 = arith.index_cast %get3A_314 : i32 to index
    %get3A_316 = arith.constant 48 : index
    %get3A_317 = tpu.vector_load %arg8[%get3A_315, %get3A_316] {strides = array<i32>} : memref<40x128xi32, #tpu.memory_space<vmem>>, vector<16xi32>,
    tpu.vector_store_idx %arg11[%get3A_317], %broadcast_in_dim3A_238 {add = true} : memref<10112xf32, #tpu.memory_space<vmem>>[vector<16xi32>], vector<16xf32>,
    %get3A_318 = arith.constant 0 : i32
    %get3A_319 = arith.index_cast %get3A_318 : i32 to index
    %get3A_320 = arith.constant 64 : index
    %get3A_321 = tpu.vector_load %arg8[%get3A_319, %get3A_320] {strides = array<i32>} : memref<40x128xi32, #tpu.memory_space<vmem>>, vector<16xi32>,
    tpu.vector_store_idx %arg11[%get3A_321], %broadcast_in_dim3A_238 {add = true} : memref<10112xf32, #tpu.memory_space<vmem>>[vector<16xi32>], vector<16xf32>,
    %get3A_322 = arith.constant 0 : i32
    %get3A_323 = arith.index_cast %get3A_322 : i32 to index
    %get3A_324 = arith.constant 80 : index
    %get3A_325 = tpu.vector_load %arg8[%get3A_323, %get3A_324] {strides = array<i32>} : memref<40x128xi32, #tpu.memory_space<vmem>>, vector<16xi32>,
    tpu.vector_store_idx %arg11[%get3A_325], %broadcast_in_dim3A_238 {add = true} : memref<10112xf32, #tpu.memory_space<vmem>>[vector<16xi32>], vector<16xf32>,
    %get3A_326 = arith.constant 0 : i32
    %get3A_327 = arith.index_cast %get3A_326 : i32 to index
    %get3A_328 = arith.constant 96 : index
    %get3A_329 = tpu.vector_load %arg8[%get3A_327, %get3A_328] {strides = array<i32>} : memref<40x128xi32, #tpu.memory_space<vmem>>, vector<16xi32>,
    tpu.vector_store_idx %arg11[%get3A_329], %broadcast_in_dim3A_238 {add = true} : memref<10112xf32, #tpu.memory_space<vmem>>[vector<16xi32>], vector<16xf32>,
    %get3A_330 = arith.constant 0 : i32
    %get3A_331 = arith.index_cast %get3A_330 : i32 to index
    %get3A_332 = arith.constant 112 : index
    %get3A_333 = tpu.vector_load %arg8[%get3A_331, %get3A_332] {strides = array<i32>} : memref<40x128xi32, #tpu.memory_space<vmem>>, vector<16xi32>,
    tpu.vector_store_idx %arg11[%get3A_333], %broadcast_in_dim3A_238 {add = true} : memref<10112xf32, #tpu.memory_space<vmem>>[vector<16xi32>], vector<16xf32>,
    %dma_start3A_334 = arith.constant 42 : i32
    %dma_start3A_335 = arith.constant 0 : i32
    %dma_start3A_336 = arith.constant 0 : i32
    %dma_start3A_337 = tpu.memref_slice %arg7[%dma_start3A_335, %dma_start3A_336] : memref<2x128xi32, #tpu.memory_space<vmem>> -> memref<1x128xi32, #tpu.memory_space<vmem>>
    %dma_start3A_338 = tpu.memref_squeeze %dma_start3A_337 : memref<1x128xi32, #tpu.memory_space<vmem>> -> memref<128xi32, #tpu.memory_space<vmem>>
    %dma_start3A_339 = arith.constant 0 : i32
    %dma_start3A_340 = tpu.memref_slice %arg3[%add3A, %dma_start3A_334, %dma_start3A_339] : memref<32x82x128xi32, #tpu.memory_space<hbm>> -> memref<1x1x128xi32, #tpu.memory_space<hbm>>
    %dma_start3A_341 = tpu.memref_squeeze %dma_start3A_340 : memref<1x1x128xi32, #tpu.memory_space<hbm>> -> memref<128xi32, #tpu.memory_space<hbm>>
    %dma_start3A_342 = arith.constant 0 : i32
    %dma_start3A_343 = tpu.memref_slice %arg7[%dma_start3A_335, %dma_start3A_342] : memref<2x128xi32, #tpu.memory_space<vmem>> -> memref<1x128xi32, #tpu.memory_space<vmem>>
    %dma_start3A_344 = tpu.memref_squeeze %dma_start3A_343 : memref<1x128xi32, #tpu.memory_space<vmem>> -> memref<128xi32, #tpu.memory_space<vmem>>
    %dma_start3A_345 = arith.constant 0 : i32
    %dma_start3A_346 = tpu.memref_slice %arg3[%add3A, %dma_start3A_334, %dma_start3A_345] : memref<32x82x128xi32, #tpu.memory_space<hbm>> -> memref<1x1x128xi32, #tpu.memory_space<hbm>>
    %dma_start3A_347 = tpu.memref_squeeze %dma_start3A_346 : memref<1x1x128xi32, #tpu.memory_space<hbm>> -> memref<128xi32, #tpu.memory_space<hbm>>
    tpu.enqueue_dma source(%dma_start3A_347 : memref<128xi32, #tpu.memory_space<hbm>>) target(%dma_start3A_344 : memref<128xi32, #tpu.memory_space<vmem>>) target_semaphore(%arg17 : memref<!tpu.dma_semaphore, #tpu.memory_space<semaphore_mem>>)
    %dma_wait3A_348 = arith.constant 0 : i32
    %dma_wait3A_349 = arith.constant 1 : i32
    %dma_wait3A_350 = arith.constant 0 : i32
    %dma_wait3A_351 = tpu.memref_slice %arg7[%dma_wait3A_349, %dma_wait3A_350] : memref<2x128xi32, #tpu.memory_space<vmem>> -> memref<1x128xi32, #tpu.memory_space<vmem>>
    %dma_wait3A_352 = tpu.memref_squeeze %dma_wait3A_351 : memref<1x128xi32, #tpu.memory_space<vmem>> -> memref<128xi32, #tpu.memory_space<vmem>>
    %dma_wait3A_353 = arith.constant 0 : i32
    %dma_wait3A_354 = tpu.memref_slice %arg3[%add3A, %dma_wait3A_348, %dma_wait3A_353] : memref<32x82x128xi32, #tpu.memory_space<hbm>> -> memref<1x1x128xi32, #tpu.memory_space<hbm>>
    %dma_wait3A_355 = tpu.memref_squeeze %dma_wait3A_354 : memref<1x1x128xi32, #tpu.memory_space<hbm>> -> memref<128xi32, #tpu.memory_space<hbm>>
    %dma_wait3A_356 = arith.constant 0 : i32
    %dma_wait3A_357 = tpu.memref_slice %arg7[%dma_wait3A_349, %dma_wait3A_356] : memref<2x128xi32, #tpu.memory_space<vmem>> -> memref<1x128xi32, #tpu.memory_space<vmem>>
    %dma_wait3A_358 = tpu.memref_squeeze %dma_wait3A_357 : memref<1x128xi32, #tpu.memory_space<vmem>> -> memref<128xi32, #tpu.memory_space<vmem>>
    %dma_wait3A_359 = arith.constant 0 : i32
    %dma_wait3A_360 = tpu.memref_slice %arg3[%add3A, %dma_wait3A_348, %dma_wait3A_359] : memref<32x82x128xi32, #tpu.memory_space<hbm>> -> memref<1x1x128xi32, #tpu.memory_space<hbm>>
    %dma_wait3A_361 = tpu.memref_squeeze %dma_wait3A_360 : memref<1x1x128xi32, #tpu.memory_space<hbm>> -> memref<128xi32, #tpu.memory_space<hbm>>
    tpu.wait_dma2 semaphore(%arg18 : memref<!tpu.dma_semaphore, #tpu.memory_space<semaphore_mem>>) src(%dma_wait3A_361 : memref<128xi32, #tpu.memory_space<hbm>>) dst(%dma_wait3A_358 : memref<128xi32, #tpu.memory_space<vmem>>)
    %dma_start3A_362 = arith.constant 1 : i32
    %dma_start3A_363 = arith.constant 0 : i32
    %dma_start3A_364 = tpu.memref_slice %arg7[%dma_start3A_362, %dma_start3A_363] : memref<2x128xi32, #tpu.memory_space<vmem>> -> memref<1x128xi32, #tpu.memory_space<vmem>>
    %dma_start3A_365 = tpu.memref_squeeze %dma_start3A_364 : memref<1x128xi32, #tpu.memory_space<vmem>> -> memref<128xi32, #tpu.memory_space<vmem>>
    %dma_start3A_366 = arith.constant 0 : i32
    %dma_start3A_367 = arith.constant 0 : i32
    %dma_start3A_368 = tpu.memref_slice %arg2[%dma_start3A_366, %dma_start3A_367] : memref<10000x128xf32, #tpu.memory_space<hbm>> -> memref<10000x128xf32, #tpu.memory_space<hbm>>
    tpu.enqueue_indirect_dma source(%dma_start3A_368 : memref<10000x128xf32, #tpu.memory_space<hbm>>) target(%arg10 : memref<128x128xf32, #tpu.memory_space<vmem>>) offsets(%dma_start3A_365 : memref<128xi32, #tpu.memory_space<vmem>>) semaphore(%arg14 : memref<!tpu.dma_semaphore, #tpu.memory_space<semaphore_mem>>)
    %scan3A_369 = arith.constant 0 : i32
    %scan3A_370 = arith.constant 0 : i32
    %scan3A_371 = arith.constant 19 : i32
    %scan3A_372 = arith.addi %scan3A_370, %scan3A_371 : i32
    %scan3A_373 = arith.constant 1 : i32
    scf.for %scan3A_458 = %scan3A_370 to %scan3A_372 step %scan3A_373  : i32 {
      %mul3A_459 = arith.constant 2 : i32
      %mul3A_460 = arith.muli %mul3A_459, %scan3A_458 : i32
      %dma_wait3A_461 = arith.constant 0 : i32
      %dma_wait3A_462 = arith.constant 0 : i32
      %dma_wait3A_463 = tpu.memref_slice %arg7[%dma_wait3A_461, %dma_wait3A_462] : memref<2x128xi32, #tpu.memory_space<vmem>> -> memref<1x128xi32, #tpu.memory_space<vmem>>
      %dma_wait3A_464 = tpu.memref_squeeze %dma_wait3A_463 : memref<1x128xi32, #tpu.memory_space<vmem>> -> memref<128xi32, #tpu.memory_space<vmem>>
      %dma_wait3A_465 = arith.constant 0 : i32
      %dma_wait3A_466 = arith.constant 0 : i32
      %dma_wait3A_467 = tpu.memref_slice %arg2[%dma_wait3A_465, %dma_wait3A_466] : memref<10000x128xf32, #tpu.memory_space<hbm>> -> memref<10000x128xf32, #tpu.memory_space<hbm>>
      tpu.wait_indirect_dma semaphore(%arg14 : memref<!tpu.dma_semaphore, #tpu.memory_space<semaphore_mem>>) src(%dma_wait3A_467 : memref<10000x128xf32, #tpu.memory_space<hbm>>) dst(%arg10 : memref<128x128xf32, #tpu.memory_space<vmem>>)
      %add3A_468 = arith.constant 1 : i32
      %add3A_469 = arith.addi %mul3A_460, %add3A_468 : i32
      %dma_start3A_470 = arith.constant 0 : i32
      %dma_start3A_471 = tpu.memref_slice %arg8[%add3A_469, %dma_start3A_470] : memref<40x128xi32, #tpu.memory_space<vmem>> -> memref<1x128xi32, #tpu.memory_space<vmem>>
      %dma_start3A_472 = tpu.memref_squeeze %dma_start3A_471 : memref<1x128xi32, #tpu.memory_space<vmem>> -> memref<128xi32, #tpu.memory_space<vmem>>
      %dma_start3A_473 = arith.constant 0 : i32
      %dma_start3A_474 = arith.constant 0 : i32
      %dma_start3A_475 = tpu.memref_slice %arg12[%dma_start3A_473, %dma_start3A_474] : memref<10112x128xf32, #tpu.memory_space<vmem_shared>> -> memref<10112x128xf32, #tpu.memory_space<vmem_shared>>
      tpu.enqueue_indirect_dma source(%arg10 : memref<128x128xf32, #tpu.memory_space<vmem>>) target(%dma_start3A_475 : memref<10112x128xf32, #tpu.memory_space<vmem_shared>>) offsets(%dma_start3A_472 : memref<128xi32, #tpu.memory_space<vmem>>) semaphore(%arg16 : memref<!tpu.dma_semaphore, #tpu.memory_space<semaphore_mem>>) {add = true}
      %get3A_476 = arith.index_cast %add3A_469 : i32 to index
      %get3A_477 = arith.constant 0 : index
      %get3A_478 = tpu.vector_load %arg8[%get3A_476, %get3A_477] {strides = array<i32>} : memref<40x128xi32, #tpu.memory_space<vmem>>, vector<16xi32>,
      tpu.vector_store_idx %arg11[%get3A_478], %broadcast_in_dim3A_238 {add = true} : memref<10112xf32, #tpu.memory_space<vmem>>[vector<16xi32>], vector<16xf32>,
      %get3A_479 = arith.index_cast %add3A_469 : i32 to index
      %get3A_480 = arith.constant 16 : index
      %get3A_481 = tpu.vector_load %arg8[%get3A_479, %get3A_480] {strides = array<i32>} : memref<40x128xi32, #tpu.memory_space<vmem>>, vector<16xi32>,
      tpu.vector_store_idx %arg11[%get3A_481], %broadcast_in_dim3A_238 {add = true} : memref<10112xf32, #tpu.memory_space<vmem>>[vector<16xi32>], vector<16xf32>,
      %get3A_482 = arith.index_cast %add3A_469 : i32 to index
      %get3A_483 = arith.constant 32 : index
      %get3A_484 = tpu.vector_load %arg8[%get3A_482, %get3A_483] {strides = array<i32>} : memref<40x128xi32, #tpu.memory_space<vmem>>, vector<16xi32>,
      tpu.vector_store_idx %arg11[%get3A_484], %broadcast_in_dim3A_238 {add = true} : memref<10112xf32, #tpu.memory_space<vmem>>[vector<16xi32>], vector<16xf32>,
      %get3A_485 = arith.index_cast %add3A_469 : i32 to index
      %get3A_486 = arith.constant 48 : index
      %get3A_487 = tpu.vector_load %arg8[%get3A_485, %get3A_486] {strides = array<i32>} : memref<40x128xi32, #tpu.memory_space<vmem>>, vector<16xi32>,
      tpu.vector_store_idx %arg11[%get3A_487], %broadcast_in_dim3A_238 {add = true} : memref<10112xf32, #tpu.memory_space<vmem>>[vector<16xi32>], vector<16xf32>,
      %get3A_488 = arith.index_cast %add3A_469 : i32 to index
      %get3A_489 = arith.constant 64 : index
      %get3A_490 = tpu.vector_load %arg8[%get3A_488, %get3A_489] {strides = array<i32>} : memref<40x128xi32, #tpu.memory_space<vmem>>, vector<16xi32>,
      tpu.vector_store_idx %arg11[%get3A_490], %broadcast_in_dim3A_238 {add = true} : memref<10112xf32, #tpu.memory_space<vmem>>[vector<16xi32>], vector<16xf32>,
      %get3A_491 = arith.index_cast %add3A_469 : i32 to index
      %get3A_492 = arith.constant 80 : index
      %get3A_493 = tpu.vector_load %arg8[%get3A_491, %get3A_492] {strides = array<i32>} : memref<40x128xi32, #tpu.memory_space<vmem>>, vector<16xi32>,
      tpu.vector_store_idx %arg11[%get3A_493], %broadcast_in_dim3A_238 {add = true} : memref<10112xf32, #tpu.memory_space<vmem>>[vector<16xi32>], vector<16xf32>,
      %get3A_494 = arith.index_cast %add3A_469 : i32 to index
      %get3A_495 = arith.constant 96 : index
      %get3A_496 = tpu.vector_load %arg8[%get3A_494, %get3A_495] {strides = array<i32>} : memref<40x128xi32, #tpu.memory_space<vmem>>, vector<16xi32>,
      tpu.vector_store_idx %arg11[%get3A_496], %broadcast_in_dim3A_238 {add = true} : memref<10112xf32, #tpu.memory_space<vmem>>[vector<16xi32>], vector<16xf32>,
      %get3A_497 = arith.index_cast %add3A_469 : i32 to index
      %get3A_498 = arith.constant 112 : index
      %get3A_499 = tpu.vector_load %arg8[%get3A_497, %get3A_498] {strides = array<i32>} : memref<40x128xi32, #tpu.memory_space<vmem>>, vector<16xi32>,
      tpu.vector_store_idx %arg11[%get3A_499], %broadcast_in_dim3A_238 {add = true} : memref<10112xf32, #tpu.memory_space<vmem>>[vector<16xi32>], vector<16xf32>,
      %add3A_500 = arith.constant 3 : i32
      %add3A_501 = arith.addi %mul3A_460, %add3A_500 : i32
      %add3A_502 = arith.constant 40 : i32
      %add3A_503 = arith.addi %add3A_502, %add3A_501 : i32
      %dma_start3A_504 = arith.constant 1 : i32
      %dma_start3A_505 = arith.constant 0 : i32
      %dma_start3A_506 = tpu.memref_slice %arg7[%dma_start3A_504, %dma_start3A_505] : memref<2x128xi32, #tpu.memory_space<vmem>> -> memref<1x128xi32, #tpu.memory_space<vmem>>
      %dma_start3A_507 = tpu.memref_squeeze %dma_start3A_506 : memref<1x128xi32, #tpu.memory_space<vmem>> -> memref<128xi32, #tpu.memory_space<vmem>>
      %dma_start3A_508 = arith.constant 0 : i32
      %dma_start3A_509 = tpu.memref_slice %arg3[%add3A, %add3A_503, %dma_start3A_508] : memref<32x82x128xi32, #tpu.memory_space<hbm>> -> memref<1x1x128xi32, #tpu.memory_space<hbm>>
      %dma_start3A_510 = tpu.memref_squeeze %dma_start3A_509 : memref<1x1x128xi32, #tpu.memory_space<hbm>> -> memref<128xi32, #tpu.memory_space<hbm>>
      %dma_start3A_511 = arith.constant 0 : i32
      %dma_start3A_512 = tpu.memref_slice %arg7[%dma_start3A_504, %dma_start3A_511] : memref<2x128xi32, #tpu.memory_space<vmem>> -> memref<1x128xi32, #tpu.memory_space<vmem>>
      %dma_start3A_513 = tpu.memref_squeeze %dma_start3A_512 : memref<1x128xi32, #tpu.memory_space<vmem>> -> memref<128xi32, #tpu.memory_space<vmem>>
      %dma_start3A_514 = arith.constant 0 : i32
      %dma_start3A_515 = tpu.memref_slice %arg3[%add3A, %add3A_503, %dma_start3A_514] : memref<32x82x128xi32, #tpu.memory_space<hbm>> -> memref<1x1x128xi32, #tpu.memory_space<hbm>>
      %dma_start3A_516 = tpu.memref_squeeze %dma_start3A_515 : memref<1x1x128xi32, #tpu.memory_space<hbm>> -> memref<128xi32, #tpu.memory_space<hbm>>
      tpu.enqueue_dma source(%dma_start3A_516 : memref<128xi32, #tpu.memory_space<hbm>>) target(%dma_start3A_513 : memref<128xi32, #tpu.memory_space<vmem>>) target_semaphore(%arg18 : memref<!tpu.dma_semaphore, #tpu.memory_space<semaphore_mem>>)
      %dma_wait3A_517 = arith.constant 0 : i32
      %dma_wait3A_518 = arith.constant 0 : i32
      %dma_wait3A_519 = tpu.memref_slice %arg8[%dma_wait3A_517, %dma_wait3A_518] : memref<40x128xi32, #tpu.memory_space<vmem>> -> memref<1x128xi32, #tpu.memory_space<vmem>>
      %dma_wait3A_520 = tpu.memref_squeeze %dma_wait3A_519 : memref<1x128xi32, #tpu.memory_space<vmem>> -> memref<128xi32, #tpu.memory_space<vmem>>
      %dma_wait3A_521 = arith.constant 0 : i32
      %dma_wait3A_522 = arith.constant 0 : i32
      %dma_wait3A_523 = tpu.memref_slice %arg12[%dma_wait3A_521, %dma_wait3A_522] : memref<10112x128xf32, #tpu.memory_space<vmem_shared>> -> memref<10112x128xf32, #tpu.memory_space<vmem_shared>>
      tpu.wait_indirect_dma semaphore(%arg15 : memref<!tpu.dma_semaphore, #tpu.memory_space<semaphore_mem>>) src(%arg9 : memref<128x128xf32, #tpu.memory_space<vmem>>) dst(%dma_wait3A_523 : memref<10112x128xf32, #tpu.memory_space<vmem_shared>>)
      %dma_wait3A_524 = arith.constant 0 : i32
      %dma_wait3A_525 = arith.constant 0 : i32
      %dma_wait3A_526 = arith.constant 0 : i32
      %dma_wait3A_527 = tpu.memref_slice %arg7[%dma_wait3A_525, %dma_wait3A_526] : memref<2x128xi32, #tpu.memory_space<vmem>> -> memref<1x128xi32, #tpu.memory_space<vmem>>
      %dma_wait3A_528 = tpu.memref_squeeze %dma_wait3A_527 : memref<1x128xi32, #tpu.memory_space<vmem>> -> memref<128xi32, #tpu.memory_space<vmem>>
      %dma_wait3A_529 = arith.constant 0 : i32
      %dma_wait3A_530 = tpu.memref_slice %arg3[%add3A, %dma_wait3A_524, %dma_wait3A_529] : memref<32x82x128xi32, #tpu.memory_space<hbm>> -> memref<1x1x128xi32, #tpu.memory_space<hbm>>
      %dma_wait3A_531 = tpu.memref_squeeze %dma_wait3A_530 : memref<1x1x128xi32, #tpu.memory_space<hbm>> -> memref<128xi32, #tpu.memory_space<hbm>>
      %dma_wait3A_532 = arith.constant 0 : i32
      %dma_wait3A_533 = tpu.memref_slice %arg7[%dma_wait3A_525, %dma_wait3A_532] : memref<2x128xi32, #tpu.memory_space<vmem>> -> memref<1x128xi32, #tpu.memory_space<vmem>>
      %dma_wait3A_534 = tpu.memref_squeeze %dma_wait3A_533 : memref<1x128xi32, #tpu.memory_space<vmem>> -> memref<128xi32, #tpu.memory_space<vmem>>
      %dma_wait3A_535 = arith.constant 0 : i32
      %dma_wait3A_536 = tpu.memref_slice %arg3[%add3A, %dma_wait3A_524, %dma_wait3A_535] : memref<32x82x128xi32, #tpu.memory_space<hbm>> -> memref<1x1x128xi32, #tpu.memory_space<hbm>>
      %dma_wait3A_537 = tpu.memref_squeeze %dma_wait3A_536 : memref<1x1x128xi32, #tpu.memory_space<hbm>> -> memref<128xi32, #tpu.memory_space<hbm>>
      tpu.wait_dma2 semaphore(%arg17 : memref<!tpu.dma_semaphore, #tpu.memory_space<semaphore_mem>>) src(%dma_wait3A_537 : memref<128xi32, #tpu.memory_space<hbm>>) dst(%dma_wait3A_534 : memref<128xi32, #tpu.memory_space<vmem>>)
      %dma_start3A_538 = arith.constant 0 : i32
      %dma_start3A_539 = arith.constant 0 : i32
      %dma_start3A_540 = tpu.memref_slice %arg7[%dma_start3A_538, %dma_start3A_539] : memref<2x128xi32, #tpu.memory_space<vmem>> -> memref<1x128xi32, #tpu.memory_space<vmem>>
      %dma_start3A_541 = tpu.memref_squeeze %dma_start3A_540 : memref<1x128xi32, #tpu.memory_space<vmem>> -> memref<128xi32, #tpu.memory_space<vmem>>
      %dma_start3A_542 = arith.constant 0 : i32
      %dma_start3A_543 = arith.constant 0 : i32
      %dma_start3A_544 = tpu.memref_slice %arg2[%dma_start3A_542, %dma_start3A_543] : memref<10000x128xf32, #tpu.memory_space<hbm>> -> memref<10000x128xf32, #tpu.memory_space<hbm>>
      tpu.enqueue_indirect_dma source(%dma_start3A_544 : memref<10000x128xf32, #tpu.memory_space<hbm>>) target(%arg9 : memref<128x128xf32, #tpu.memory_space<vmem>>) offsets(%dma_start3A_541 : memref<128xi32, #tpu.memory_space<vmem>>) semaphore(%arg13 : memref<!tpu.dma_semaphore, #tpu.memory_space<semaphore_mem>>)
      %dma_wait3A_545 = arith.constant 0 : i32
      %dma_wait3A_546 = arith.constant 0 : i32
      %dma_wait3A_547 = tpu.memref_slice %arg7[%dma_wait3A_545, %dma_wait3A_546] : memref<2x128xi32, #tpu.memory_space<vmem>> -> memref<1x128xi32, #tpu.memory_space<vmem>>
      %dma_wait3A_548 = tpu.memref_squeeze %dma_wait3A_547 : memref<1x128xi32, #tpu.memory_space<vmem>> -> memref<128xi32, #tpu.memory_space<vmem>>
      %dma_wait3A_549 = arith.constant 0 : i32
      %dma_wait3A_550 = arith.constant 0 : i32
      %dma_wait3A_551 = tpu.memref_slice %arg2[%dma_wait3A_549, %dma_wait3A_550] : memref<10000x128xf32, #tpu.memory_space<hbm>> -> memref<10000x128xf32, #tpu.memory_space<hbm>>
      tpu.wait_indirect_dma semaphore(%arg13 : memref<!tpu.dma_semaphore, #tpu.memory_space<semaphore_mem>>) src(%dma_wait3A_551 : memref<10000x128xf32, #tpu.memory_space<hbm>>) dst(%arg9 : memref<128x128xf32, #tpu.memory_space<vmem>>)
      %add3A_552 = arith.constant 2 : i32
      %add3A_553 = arith.addi %mul3A_460, %add3A_552 : i32
      %dma_start3A_554 = arith.constant 0 : i32
      %dma_start3A_555 = tpu.memref_slice %arg8[%add3A_553, %dma_start3A_554] : memref<40x128xi32, #tpu.memory_space<vmem>> -> memref<1x128xi32, #tpu.memory_space<vmem>>
      %dma_start3A_556 = tpu.memref_squeeze %dma_start3A_555 : memref<1x128xi32, #tpu.memory_space<vmem>> -> memref<128xi32, #tpu.memory_space<vmem>>
      %dma_start3A_557 = arith.constant 0 : i32
      %dma_start3A_558 = arith.constant 0 : i32
      %dma_start3A_559 = tpu.memref_slice %arg12[%dma_start3A_557, %dma_start3A_558] : memref<10112x128xf32, #tpu.memory_space<vmem_shared>> -> memref<10112x128xf32, #tpu.memory_space<vmem_shared>>
      tpu.enqueue_indirect_dma source(%arg9 : memref<128x128xf32, #tpu.memory_space<vmem>>) target(%dma_start3A_559 : memref<10112x128xf32, #tpu.memory_space<vmem_shared>>) offsets(%dma_start3A_556 : memref<128xi32, #tpu.memory_space<vmem>>) semaphore(%arg15 : memref<!tpu.dma_semaphore, #tpu.memory_space<semaphore_mem>>) {add = true}
      %get3A_560 = arith.index_cast %add3A_553 : i32 to index
      %get3A_561 = arith.constant 0 : index
      %get3A_562 = tpu.vector_load %arg8[%get3A_560, %get3A_561] {strides = array<i32>} : memref<40x128xi32, #tpu.memory_space<vmem>>, vector<16xi32>,
      tpu.vector_store_idx %arg11[%get3A_562], %broadcast_in_dim3A_238 {add = true} : memref<10112xf32, #tpu.memory_space<vmem>>[vector<16xi32>], vector<16xf32>,
      %get3A_563 = arith.index_cast %add3A_553 : i32 to index
      %get3A_564 = arith.constant 16 : index
      %get3A_565 = tpu.vector_load %arg8[%get3A_563, %get3A_564] {strides = array<i32>} : memref<40x128xi32, #tpu.memory_space<vmem>>, vector<16xi32>,
      tpu.vector_store_idx %arg11[%get3A_565], %broadcast_in_dim3A_238 {add = true} : memref<10112xf32, #tpu.memory_space<vmem>>[vector<16xi32>], vector<16xf32>,
      %get3A_566 = arith.index_cast %add3A_553 : i32 to index
      %get3A_567 = arith.constant 32 : index
      %get3A_568 = tpu.vector_load %arg8[%get3A_566, %get3A_567] {strides = array<i32>} : memref<40x128xi32, #tpu.memory_space<vmem>>, vector<16xi32>,
      tpu.vector_store_idx %arg11[%get3A_568], %broadcast_in_dim3A_238 {add = true} : memref<10112xf32, #tpu.memory_space<vmem>>[vector<16xi32>], vector<16xf32>,
      %get3A_569 = arith.index_cast %add3A_553 : i32 to index
      %get3A_570 = arith.constant 48 : index
      %get3A_571 = tpu.vector_load %arg8[%get3A_569, %get3A_570] {strides = array<i32>} : memref<40x128xi32, #tpu.memory_space<vmem>>, vector<16xi32>,
      tpu.vector_store_idx %arg11[%get3A_571], %broadcast_in_dim3A_238 {add = true} : memref<10112xf32, #tpu.memory_space<vmem>>[vector<16xi32>], vector<16xf32>,
      %get3A_572 = arith.index_cast %add3A_553 : i32 to index
      %get3A_573 = arith.constant 64 : index
      %get3A_574 = tpu.vector_load %arg8[%get3A_572, %get3A_573] {strides = array<i32>} : memref<40x128xi32, #tpu.memory_space<vmem>>, vector<16xi32>,
      tpu.vector_store_idx %arg11[%get3A_574], %broadcast_in_dim3A_238 {add = true} : memref<10112xf32, #tpu.memory_space<vmem>>[vector<16xi32>], vector<16xf32>,
      %get3A_575 = arith.index_cast %add3A_553 : i32 to index
      %get3A_576 = arith.constant 80 : index
      %get3A_577 = tpu.vector_load %arg8[%get3A_575, %get3A_576] {strides = array<i32>} : memref<40x128xi32, #tpu.memory_space<vmem>>, vector<16xi32>,
      tpu.vector_store_idx %arg11[%get3A_577], %broadcast_in_dim3A_238 {add = true} : memref<10112xf32, #tpu.memory_space<vmem>>[vector<16xi32>], vector<16xf32>,
      %get3A_578 = arith.index_cast %add3A_553 : i32 to index
      %get3A_579 = arith.constant 96 : index
      %get3A_580 = tpu.vector_load %arg8[%get3A_578, %get3A_579] {strides = array<i32>} : memref<40x128xi32, #tpu.memory_space<vmem>>, vector<16xi32>,
      tpu.vector_store_idx %arg11[%get3A_580], %broadcast_in_dim3A_238 {add = true} : memref<10112xf32, #tpu.memory_space<vmem>>[vector<16xi32>], vector<16xf32>,
      %get3A_581 = arith.index_cast %add3A_553 : i32 to index
      %get3A_582 = arith.constant 112 : index
      %get3A_583 = tpu.vector_load %arg8[%get3A_581, %get3A_582] {strides = array<i32>} : memref<40x128xi32, #tpu.memory_space<vmem>>, vector<16xi32>,
      tpu.vector_store_idx %arg11[%get3A_583], %broadcast_in_dim3A_238 {add = true} : memref<10112xf32, #tpu.memory_space<vmem>>[vector<16xi32>], vector<16xf32>,
      %add3A_584 = arith.constant 4 : i32
      %add3A_585 = arith.addi %mul3A_460, %add3A_584 : i32
      %add3A_586 = arith.constant 40 : i32
      %add3A_587 = arith.addi %add3A_586, %add3A_585 : i32
      %dma_start3A_588 = arith.constant 0 : i32
      %dma_start3A_589 = arith.constant 0 : i32
      %dma_start3A_590 = tpu.memref_slice %arg7[%dma_start3A_588, %dma_start3A_589] : memref<2x128xi32, #tpu.memory_space<vmem>> -> memref<1x128xi32, #tpu.memory_space<vmem>>
      %dma_start3A_591 = tpu.memref_squeeze %dma_start3A_590 : memref<1x128xi32, #tpu.memory_space<vmem>> -> memref<128xi32, #tpu.memory_space<vmem>>
      %dma_start3A_592 = arith.constant 0 : i32
      %dma_start3A_593 = tpu.memref_slice %arg3[%add3A, %add3A_587, %dma_start3A_592] : memref<32x82x128xi32, #tpu.memory_space<hbm>> -> memref<1x1x128xi32, #tpu.memory_space<hbm>>
      %dma_start3A_594 = tpu.memref_squeeze %dma_start3A_593 : memref<1x1x128xi32, #tpu.memory_space<hbm>> -> memref<128xi32, #tpu.memory_space<hbm>>
      %dma_start3A_595 = arith.constant 0 : i32
      %dma_start3A_596 = tpu.memref_slice %arg7[%dma_start3A_588, %dma_start3A_595] : memref<2x128xi32, #tpu.memory_space<vmem>> -> memref<1x128xi32, #tpu.memory_space<vmem>>
      %dma_start3A_597 = tpu.memref_squeeze %dma_start3A_596 : memref<1x128xi32, #tpu.memory_space<vmem>> -> memref<128xi32, #tpu.memory_space<vmem>>
      %dma_start3A_598 = arith.constant 0 : i32
      %dma_start3A_599 = tpu.memref_slice %arg3[%add3A, %add3A_587, %dma_start3A_598] : memref<32x82x128xi32, #tpu.memory_space<hbm>> -> memref<1x1x128xi32, #tpu.memory_space<hbm>>
      %dma_start3A_600 = tpu.memref_squeeze %dma_start3A_599 : memref<1x1x128xi32, #tpu.memory_space<hbm>> -> memref<128xi32, #tpu.memory_space<hbm>>
      tpu.enqueue_dma source(%dma_start3A_600 : memref<128xi32, #tpu.memory_space<hbm>>) target(%dma_start3A_597 : memref<128xi32, #tpu.memory_space<vmem>>) target_semaphore(%arg17 : memref<!tpu.dma_semaphore, #tpu.memory_space<semaphore_mem>>)
      %dma_wait3A_601 = arith.constant 0 : i32
      %dma_wait3A_602 = arith.constant 0 : i32
      %dma_wait3A_603 = tpu.memref_slice %arg8[%dma_wait3A_601, %dma_wait3A_602] : memref<40x128xi32, #tpu.memory_space<vmem>> -> memref<1x128xi32, #tpu.memory_space<vmem>>
      %dma_wait3A_604 = tpu.memref_squeeze %dma_wait3A_603 : memref<1x128xi32, #tpu.memory_space<vmem>> -> memref<128xi32, #tpu.memory_space<vmem>>
      %dma_wait3A_605 = arith.constant 0 : i32
      %dma_wait3A_606 = arith.constant 0 : i32
      %dma_wait3A_607 = tpu.memref_slice %arg12[%dma_wait3A_605, %dma_wait3A_606] : memref<10112x128xf32, #tpu.memory_space<vmem_shared>> -> memref<10112x128xf32, #tpu.memory_space<vmem_shared>>
      tpu.wait_indirect_dma semaphore(%arg16 : memref<!tpu.dma_semaphore, #tpu.memory_space<semaphore_mem>>) src(%arg10 : memref<128x128xf32, #tpu.memory_space<vmem>>) dst(%dma_wait3A_607 : memref<10112x128xf32, #tpu.memory_space<vmem_shared>>)
      %dma_wait3A_608 = arith.constant 0 : i32
      %dma_wait3A_609 = arith.constant 1 : i32
      %dma_wait3A_610 = arith.constant 0 : i32
      %dma_wait3A_611 = tpu.memref_slice %arg7[%dma_wait3A_609, %dma_wait3A_610] : memref<2x128xi32, #tpu.memory_space<vmem>> -> memref<1x128xi32, #tpu.memory_space<vmem>>
      %dma_wait3A_612 = tpu.memref_squeeze %dma_wait3A_611 : memref<1x128xi32, #tpu.memory_space<vmem>> -> memref<128xi32, #tpu.memory_space<vmem>>
      %dma_wait3A_613 = arith.constant 0 : i32
      %dma_wait3A_614 = tpu.memref_slice %arg3[%add3A, %dma_wait3A_608, %dma_wait3A_613] : memref<32x82x128xi32, #tpu.memory_space<hbm>> -> memref<1x1x128xi32, #tpu.memory_space<hbm>>
      %dma_wait3A_615 = tpu.memref_squeeze %dma_wait3A_614 : memref<1x1x128xi32, #tpu.memory_space<hbm>> -> memref<128xi32, #tpu.memory_space<hbm>>
      %dma_wait3A_616 = arith.constant 0 : i32
      %dma_wait3A_617 = tpu.memref_slice %arg7[%dma_wait3A_609, %dma_wait3A_616] : memref<2x128xi32, #tpu.memory_space<vmem>> -> memref<1x128xi32, #tpu.memory_space<vmem>>
      %dma_wait3A_618 = tpu.memref_squeeze %dma_wait3A_617 : memref<1x128xi32, #tpu.memory_space<vmem>> -> memref<128xi32, #tpu.memory_space<vmem>>
      %dma_wait3A_619 = arith.constant 0 : i32
      %dma_wait3A_620 = tpu.memref_slice %arg3[%add3A, %dma_wait3A_608, %dma_wait3A_619] : memref<32x82x128xi32, #tpu.memory_space<hbm>> -> memref<1x1x128xi32, #tpu.memory_space<hbm>>
      %dma_wait3A_621 = tpu.memref_squeeze %dma_wait3A_620 : memref<1x1x128xi32, #tpu.memory_space<hbm>> -> memref<128xi32, #tpu.memory_space<hbm>>
      tpu.wait_dma2 semaphore(%arg18 : memref<!tpu.dma_semaphore, #tpu.memory_space<semaphore_mem>>) src(%dma_wait3A_621 : memref<128xi32, #tpu.memory_space<hbm>>) dst(%dma_wait3A_618 : memref<128xi32, #tpu.memory_space<vmem>>)
      %dma_start3A_622 = arith.constant 1 : i32
      %dma_start3A_623 = arith.constant 0 : i32
      %dma_start3A_624 = tpu.memref_slice %arg7[%dma_start3A_622, %dma_start3A_623] : memref<2x128xi32, #tpu.memory_space<vmem>> -> memref<1x128xi32, #tpu.memory_space<vmem>>
      %dma_start3A_625 = tpu.memref_squeeze %dma_start3A_624 : memref<1x128xi32, #tpu.memory_space<vmem>> -> memref<128xi32, #tpu.memory_space<vmem>>
      %dma_start3A_626 = arith.constant 0 : i32
      %dma_start3A_627 = arith.constant 0 : i32
      %dma_start3A_628 = tpu.memref_slice %arg2[%dma_start3A_626, %dma_start3A_627] : memref<10000x128xf32, #tpu.memory_space<hbm>> -> memref<10000x128xf32, #tpu.memory_space<hbm>>
      tpu.enqueue_indirect_dma source(%dma_start3A_628 : memref<10000x128xf32, #tpu.memory_space<hbm>>) target(%arg10 : memref<128x128xf32, #tpu.memory_space<vmem>>) offsets(%dma_start3A_625 : memref<128xi32, #tpu.memory_space<vmem>>) semaphore(%arg14 : memref<!tpu.dma_semaphore, #tpu.memory_space<semaphore_mem>>)
    }
    %scan3A_374 = arith.constant 19 : i32
    %dma_wait3A_375 = arith.constant 0 : i32
    %dma_wait3A_376 = arith.constant 0 : i32
    %dma_wait3A_377 = tpu.memref_slice %arg7[%dma_wait3A_375, %dma_wait3A_376] : memref<2x128xi32, #tpu.memory_space<vmem>> -> memref<1x128xi32, #tpu.memory_space<vmem>>
    %dma_wait3A_378 = tpu.memref_squeeze %dma_wait3A_377 : memref<1x128xi32, #tpu.memory_space<vmem>> -> memref<128xi32, #tpu.memory_space<vmem>>
    %dma_wait3A_379 = arith.constant 0 : i32
    %dma_wait3A_380 = arith.constant 0 : i32
    %dma_wait3A_381 = tpu.memref_slice %arg2[%dma_wait3A_379, %dma_wait3A_380] : memref<10000x128xf32, #tpu.memory_space<hbm>> -> memref<10000x128xf32, #tpu.memory_space<hbm>>
    tpu.wait_indirect_dma semaphore(%arg14 : memref<!tpu.dma_semaphore, #tpu.memory_space<semaphore_mem>>) src(%dma_wait3A_381 : memref<10000x128xf32, #tpu.memory_space<hbm>>) dst(%arg10 : memref<128x128xf32, #tpu.memory_space<vmem>>)
    %dma_start3A_382 = arith.constant 39 : i32
    %dma_start3A_383 = arith.constant 0 : i32
    %dma_start3A_384 = tpu.memref_slice %arg8[%dma_start3A_382, %dma_start3A_383] : memref<40x128xi32, #tpu.memory_space<vmem>> -> memref<1x128xi32, #tpu.memory_space<vmem>>
    %dma_start3A_385 = tpu.memref_squeeze %dma_start3A_384 : memref<1x128xi32, #tpu.memory_space<vmem>> -> memref<128xi32, #tpu.memory_space<vmem>>
    %dma_start3A_386 = arith.constant 0 : i32
    %dma_start3A_387 = arith.constant 0 : i32
    %dma_start3A_388 = tpu.memref_slice %arg12[%dma_start3A_386, %dma_start3A_387] : memref<10112x128xf32, #tpu.memory_space<vmem_shared>> -> memref<10112x128xf32, #tpu.memory_space<vmem_shared>>
    tpu.enqueue_indirect_dma source(%arg10 : memref<128x128xf32, #tpu.memory_space<vmem>>) target(%dma_start3A_388 : memref<10112x128xf32, #tpu.memory_space<vmem_shared>>) offsets(%dma_start3A_385 : memref<128xi32, #tpu.memory_space<vmem>>) semaphore(%arg16 : memref<!tpu.dma_semaphore, #tpu.memory_space<semaphore_mem>>) {add = true}
    %get3A_389 = arith.constant 39 : i32
    %get3A_390 = arith.index_cast %get3A_389 : i32 to index
    %get3A_391 = arith.constant 0 : index
    %get3A_392 = tpu.vector_load %arg8[%get3A_390, %get3A_391] {strides = array<i32>} : memref<40x128xi32, #tpu.memory_space<vmem>>, vector<16xi32>,
    tpu.vector_store_idx %arg11[%get3A_392], %broadcast_in_dim3A_238 {add = true} : memref<10112xf32, #tpu.memory_space<vmem>>[vector<16xi32>], vector<16xf32>,
    %get3A_393 = arith.constant 39 : i32
    %get3A_394 = arith.index_cast %get3A_393 : i32 to index
    %get3A_395 = arith.constant 16 : index
    %get3A_396 = tpu.vector_load %arg8[%get3A_394, %get3A_395] {strides = array<i32>} : memref<40x128xi32, #tpu.memory_space<vmem>>, vector<16xi32>,
    tpu.vector_store_idx %arg11[%get3A_396], %broadcast_in_dim3A_238 {add = true} : memref<10112xf32, #tpu.memory_space<vmem>>[vector<16xi32>], vector<16xf32>,
    %get3A_397 = arith.constant 39 : i32
    %get3A_398 = arith.index_cast %get3A_397 : i32 to index
    %get3A_399 = arith.constant 32 : index
    %get3A_400 = tpu.vector_load %arg8[%get3A_398, %get3A_399] {strides = array<i32>} : memref<40x128xi32, #tpu.memory_space<vmem>>, vector<16xi32>,
    tpu.vector_store_idx %arg11[%get3A_400], %broadcast_in_dim3A_238 {add = true} : memref<10112xf32, #tpu.memory_space<vmem>>[vector<16xi32>], vector<16xf32>,
    %get3A_401 = arith.constant 39 : i32
    %get3A_402 = arith.index_cast %get3A_401 : i32 to index
    %get3A_403 = arith.constant 48 : index
    %get3A_404 = tpu.vector_load %arg8[%get3A_402, %get3A_403] {strides = array<i32>} : memref<40x128xi32, #tpu.memory_space<vmem>>, vector<16xi32>,
    tpu.vector_store_idx %arg11[%get3A_404], %broadcast_in_dim3A_238 {add = true} : memref<10112xf32, #tpu.memory_space<vmem>>[vector<16xi32>], vector<16xf32>,
    %get3A_405 = arith.constant 39 : i32
    %get3A_406 = arith.index_cast %get3A_405 : i32 to index
    %get3A_407 = arith.constant 64 : index
    %get3A_408 = tpu.vector_load %arg8[%get3A_406, %get3A_407] {strides = array<i32>} : memref<40x128xi32, #tpu.memory_space<vmem>>, vector<16xi32>,
    tpu.vector_store_idx %arg11[%get3A_408], %broadcast_in_dim3A_238 {add = true} : memref<10112xf32, #tpu.memory_space<vmem>>[vector<16xi32>], vector<16xf32>,
    %get3A_409 = arith.constant 39 : i32
    %get3A_410 = arith.index_cast %get3A_409 : i32 to index
    %get3A_411 = arith.constant 80 : index
    %get3A_412 = tpu.vector_load %arg8[%get3A_410, %get3A_411] {strides = array<i32>} : memref<40x128xi32, #tpu.memory_space<vmem>>, vector<16xi32>,
    tpu.vector_store_idx %arg11[%get3A_412], %broadcast_in_dim3A_238 {add = true} : memref<10112xf32, #tpu.memory_space<vmem>>[vector<16xi32>], vector<16xf32>,
    %get3A_413 = arith.constant 39 : i32
    %get3A_414 = arith.index_cast %get3A_413 : i32 to index
    %get3A_415 = arith.constant 96 : index
    %get3A_416 = tpu.vector_load %arg8[%get3A_414, %get3A_415] {strides = array<i32>} : memref<40x128xi32, #tpu.memory_space<vmem>>, vector<16xi32>,
    tpu.vector_store_idx %arg11[%get3A_416], %broadcast_in_dim3A_238 {add = true} : memref<10112xf32, #tpu.memory_space<vmem>>[vector<16xi32>], vector<16xf32>,
    %get3A_417 = arith.constant 39 : i32
    %get3A_418 = arith.index_cast %get3A_417 : i32 to index
    %get3A_419 = arith.constant 112 : index
    %get3A_420 = tpu.vector_load %arg8[%get3A_418, %get3A_419] {strides = array<i32>} : memref<40x128xi32, #tpu.memory_space<vmem>>, vector<16xi32>,
    tpu.vector_store_idx %arg11[%get3A_420], %broadcast_in_dim3A_238 {add = true} : memref<10112xf32, #tpu.memory_space<vmem>>[vector<16xi32>], vector<16xf32>,
    %dma_wait3A_421 = arith.constant 0 : i32
    %dma_wait3A_422 = arith.constant 0 : i32
    %dma_wait3A_423 = tpu.memref_slice %arg8[%dma_wait3A_421, %dma_wait3A_422] : memref<40x128xi32, #tpu.memory_space<vmem>> -> memref<1x128xi32, #tpu.memory_space<vmem>>
    %dma_wait3A_424 = tpu.memref_squeeze %dma_wait3A_423 : memref<1x128xi32, #tpu.memory_space<vmem>> -> memref<128xi32, #tpu.memory_space<vmem>>
    %dma_wait3A_425 = arith.constant 0 : i32
    %dma_wait3A_426 = arith.constant 0 : i32
    %dma_wait3A_427 = tpu.memref_slice %arg12[%dma_wait3A_425, %dma_wait3A_426] : memref<10112x128xf32, #tpu.memory_space<vmem_shared>> -> memref<10112x128xf32, #tpu.memory_space<vmem_shared>>
    tpu.wait_indirect_dma semaphore(%arg15 : memref<!tpu.dma_semaphore, #tpu.memory_space<semaphore_mem>>) src(%arg9 : memref<128x128xf32, #tpu.memory_space<vmem>>) dst(%dma_wait3A_427 : memref<10112x128xf32, #tpu.memory_space<vmem_shared>>)
    %dma_wait3A_428 = arith.constant 0 : i32
    %dma_wait3A_429 = arith.constant 0 : i32
    %dma_wait3A_430 = tpu.memref_slice %arg8[%dma_wait3A_428, %dma_wait3A_429] : memref<40x128xi32, #tpu.memory_space<vmem>> -> memref<1x128xi32, #tpu.memory_space<vmem>>
    %dma_wait3A_431 = tpu.memref_squeeze %dma_wait3A_430 : memref<1x128xi32, #tpu.memory_space<vmem>> -> memref<128xi32, #tpu.memory_space<vmem>>
    %dma_wait3A_432 = arith.constant 0 : i32
    %dma_wait3A_433 = arith.constant 0 : i32
    %dma_wait3A_434 = tpu.memref_slice %arg12[%dma_wait3A_432, %dma_wait3A_433] : memref<10112x128xf32, #tpu.memory_space<vmem_shared>> -> memref<10112x128xf32, #tpu.memory_space<vmem_shared>>
    tpu.wait_indirect_dma semaphore(%arg16 : memref<!tpu.dma_semaphore, #tpu.memory_space<semaphore_mem>>) src(%arg10 : memref<128x128xf32, #tpu.memory_space<vmem>>) dst(%dma_wait3A_434 : memref<10112x128xf32, #tpu.memory_space<vmem_shared>>)
    %dma_wait3A_435 = arith.constant 0 : i32
    %dma_wait3A_436 = arith.constant 0 : i32
    %dma_wait3A_437 = arith.constant 0 : i32
    %dma_wait3A_438 = tpu.memref_slice %arg7[%dma_wait3A_436, %dma_wait3A_437] : memref<2x128xi32, #tpu.memory_space<vmem>> -> memref<1x128xi32, #tpu.memory_space<vmem>>
    %dma_wait3A_439 = tpu.memref_squeeze %dma_wait3A_438 : memref<1x128xi32, #tpu.memory_space<vmem>> -> memref<128xi32, #tpu.memory_space<vmem>>
    %dma_wait3A_440 = arith.constant 0 : i32
    %dma_wait3A_441 = tpu.memref_slice %arg3[%add3A, %dma_wait3A_435, %dma_wait3A_440] : memref<32x82x128xi32, #tpu.memory_space<hbm>> -> memref<1x1x128xi32, #tpu.memory_space<hbm>>
    %dma_wait3A_442 = tpu.memref_squeeze %dma_wait3A_441 : memref<1x1x128xi32, #tpu.memory_space<hbm>> -> memref<128xi32, #tpu.memory_space<hbm>>
    %dma_wait3A_443 = arith.constant 0 : i32
    %dma_wait3A_444 = tpu.memref_slice %arg7[%dma_wait3A_436, %dma_wait3A_443] : memref<2x128xi32, #tpu.memory_space<vmem>> -> memref<1x128xi32, #tpu.memory_space<vmem>>
    %dma_wait3A_445 = tpu.memref_squeeze %dma_wait3A_444 : memref<1x128xi32, #tpu.memory_space<vmem>> -> memref<128xi32, #tpu.memory_space<vmem>>
    %dma_wait3A_446 = arith.constant 0 : i32
    %dma_wait3A_447 = tpu.memref_slice %arg3[%add3A, %dma_wait3A_435, %dma_wait3A_446] : memref<32x82x128xi32, #tpu.memory_space<hbm>> -> memref<1x1x128xi32, #tpu.memory_space<hbm>>
    %dma_wait3A_448 = tpu.memref_squeeze %dma_wait3A_447 : memref<1x1x128xi32, #tpu.memory_space<hbm>> -> memref<128xi32, #tpu.memory_space<hbm>>
    tpu.wait_dma2 semaphore(%arg17 : memref<!tpu.dma_semaphore, #tpu.memory_space<semaphore_mem>>) src(%dma_wait3A_448 : memref<128xi32, #tpu.memory_space<hbm>>) dst(%dma_wait3A_445 : memref<128xi32, #tpu.memory_space<vmem>>)
    %barrier3A_449 = arith.constant 0 : index
    tpu.barrier barrier_id(%barrier3A_449)
    %mul3A_450 = arith.constant 632 : i32
    %mul3A_451 = arith.muli %arg1, %mul3A_450 : i32
    %lt3A = arith.constant 15 : i32
    %lt3A_452 = arith.cmpi slt, %arg1, %lt3A : i32
    %convert_element_type3A = arith.extui %lt3A_452 : i1 to i32
    %cond3A = arith.constant 0 : i32
    %cond3A_453 = arith.cmpi ne, %convert_element_type3A, %cond3A : i32
    scf.if %cond3A_453 {
      "tpu.region"() ({
        %run_scoped3A = tpu.sem_alloc : memref<!tpu.dma_semaphore, #tpu.memory_space<semaphore_mem>>
        %dma_start3A_458 = arith.constant 0 : i32
        %dma_start3A_459 = tpu.memref_slice %arg5[%arg0, %mul3A_451, %dma_start3A_458] : memref<2x10000x128xf32, #tpu.memory_space<hbm>> -> memref<1x632x128xf32, #tpu.memory_space<hbm>>
        %dma_start3A_460 = tpu.memref_squeeze %dma_start3A_459 : memref<1x632x128xf32, #tpu.memory_space<hbm>> -> memref<632x128xf32, #tpu.memory_space<hbm>>
        %dma_start3A_461 = arith.constant 0 : i32
        %dma_start3A_462 = tpu.memref_slice %arg12[%mul3A_451, %dma_start3A_461] : memref<10112x128xf32, #tpu.memory_space<vmem_shared>> -> memref<632x128xf32, #tpu.memory_space<vmem_shared>>
        tpu.enqueue_dma source(%dma_start3A_462 : memref<632x128xf32, #tpu.memory_space<vmem_shared>>) target(%dma_start3A_460 : memref<632x128xf32, #tpu.memory_space<hbm>>) target_semaphore(%run_scoped3A : memref<!tpu.dma_semaphore, #tpu.memory_space<semaphore_mem>>)
        %dma_wait3A_463 = arith.constant 0 : i32
        %dma_wait3A_464 = tpu.memref_slice %arg5[%arg0, %mul3A_451, %dma_wait3A_463] : memref<2x10000x128xf32, #tpu.memory_space<hbm>> -> memref<1x632x128xf32, #tpu.memory_space<hbm>>
        %dma_wait3A_465 = tpu.memref_squeeze %dma_wait3A_464 : memref<1x632x128xf32, #tpu.memory_space<hbm>> -> memref<632x128xf32, #tpu.memory_space<hbm>>
        %dma_wait3A_466 = arith.constant 0 : i32
        %dma_wait3A_467 = tpu.memref_slice %arg12[%mul3A_451, %dma_wait3A_466] : memref<10112x128xf32, #tpu.memory_space<vmem_shared>> -> memref<632x128xf32, #tpu.memory_space<vmem_shared>>
        tpu.wait_dma2 semaphore(%run_scoped3A : memref<!tpu.dma_semaphore, #tpu.memory_space<semaphore_mem>>) src(%dma_wait3A_467 : memref<632x128xf32, #tpu.memory_space<vmem_shared>>) dst(%dma_wait3A_465 : memref<632x128xf32, #tpu.memory_space<hbm>>)
        tpu.yield
      }) : () -> ()
    } else {
    }
    %eq3A = arith.constant 15 : i32
    %eq3A_454 = arith.cmpi eq, %arg1, %eq3A : i32
    %convert_element_type3A_455 = arith.extui %eq3A_454 : i1 to i32
    %cond3A_456 = arith.constant 0 : i32
    %cond3A_457 = arith.cmpi ne, %convert_element_type3A_455, %cond3A_456 : i32
    scf.if %cond3A_457 {
      "tpu.region"() ({
        %run_scoped3A = tpu.sem_alloc : memref<!tpu.dma_semaphore, #tpu.memory_space<semaphore_mem>>
        %dma_start3A_458 = arith.constant 0 : i32
        %dma_start3A_459 = tpu.memref_slice %arg5[%arg0, %mul3A_451, %dma_start3A_458] : memref<2x10000x128xf32, #tpu.memory_space<hbm>> -> memref<1x520x128xf32, #tpu.memory_space<hbm>>
        %dma_start3A_460 = tpu.memref_squeeze %dma_start3A_459 : memref<1x520x128xf32, #tpu.memory_space<hbm>> -> memref<520x128xf32, #tpu.memory_space<hbm>>
        %dma_start3A_461 = arith.constant 0 : i32
        %dma_start3A_462 = tpu.memref_slice %arg12[%mul3A_451, %dma_start3A_461] : memref<10112x128xf32, #tpu.memory_space<vmem_shared>> -> memref<520x128xf32, #tpu.memory_space<vmem_shared>>
        tpu.enqueue_dma source(%dma_start3A_462 : memref<520x128xf32, #tpu.memory_space<vmem_shared>>) target(%dma_start3A_460 : memref<520x128xf32, #tpu.memory_space<hbm>>) target_semaphore(%run_scoped3A : memref<!tpu.dma_semaphore, #tpu.memory_space<semaphore_mem>>)
        %dma_wait3A_463 = arith.constant 0 : i32
        %dma_wait3A_464 = tpu.memref_slice %arg5[%arg0, %mul3A_451, %dma_wait3A_463] : memref<2x10000x128xf32, #tpu.memory_space<hbm>> -> memref<1x520x128xf32, #tpu.memory_space<hbm>>
        %dma_wait3A_465 = tpu.memref_squeeze %dma_wait3A_464 : memref<1x520x128xf32, #tpu.memory_space<hbm>> -> memref<520x128xf32, #tpu.memory_space<hbm>>
        %dma_wait3A_466 = arith.constant 0 : i32
        %dma_wait3A_467 = tpu.memref_slice %arg12[%mul3A_451, %dma_wait3A_466] : memref<10112x128xf32, #tpu.memory_space<vmem_shared>> -> memref<520x128xf32, #tpu.memory_space<vmem_shared>>
        tpu.wait_dma2 semaphore(%run_scoped3A : memref<!tpu.dma_semaphore, #tpu.memory_space<semaphore_mem>>) src(%dma_wait3A_467 : memref<520x128xf32, #tpu.memory_space<vmem_shared>>) dst(%dma_wait3A_465 : memref<520x128xf32, #tpu.memory_space<hbm>>)
        tpu.yield
      }) : () -> ()
    } else {
    }
    "tpu.region"() ({
      %run_scoped3A = tpu.sem_alloc : memref<!tpu.dma_semaphore, #tpu.memory_space<semaphore_mem>>
      %dma_start3A_458 = arith.constant 0 : i32
      %dma_start3A_459 = tpu.memref_slice %arg6[%arg0, %arg1, %dma_start3A_458] : memref<2x16x10112xf32, #tpu.memory_space<hbm>> -> memref<1x1x10112xf32, #tpu.memory_space<hbm>>
      %dma_start3A_460 = tpu.memref_squeeze %dma_start3A_459 : memref<1x1x10112xf32, #tpu.memory_space<hbm>> -> memref<10112xf32, #tpu.memory_space<hbm>>
      %dma_start3A_461 = arith.constant 0 : i32
      %dma_start3A_462 = tpu.memref_slice %arg6[%arg0, %arg1, %dma_start3A_461] : memref<2x16x10112xf32, #tpu.memory_space<hbm>> -> memref<1x1x10112xf32, #tpu.memory_space<hbm>>
      %dma_start3A_463 = tpu.memref_squeeze %dma_start3A_462 : memref<1x1x10112xf32, #tpu.memory_space<hbm>> -> memref<10112xf32, #tpu.memory_space<hbm>>
      tpu.enqueue_dma source(%arg11 : memref<10112xf32, #tpu.memory_space<vmem>>) target(%dma_start3A_463 : memref<10112xf32, #tpu.memory_space<hbm>>) target_semaphore(%run_scoped3A : memref<!tpu.dma_semaphore, #tpu.memory_space<semaphore_mem>>)
      %dma_wait3A_464 = arith.constant 0 : i32
      %dma_wait3A_465 = tpu.memref_slice %arg6[%arg0, %arg1, %dma_wait3A_464] : memref<2x16x10112xf32, #tpu.memory_space<hbm>> -> memref<1x1x10112xf32, #tpu.memory_space<hbm>>
      %dma_wait3A_466 = tpu.memref_squeeze %dma_wait3A_465 : memref<1x1x10112xf32, #tpu.memory_space<hbm>> -> memref<10112xf32, #tpu.memory_space<hbm>>
      %dma_wait3A_467 = arith.constant 0 : i32
      %dma_wait3A_468 = tpu.memref_slice %arg6[%arg0, %arg1, %dma_wait3A_467] : memref<2x16x10112xf32, #tpu.memory_space<hbm>> -> memref<1x1x10112xf32, #tpu.memory_space<hbm>>
      %dma_wait3A_469 = tpu.memref_squeeze %dma_wait3A_468 : memref<1x1x10112xf32, #tpu.memory_space<hbm>> -> memref<10112xf32, #tpu.memory_space<hbm>>
      tpu.wait_dma2 semaphore(%run_scoped3A : memref<!tpu.dma_semaphore, #tpu.memory_space<semaphore_mem>>) src(%arg11 : memref<10112xf32, #tpu.memory_space<vmem>>) dst(%dma_wait3A_469 : memref<10112xf32, #tpu.memory_space<hbm>>)
      tpu.yield
    }) : () -> ()
    return
  }
}

#map = affine_map<(d0, d1) -> (0, 0)>
#map1 = affine_map<(d0, d1) -> (0, 0, 0)>
module attributes {stable_mosaic.version = 14 : i64} {
  func.func @_sc_body_fast(%arg0: i32, %arg1: i32, %arg2: memref<10000x128xf32, #tpu.memory_space<hbm>>, %arg3: memref<32x82x128xi32, #tpu.memory_space<hbm>>, %arg4: memref<32x80x128xi32, #tpu.memory_space<hbm>>, %arg5: memref<2x10000x128xf32, #tpu.memory_space<hbm>>, %arg6: memref<40x128xi32, #tpu.memory_space<vmem>>, %arg7: memref<80x128xi32, #tpu.memory_space<vmem>>, %arg8: memref<128x128xf32, #tpu.memory_space<vmem>>, %arg9: memref<128x128xf32, #tpu.memory_space<vmem>>, %arg10: memref<10112x128xf32, #tpu.memory_space<vmem_shared>>, %arg11: memref<!tpu.dma_semaphore, #tpu.memory_space<semaphore_mem>>, %arg12: memref<!tpu.dma_semaphore, #tpu.memory_space<semaphore_mem>>, %arg13: memref<!tpu.dma_semaphore, #tpu.memory_space<semaphore_mem>>, %arg14: memref<!tpu.dma_semaphore, #tpu.memory_space<semaphore_mem>>) attributes {dimension_semantics = [#tpu.dimension_semantics<core_parallel>, #tpu.dimension_semantics<subcore_parallel>], iteration_bounds = array<i64: 2, 16>, scalar_prefetch = 0 : i64, scratch_operands = 9 : i64, tpu.core_type = #tpu.core_type<sc_vector_subcore>, window_params = [{transform_indices = #map}, {transform_indices = #map1}, {transform_indices = #map1}, {transform_indices = #map1}]} {
    %mul3A = arith.constant 16 : i32
    %mul3A_0 = arith.muli %arg0, %mul3A : i32
    %add3A = arith.addi %mul3A_0, %arg1 : i32
    %broadcast_in_dim3A = arith.constant 0.000000e+00 : f32
    %broadcast_in_dim3A_1 = vector.broadcast %broadcast_in_dim3A : f32 to vector<16xf32>
    %scan3A = arith.constant 0 : i32
    %scan3A_2 = arith.constant 0 : i32
    %scan3A_3 = arith.constant 128 : i32
    %scan3A_4 = arith.addi %scan3A_2, %scan3A_3 : i32
    %scan3A_5 = arith.constant 1 : i32
    scf.for %scan3A_151 = %scan3A_2 to %scan3A_4 step %scan3A_5  : i32 {
      %swap3A = arith.index_cast %scan3A_151 : i32 to index
      %swap3A_152 = arith.constant 0 : index
      %swap3A_153 = tpu.vector_load %arg8[%swap3A, %swap3A_152] {strides = array<i32>} : memref<128x128xf32, #tpu.memory_space<vmem>>, vector<16xf32>,
      tpu.vector_store %arg8[%swap3A, %swap3A_152], %broadcast_in_dim3A_1 {strides = array<i32>} : memref<128x128xf32, #tpu.memory_space<vmem>>, vector<16xf32>,
      %swap3A_154 = arith.index_cast %scan3A_151 : i32 to index
      %swap3A_155 = arith.constant 16 : index
      %swap3A_156 = tpu.vector_load %arg8[%swap3A_154, %swap3A_155] {strides = array<i32>} : memref<128x128xf32, #tpu.memory_space<vmem>>, vector<16xf32>,
      tpu.vector_store %arg8[%swap3A_154, %swap3A_155], %broadcast_in_dim3A_1 {strides = array<i32>} : memref<128x128xf32, #tpu.memory_space<vmem>>, vector<16xf32>,
      %swap3A_157 = arith.index_cast %scan3A_151 : i32 to index
      %swap3A_158 = arith.constant 32 : index
      %swap3A_159 = tpu.vector_load %arg8[%swap3A_157, %swap3A_158] {strides = array<i32>} : memref<128x128xf32, #tpu.memory_space<vmem>>, vector<16xf32>,
      tpu.vector_store %arg8[%swap3A_157, %swap3A_158], %broadcast_in_dim3A_1 {strides = array<i32>} : memref<128x128xf32, #tpu.memory_space<vmem>>, vector<16xf32>,
      %swap3A_160 = arith.index_cast %scan3A_151 : i32 to index
      %swap3A_161 = arith.constant 48 : index
      %swap3A_162 = tpu.vector_load %arg8[%swap3A_160, %swap3A_161] {strides = array<i32>} : memref<128x128xf32, #tpu.memory_space<vmem>>, vector<16xf32>,
      tpu.vector_store %arg8[%swap3A_160, %swap3A_161], %broadcast_in_dim3A_1 {strides = array<i32>} : memref<128x128xf32, #tpu.memory_space<vmem>>, vector<16xf32>,
      %swap3A_163 = arith.index_cast %scan3A_151 : i32 to index
      %swap3A_164 = arith.constant 64 : index
      %swap3A_165 = tpu.vector_load %arg8[%swap3A_163, %swap3A_164] {strides = array<i32>} : memref<128x128xf32, #tpu.memory_space<vmem>>, vector<16xf32>,
      tpu.vector_store %arg8[%swap3A_163, %swap3A_164], %broadcast_in_dim3A_1 {strides = array<i32>} : memref<128x128xf32, #tpu.memory_space<vmem>>, vector<16xf32>,
      %swap3A_166 = arith.index_cast %scan3A_151 : i32 to index
      %swap3A_167 = arith.constant 80 : index
      %swap3A_168 = tpu.vector_load %arg8[%swap3A_166, %swap3A_167] {strides = array<i32>} : memref<128x128xf32, #tpu.memory_space<vmem>>, vector<16xf32>,
      tpu.vector_store %arg8[%swap3A_166, %swap3A_167], %broadcast_in_dim3A_1 {strides = array<i32>} : memref<128x128xf32, #tpu.memory_space<vmem>>, vector<16xf32>,
      %swap3A_169 = arith.index_cast %scan3A_151 : i32 to index
      %swap3A_170 = arith.constant 96 : index
      %swap3A_171 = tpu.vector_load %arg8[%swap3A_169, %swap3A_170] {strides = array<i32>} : memref<128x128xf32, #tpu.memory_space<vmem>>, vector<16xf32>,
      tpu.vector_store %arg8[%swap3A_169, %swap3A_170], %broadcast_in_dim3A_1 {strides = array<i32>} : memref<128x128xf32, #tpu.memory_space<vmem>>, vector<16xf32>,
      %swap3A_172 = arith.index_cast %scan3A_151 : i32 to index
      %swap3A_173 = arith.constant 112 : index
      %swap3A_174 = tpu.vector_load %arg8[%swap3A_172, %swap3A_173] {strides = array<i32>} : memref<128x128xf32, #tpu.memory_space<vmem>>, vector<16xf32>,
      tpu.vector_store %arg8[%swap3A_172, %swap3A_173], %broadcast_in_dim3A_1 {strides = array<i32>} : memref<128x128xf32, #tpu.memory_space<vmem>>, vector<16xf32>,
    }
    %scan3A_6 = arith.constant 128 : i32
    %mul3A_7 = arith.constant 632 : i32
    %mul3A_8 = arith.muli %arg1, %mul3A_7 : i32
    %add3A_9 = arith.constant 0 : i32
    %add3A_10 = arith.addi %mul3A_8, %add3A_9 : i32
    "tpu.region"() ({
      %run_scoped3A = tpu.sem_alloc : memref<!tpu.dma_semaphore, #tpu.memory_space<semaphore_mem>>
      %dma_start3A_151 = arith.constant 0 : i32
      %dma_start3A_152 = tpu.memref_slice %arg10[%add3A_10, %dma_start3A_151] : memref<10112x128xf32, #tpu.memory_space<vmem_shared>> -> memref<128x128xf32, #tpu.memory_space<vmem_shared>>
      %dma_start3A_153 = arith.constant 0 : i32
      %dma_start3A_154 = tpu.memref_slice %arg10[%add3A_10, %dma_start3A_153] : memref<10112x128xf32, #tpu.memory_space<vmem_shared>> -> memref<128x128xf32, #tpu.memory_space<vmem_shared>>
      tpu.enqueue_dma source(%arg8 : memref<128x128xf32, #tpu.memory_space<vmem>>) target(%dma_start3A_154 : memref<128x128xf32, #tpu.memory_space<vmem_shared>>) target_semaphore(%run_scoped3A : memref<!tpu.dma_semaphore, #tpu.memory_space<semaphore_mem>>)
      %dma_wait3A_155 = arith.constant 0 : i32
      %dma_wait3A_156 = tpu.memref_slice %arg10[%add3A_10, %dma_wait3A_155] : memref<10112x128xf32, #tpu.memory_space<vmem_shared>> -> memref<128x128xf32, #tpu.memory_space<vmem_shared>>
      %dma_wait3A_157 = arith.constant 0 : i32
      %dma_wait3A_158 = tpu.memref_slice %arg10[%add3A_10, %dma_wait3A_157] : memref<10112x128xf32, #tpu.memory_space<vmem_shared>> -> memref<128x128xf32, #tpu.memory_space<vmem_shared>>
      tpu.wait_dma2 semaphore(%run_scoped3A : memref<!tpu.dma_semaphore, #tpu.memory_space<semaphore_mem>>) src(%arg8 : memref<128x128xf32, #tpu.memory_space<vmem>>) dst(%dma_wait3A_158 : memref<128x128xf32, #tpu.memory_space<vmem_shared>>)
      tpu.yield
    }) : () -> ()
    %add3A_11 = arith.constant 128 : i32
    %add3A_12 = arith.addi %mul3A_8, %add3A_11 : i32
    "tpu.region"() ({
      %run_scoped3A = tpu.sem_alloc : memref<!tpu.dma_semaphore, #tpu.memory_space<semaphore_mem>>
      %dma_start3A_151 = arith.constant 0 : i32
      %dma_start3A_152 = tpu.memref_slice %arg10[%add3A_12, %dma_start3A_151] : memref<10112x128xf32, #tpu.memory_space<vmem_shared>> -> memref<128x128xf32, #tpu.memory_space<vmem_shared>>
      %dma_start3A_153 = arith.constant 0 : i32
      %dma_start3A_154 = tpu.memref_slice %arg10[%add3A_12, %dma_start3A_153] : memref<10112x128xf32, #tpu.memory_space<vmem_shared>> -> memref<128x128xf32, #tpu.memory_space<vmem_shared>>
      tpu.enqueue_dma source(%arg8 : memref<128x128xf32, #tpu.memory_space<vmem>>) target(%dma_start3A_154 : memref<128x128xf32, #tpu.memory_space<vmem_shared>>) target_semaphore(%run_scoped3A : memref<!tpu.dma_semaphore, #tpu.memory_space<semaphore_mem>>)
      %dma_wait3A_155 = arith.constant 0 : i32
      %dma_wait3A_156 = tpu.memref_slice %arg10[%add3A_12, %dma_wait3A_155] : memref<10112x128xf32, #tpu.memory_space<vmem_shared>> -> memref<128x128xf32, #tpu.memory_space<vmem_shared>>
      %dma_wait3A_157 = arith.constant 0 : i32
      %dma_wait3A_158 = tpu.memref_slice %arg10[%add3A_12, %dma_wait3A_157] : memref<10112x128xf32, #tpu.memory_space<vmem_shared>> -> memref<128x128xf32, #tpu.memory_space<vmem_shared>>
      tpu.wait_dma2 semaphore(%run_scoped3A : memref<!tpu.dma_semaphore, #tpu.memory_space<semaphore_mem>>) src(%arg8 : memref<128x128xf32, #tpu.memory_space<vmem>>) dst(%dma_wait3A_158 : memref<128x128xf32, #tpu.memory_space<vmem_shared>>)
      tpu.yield
    }) : () -> ()
    %add3A_13 = arith.constant 256 : i32
    %add3A_14 = arith.addi %mul3A_8, %add3A_13 : i32
    "tpu.region"() ({
      %run_scoped3A = tpu.sem_alloc : memref<!tpu.dma_semaphore, #tpu.memory_space<semaphore_mem>>
      %dma_start3A_151 = arith.constant 0 : i32
      %dma_start3A_152 = tpu.memref_slice %arg10[%add3A_14, %dma_start3A_151] : memref<10112x128xf32, #tpu.memory_space<vmem_shared>> -> memref<128x128xf32, #tpu.memory_space<vmem_shared>>
      %dma_start3A_153 = arith.constant 0 : i32
      %dma_start3A_154 = tpu.memref_slice %arg10[%add3A_14, %dma_start3A_153] : memref<10112x128xf32, #tpu.memory_space<vmem_shared>> -> memref<128x128xf32, #tpu.memory_space<vmem_shared>>
      tpu.enqueue_dma source(%arg8 : memref<128x128xf32, #tpu.memory_space<vmem>>) target(%dma_start3A_154 : memref<128x128xf32, #tpu.memory_space<vmem_shared>>) target_semaphore(%run_scoped3A : memref<!tpu.dma_semaphore, #tpu.memory_space<semaphore_mem>>)
      %dma_wait3A_155 = arith.constant 0 : i32
      %dma_wait3A_156 = tpu.memref_slice %arg10[%add3A_14, %dma_wait3A_155] : memref<10112x128xf32, #tpu.memory_space<vmem_shared>> -> memref<128x128xf32, #tpu.memory_space<vmem_shared>>
      %dma_wait3A_157 = arith.constant 0 : i32
      %dma_wait3A_158 = tpu.memref_slice %arg10[%add3A_14, %dma_wait3A_157] : memref<10112x128xf32, #tpu.memory_space<vmem_shared>> -> memref<128x128xf32, #tpu.memory_space<vmem_shared>>
      tpu.wait_dma2 semaphore(%run_scoped3A : memref<!tpu.dma_semaphore, #tpu.memory_space<semaphore_mem>>) src(%arg8 : memref<128x128xf32, #tpu.memory_space<vmem>>) dst(%dma_wait3A_158 : memref<128x128xf32, #tpu.memory_space<vmem_shared>>)
      tpu.yield
    }) : () -> ()
    %add3A_15 = arith.constant 384 : i32
    %add3A_16 = arith.addi %mul3A_8, %add3A_15 : i32
    "tpu.region"() ({
      %run_scoped3A = tpu.sem_alloc : memref<!tpu.dma_semaphore, #tpu.memory_space<semaphore_mem>>
      %dma_start3A_151 = arith.constant 0 : i32
      %dma_start3A_152 = tpu.memref_slice %arg10[%add3A_16, %dma_start3A_151] : memref<10112x128xf32, #tpu.memory_space<vmem_shared>> -> memref<128x128xf32, #tpu.memory_space<vmem_shared>>
      %dma_start3A_153 = arith.constant 0 : i32
      %dma_start3A_154 = tpu.memref_slice %arg10[%add3A_16, %dma_start3A_153] : memref<10112x128xf32, #tpu.memory_space<vmem_shared>> -> memref<128x128xf32, #tpu.memory_space<vmem_shared>>
      tpu.enqueue_dma source(%arg8 : memref<128x128xf32, #tpu.memory_space<vmem>>) target(%dma_start3A_154 : memref<128x128xf32, #tpu.memory_space<vmem_shared>>) target_semaphore(%run_scoped3A : memref<!tpu.dma_semaphore, #tpu.memory_space<semaphore_mem>>)
      %dma_wait3A_155 = arith.constant 0 : i32
      %dma_wait3A_156 = tpu.memref_slice %arg10[%add3A_16, %dma_wait3A_155] : memref<10112x128xf32, #tpu.memory_space<vmem_shared>> -> memref<128x128xf32, #tpu.memory_space<vmem_shared>>
      %dma_wait3A_157 = arith.constant 0 : i32
      %dma_wait3A_158 = tpu.memref_slice %arg10[%add3A_16, %dma_wait3A_157] : memref<10112x128xf32, #tpu.memory_space<vmem_shared>> -> memref<128x128xf32, #tpu.memory_space<vmem_shared>>
      tpu.wait_dma2 semaphore(%run_scoped3A : memref<!tpu.dma_semaphore, #tpu.memory_space<semaphore_mem>>) src(%arg8 : memref<128x128xf32, #tpu.memory_space<vmem>>) dst(%dma_wait3A_158 : memref<128x128xf32, #tpu.memory_space<vmem_shared>>)
      tpu.yield
    }) : () -> ()
    %add3A_17 = arith.constant 632 : i32
    %add3A_18 = arith.addi %mul3A_8, %add3A_17 : i32
    %sub3A = arith.constant 120 : i32
    %sub3A_19 = arith.subi %add3A_18, %sub3A : i32
    "tpu.region"() ({
      %run_scoped3A = tpu.sem_alloc : memref<!tpu.dma_semaphore, #tpu.memory_space<semaphore_mem>>
      %dma_start3A_151 = arith.constant 0 : i32
      %dma_start3A_152 = arith.constant 0 : i32
      %dma_start3A_153 = tpu.memref_slice %arg8[%dma_start3A_151, %dma_start3A_152] : memref<128x128xf32, #tpu.memory_space<vmem>> -> memref<120x128xf32, #tpu.memory_space<vmem>>
      %dma_start3A_154 = arith.constant 0 : i32
      %dma_start3A_155 = tpu.memref_slice %arg10[%sub3A_19, %dma_start3A_154] : memref<10112x128xf32, #tpu.memory_space<vmem_shared>> -> memref<120x128xf32, #tpu.memory_space<vmem_shared>>
      %dma_start3A_156 = arith.constant 0 : i32
      %dma_start3A_157 = tpu.memref_slice %arg10[%sub3A_19, %dma_start3A_156] : memref<10112x128xf32, #tpu.memory_space<vmem_shared>> -> memref<120x128xf32, #tpu.memory_space<vmem_shared>>
      %dma_start3A_158 = arith.constant 0 : i32
      %dma_start3A_159 = arith.constant 0 : i32
      %dma_start3A_160 = tpu.memref_slice %arg8[%dma_start3A_158, %dma_start3A_159] : memref<128x128xf32, #tpu.memory_space<vmem>> -> memref<120x128xf32, #tpu.memory_space<vmem>>
      tpu.enqueue_dma source(%dma_start3A_160 : memref<120x128xf32, #tpu.memory_space<vmem>>) target(%dma_start3A_157 : memref<120x128xf32, #tpu.memory_space<vmem_shared>>) target_semaphore(%run_scoped3A : memref<!tpu.dma_semaphore, #tpu.memory_space<semaphore_mem>>)
      %dma_wait3A_161 = arith.constant 0 : i32
      %dma_wait3A_162 = arith.constant 0 : i32
      %dma_wait3A_163 = tpu.memref_slice %arg8[%dma_wait3A_161, %dma_wait3A_162] : memref<128x128xf32, #tpu.memory_space<vmem>> -> memref<120x128xf32, #tpu.memory_space<vmem>>
      %dma_wait3A_164 = arith.constant 0 : i32
      %dma_wait3A_165 = tpu.memref_slice %arg10[%sub3A_19, %dma_wait3A_164] : memref<10112x128xf32, #tpu.memory_space<vmem_shared>> -> memref<120x128xf32, #tpu.memory_space<vmem_shared>>
      %dma_wait3A_166 = arith.constant 0 : i32
      %dma_wait3A_167 = tpu.memref_slice %arg10[%sub3A_19, %dma_wait3A_166] : memref<10112x128xf32, #tpu.memory_space<vmem_shared>> -> memref<120x128xf32, #tpu.memory_space<vmem_shared>>
      %dma_wait3A_168 = arith.constant 0 : i32
      %dma_wait3A_169 = arith.constant 0 : i32
      %dma_wait3A_170 = tpu.memref_slice %arg8[%dma_wait3A_168, %dma_wait3A_169] : memref<128x128xf32, #tpu.memory_space<vmem>> -> memref<120x128xf32, #tpu.memory_space<vmem>>
      tpu.wait_dma2 semaphore(%run_scoped3A : memref<!tpu.dma_semaphore, #tpu.memory_space<semaphore_mem>>) src(%dma_wait3A_170 : memref<120x128xf32, #tpu.memory_space<vmem>>) dst(%dma_wait3A_167 : memref<120x128xf32, #tpu.memory_space<vmem_shared>>)
      tpu.yield
    }) : () -> ()
    "tpu.region"() ({
      %run_scoped3A = tpu.sem_alloc : memref<!tpu.dma_semaphore, #tpu.memory_space<semaphore_mem>>
      %dma_start3A_151 = arith.constant 0 : i32
      %dma_start3A_152 = arith.constant 0 : i32
      %dma_start3A_153 = tpu.memref_slice %arg4[%add3A, %dma_start3A_151, %dma_start3A_152] : memref<32x80x128xi32, #tpu.memory_space<hbm>> -> memref<1x80x128xi32, #tpu.memory_space<hbm>>
      %dma_start3A_154 = tpu.memref_squeeze %dma_start3A_153 : memref<1x80x128xi32, #tpu.memory_space<hbm>> -> memref<80x128xi32, #tpu.memory_space<hbm>>
      %dma_start3A_155 = arith.constant 0 : i32
      %dma_start3A_156 = arith.constant 0 : i32
      %dma_start3A_157 = tpu.memref_slice %arg4[%add3A, %dma_start3A_155, %dma_start3A_156] : memref<32x80x128xi32, #tpu.memory_space<hbm>> -> memref<1x80x128xi32, #tpu.memory_space<hbm>>
      %dma_start3A_158 = tpu.memref_squeeze %dma_start3A_157 : memref<1x80x128xi32, #tpu.memory_space<hbm>> -> memref<80x128xi32, #tpu.memory_space<hbm>>
      tpu.enqueue_dma source(%dma_start3A_158 : memref<80x128xi32, #tpu.memory_space<hbm>>) target(%arg7 : memref<80x128xi32, #tpu.memory_space<vmem>>) target_semaphore(%run_scoped3A : memref<!tpu.dma_semaphore, #tpu.memory_space<semaphore_mem>>)
      %dma_wait3A_159 = arith.constant 0 : i32
      %dma_wait3A_160 = arith.constant 0 : i32
      %dma_wait3A_161 = tpu.memref_slice %arg4[%add3A, %dma_wait3A_159, %dma_wait3A_160] : memref<32x80x128xi32, #tpu.memory_space<hbm>> -> memref<1x80x128xi32, #tpu.memory_space<hbm>>
      %dma_wait3A_162 = tpu.memref_squeeze %dma_wait3A_161 : memref<1x80x128xi32, #tpu.memory_space<hbm>> -> memref<80x128xi32, #tpu.memory_space<hbm>>
      %dma_wait3A_163 = arith.constant 0 : i32
      %dma_wait3A_164 = arith.constant 0 : i32
      %dma_wait3A_165 = tpu.memref_slice %arg4[%add3A, %dma_wait3A_163, %dma_wait3A_164] : memref<32x80x128xi32, #tpu.memory_space<hbm>> -> memref<1x80x128xi32, #tpu.memory_space<hbm>>
      %dma_wait3A_166 = tpu.memref_squeeze %dma_wait3A_165 : memref<1x80x128xi32, #tpu.memory_space<hbm>> -> memref<80x128xi32, #tpu.memory_space<hbm>>
      tpu.wait_dma2 semaphore(%run_scoped3A : memref<!tpu.dma_semaphore, #tpu.memory_space<semaphore_mem>>) src(%dma_wait3A_166 : memref<80x128xi32, #tpu.memory_space<hbm>>) dst(%arg7 : memref<80x128xi32, #tpu.memory_space<vmem>>)
      tpu.yield
    }) : () -> ()
    %barrier3A = arith.constant 0 : index
    tpu.barrier barrier_id(%barrier3A)
    "tpu.region"() ({
      %run_scoped3A = tpu.sem_alloc : memref<!tpu.dma_semaphore, #tpu.memory_space<semaphore_mem>>
      %dma_start3A_151 = arith.constant 0 : i32
      %dma_start3A_152 = arith.constant 0 : i32
      %dma_start3A_153 = tpu.memref_slice %arg3[%add3A, %dma_start3A_151, %dma_start3A_152] : memref<32x82x128xi32, #tpu.memory_space<hbm>> -> memref<1x40x128xi32, #tpu.memory_space<hbm>>
      %dma_start3A_154 = tpu.memref_squeeze %dma_start3A_153 : memref<1x40x128xi32, #tpu.memory_space<hbm>> -> memref<40x128xi32, #tpu.memory_space<hbm>>
      %dma_start3A_155 = arith.constant 0 : i32
      %dma_start3A_156 = arith.constant 0 : i32
      %dma_start3A_157 = tpu.memref_slice %arg3[%add3A, %dma_start3A_155, %dma_start3A_156] : memref<32x82x128xi32, #tpu.memory_space<hbm>> -> memref<1x40x128xi32, #tpu.memory_space<hbm>>
      %dma_start3A_158 = tpu.memref_squeeze %dma_start3A_157 : memref<1x40x128xi32, #tpu.memory_space<hbm>> -> memref<40x128xi32, #tpu.memory_space<hbm>>
      tpu.enqueue_dma source(%dma_start3A_158 : memref<40x128xi32, #tpu.memory_space<hbm>>) target(%arg6 : memref<40x128xi32, #tpu.memory_space<vmem>>) target_semaphore(%run_scoped3A : memref<!tpu.dma_semaphore, #tpu.memory_space<semaphore_mem>>)
      %dma_wait3A_159 = arith.constant 0 : i32
      %dma_wait3A_160 = arith.constant 0 : i32
      %dma_wait3A_161 = tpu.memref_slice %arg3[%add3A, %dma_wait3A_159, %dma_wait3A_160] : memref<32x82x128xi32, #tpu.memory_space<hbm>> -> memref<1x40x128xi32, #tpu.memory_space<hbm>>
      %dma_wait3A_162 = tpu.memref_squeeze %dma_wait3A_161 : memref<1x40x128xi32, #tpu.memory_space<hbm>> -> memref<40x128xi32, #tpu.memory_space<hbm>>
      %dma_wait3A_163 = arith.constant 0 : i32
      %dma_wait3A_164 = arith.constant 0 : i32
      %dma_wait3A_165 = tpu.memref_slice %arg3[%add3A, %dma_wait3A_163, %dma_wait3A_164] : memref<32x82x128xi32, #tpu.memory_space<hbm>> -> memref<1x40x128xi32, #tpu.memory_space<hbm>>
      %dma_wait3A_166 = tpu.memref_squeeze %dma_wait3A_165 : memref<1x40x128xi32, #tpu.memory_space<hbm>> -> memref<40x128xi32, #tpu.memory_space<hbm>>
      tpu.wait_dma2 semaphore(%run_scoped3A : memref<!tpu.dma_semaphore, #tpu.memory_space<semaphore_mem>>) src(%dma_wait3A_166 : memref<40x128xi32, #tpu.memory_space<hbm>>) dst(%arg6 : memref<40x128xi32, #tpu.memory_space<vmem>>)
      tpu.yield
    }) : () -> ()
    %dma_start3A = arith.constant 0 : i32
    %dma_start3A_20 = arith.constant 0 : i32
    %dma_start3A_21 = tpu.memref_slice %arg6[%dma_start3A, %dma_start3A_20] : memref<40x128xi32, #tpu.memory_space<vmem>> -> memref<1x128xi32, #tpu.memory_space<vmem>>
    %dma_start3A_22 = tpu.memref_squeeze %dma_start3A_21 : memref<1x128xi32, #tpu.memory_space<vmem>> -> memref<128xi32, #tpu.memory_space<vmem>>
    %dma_start3A_23 = arith.constant 0 : i32
    %dma_start3A_24 = arith.constant 0 : i32
    %dma_start3A_25 = tpu.memref_slice %arg2[%dma_start3A_23, %dma_start3A_24] : memref<10000x128xf32, #tpu.memory_space<hbm>> -> memref<10000x128xf32, #tpu.memory_space<hbm>>
    tpu.enqueue_indirect_dma source(%dma_start3A_25 : memref<10000x128xf32, #tpu.memory_space<hbm>>) target(%arg8 : memref<128x128xf32, #tpu.memory_space<vmem>>) offsets(%dma_start3A_22 : memref<128xi32, #tpu.memory_space<vmem>>) semaphore(%arg11 : memref<!tpu.dma_semaphore, #tpu.memory_space<semaphore_mem>>)
    %dma_wait3A = arith.constant 0 : i32
    %dma_wait3A_26 = arith.constant 0 : i32
    %dma_wait3A_27 = tpu.memref_slice %arg6[%dma_wait3A, %dma_wait3A_26] : memref<40x128xi32, #tpu.memory_space<vmem>> -> memref<1x128xi32, #tpu.memory_space<vmem>>
    %dma_wait3A_28 = tpu.memref_squeeze %dma_wait3A_27 : memref<1x128xi32, #tpu.memory_space<vmem>> -> memref<128xi32, #tpu.memory_space<vmem>>
    %dma_wait3A_29 = arith.constant 0 : i32
    %dma_wait3A_30 = arith.constant 0 : i32
    %dma_wait3A_31 = tpu.memref_slice %arg2[%dma_wait3A_29, %dma_wait3A_30] : memref<10000x128xf32, #tpu.memory_space<hbm>> -> memref<10000x128xf32, #tpu.memory_space<hbm>>
    tpu.wait_indirect_dma semaphore(%arg11 : memref<!tpu.dma_semaphore, #tpu.memory_space<semaphore_mem>>) src(%dma_wait3A_31 : memref<10000x128xf32, #tpu.memory_space<hbm>>) dst(%arg8 : memref<128x128xf32, #tpu.memory_space<vmem>>)
    %dma_start3A_32 = arith.constant 0 : i32
    %dma_start3A_33 = arith.constant 0 : i32
    %dma_start3A_34 = tpu.memref_slice %arg7[%dma_start3A_32, %dma_start3A_33] : memref<80x128xi32, #tpu.memory_space<vmem>> -> memref<1x128xi32, #tpu.memory_space<vmem>>
    %dma_start3A_35 = tpu.memref_squeeze %dma_start3A_34 : memref<1x128xi32, #tpu.memory_space<vmem>> -> memref<128xi32, #tpu.memory_space<vmem>>
    %dma_start3A_36 = arith.constant 0 : i32
    %dma_start3A_37 = arith.constant 0 : i32
    %dma_start3A_38 = tpu.memref_slice %arg10[%dma_start3A_36, %dma_start3A_37] : memref<10112x128xf32, #tpu.memory_space<vmem_shared>> -> memref<10112x128xf32, #tpu.memory_space<vmem_shared>>
    tpu.enqueue_indirect_dma source(%arg8 : memref<128x128xf32, #tpu.memory_space<vmem>>) target(%dma_start3A_38 : memref<10112x128xf32, #tpu.memory_space<vmem_shared>>) offsets(%dma_start3A_35 : memref<128xi32, #tpu.memory_space<vmem>>) semaphore(%arg13 : memref<!tpu.dma_semaphore, #tpu.memory_space<semaphore_mem>>) {add = true}
    %dma_start3A_39 = arith.constant 1 : i32
    %dma_start3A_40 = arith.constant 0 : i32
    %dma_start3A_41 = tpu.memref_slice %arg6[%dma_start3A_39, %dma_start3A_40] : memref<40x128xi32, #tpu.memory_space<vmem>> -> memref<1x128xi32, #tpu.memory_space<vmem>>
    %dma_start3A_42 = tpu.memref_squeeze %dma_start3A_41 : memref<1x128xi32, #tpu.memory_space<vmem>> -> memref<128xi32, #tpu.memory_space<vmem>>
    %dma_start3A_43 = arith.constant 0 : i32
    %dma_start3A_44 = arith.constant 0 : i32
    %dma_start3A_45 = tpu.memref_slice %arg2[%dma_start3A_43, %dma_start3A_44] : memref<10000x128xf32, #tpu.memory_space<hbm>> -> memref<10000x128xf32, #tpu.memory_space<hbm>>
    tpu.enqueue_indirect_dma source(%dma_start3A_45 : memref<10000x128xf32, #tpu.memory_space<hbm>>) target(%arg9 : memref<128x128xf32, #tpu.memory_space<vmem>>) offsets(%dma_start3A_42 : memref<128xi32, #tpu.memory_space<vmem>>) semaphore(%arg12 : memref<!tpu.dma_semaphore, #tpu.memory_space<semaphore_mem>>)
    %scan3A_46 = arith.constant 0 : i32
    %scan3A_47 = arith.constant 0 : i32
    %scan3A_48 = arith.constant 19 : i32
    %scan3A_49 = arith.addi %scan3A_47, %scan3A_48 : i32
    %scan3A_50 = arith.constant 1 : i32
    scf.for %scan3A_151 = %scan3A_47 to %scan3A_49 step %scan3A_50  : i32 {
      %mul3A_152 = arith.constant 2 : i32
      %mul3A_153 = arith.muli %mul3A_152, %scan3A_151 : i32
      %dma_wait3A_154 = arith.constant 0 : i32
      %dma_wait3A_155 = arith.constant 0 : i32
      %dma_wait3A_156 = tpu.memref_slice %arg6[%dma_wait3A_154, %dma_wait3A_155] : memref<40x128xi32, #tpu.memory_space<vmem>> -> memref<1x128xi32, #tpu.memory_space<vmem>>
      %dma_wait3A_157 = tpu.memref_squeeze %dma_wait3A_156 : memref<1x128xi32, #tpu.memory_space<vmem>> -> memref<128xi32, #tpu.memory_space<vmem>>
      %dma_wait3A_158 = arith.constant 0 : i32
      %dma_wait3A_159 = arith.constant 0 : i32
      %dma_wait3A_160 = tpu.memref_slice %arg2[%dma_wait3A_158, %dma_wait3A_159] : memref<10000x128xf32, #tpu.memory_space<hbm>> -> memref<10000x128xf32, #tpu.memory_space<hbm>>
      tpu.wait_indirect_dma semaphore(%arg12 : memref<!tpu.dma_semaphore, #tpu.memory_space<semaphore_mem>>) src(%dma_wait3A_160 : memref<10000x128xf32, #tpu.memory_space<hbm>>) dst(%arg9 : memref<128x128xf32, #tpu.memory_space<vmem>>)
      %add3A_161 = arith.constant 1 : i32
      %add3A_162 = arith.addi %mul3A_153, %add3A_161 : i32
      %add3A_163 = arith.constant 0 : i32
      %add3A_164 = arith.addi %add3A_163, %add3A_162 : i32
      %dma_start3A_165 = arith.constant 0 : i32
      %dma_start3A_166 = tpu.memref_slice %arg7[%add3A_164, %dma_start3A_165] : memref<80x128xi32, #tpu.memory_space<vmem>> -> memref<1x128xi32, #tpu.memory_space<vmem>>
      %dma_start3A_167 = tpu.memref_squeeze %dma_start3A_166 : memref<1x128xi32, #tpu.memory_space<vmem>> -> memref<128xi32, #tpu.memory_space<vmem>>
      %dma_start3A_168 = arith.constant 0 : i32
      %dma_start3A_169 = arith.constant 0 : i32
      %dma_start3A_170 = tpu.memref_slice %arg10[%dma_start3A_168, %dma_start3A_169] : memref<10112x128xf32, #tpu.memory_space<vmem_shared>> -> memref<10112x128xf32, #tpu.memory_space<vmem_shared>>
      tpu.enqueue_indirect_dma source(%arg9 : memref<128x128xf32, #tpu.memory_space<vmem>>) target(%dma_start3A_170 : memref<10112x128xf32, #tpu.memory_space<vmem_shared>>) offsets(%dma_start3A_167 : memref<128xi32, #tpu.memory_space<vmem>>) semaphore(%arg14 : memref<!tpu.dma_semaphore, #tpu.memory_space<semaphore_mem>>) {add = true}
      %dma_wait3A_171 = arith.constant 0 : i32
      %dma_wait3A_172 = arith.constant 0 : i32
      %dma_wait3A_173 = tpu.memref_slice %arg7[%dma_wait3A_171, %dma_wait3A_172] : memref<80x128xi32, #tpu.memory_space<vmem>> -> memref<1x128xi32, #tpu.memory_space<vmem>>
      %dma_wait3A_174 = tpu.memref_squeeze %dma_wait3A_173 : memref<1x128xi32, #tpu.memory_space<vmem>> -> memref<128xi32, #tpu.memory_space<vmem>>
      %dma_wait3A_175 = arith.constant 0 : i32
      %dma_wait3A_176 = arith.constant 0 : i32
      %dma_wait3A_177 = tpu.memref_slice %arg10[%dma_wait3A_175, %dma_wait3A_176] : memref<10112x128xf32, #tpu.memory_space<vmem_shared>> -> memref<10112x128xf32, #tpu.memory_space<vmem_shared>>
      tpu.wait_indirect_dma semaphore(%arg13 : memref<!tpu.dma_semaphore, #tpu.memory_space<semaphore_mem>>) src(%arg8 : memref<128x128xf32, #tpu.memory_space<vmem>>) dst(%dma_wait3A_177 : memref<10112x128xf32, #tpu.memory_space<vmem_shared>>)
      %add3A_178 = arith.constant 2 : i32
      %add3A_179 = arith.addi %mul3A_153, %add3A_178 : i32
      %dma_start3A_180 = arith.constant 0 : i32
      %dma_start3A_181 = tpu.memref_slice %arg6[%add3A_179, %dma_start3A_180] : memref<40x128xi32, #tpu.memory_space<vmem>> -> memref<1x128xi32, #tpu.memory_space<vmem>>
      %dma_start3A_182 = tpu.memref_squeeze %dma_start3A_181 : memref<1x128xi32, #tpu.memory_space<vmem>> -> memref<128xi32, #tpu.memory_space<vmem>>
      %dma_start3A_183 = arith.constant 0 : i32
      %dma_start3A_184 = arith.constant 0 : i32
      %dma_start3A_185 = tpu.memref_slice %arg2[%dma_start3A_183, %dma_start3A_184] : memref<10000x128xf32, #tpu.memory_space<hbm>> -> memref<10000x128xf32, #tpu.memory_space<hbm>>
      tpu.enqueue_indirect_dma source(%dma_start3A_185 : memref<10000x128xf32, #tpu.memory_space<hbm>>) target(%arg8 : memref<128x128xf32, #tpu.memory_space<vmem>>) offsets(%dma_start3A_182 : memref<128xi32, #tpu.memory_space<vmem>>) semaphore(%arg11 : memref<!tpu.dma_semaphore, #tpu.memory_space<semaphore_mem>>)
      %dma_wait3A_186 = arith.constant 0 : i32
      %dma_wait3A_187 = arith.constant 0 : i32
      %dma_wait3A_188 = tpu.memref_slice %arg6[%dma_wait3A_186, %dma_wait3A_187] : memref<40x128xi32, #tpu.memory_space<vmem>> -> memref<1x128xi32, #tpu.memory_space<vmem>>
      %dma_wait3A_189 = tpu.memref_squeeze %dma_wait3A_188 : memref<1x128xi32, #tpu.memory_space<vmem>> -> memref<128xi32, #tpu.memory_space<vmem>>
      %dma_wait3A_190 = arith.constant 0 : i32
      %dma_wait3A_191 = arith.constant 0 : i32
      %dma_wait3A_192 = tpu.memref_slice %arg2[%dma_wait3A_190, %dma_wait3A_191] : memref<10000x128xf32, #tpu.memory_space<hbm>> -> memref<10000x128xf32, #tpu.memory_space<hbm>>
      tpu.wait_indirect_dma semaphore(%arg11 : memref<!tpu.dma_semaphore, #tpu.memory_space<semaphore_mem>>) src(%dma_wait3A_192 : memref<10000x128xf32, #tpu.memory_space<hbm>>) dst(%arg8 : memref<128x128xf32, #tpu.memory_space<vmem>>)
      %add3A_193 = arith.constant 2 : i32
      %add3A_194 = arith.addi %mul3A_153, %add3A_193 : i32
      %add3A_195 = arith.constant 0 : i32
      %add3A_196 = arith.addi %add3A_195, %add3A_194 : i32
      %dma_start3A_197 = arith.constant 0 : i32
      %dma_start3A_198 = tpu.memref_slice %arg7[%add3A_196, %dma_start3A_197] : memref<80x128xi32, #tpu.memory_space<vmem>> -> memref<1x128xi32, #tpu.memory_space<vmem>>
      %dma_start3A_199 = tpu.memref_squeeze %dma_start3A_198 : memref<1x128xi32, #tpu.memory_space<vmem>> -> memref<128xi32, #tpu.memory_space<vmem>>
      %dma_start3A_200 = arith.constant 0 : i32
      %dma_start3A_201 = arith.constant 0 : i32
      %dma_start3A_202 = tpu.memref_slice %arg10[%dma_start3A_200, %dma_start3A_201] : memref<10112x128xf32, #tpu.memory_space<vmem_shared>> -> memref<10112x128xf32, #tpu.memory_space<vmem_shared>>
      tpu.enqueue_indirect_dma source(%arg8 : memref<128x128xf32, #tpu.memory_space<vmem>>) target(%dma_start3A_202 : memref<10112x128xf32, #tpu.memory_space<vmem_shared>>) offsets(%dma_start3A_199 : memref<128xi32, #tpu.memory_space<vmem>>) semaphore(%arg13 : memref<!tpu.dma_semaphore, #tpu.memory_space<semaphore_mem>>) {add = true}
      %dma_wait3A_203 = arith.constant 0 : i32
      %dma_wait3A_204 = arith.constant 0 : i32
      %dma_wait3A_205 = tpu.memref_slice %arg7[%dma_wait3A_203, %dma_wait3A_204] : memref<80x128xi32, #tpu.memory_space<vmem>> -> memref<1x128xi32, #tpu.memory_space<vmem>>
      %dma_wait3A_206 = tpu.memref_squeeze %dma_wait3A_205 : memref<1x128xi32, #tpu.memory_space<vmem>> -> memref<128xi32, #tpu.memory_space<vmem>>
      %dma_wait3A_207 = arith.constant 0 : i32
      %dma_wait3A_208 = arith.constant 0 : i32
      %dma_wait3A_209 = tpu.memref_slice %arg10[%dma_wait3A_207, %dma_wait3A_208] : memref<10112x128xf32, #tpu.memory_space<vmem_shared>> -> memref<10112x128xf32, #tpu.memory_space<vmem_shared>>
      tpu.wait_indirect_dma semaphore(%arg14 : memref<!tpu.dma_semaphore, #tpu.memory_space<semaphore_mem>>) src(%arg9 : memref<128x128xf32, #tpu.memory_space<vmem>>) dst(%dma_wait3A_209 : memref<10112x128xf32, #tpu.memory_space<vmem_shared>>)
      %add3A_210 = arith.constant 3 : i32
      %add3A_211 = arith.addi %mul3A_153, %add3A_210 : i32
      %dma_start3A_212 = arith.constant 0 : i32
      %dma_start3A_213 = tpu.memref_slice %arg6[%add3A_211, %dma_start3A_212] : memref<40x128xi32, #tpu.memory_space<vmem>> -> memref<1x128xi32, #tpu.memory_space<vmem>>
      %dma_start3A_214 = tpu.memref_squeeze %dma_start3A_213 : memref<1x128xi32, #tpu.memory_space<vmem>> -> memref<128xi32, #tpu.memory_space<vmem>>
      %dma_start3A_215 = arith.constant 0 : i32
      %dma_start3A_216 = arith.constant 0 : i32
      %dma_start3A_217 = tpu.memref_slice %arg2[%dma_start3A_215, %dma_start3A_216] : memref<10000x128xf32, #tpu.memory_space<hbm>> -> memref<10000x128xf32, #tpu.memory_space<hbm>>
      tpu.enqueue_indirect_dma source(%dma_start3A_217 : memref<10000x128xf32, #tpu.memory_space<hbm>>) target(%arg9 : memref<128x128xf32, #tpu.memory_space<vmem>>) offsets(%dma_start3A_214 : memref<128xi32, #tpu.memory_space<vmem>>) semaphore(%arg12 : memref<!tpu.dma_semaphore, #tpu.memory_space<semaphore_mem>>)
    }
    %scan3A_51 = arith.constant 19 : i32
    %dma_wait3A_52 = arith.constant 0 : i32
    %dma_wait3A_53 = arith.constant 0 : i32
    %dma_wait3A_54 = tpu.memref_slice %arg6[%dma_wait3A_52, %dma_wait3A_53] : memref<40x128xi32, #tpu.memory_space<vmem>> -> memref<1x128xi32, #tpu.memory_space<vmem>>
    %dma_wait3A_55 = tpu.memref_squeeze %dma_wait3A_54 : memref<1x128xi32, #tpu.memory_space<vmem>> -> memref<128xi32, #tpu.memory_space<vmem>>
    %dma_wait3A_56 = arith.constant 0 : i32
    %dma_wait3A_57 = arith.constant 0 : i32
    %dma_wait3A_58 = tpu.memref_slice %arg2[%dma_wait3A_56, %dma_wait3A_57] : memref<10000x128xf32, #tpu.memory_space<hbm>> -> memref<10000x128xf32, #tpu.memory_space<hbm>>
    tpu.wait_indirect_dma semaphore(%arg12 : memref<!tpu.dma_semaphore, #tpu.memory_space<semaphore_mem>>) src(%dma_wait3A_58 : memref<10000x128xf32, #tpu.memory_space<hbm>>) dst(%arg9 : memref<128x128xf32, #tpu.memory_space<vmem>>)
    %dma_start3A_59 = arith.constant 39 : i32
    %dma_start3A_60 = arith.constant 0 : i32
    %dma_start3A_61 = tpu.memref_slice %arg7[%dma_start3A_59, %dma_start3A_60] : memref<80x128xi32, #tpu.memory_space<vmem>> -> memref<1x128xi32, #tpu.memory_space<vmem>>
    %dma_start3A_62 = tpu.memref_squeeze %dma_start3A_61 : memref<1x128xi32, #tpu.memory_space<vmem>> -> memref<128xi32, #tpu.memory_space<vmem>>
    %dma_start3A_63 = arith.constant 0 : i32
    %dma_start3A_64 = arith.constant 0 : i32
    %dma_start3A_65 = tpu.memref_slice %arg10[%dma_start3A_63, %dma_start3A_64] : memref<10112x128xf32, #tpu.memory_space<vmem_shared>> -> memref<10112x128xf32, #tpu.memory_space<vmem_shared>>
    tpu.enqueue_indirect_dma source(%arg9 : memref<128x128xf32, #tpu.memory_space<vmem>>) target(%dma_start3A_65 : memref<10112x128xf32, #tpu.memory_space<vmem_shared>>) offsets(%dma_start3A_62 : memref<128xi32, #tpu.memory_space<vmem>>) semaphore(%arg14 : memref<!tpu.dma_semaphore, #tpu.memory_space<semaphore_mem>>) {add = true}
    %dma_wait3A_66 = arith.constant 0 : i32
    %dma_wait3A_67 = arith.constant 0 : i32
    %dma_wait3A_68 = tpu.memref_slice %arg7[%dma_wait3A_66, %dma_wait3A_67] : memref<80x128xi32, #tpu.memory_space<vmem>> -> memref<1x128xi32, #tpu.memory_space<vmem>>
    %dma_wait3A_69 = tpu.memref_squeeze %dma_wait3A_68 : memref<1x128xi32, #tpu.memory_space<vmem>> -> memref<128xi32, #tpu.memory_space<vmem>>
    %dma_wait3A_70 = arith.constant 0 : i32
    %dma_wait3A_71 = arith.constant 0 : i32
    %dma_wait3A_72 = tpu.memref_slice %arg10[%dma_wait3A_70, %dma_wait3A_71] : memref<10112x128xf32, #tpu.memory_space<vmem_shared>> -> memref<10112x128xf32, #tpu.memory_space<vmem_shared>>
    tpu.wait_indirect_dma semaphore(%arg13 : memref<!tpu.dma_semaphore, #tpu.memory_space<semaphore_mem>>) src(%arg8 : memref<128x128xf32, #tpu.memory_space<vmem>>) dst(%dma_wait3A_72 : memref<10112x128xf32, #tpu.memory_space<vmem_shared>>)
    %dma_wait3A_73 = arith.constant 0 : i32
    %dma_wait3A_74 = arith.constant 0 : i32
    %dma_wait3A_75 = tpu.memref_slice %arg7[%dma_wait3A_73, %dma_wait3A_74] : memref<80x128xi32, #tpu.memory_space<vmem>> -> memref<1x128xi32, #tpu.memory_space<vmem>>
    %dma_wait3A_76 = tpu.memref_squeeze %dma_wait3A_75 : memref<1x128xi32, #tpu.memory_space<vmem>> -> memref<128xi32, #tpu.memory_space<vmem>>
    %dma_wait3A_77 = arith.constant 0 : i32
    %dma_wait3A_78 = arith.constant 0 : i32
    %dma_wait3A_79 = tpu.memref_slice %arg10[%dma_wait3A_77, %dma_wait3A_78] : memref<10112x128xf32, #tpu.memory_space<vmem_shared>> -> memref<10112x128xf32, #tpu.memory_space<vmem_shared>>
    tpu.wait_indirect_dma semaphore(%arg14 : memref<!tpu.dma_semaphore, #tpu.memory_space<semaphore_mem>>) src(%arg9 : memref<128x128xf32, #tpu.memory_space<vmem>>) dst(%dma_wait3A_79 : memref<10112x128xf32, #tpu.memory_space<vmem_shared>>)
    "tpu.region"() ({
      %run_scoped3A = tpu.sem_alloc : memref<!tpu.dma_semaphore, #tpu.memory_space<semaphore_mem>>
      %dma_start3A_151 = arith.constant 40 : i32
      %dma_start3A_152 = arith.constant 0 : i32
      %dma_start3A_153 = tpu.memref_slice %arg3[%add3A, %dma_start3A_151, %dma_start3A_152] : memref<32x82x128xi32, #tpu.memory_space<hbm>> -> memref<1x40x128xi32, #tpu.memory_space<hbm>>
      %dma_start3A_154 = tpu.memref_squeeze %dma_start3A_153 : memref<1x40x128xi32, #tpu.memory_space<hbm>> -> memref<40x128xi32, #tpu.memory_space<hbm>>
      %dma_start3A_155 = arith.constant 40 : i32
      %dma_start3A_156 = arith.constant 0 : i32
      %dma_start3A_157 = tpu.memref_slice %arg3[%add3A, %dma_start3A_155, %dma_start3A_156] : memref<32x82x128xi32, #tpu.memory_space<hbm>> -> memref<1x40x128xi32, #tpu.memory_space<hbm>>
      %dma_start3A_158 = tpu.memref_squeeze %dma_start3A_157 : memref<1x40x128xi32, #tpu.memory_space<hbm>> -> memref<40x128xi32, #tpu.memory_space<hbm>>
      tpu.enqueue_dma source(%dma_start3A_158 : memref<40x128xi32, #tpu.memory_space<hbm>>) target(%arg6 : memref<40x128xi32, #tpu.memory_space<vmem>>) target_semaphore(%run_scoped3A : memref<!tpu.dma_semaphore, #tpu.memory_space<semaphore_mem>>)
      %dma_wait3A_159 = arith.constant 40 : i32
      %dma_wait3A_160 = arith.constant 0 : i32
      %dma_wait3A_161 = tpu.memref_slice %arg3[%add3A, %dma_wait3A_159, %dma_wait3A_160] : memref<32x82x128xi32, #tpu.memory_space<hbm>> -> memref<1x40x128xi32, #tpu.memory_space<hbm>>
      %dma_wait3A_162 = tpu.memref_squeeze %dma_wait3A_161 : memref<1x40x128xi32, #tpu.memory_space<hbm>> -> memref<40x128xi32, #tpu.memory_space<hbm>>
      %dma_wait3A_163 = arith.constant 40 : i32
      %dma_wait3A_164 = arith.constant 0 : i32
      %dma_wait3A_165 = tpu.memref_slice %arg3[%add3A, %dma_wait3A_163, %dma_wait3A_164] : memref<32x82x128xi32, #tpu.memory_space<hbm>> -> memref<1x40x128xi32, #tpu.memory_space<hbm>>
      %dma_wait3A_166 = tpu.memref_squeeze %dma_wait3A_165 : memref<1x40x128xi32, #tpu.memory_space<hbm>> -> memref<40x128xi32, #tpu.memory_space<hbm>>
      tpu.wait_dma2 semaphore(%run_scoped3A : memref<!tpu.dma_semaphore, #tpu.memory_space<semaphore_mem>>) src(%dma_wait3A_166 : memref<40x128xi32, #tpu.memory_space<hbm>>) dst(%arg6 : memref<40x128xi32, #tpu.memory_space<vmem>>)
      tpu.yield
    }) : () -> ()
    %dma_start3A_80 = arith.constant 0 : i32
    %dma_start3A_81 = arith.constant 0 : i32
    %dma_start3A_82 = tpu.memref_slice %arg6[%dma_start3A_80, %dma_start3A_81] : memref<40x128xi32, #tpu.memory_space<vmem>> -> memref<1x128xi32, #tpu.memory_space<vmem>>
    %dma_start3A_83 = tpu.memref_squeeze %dma_start3A_82 : memref<1x128xi32, #tpu.memory_space<vmem>> -> memref<128xi32, #tpu.memory_space<vmem>>
    %dma_start3A_84 = arith.constant 0 : i32
    %dma_start3A_85 = arith.constant 0 : i32
    %dma_start3A_86 = tpu.memref_slice %arg2[%dma_start3A_84, %dma_start3A_85] : memref<10000x128xf32, #tpu.memory_space<hbm>> -> memref<10000x128xf32, #tpu.memory_space<hbm>>
    tpu.enqueue_indirect_dma source(%dma_start3A_86 : memref<10000x128xf32, #tpu.memory_space<hbm>>) target(%arg8 : memref<128x128xf32, #tpu.memory_space<vmem>>) offsets(%dma_start3A_83 : memref<128xi32, #tpu.memory_space<vmem>>) semaphore(%arg11 : memref<!tpu.dma_semaphore, #tpu.memory_space<semaphore_mem>>)
    %dma_wait3A_87 = arith.constant 0 : i32
    %dma_wait3A_88 = arith.constant 0 : i32
    %dma_wait3A_89 = tpu.memref_slice %arg6[%dma_wait3A_87, %dma_wait3A_88] : memref<40x128xi32, #tpu.memory_space<vmem>> -> memref<1x128xi32, #tpu.memory_space<vmem>>
    %dma_wait3A_90 = tpu.memref_squeeze %dma_wait3A_89 : memref<1x128xi32, #tpu.memory_space<vmem>> -> memref<128xi32, #tpu.memory_space<vmem>>
    %dma_wait3A_91 = arith.constant 0 : i32
    %dma_wait3A_92 = arith.constant 0 : i32
    %dma_wait3A_93 = tpu.memref_slice %arg2[%dma_wait3A_91, %dma_wait3A_92] : memref<10000x128xf32, #tpu.memory_space<hbm>> -> memref<10000x128xf32, #tpu.memory_space<hbm>>
    tpu.wait_indirect_dma semaphore(%arg11 : memref<!tpu.dma_semaphore, #tpu.memory_space<semaphore_mem>>) src(%dma_wait3A_93 : memref<10000x128xf32, #tpu.memory_space<hbm>>) dst(%arg8 : memref<128x128xf32, #tpu.memory_space<vmem>>)
    %dma_start3A_94 = arith.constant 40 : i32
    %dma_start3A_95 = arith.constant 0 : i32
    %dma_start3A_96 = tpu.memref_slice %arg7[%dma_start3A_94, %dma_start3A_95] : memref<80x128xi32, #tpu.memory_space<vmem>> -> memref<1x128xi32, #tpu.memory_space<vmem>>
    %dma_start3A_97 = tpu.memref_squeeze %dma_start3A_96 : memref<1x128xi32, #tpu.memory_space<vmem>> -> memref<128xi32, #tpu.memory_space<vmem>>
    %dma_start3A_98 = arith.constant 0 : i32
    %dma_start3A_99 = arith.constant 0 : i32
    %dma_start3A_100 = tpu.memref_slice %arg10[%dma_start3A_98, %dma_start3A_99] : memref<10112x128xf32, #tpu.memory_space<vmem_shared>> -> memref<10112x128xf32, #tpu.memory_space<vmem_shared>>
    tpu.enqueue_indirect_dma source(%arg8 : memref<128x128xf32, #tpu.memory_space<vmem>>) target(%dma_start3A_100 : memref<10112x128xf32, #tpu.memory_space<vmem_shared>>) offsets(%dma_start3A_97 : memref<128xi32, #tpu.memory_space<vmem>>) semaphore(%arg13 : memref<!tpu.dma_semaphore, #tpu.memory_space<semaphore_mem>>) {add = true}
    %dma_start3A_101 = arith.constant 1 : i32
    %dma_start3A_102 = arith.constant 0 : i32
    %dma_start3A_103 = tpu.memref_slice %arg6[%dma_start3A_101, %dma_start3A_102] : memref<40x128xi32, #tpu.memory_space<vmem>> -> memref<1x128xi32, #tpu.memory_space<vmem>>
    %dma_start3A_104 = tpu.memref_squeeze %dma_start3A_103 : memref<1x128xi32, #tpu.memory_space<vmem>> -> memref<128xi32, #tpu.memory_space<vmem>>
    %dma_start3A_105 = arith.constant 0 : i32
    %dma_start3A_106 = arith.constant 0 : i32
    %dma_start3A_107 = tpu.memref_slice %arg2[%dma_start3A_105, %dma_start3A_106] : memref<10000x128xf32, #tpu.memory_space<hbm>> -> memref<10000x128xf32, #tpu.memory_space<hbm>>
    tpu.enqueue_indirect_dma source(%dma_start3A_107 : memref<10000x128xf32, #tpu.memory_space<hbm>>) target(%arg9 : memref<128x128xf32, #tpu.memory_space<vmem>>) offsets(%dma_start3A_104 : memref<128xi32, #tpu.memory_space<vmem>>) semaphore(%arg12 : memref<!tpu.dma_semaphore, #tpu.memory_space<semaphore_mem>>)
    %scan3A_108 = arith.constant 0 : i32
    %scan3A_109 = arith.constant 0 : i32
    %scan3A_110 = arith.constant 19 : i32
    %scan3A_111 = arith.addi %scan3A_109, %scan3A_110 : i32
    %scan3A_112 = arith.constant 1 : i32
    scf.for %scan3A_151 = %scan3A_109 to %scan3A_111 step %scan3A_112  : i32 {
      %mul3A_152 = arith.constant 2 : i32
      %mul3A_153 = arith.muli %mul3A_152, %scan3A_151 : i32
      %dma_wait3A_154 = arith.constant 0 : i32
      %dma_wait3A_155 = arith.constant 0 : i32
      %dma_wait3A_156 = tpu.memref_slice %arg6[%dma_wait3A_154, %dma_wait3A_155] : memref<40x128xi32, #tpu.memory_space<vmem>> -> memref<1x128xi32, #tpu.memory_space<vmem>>
      %dma_wait3A_157 = tpu.memref_squeeze %dma_wait3A_156 : memref<1x128xi32, #tpu.memory_space<vmem>> -> memref<128xi32, #tpu.memory_space<vmem>>
      %dma_wait3A_158 = arith.constant 0 : i32
      %dma_wait3A_159 = arith.constant 0 : i32
      %dma_wait3A_160 = tpu.memref_slice %arg2[%dma_wait3A_158, %dma_wait3A_159] : memref<10000x128xf32, #tpu.memory_space<hbm>> -> memref<10000x128xf32, #tpu.memory_space<hbm>>
      tpu.wait_indirect_dma semaphore(%arg12 : memref<!tpu.dma_semaphore, #tpu.memory_space<semaphore_mem>>) src(%dma_wait3A_160 : memref<10000x128xf32, #tpu.memory_space<hbm>>) dst(%arg9 : memref<128x128xf32, #tpu.memory_space<vmem>>)
      %add3A_161 = arith.constant 1 : i32
      %add3A_162 = arith.addi %mul3A_153, %add3A_161 : i32
      %add3A_163 = arith.constant 40 : i32
      %add3A_164 = arith.addi %add3A_163, %add3A_162 : i32
      %dma_start3A_165 = arith.constant 0 : i32
      %dma_start3A_166 = tpu.memref_slice %arg7[%add3A_164, %dma_start3A_165] : memref<80x128xi32, #tpu.memory_space<vmem>> -> memref<1x128xi32, #tpu.memory_space<vmem>>
      %dma_start3A_167 = tpu.memref_squeeze %dma_start3A_166 : memref<1x128xi32, #tpu.memory_space<vmem>> -> memref<128xi32, #tpu.memory_space<vmem>>
      %dma_start3A_168 = arith.constant 0 : i32
      %dma_start3A_169 = arith.constant 0 : i32
      %dma_start3A_170 = tpu.memref_slice %arg10[%dma_start3A_168, %dma_start3A_169] : memref<10112x128xf32, #tpu.memory_space<vmem_shared>> -> memref<10112x128xf32, #tpu.memory_space<vmem_shared>>
      tpu.enqueue_indirect_dma source(%arg9 : memref<128x128xf32, #tpu.memory_space<vmem>>) target(%dma_start3A_170 : memref<10112x128xf32, #tpu.memory_space<vmem_shared>>) offsets(%dma_start3A_167 : memref<128xi32, #tpu.memory_space<vmem>>) semaphore(%arg14 : memref<!tpu.dma_semaphore, #tpu.memory_space<semaphore_mem>>) {add = true}
      %dma_wait3A_171 = arith.constant 0 : i32
      %dma_wait3A_172 = arith.constant 0 : i32
      %dma_wait3A_173 = tpu.memref_slice %arg7[%dma_wait3A_171, %dma_wait3A_172] : memref<80x128xi32, #tpu.memory_space<vmem>> -> memref<1x128xi32, #tpu.memory_space<vmem>>
      %dma_wait3A_174 = tpu.memref_squeeze %dma_wait3A_173 : memref<1x128xi32, #tpu.memory_space<vmem>> -> memref<128xi32, #tpu.memory_space<vmem>>
      %dma_wait3A_175 = arith.constant 0 : i32
      %dma_wait3A_176 = arith.constant 0 : i32
      %dma_wait3A_177 = tpu.memref_slice %arg10[%dma_wait3A_175, %dma_wait3A_176] : memref<10112x128xf32, #tpu.memory_space<vmem_shared>> -> memref<10112x128xf32, #tpu.memory_space<vmem_shared>>
      tpu.wait_indirect_dma semaphore(%arg13 : memref<!tpu.dma_semaphore, #tpu.memory_space<semaphore_mem>>) src(%arg8 : memref<128x128xf32, #tpu.memory_space<vmem>>) dst(%dma_wait3A_177 : memref<10112x128xf32, #tpu.memory_space<vmem_shared>>)
      %add3A_178 = arith.constant 2 : i32
      %add3A_179 = arith.addi %mul3A_153, %add3A_178 : i32
      %dma_start3A_180 = arith.constant 0 : i32
      %dma_start3A_181 = tpu.memref_slice %arg6[%add3A_179, %dma_start3A_180] : memref<40x128xi32, #tpu.memory_space<vmem>> -> memref<1x128xi32, #tpu.memory_space<vmem>>
      %dma_start3A_182 = tpu.memref_squeeze %dma_start3A_181 : memref<1x128xi32, #tpu.memory_space<vmem>> -> memref<128xi32, #tpu.memory_space<vmem>>
      %dma_start3A_183 = arith.constant 0 : i32
      %dma_start3A_184 = arith.constant 0 : i32
      %dma_start3A_185 = tpu.memref_slice %arg2[%dma_start3A_183, %dma_start3A_184] : memref<10000x128xf32, #tpu.memory_space<hbm>> -> memref<10000x128xf32, #tpu.memory_space<hbm>>
      tpu.enqueue_indirect_dma source(%dma_start3A_185 : memref<10000x128xf32, #tpu.memory_space<hbm>>) target(%arg8 : memref<128x128xf32, #tpu.memory_space<vmem>>) offsets(%dma_start3A_182 : memref<128xi32, #tpu.memory_space<vmem>>) semaphore(%arg11 : memref<!tpu.dma_semaphore, #tpu.memory_space<semaphore_mem>>)
      %dma_wait3A_186 = arith.constant 0 : i32
      %dma_wait3A_187 = arith.constant 0 : i32
      %dma_wait3A_188 = tpu.memref_slice %arg6[%dma_wait3A_186, %dma_wait3A_187] : memref<40x128xi32, #tpu.memory_space<vmem>> -> memref<1x128xi32, #tpu.memory_space<vmem>>
      %dma_wait3A_189 = tpu.memref_squeeze %dma_wait3A_188 : memref<1x128xi32, #tpu.memory_space<vmem>> -> memref<128xi32, #tpu.memory_space<vmem>>
      %dma_wait3A_190 = arith.constant 0 : i32
      %dma_wait3A_191 = arith.constant 0 : i32
      %dma_wait3A_192 = tpu.memref_slice %arg2[%dma_wait3A_190, %dma_wait3A_191] : memref<10000x128xf32, #tpu.memory_space<hbm>> -> memref<10000x128xf32, #tpu.memory_space<hbm>>
      tpu.wait_indirect_dma semaphore(%arg11 : memref<!tpu.dma_semaphore, #tpu.memory_space<semaphore_mem>>) src(%dma_wait3A_192 : memref<10000x128xf32, #tpu.memory_space<hbm>>) dst(%arg8 : memref<128x128xf32, #tpu.memory_space<vmem>>)
      %add3A_193 = arith.constant 2 : i32
      %add3A_194 = arith.addi %mul3A_153, %add3A_193 : i32
      %add3A_195 = arith.constant 40 : i32
      %add3A_196 = arith.addi %add3A_195, %add3A_194 : i32
      %dma_start3A_197 = arith.constant 0 : i32
      %dma_start3A_198 = tpu.memref_slice %arg7[%add3A_196, %dma_start3A_197] : memref<80x128xi32, #tpu.memory_space<vmem>> -> memref<1x128xi32, #tpu.memory_space<vmem>>
      %dma_start3A_199 = tpu.memref_squeeze %dma_start3A_198 : memref<1x128xi32, #tpu.memory_space<vmem>> -> memref<128xi32, #tpu.memory_space<vmem>>
      %dma_start3A_200 = arith.constant 0 : i32
      %dma_start3A_201 = arith.constant 0 : i32
      %dma_start3A_202 = tpu.memref_slice %arg10[%dma_start3A_200, %dma_start3A_201] : memref<10112x128xf32, #tpu.memory_space<vmem_shared>> -> memref<10112x128xf32, #tpu.memory_space<vmem_shared>>
      tpu.enqueue_indirect_dma source(%arg8 : memref<128x128xf32, #tpu.memory_space<vmem>>) target(%dma_start3A_202 : memref<10112x128xf32, #tpu.memory_space<vmem_shared>>) offsets(%dma_start3A_199 : memref<128xi32, #tpu.memory_space<vmem>>) semaphore(%arg13 : memref<!tpu.dma_semaphore, #tpu.memory_space<semaphore_mem>>) {add = true}
      %dma_wait3A_203 = arith.constant 0 : i32
      %dma_wait3A_204 = arith.constant 0 : i32
      %dma_wait3A_205 = tpu.memref_slice %arg7[%dma_wait3A_203, %dma_wait3A_204] : memref<80x128xi32, #tpu.memory_space<vmem>> -> memref<1x128xi32, #tpu.memory_space<vmem>>
      %dma_wait3A_206 = tpu.memref_squeeze %dma_wait3A_205 : memref<1x128xi32, #tpu.memory_space<vmem>> -> memref<128xi32, #tpu.memory_space<vmem>>
      %dma_wait3A_207 = arith.constant 0 : i32
      %dma_wait3A_208 = arith.constant 0 : i32
      %dma_wait3A_209 = tpu.memref_slice %arg10[%dma_wait3A_207, %dma_wait3A_208] : memref<10112x128xf32, #tpu.memory_space<vmem_shared>> -> memref<10112x128xf32, #tpu.memory_space<vmem_shared>>
      tpu.wait_indirect_dma semaphore(%arg14 : memref<!tpu.dma_semaphore, #tpu.memory_space<semaphore_mem>>) src(%arg9 : memref<128x128xf32, #tpu.memory_space<vmem>>) dst(%dma_wait3A_209 : memref<10112x128xf32, #tpu.memory_space<vmem_shared>>)
      %add3A_210 = arith.constant 3 : i32
      %add3A_211 = arith.addi %mul3A_153, %add3A_210 : i32
      %dma_start3A_212 = arith.constant 0 : i32
      %dma_start3A_213 = tpu.memref_slice %arg6[%add3A_211, %dma_start3A_212] : memref<40x128xi32, #tpu.memory_space<vmem>> -> memref<1x128xi32, #tpu.memory_space<vmem>>
      %dma_start3A_214 = tpu.memref_squeeze %dma_start3A_213 : memref<1x128xi32, #tpu.memory_space<vmem>> -> memref<128xi32, #tpu.memory_space<vmem>>
      %dma_start3A_215 = arith.constant 0 : i32
      %dma_start3A_216 = arith.constant 0 : i32
      %dma_start3A_217 = tpu.memref_slice %arg2[%dma_start3A_215, %dma_start3A_216] : memref<10000x128xf32, #tpu.memory_space<hbm>> -> memref<10000x128xf32, #tpu.memory_space<hbm>>
      tpu.enqueue_indirect_dma source(%dma_start3A_217 : memref<10000x128xf32, #tpu.memory_space<hbm>>) target(%arg9 : memref<128x128xf32, #tpu.memory_space<vmem>>) offsets(%dma_start3A_214 : memref<128xi32, #tpu.memory_space<vmem>>) semaphore(%arg12 : memref<!tpu.dma_semaphore, #tpu.memory_space<semaphore_mem>>)
    }
    %scan3A_113 = arith.constant 19 : i32
    %dma_wait3A_114 = arith.constant 0 : i32
    %dma_wait3A_115 = arith.constant 0 : i32
    %dma_wait3A_116 = tpu.memref_slice %arg6[%dma_wait3A_114, %dma_wait3A_115] : memref<40x128xi32, #tpu.memory_space<vmem>> -> memref<1x128xi32, #tpu.memory_space<vmem>>
    %dma_wait3A_117 = tpu.memref_squeeze %dma_wait3A_116 : memref<1x128xi32, #tpu.memory_space<vmem>> -> memref<128xi32, #tpu.memory_space<vmem>>
    %dma_wait3A_118 = arith.constant 0 : i32
    %dma_wait3A_119 = arith.constant 0 : i32
    %dma_wait3A_120 = tpu.memref_slice %arg2[%dma_wait3A_118, %dma_wait3A_119] : memref<10000x128xf32, #tpu.memory_space<hbm>> -> memref<10000x128xf32, #tpu.memory_space<hbm>>
    tpu.wait_indirect_dma semaphore(%arg12 : memref<!tpu.dma_semaphore, #tpu.memory_space<semaphore_mem>>) src(%dma_wait3A_120 : memref<10000x128xf32, #tpu.memory_space<hbm>>) dst(%arg9 : memref<128x128xf32, #tpu.memory_space<vmem>>)
    %dma_start3A_121 = arith.constant 79 : i32
    %dma_start3A_122 = arith.constant 0 : i32
    %dma_start3A_123 = tpu.memref_slice %arg7[%dma_start3A_121, %dma_start3A_122] : memref<80x128xi32, #tpu.memory_space<vmem>> -> memref<1x128xi32, #tpu.memory_space<vmem>>
    %dma_start3A_124 = tpu.memref_squeeze %dma_start3A_123 : memref<1x128xi32, #tpu.memory_space<vmem>> -> memref<128xi32, #tpu.memory_space<vmem>>
    %dma_start3A_125 = arith.constant 0 : i32
    %dma_start3A_126 = arith.constant 0 : i32
    %dma_start3A_127 = tpu.memref_slice %arg10[%dma_start3A_125, %dma_start3A_126] : memref<10112x128xf32, #tpu.memory_space<vmem_shared>> -> memref<10112x128xf32, #tpu.memory_space<vmem_shared>>
    tpu.enqueue_indirect_dma source(%arg9 : memref<128x128xf32, #tpu.memory_space<vmem>>) target(%dma_start3A_127 : memref<10112x128xf32, #tpu.memory_space<vmem_shared>>) offsets(%dma_start3A_124 : memref<128xi32, #tpu.memory_space<vmem>>) semaphore(%arg14 : memref<!tpu.dma_semaphore, #tpu.memory_space<semaphore_mem>>) {add = true}
    %dma_wait3A_128 = arith.constant 0 : i32
    %dma_wait3A_129 = arith.constant 0 : i32
    %dma_wait3A_130 = tpu.memref_slice %arg7[%dma_wait3A_128, %dma_wait3A_129] : memref<80x128xi32, #tpu.memory_space<vmem>> -> memref<1x128xi32, #tpu.memory_space<vmem>>
    %dma_wait3A_131 = tpu.memref_squeeze %dma_wait3A_130 : memref<1x128xi32, #tpu.memory_space<vmem>> -> memref<128xi32, #tpu.memory_space<vmem>>
    %dma_wait3A_132 = arith.constant 0 : i32
    %dma_wait3A_133 = arith.constant 0 : i32
    %dma_wait3A_134 = tpu.memref_slice %arg10[%dma_wait3A_132, %dma_wait3A_133] : memref<10112x128xf32, #tpu.memory_space<vmem_shared>> -> memref<10112x128xf32, #tpu.memory_space<vmem_shared>>
    tpu.wait_indirect_dma semaphore(%arg13 : memref<!tpu.dma_semaphore, #tpu.memory_space<semaphore_mem>>) src(%arg8 : memref<128x128xf32, #tpu.memory_space<vmem>>) dst(%dma_wait3A_134 : memref<10112x128xf32, #tpu.memory_space<vmem_shared>>)
    %dma_wait3A_135 = arith.constant 0 : i32
    %dma_wait3A_136 = arith.constant 0 : i32
    %dma_wait3A_137 = tpu.memref_slice %arg7[%dma_wait3A_135, %dma_wait3A_136] : memref<80x128xi32, #tpu.memory_space<vmem>> -> memref<1x128xi32, #tpu.memory_space<vmem>>
    %dma_wait3A_138 = tpu.memref_squeeze %dma_wait3A_137 : memref<1x128xi32, #tpu.memory_space<vmem>> -> memref<128xi32, #tpu.memory_space<vmem>>
    %dma_wait3A_139 = arith.constant 0 : i32
    %dma_wait3A_140 = arith.constant 0 : i32
    %dma_wait3A_141 = tpu.memref_slice %arg10[%dma_wait3A_139, %dma_wait3A_140] : memref<10112x128xf32, #tpu.memory_space<vmem_shared>> -> memref<10112x128xf32, #tpu.memory_space<vmem_shared>>
    tpu.wait_indirect_dma semaphore(%arg14 : memref<!tpu.dma_semaphore, #tpu.memory_space<semaphore_mem>>) src(%arg9 : memref<128x128xf32, #tpu.memory_space<vmem>>) dst(%dma_wait3A_141 : memref<10112x128xf32, #tpu.memory_space<vmem_shared>>)
    %barrier3A_142 = arith.constant 0 : index
    tpu.barrier barrier_id(%barrier3A_142)
    %mul3A_143 = arith.constant 632 : i32
    %mul3A_144 = arith.muli %arg1, %mul3A_143 : i32
    %lt3A = arith.constant 15 : i32
    %lt3A_145 = arith.cmpi slt, %arg1, %lt3A : i32
    %convert_element_type3A = arith.extui %lt3A_145 : i1 to i32
    %cond3A = arith.constant 0 : i32
    %cond3A_146 = arith.cmpi ne, %convert_element_type3A, %cond3A : i32
    scf.if %cond3A_146 {
      "tpu.region"() ({
        %run_scoped3A = tpu.sem_alloc : memref<!tpu.dma_semaphore, #tpu.memory_space<semaphore_mem>>
        %dma_start3A_151 = arith.constant 0 : i32
        %dma_start3A_152 = tpu.memref_slice %arg5[%arg0, %mul3A_144, %dma_start3A_151] : memref<2x10000x128xf32, #tpu.memory_space<hbm>> -> memref<1x632x128xf32, #tpu.memory_space<hbm>>
        %dma_start3A_153 = tpu.memref_squeeze %dma_start3A_152 : memref<1x632x128xf32, #tpu.memory_space<hbm>> -> memref<632x128xf32, #tpu.memory_space<hbm>>
        %dma_start3A_154 = arith.constant 0 : i32
        %dma_start3A_155 = tpu.memref_slice %arg10[%mul3A_144, %dma_start3A_154] : memref<10112x128xf32, #tpu.memory_space<vmem_shared>> -> memref<632x128xf32, #tpu.memory_space<vmem_shared>>
        tpu.enqueue_dma source(%dma_start3A_155 : memref<632x128xf32, #tpu.memory_space<vmem_shared>>) target(%dma_start3A_153 : memref<632x128xf32, #tpu.memory_space<hbm>>) target_semaphore(%run_scoped3A : memref<!tpu.dma_semaphore, #tpu.memory_space<semaphore_mem>>)
        %dma_wait3A_156 = arith.constant 0 : i32
        %dma_wait3A_157 = tpu.memref_slice %arg5[%arg0, %mul3A_144, %dma_wait3A_156] : memref<2x10000x128xf32, #tpu.memory_space<hbm>> -> memref<1x632x128xf32, #tpu.memory_space<hbm>>
        %dma_wait3A_158 = tpu.memref_squeeze %dma_wait3A_157 : memref<1x632x128xf32, #tpu.memory_space<hbm>> -> memref<632x128xf32, #tpu.memory_space<hbm>>
        %dma_wait3A_159 = arith.constant 0 : i32
        %dma_wait3A_160 = tpu.memref_slice %arg10[%mul3A_144, %dma_wait3A_159] : memref<10112x128xf32, #tpu.memory_space<vmem_shared>> -> memref<632x128xf32, #tpu.memory_space<vmem_shared>>
        tpu.wait_dma2 semaphore(%run_scoped3A : memref<!tpu.dma_semaphore, #tpu.memory_space<semaphore_mem>>) src(%dma_wait3A_160 : memref<632x128xf32, #tpu.memory_space<vmem_shared>>) dst(%dma_wait3A_158 : memref<632x128xf32, #tpu.memory_space<hbm>>)
        tpu.yield
      }) : () -> ()
    } else {
    }
    %eq3A = arith.constant 15 : i32
    %eq3A_147 = arith.cmpi eq, %arg1, %eq3A : i32
    %convert_element_type3A_148 = arith.extui %eq3A_147 : i1 to i32
    %cond3A_149 = arith.constant 0 : i32
    %cond3A_150 = arith.cmpi ne, %convert_element_type3A_148, %cond3A_149 : i32
    scf.if %cond3A_150 {
      "tpu.region"() ({
        %run_scoped3A = tpu.sem_alloc : memref<!tpu.dma_semaphore, #tpu.memory_space<semaphore_mem>>
        %dma_start3A_151 = arith.constant 0 : i32
        %dma_start3A_152 = tpu.memref_slice %arg5[%arg0, %mul3A_144, %dma_start3A_151] : memref<2x10000x128xf32, #tpu.memory_space<hbm>> -> memref<1x520x128xf32, #tpu.memory_space<hbm>>
        %dma_start3A_153 = tpu.memref_squeeze %dma_start3A_152 : memref<1x520x128xf32, #tpu.memory_space<hbm>> -> memref<520x128xf32, #tpu.memory_space<hbm>>
        %dma_start3A_154 = arith.constant 0 : i32
        %dma_start3A_155 = tpu.memref_slice %arg10[%mul3A_144, %dma_start3A_154] : memref<10112x128xf32, #tpu.memory_space<vmem_shared>> -> memref<520x128xf32, #tpu.memory_space<vmem_shared>>
        tpu.enqueue_dma source(%dma_start3A_155 : memref<520x128xf32, #tpu.memory_space<vmem_shared>>) target(%dma_start3A_153 : memref<520x128xf32, #tpu.memory_space<hbm>>) target_semaphore(%run_scoped3A : memref<!tpu.dma_semaphore, #tpu.memory_space<semaphore_mem>>)
        %dma_wait3A_156 = arith.constant 0 : i32
        %dma_wait3A_157 = tpu.memref_slice %arg5[%arg0, %mul3A_144, %dma_wait3A_156] : memref<2x10000x128xf32, #tpu.memory_space<hbm>> -> memref<1x520x128xf32, #tpu.memory_space<hbm>>
        %dma_wait3A_158 = tpu.memref_squeeze %dma_wait3A_157 : memref<1x520x128xf32, #tpu.memory_space<hbm>> -> memref<520x128xf32, #tpu.memory_space<hbm>>
        %dma_wait3A_159 = arith.constant 0 : i32
        %dma_wait3A_160 = tpu.memref_slice %arg10[%mul3A_144, %dma_wait3A_159] : memref<10112x128xf32, #tpu.memory_space<vmem_shared>> -> memref<520x128xf32, #tpu.memory_space<vmem_shared>>
        tpu.wait_dma2 semaphore(%run_scoped3A : memref<!tpu.dma_semaphore, #tpu.memory_space<semaphore_mem>>) src(%dma_wait3A_160 : memref<520x128xf32, #tpu.memory_space<vmem_shared>>) dst(%dma_wait3A_158 : memref<520x128xf32, #tpu.memory_space<hbm>>)
        tpu.yield
      }) : () -> ()
    } else {
    }
    return
  }
}

#map = affine_map<(d0, d1) -> (0, 0)>
#map1 = affine_map<(d0, d1) -> (0, 0, 0)>
module attributes {stable_mosaic.version = 14 : i64} {
  func.func @_sc_body_fast(%arg0: i32, %arg1: i32, %arg2: memref<10000x128xf32, #tpu.memory_space<hbm>>, %arg3: memref<32x82x128xi32, #tpu.memory_space<hbm>>, %arg4: memref<32x80x128xi32, #tpu.memory_space<hbm>>, %arg5: memref<2x10000x128xf32, #tpu.memory_space<hbm>>, %arg6: memref<40x128xi32, #tpu.memory_space<vmem>>, %arg7: memref<80x128xi32, #tpu.memory_space<vmem>>, %arg8: memref<128x128xf32, #tpu.memory_space<vmem>>, %arg9: memref<128x128xf32, #tpu.memory_space<vmem>>, %arg10: memref<10112x128xf32, #tpu.memory_space<vmem_shared>>, %arg11: memref<!tpu.dma_semaphore, #tpu.memory_space<semaphore_mem>>, %arg12: memref<!tpu.dma_semaphore, #tpu.memory_space<semaphore_mem>>, %arg13: memref<!tpu.dma_semaphore, #tpu.memory_space<semaphore_mem>>, %arg14: memref<!tpu.dma_semaphore, #tpu.memory_space<semaphore_mem>>) attributes {dimension_semantics = [#tpu.dimension_semantics<core_parallel>, #tpu.dimension_semantics<subcore_parallel>], iteration_bounds = array<i64: 2, 16>, scalar_prefetch = 0 : i64, scratch_operands = 9 : i64, tpu.core_type = #tpu.core_type<sc_vector_subcore>, window_params = [{transform_indices = #map}, {transform_indices = #map1}, {transform_indices = #map1}, {transform_indices = #map1}]} {
    %mul3A = arith.constant 16 : i32
    %mul3A_0 = arith.muli %arg0, %mul3A : i32
    %add3A = arith.addi %mul3A_0, %arg1 : i32
    %broadcast_in_dim3A = arith.constant 0.000000e+00 : f32
    %broadcast_in_dim3A_1 = vector.broadcast %broadcast_in_dim3A : f32 to vector<16xf32>
    %scan3A = arith.constant 0 : i32
    %scan3A_2 = arith.constant 0 : i32
    %scan3A_3 = arith.constant 128 : i32
    %scan3A_4 = arith.addi %scan3A_2, %scan3A_3 : i32
    %scan3A_5 = arith.constant 1 : i32
    scf.for %scan3A_151 = %scan3A_2 to %scan3A_4 step %scan3A_5  : i32 {
      %swap3A = arith.index_cast %scan3A_151 : i32 to index
      %swap3A_152 = arith.constant 0 : index
      %swap3A_153 = tpu.vector_load %arg8[%swap3A, %swap3A_152] {strides = array<i32>} : memref<128x128xf32, #tpu.memory_space<vmem>>, vector<16xf32>,
      tpu.vector_store %arg8[%swap3A, %swap3A_152], %broadcast_in_dim3A_1 {strides = array<i32>} : memref<128x128xf32, #tpu.memory_space<vmem>>, vector<16xf32>,
      %swap3A_154 = arith.index_cast %scan3A_151 : i32 to index
      %swap3A_155 = arith.constant 16 : index
      %swap3A_156 = tpu.vector_load %arg8[%swap3A_154, %swap3A_155] {strides = array<i32>} : memref<128x128xf32, #tpu.memory_space<vmem>>, vector<16xf32>,
      tpu.vector_store %arg8[%swap3A_154, %swap3A_155], %broadcast_in_dim3A_1 {strides = array<i32>} : memref<128x128xf32, #tpu.memory_space<vmem>>, vector<16xf32>,
      %swap3A_157 = arith.index_cast %scan3A_151 : i32 to index
      %swap3A_158 = arith.constant 32 : index
      %swap3A_159 = tpu.vector_load %arg8[%swap3A_157, %swap3A_158] {strides = array<i32>} : memref<128x128xf32, #tpu.memory_space<vmem>>, vector<16xf32>,
      tpu.vector_store %arg8[%swap3A_157, %swap3A_158], %broadcast_in_dim3A_1 {strides = array<i32>} : memref<128x128xf32, #tpu.memory_space<vmem>>, vector<16xf32>,
      %swap3A_160 = arith.index_cast %scan3A_151 : i32 to index
      %swap3A_161 = arith.constant 48 : index
      %swap3A_162 = tpu.vector_load %arg8[%swap3A_160, %swap3A_161] {strides = array<i32>} : memref<128x128xf32, #tpu.memory_space<vmem>>, vector<16xf32>,
      tpu.vector_store %arg8[%swap3A_160, %swap3A_161], %broadcast_in_dim3A_1 {strides = array<i32>} : memref<128x128xf32, #tpu.memory_space<vmem>>, vector<16xf32>,
      %swap3A_163 = arith.index_cast %scan3A_151 : i32 to index
      %swap3A_164 = arith.constant 64 : index
      %swap3A_165 = tpu.vector_load %arg8[%swap3A_163, %swap3A_164] {strides = array<i32>} : memref<128x128xf32, #tpu.memory_space<vmem>>, vector<16xf32>,
      tpu.vector_store %arg8[%swap3A_163, %swap3A_164], %broadcast_in_dim3A_1 {strides = array<i32>} : memref<128x128xf32, #tpu.memory_space<vmem>>, vector<16xf32>,
      %swap3A_166 = arith.index_cast %scan3A_151 : i32 to index
      %swap3A_167 = arith.constant 80 : index
      %swap3A_168 = tpu.vector_load %arg8[%swap3A_166, %swap3A_167] {strides = array<i32>} : memref<128x128xf32, #tpu.memory_space<vmem>>, vector<16xf32>,
      tpu.vector_store %arg8[%swap3A_166, %swap3A_167], %broadcast_in_dim3A_1 {strides = array<i32>} : memref<128x128xf32, #tpu.memory_space<vmem>>, vector<16xf32>,
      %swap3A_169 = arith.index_cast %scan3A_151 : i32 to index
      %swap3A_170 = arith.constant 96 : index
      %swap3A_171 = tpu.vector_load %arg8[%swap3A_169, %swap3A_170] {strides = array<i32>} : memref<128x128xf32, #tpu.memory_space<vmem>>, vector<16xf32>,
      tpu.vector_store %arg8[%swap3A_169, %swap3A_170], %broadcast_in_dim3A_1 {strides = array<i32>} : memref<128x128xf32, #tpu.memory_space<vmem>>, vector<16xf32>,
      %swap3A_172 = arith.index_cast %scan3A_151 : i32 to index
      %swap3A_173 = arith.constant 112 : index
      %swap3A_174 = tpu.vector_load %arg8[%swap3A_172, %swap3A_173] {strides = array<i32>} : memref<128x128xf32, #tpu.memory_space<vmem>>, vector<16xf32>,
      tpu.vector_store %arg8[%swap3A_172, %swap3A_173], %broadcast_in_dim3A_1 {strides = array<i32>} : memref<128x128xf32, #tpu.memory_space<vmem>>, vector<16xf32>,
    }
    %scan3A_6 = arith.constant 128 : i32
    %mul3A_7 = arith.constant 632 : i32
    %mul3A_8 = arith.muli %arg1, %mul3A_7 : i32
    %add3A_9 = arith.constant 0 : i32
    %add3A_10 = arith.addi %mul3A_8, %add3A_9 : i32
    "tpu.region"() ({
      %run_scoped3A = tpu.sem_alloc : memref<!tpu.dma_semaphore, #tpu.memory_space<semaphore_mem>>
      %dma_start3A_151 = arith.constant 0 : i32
      %dma_start3A_152 = tpu.memref_slice %arg10[%add3A_10, %dma_start3A_151] : memref<10112x128xf32, #tpu.memory_space<vmem_shared>> -> memref<128x128xf32, #tpu.memory_space<vmem_shared>>
      %dma_start3A_153 = arith.constant 0 : i32
      %dma_start3A_154 = tpu.memref_slice %arg10[%add3A_10, %dma_start3A_153] : memref<10112x128xf32, #tpu.memory_space<vmem_shared>> -> memref<128x128xf32, #tpu.memory_space<vmem_shared>>
      tpu.enqueue_dma source(%arg8 : memref<128x128xf32, #tpu.memory_space<vmem>>) target(%dma_start3A_154 : memref<128x128xf32, #tpu.memory_space<vmem_shared>>) target_semaphore(%run_scoped3A : memref<!tpu.dma_semaphore, #tpu.memory_space<semaphore_mem>>)
      %dma_wait3A_155 = arith.constant 0 : i32
      %dma_wait3A_156 = tpu.memref_slice %arg10[%add3A_10, %dma_wait3A_155] : memref<10112x128xf32, #tpu.memory_space<vmem_shared>> -> memref<128x128xf32, #tpu.memory_space<vmem_shared>>
      %dma_wait3A_157 = arith.constant 0 : i32
      %dma_wait3A_158 = tpu.memref_slice %arg10[%add3A_10, %dma_wait3A_157] : memref<10112x128xf32, #tpu.memory_space<vmem_shared>> -> memref<128x128xf32, #tpu.memory_space<vmem_shared>>
      tpu.wait_dma2 semaphore(%run_scoped3A : memref<!tpu.dma_semaphore, #tpu.memory_space<semaphore_mem>>) src(%arg8 : memref<128x128xf32, #tpu.memory_space<vmem>>) dst(%dma_wait3A_158 : memref<128x128xf32, #tpu.memory_space<vmem_shared>>)
      tpu.yield
    }) : () -> ()
    %add3A_11 = arith.constant 128 : i32
    %add3A_12 = arith.addi %mul3A_8, %add3A_11 : i32
    "tpu.region"() ({
      %run_scoped3A = tpu.sem_alloc : memref<!tpu.dma_semaphore, #tpu.memory_space<semaphore_mem>>
      %dma_start3A_151 = arith.constant 0 : i32
      %dma_start3A_152 = tpu.memref_slice %arg10[%add3A_12, %dma_start3A_151] : memref<10112x128xf32, #tpu.memory_space<vmem_shared>> -> memref<128x128xf32, #tpu.memory_space<vmem_shared>>
      %dma_start3A_153 = arith.constant 0 : i32
      %dma_start3A_154 = tpu.memref_slice %arg10[%add3A_12, %dma_start3A_153] : memref<10112x128xf32, #tpu.memory_space<vmem_shared>> -> memref<128x128xf32, #tpu.memory_space<vmem_shared>>
      tpu.enqueue_dma source(%arg8 : memref<128x128xf32, #tpu.memory_space<vmem>>) target(%dma_start3A_154 : memref<128x128xf32, #tpu.memory_space<vmem_shared>>) target_semaphore(%run_scoped3A : memref<!tpu.dma_semaphore, #tpu.memory_space<semaphore_mem>>)
      %dma_wait3A_155 = arith.constant 0 : i32
      %dma_wait3A_156 = tpu.memref_slice %arg10[%add3A_12, %dma_wait3A_155] : memref<10112x128xf32, #tpu.memory_space<vmem_shared>> -> memref<128x128xf32, #tpu.memory_space<vmem_shared>>
      %dma_wait3A_157 = arith.constant 0 : i32
      %dma_wait3A_158 = tpu.memref_slice %arg10[%add3A_12, %dma_wait3A_157] : memref<10112x128xf32, #tpu.memory_space<vmem_shared>> -> memref<128x128xf32, #tpu.memory_space<vmem_shared>>
      tpu.wait_dma2 semaphore(%run_scoped3A : memref<!tpu.dma_semaphore, #tpu.memory_space<semaphore_mem>>) src(%arg8 : memref<128x128xf32, #tpu.memory_space<vmem>>) dst(%dma_wait3A_158 : memref<128x128xf32, #tpu.memory_space<vmem_shared>>)
      tpu.yield
    }) : () -> ()
    %add3A_13 = arith.constant 256 : i32
    %add3A_14 = arith.addi %mul3A_8, %add3A_13 : i32
    "tpu.region"() ({
      %run_scoped3A = tpu.sem_alloc : memref<!tpu.dma_semaphore, #tpu.memory_space<semaphore_mem>>
      %dma_start3A_151 = arith.constant 0 : i32
      %dma_start3A_152 = tpu.memref_slice %arg10[%add3A_14, %dma_start3A_151] : memref<10112x128xf32, #tpu.memory_space<vmem_shared>> -> memref<128x128xf32, #tpu.memory_space<vmem_shared>>
      %dma_start3A_153 = arith.constant 0 : i32
      %dma_start3A_154 = tpu.memref_slice %arg10[%add3A_14, %dma_start3A_153] : memref<10112x128xf32, #tpu.memory_space<vmem_shared>> -> memref<128x128xf32, #tpu.memory_space<vmem_shared>>
      tpu.enqueue_dma source(%arg8 : memref<128x128xf32, #tpu.memory_space<vmem>>) target(%dma_start3A_154 : memref<128x128xf32, #tpu.memory_space<vmem_shared>>) target_semaphore(%run_scoped3A : memref<!tpu.dma_semaphore, #tpu.memory_space<semaphore_mem>>)
      %dma_wait3A_155 = arith.constant 0 : i32
      %dma_wait3A_156 = tpu.memref_slice %arg10[%add3A_14, %dma_wait3A_155] : memref<10112x128xf32, #tpu.memory_space<vmem_shared>> -> memref<128x128xf32, #tpu.memory_space<vmem_shared>>
      %dma_wait3A_157 = arith.constant 0 : i32
      %dma_wait3A_158 = tpu.memref_slice %arg10[%add3A_14, %dma_wait3A_157] : memref<10112x128xf32, #tpu.memory_space<vmem_shared>> -> memref<128x128xf32, #tpu.memory_space<vmem_shared>>
      tpu.wait_dma2 semaphore(%run_scoped3A : memref<!tpu.dma_semaphore, #tpu.memory_space<semaphore_mem>>) src(%arg8 : memref<128x128xf32, #tpu.memory_space<vmem>>) dst(%dma_wait3A_158 : memref<128x128xf32, #tpu.memory_space<vmem_shared>>)
      tpu.yield
    }) : () -> ()
    %add3A_15 = arith.constant 384 : i32
    %add3A_16 = arith.addi %mul3A_8, %add3A_15 : i32
    "tpu.region"() ({
      %run_scoped3A = tpu.sem_alloc : memref<!tpu.dma_semaphore, #tpu.memory_space<semaphore_mem>>
      %dma_start3A_151 = arith.constant 0 : i32
      %dma_start3A_152 = tpu.memref_slice %arg10[%add3A_16, %dma_start3A_151] : memref<10112x128xf32, #tpu.memory_space<vmem_shared>> -> memref<128x128xf32, #tpu.memory_space<vmem_shared>>
      %dma_start3A_153 = arith.constant 0 : i32
      %dma_start3A_154 = tpu.memref_slice %arg10[%add3A_16, %dma_start3A_153] : memref<10112x128xf32, #tpu.memory_space<vmem_shared>> -> memref<128x128xf32, #tpu.memory_space<vmem_shared>>
      tpu.enqueue_dma source(%arg8 : memref<128x128xf32, #tpu.memory_space<vmem>>) target(%dma_start3A_154 : memref<128x128xf32, #tpu.memory_space<vmem_shared>>) target_semaphore(%run_scoped3A : memref<!tpu.dma_semaphore, #tpu.memory_space<semaphore_mem>>)
      %dma_wait3A_155 = arith.constant 0 : i32
      %dma_wait3A_156 = tpu.memref_slice %arg10[%add3A_16, %dma_wait3A_155] : memref<10112x128xf32, #tpu.memory_space<vmem_shared>> -> memref<128x128xf32, #tpu.memory_space<vmem_shared>>
      %dma_wait3A_157 = arith.constant 0 : i32
      %dma_wait3A_158 = tpu.memref_slice %arg10[%add3A_16, %dma_wait3A_157] : memref<10112x128xf32, #tpu.memory_space<vmem_shared>> -> memref<128x128xf32, #tpu.memory_space<vmem_shared>>
      tpu.wait_dma2 semaphore(%run_scoped3A : memref<!tpu.dma_semaphore, #tpu.memory_space<semaphore_mem>>) src(%arg8 : memref<128x128xf32, #tpu.memory_space<vmem>>) dst(%dma_wait3A_158 : memref<128x128xf32, #tpu.memory_space<vmem_shared>>)
      tpu.yield
    }) : () -> ()
    %add3A_17 = arith.constant 632 : i32
    %add3A_18 = arith.addi %mul3A_8, %add3A_17 : i32
    %sub3A = arith.constant 120 : i32
    %sub3A_19 = arith.subi %add3A_18, %sub3A : i32
    "tpu.region"() ({
      %run_scoped3A = tpu.sem_alloc : memref<!tpu.dma_semaphore, #tpu.memory_space<semaphore_mem>>
      %dma_start3A_151 = arith.constant 0 : i32
      %dma_start3A_152 = arith.constant 0 : i32
      %dma_start3A_153 = tpu.memref_slice %arg8[%dma_start3A_151, %dma_start3A_152] : memref<128x128xf32, #tpu.memory_space<vmem>> -> memref<120x128xf32, #tpu.memory_space<vmem>>
      %dma_start3A_154 = arith.constant 0 : i32
      %dma_start3A_155 = tpu.memref_slice %arg10[%sub3A_19, %dma_start3A_154] : memref<10112x128xf32, #tpu.memory_space<vmem_shared>> -> memref<120x128xf32, #tpu.memory_space<vmem_shared>>
      %dma_start3A_156 = arith.constant 0 : i32
      %dma_start3A_157 = tpu.memref_slice %arg10[%sub3A_19, %dma_start3A_156] : memref<10112x128xf32, #tpu.memory_space<vmem_shared>> -> memref<120x128xf32, #tpu.memory_space<vmem_shared>>
      %dma_start3A_158 = arith.constant 0 : i32
      %dma_start3A_159 = arith.constant 0 : i32
      %dma_start3A_160 = tpu.memref_slice %arg8[%dma_start3A_158, %dma_start3A_159] : memref<128x128xf32, #tpu.memory_space<vmem>> -> memref<120x128xf32, #tpu.memory_space<vmem>>
      tpu.enqueue_dma source(%dma_start3A_160 : memref<120x128xf32, #tpu.memory_space<vmem>>) target(%dma_start3A_157 : memref<120x128xf32, #tpu.memory_space<vmem_shared>>) target_semaphore(%run_scoped3A : memref<!tpu.dma_semaphore, #tpu.memory_space<semaphore_mem>>)
      %dma_wait3A_161 = arith.constant 0 : i32
      %dma_wait3A_162 = arith.constant 0 : i32
      %dma_wait3A_163 = tpu.memref_slice %arg8[%dma_wait3A_161, %dma_wait3A_162] : memref<128x128xf32, #tpu.memory_space<vmem>> -> memref<120x128xf32, #tpu.memory_space<vmem>>
      %dma_wait3A_164 = arith.constant 0 : i32
      %dma_wait3A_165 = tpu.memref_slice %arg10[%sub3A_19, %dma_wait3A_164] : memref<10112x128xf32, #tpu.memory_space<vmem_shared>> -> memref<120x128xf32, #tpu.memory_space<vmem_shared>>
      %dma_wait3A_166 = arith.constant 0 : i32
      %dma_wait3A_167 = tpu.memref_slice %arg10[%sub3A_19, %dma_wait3A_166] : memref<10112x128xf32, #tpu.memory_space<vmem_shared>> -> memref<120x128xf32, #tpu.memory_space<vmem_shared>>
      %dma_wait3A_168 = arith.constant 0 : i32
      %dma_wait3A_169 = arith.constant 0 : i32
      %dma_wait3A_170 = tpu.memref_slice %arg8[%dma_wait3A_168, %dma_wait3A_169] : memref<128x128xf32, #tpu.memory_space<vmem>> -> memref<120x128xf32, #tpu.memory_space<vmem>>
      tpu.wait_dma2 semaphore(%run_scoped3A : memref<!tpu.dma_semaphore, #tpu.memory_space<semaphore_mem>>) src(%dma_wait3A_170 : memref<120x128xf32, #tpu.memory_space<vmem>>) dst(%dma_wait3A_167 : memref<120x128xf32, #tpu.memory_space<vmem_shared>>)
      tpu.yield
    }) : () -> ()
    "tpu.region"() ({
      %run_scoped3A = tpu.sem_alloc : memref<!tpu.dma_semaphore, #tpu.memory_space<semaphore_mem>>
      %dma_start3A_151 = arith.constant 0 : i32
      %dma_start3A_152 = arith.constant 0 : i32
      %dma_start3A_153 = tpu.memref_slice %arg4[%add3A, %dma_start3A_151, %dma_start3A_152] : memref<32x80x128xi32, #tpu.memory_space<hbm>> -> memref<1x80x128xi32, #tpu.memory_space<hbm>>
      %dma_start3A_154 = tpu.memref_squeeze %dma_start3A_153 : memref<1x80x128xi32, #tpu.memory_space<hbm>> -> memref<80x128xi32, #tpu.memory_space<hbm>>
      %dma_start3A_155 = arith.constant 0 : i32
      %dma_start3A_156 = arith.constant 0 : i32
      %dma_start3A_157 = tpu.memref_slice %arg4[%add3A, %dma_start3A_155, %dma_start3A_156] : memref<32x80x128xi32, #tpu.memory_space<hbm>> -> memref<1x80x128xi32, #tpu.memory_space<hbm>>
      %dma_start3A_158 = tpu.memref_squeeze %dma_start3A_157 : memref<1x80x128xi32, #tpu.memory_space<hbm>> -> memref<80x128xi32, #tpu.memory_space<hbm>>
      tpu.enqueue_dma source(%dma_start3A_158 : memref<80x128xi32, #tpu.memory_space<hbm>>) target(%arg7 : memref<80x128xi32, #tpu.memory_space<vmem>>) target_semaphore(%run_scoped3A : memref<!tpu.dma_semaphore, #tpu.memory_space<semaphore_mem>>)
      %dma_wait3A_159 = arith.constant 0 : i32
      %dma_wait3A_160 = arith.constant 0 : i32
      %dma_wait3A_161 = tpu.memref_slice %arg4[%add3A, %dma_wait3A_159, %dma_wait3A_160] : memref<32x80x128xi32, #tpu.memory_space<hbm>> -> memref<1x80x128xi32, #tpu.memory_space<hbm>>
      %dma_wait3A_162 = tpu.memref_squeeze %dma_wait3A_161 : memref<1x80x128xi32, #tpu.memory_space<hbm>> -> memref<80x128xi32, #tpu.memory_space<hbm>>
      %dma_wait3A_163 = arith.constant 0 : i32
      %dma_wait3A_164 = arith.constant 0 : i32
      %dma_wait3A_165 = tpu.memref_slice %arg4[%add3A, %dma_wait3A_163, %dma_wait3A_164] : memref<32x80x128xi32, #tpu.memory_space<hbm>> -> memref<1x80x128xi32, #tpu.memory_space<hbm>>
      %dma_wait3A_166 = tpu.memref_squeeze %dma_wait3A_165 : memref<1x80x128xi32, #tpu.memory_space<hbm>> -> memref<80x128xi32, #tpu.memory_space<hbm>>
      tpu.wait_dma2 semaphore(%run_scoped3A : memref<!tpu.dma_semaphore, #tpu.memory_space<semaphore_mem>>) src(%dma_wait3A_166 : memref<80x128xi32, #tpu.memory_space<hbm>>) dst(%arg7 : memref<80x128xi32, #tpu.memory_space<vmem>>)
      tpu.yield
    }) : () -> ()
    %barrier3A = arith.constant 0 : index
    tpu.barrier barrier_id(%barrier3A)
    "tpu.region"() ({
      %run_scoped3A = tpu.sem_alloc : memref<!tpu.dma_semaphore, #tpu.memory_space<semaphore_mem>>
      %dma_start3A_151 = arith.constant 0 : i32
      %dma_start3A_152 = arith.constant 0 : i32
      %dma_start3A_153 = tpu.memref_slice %arg3[%add3A, %dma_start3A_151, %dma_start3A_152] : memref<32x82x128xi32, #tpu.memory_space<hbm>> -> memref<1x40x128xi32, #tpu.memory_space<hbm>>
      %dma_start3A_154 = tpu.memref_squeeze %dma_start3A_153 : memref<1x40x128xi32, #tpu.memory_space<hbm>> -> memref<40x128xi32, #tpu.memory_space<hbm>>
      %dma_start3A_155 = arith.constant 0 : i32
      %dma_start3A_156 = arith.constant 0 : i32
      %dma_start3A_157 = tpu.memref_slice %arg3[%add3A, %dma_start3A_155, %dma_start3A_156] : memref<32x82x128xi32, #tpu.memory_space<hbm>> -> memref<1x40x128xi32, #tpu.memory_space<hbm>>
      %dma_start3A_158 = tpu.memref_squeeze %dma_start3A_157 : memref<1x40x128xi32, #tpu.memory_space<hbm>> -> memref<40x128xi32, #tpu.memory_space<hbm>>
      tpu.enqueue_dma source(%dma_start3A_158 : memref<40x128xi32, #tpu.memory_space<hbm>>) target(%arg6 : memref<40x128xi32, #tpu.memory_space<vmem>>) target_semaphore(%run_scoped3A : memref<!tpu.dma_semaphore, #tpu.memory_space<semaphore_mem>>)
      %dma_wait3A_159 = arith.constant 0 : i32
      %dma_wait3A_160 = arith.constant 0 : i32
      %dma_wait3A_161 = tpu.memref_slice %arg3[%add3A, %dma_wait3A_159, %dma_wait3A_160] : memref<32x82x128xi32, #tpu.memory_space<hbm>> -> memref<1x40x128xi32, #tpu.memory_space<hbm>>
      %dma_wait3A_162 = tpu.memref_squeeze %dma_wait3A_161 : memref<1x40x128xi32, #tpu.memory_space<hbm>> -> memref<40x128xi32, #tpu.memory_space<hbm>>
      %dma_wait3A_163 = arith.constant 0 : i32
      %dma_wait3A_164 = arith.constant 0 : i32
      %dma_wait3A_165 = tpu.memref_slice %arg3[%add3A, %dma_wait3A_163, %dma_wait3A_164] : memref<32x82x128xi32, #tpu.memory_space<hbm>> -> memref<1x40x128xi32, #tpu.memory_space<hbm>>
      %dma_wait3A_166 = tpu.memref_squeeze %dma_wait3A_165 : memref<1x40x128xi32, #tpu.memory_space<hbm>> -> memref<40x128xi32, #tpu.memory_space<hbm>>
      tpu.wait_dma2 semaphore(%run_scoped3A : memref<!tpu.dma_semaphore, #tpu.memory_space<semaphore_mem>>) src(%dma_wait3A_166 : memref<40x128xi32, #tpu.memory_space<hbm>>) dst(%arg6 : memref<40x128xi32, #tpu.memory_space<vmem>>)
      tpu.yield
    }) : () -> ()
    %dma_start3A = arith.constant 0 : i32
    %dma_start3A_20 = arith.constant 0 : i32
    %dma_start3A_21 = tpu.memref_slice %arg6[%dma_start3A, %dma_start3A_20] : memref<40x128xi32, #tpu.memory_space<vmem>> -> memref<1x128xi32, #tpu.memory_space<vmem>>
    %dma_start3A_22 = tpu.memref_squeeze %dma_start3A_21 : memref<1x128xi32, #tpu.memory_space<vmem>> -> memref<128xi32, #tpu.memory_space<vmem>>
    %dma_start3A_23 = arith.constant 0 : i32
    %dma_start3A_24 = arith.constant 0 : i32
    %dma_start3A_25 = tpu.memref_slice %arg2[%dma_start3A_23, %dma_start3A_24] : memref<10000x128xf32, #tpu.memory_space<hbm>> -> memref<10000x128xf32, #tpu.memory_space<hbm>>
    tpu.enqueue_indirect_dma source(%dma_start3A_25 : memref<10000x128xf32, #tpu.memory_space<hbm>>) target(%arg8 : memref<128x128xf32, #tpu.memory_space<vmem>>) offsets(%dma_start3A_22 : memref<128xi32, #tpu.memory_space<vmem>>) semaphore(%arg11 : memref<!tpu.dma_semaphore, #tpu.memory_space<semaphore_mem>>)
    %dma_wait3A = arith.constant 0 : i32
    %dma_wait3A_26 = arith.constant 0 : i32
    %dma_wait3A_27 = tpu.memref_slice %arg6[%dma_wait3A, %dma_wait3A_26] : memref<40x128xi32, #tpu.memory_space<vmem>> -> memref<1x128xi32, #tpu.memory_space<vmem>>
    %dma_wait3A_28 = tpu.memref_squeeze %dma_wait3A_27 : memref<1x128xi32, #tpu.memory_space<vmem>> -> memref<128xi32, #tpu.memory_space<vmem>>
    %dma_wait3A_29 = arith.constant 0 : i32
    %dma_wait3A_30 = arith.constant 0 : i32
    %dma_wait3A_31 = tpu.memref_slice %arg2[%dma_wait3A_29, %dma_wait3A_30] : memref<10000x128xf32, #tpu.memory_space<hbm>> -> memref<10000x128xf32, #tpu.memory_space<hbm>>
    tpu.wait_indirect_dma semaphore(%arg11 : memref<!tpu.dma_semaphore, #tpu.memory_space<semaphore_mem>>) src(%dma_wait3A_31 : memref<10000x128xf32, #tpu.memory_space<hbm>>) dst(%arg8 : memref<128x128xf32, #tpu.memory_space<vmem>>)
    %dma_start3A_32 = arith.constant 0 : i32
    %dma_start3A_33 = arith.constant 0 : i32
    %dma_start3A_34 = tpu.memref_slice %arg7[%dma_start3A_32, %dma_start3A_33] : memref<80x128xi32, #tpu.memory_space<vmem>> -> memref<1x128xi32, #tpu.memory_space<vmem>>
    %dma_start3A_35 = tpu.memref_squeeze %dma_start3A_34 : memref<1x128xi32, #tpu.memory_space<vmem>> -> memref<128xi32, #tpu.memory_space<vmem>>
    %dma_start3A_36 = arith.constant 0 : i32
    %dma_start3A_37 = arith.constant 0 : i32
    %dma_start3A_38 = tpu.memref_slice %arg10[%dma_start3A_36, %dma_start3A_37] : memref<10112x128xf32, #tpu.memory_space<vmem_shared>> -> memref<10112x128xf32, #tpu.memory_space<vmem_shared>>
    tpu.enqueue_indirect_dma source(%arg8 : memref<128x128xf32, #tpu.memory_space<vmem>>) target(%dma_start3A_38 : memref<10112x128xf32, #tpu.memory_space<vmem_shared>>) offsets(%dma_start3A_35 : memref<128xi32, #tpu.memory_space<vmem>>) semaphore(%arg13 : memref<!tpu.dma_semaphore, #tpu.memory_space<semaphore_mem>>) {add = true}
    %dma_start3A_39 = arith.constant 1 : i32
    %dma_start3A_40 = arith.constant 0 : i32
    %dma_start3A_41 = tpu.memref_slice %arg6[%dma_start3A_39, %dma_start3A_40] : memref<40x128xi32, #tpu.memory_space<vmem>> -> memref<1x128xi32, #tpu.memory_space<vmem>>
    %dma_start3A_42 = tpu.memref_squeeze %dma_start3A_41 : memref<1x128xi32, #tpu.memory_space<vmem>> -> memref<128xi32, #tpu.memory_space<vmem>>
    %dma_start3A_43 = arith.constant 0 : i32
    %dma_start3A_44 = arith.constant 0 : i32
    %dma_start3A_45 = tpu.memref_slice %arg2[%dma_start3A_43, %dma_start3A_44] : memref<10000x128xf32, #tpu.memory_space<hbm>> -> memref<10000x128xf32, #tpu.memory_space<hbm>>
    tpu.enqueue_indirect_dma source(%dma_start3A_45 : memref<10000x128xf32, #tpu.memory_space<hbm>>) target(%arg9 : memref<128x128xf32, #tpu.memory_space<vmem>>) offsets(%dma_start3A_42 : memref<128xi32, #tpu.memory_space<vmem>>) semaphore(%arg12 : memref<!tpu.dma_semaphore, #tpu.memory_space<semaphore_mem>>)
    %scan3A_46 = arith.constant 0 : i32
    %scan3A_47 = arith.constant 0 : i32
    %scan3A_48 = arith.constant 19 : i32
    %scan3A_49 = arith.addi %scan3A_47, %scan3A_48 : i32
    %scan3A_50 = arith.constant 1 : i32
    scf.for %scan3A_151 = %scan3A_47 to %scan3A_49 step %scan3A_50  : i32 {
      %mul3A_152 = arith.constant 2 : i32
      %mul3A_153 = arith.muli %mul3A_152, %scan3A_151 : i32
      %dma_wait3A_154 = arith.constant 0 : i32
      %dma_wait3A_155 = arith.constant 0 : i32
      %dma_wait3A_156 = tpu.memref_slice %arg6[%dma_wait3A_154, %dma_wait3A_155] : memref<40x128xi32, #tpu.memory_space<vmem>> -> memref<1x128xi32, #tpu.memory_space<vmem>>
      %dma_wait3A_157 = tpu.memref_squeeze %dma_wait3A_156 : memref<1x128xi32, #tpu.memory_space<vmem>> -> memref<128xi32, #tpu.memory_space<vmem>>
      %dma_wait3A_158 = arith.constant 0 : i32
      %dma_wait3A_159 = arith.constant 0 : i32
      %dma_wait3A_160 = tpu.memref_slice %arg2[%dma_wait3A_158, %dma_wait3A_159] : memref<10000x128xf32, #tpu.memory_space<hbm>> -> memref<10000x128xf32, #tpu.memory_space<hbm>>
      tpu.wait_indirect_dma semaphore(%arg12 : memref<!tpu.dma_semaphore, #tpu.memory_space<semaphore_mem>>) src(%dma_wait3A_160 : memref<10000x128xf32, #tpu.memory_space<hbm>>) dst(%arg9 : memref<128x128xf32, #tpu.memory_space<vmem>>)
      %add3A_161 = arith.constant 1 : i32
      %add3A_162 = arith.addi %mul3A_153, %add3A_161 : i32
      %add3A_163 = arith.constant 0 : i32
      %add3A_164 = arith.addi %add3A_163, %add3A_162 : i32
      %dma_start3A_165 = arith.constant 0 : i32
      %dma_start3A_166 = tpu.memref_slice %arg7[%add3A_164, %dma_start3A_165] : memref<80x128xi32, #tpu.memory_space<vmem>> -> memref<1x128xi32, #tpu.memory_space<vmem>>
      %dma_start3A_167 = tpu.memref_squeeze %dma_start3A_166 : memref<1x128xi32, #tpu.memory_space<vmem>> -> memref<128xi32, #tpu.memory_space<vmem>>
      %dma_start3A_168 = arith.constant 0 : i32
      %dma_start3A_169 = arith.constant 0 : i32
      %dma_start3A_170 = tpu.memref_slice %arg10[%dma_start3A_168, %dma_start3A_169] : memref<10112x128xf32, #tpu.memory_space<vmem_shared>> -> memref<10112x128xf32, #tpu.memory_space<vmem_shared>>
      tpu.enqueue_indirect_dma source(%arg9 : memref<128x128xf32, #tpu.memory_space<vmem>>) target(%dma_start3A_170 : memref<10112x128xf32, #tpu.memory_space<vmem_shared>>) offsets(%dma_start3A_167 : memref<128xi32, #tpu.memory_space<vmem>>) semaphore(%arg14 : memref<!tpu.dma_semaphore, #tpu.memory_space<semaphore_mem>>) {add = true}
      %dma_wait3A_171 = arith.constant 0 : i32
      %dma_wait3A_172 = arith.constant 0 : i32
      %dma_wait3A_173 = tpu.memref_slice %arg7[%dma_wait3A_171, %dma_wait3A_172] : memref<80x128xi32, #tpu.memory_space<vmem>> -> memref<1x128xi32, #tpu.memory_space<vmem>>
      %dma_wait3A_174 = tpu.memref_squeeze %dma_wait3A_173 : memref<1x128xi32, #tpu.memory_space<vmem>> -> memref<128xi32, #tpu.memory_space<vmem>>
      %dma_wait3A_175 = arith.constant 0 : i32
      %dma_wait3A_176 = arith.constant 0 : i32
      %dma_wait3A_177 = tpu.memref_slice %arg10[%dma_wait3A_175, %dma_wait3A_176] : memref<10112x128xf32, #tpu.memory_space<vmem_shared>> -> memref<10112x128xf32, #tpu.memory_space<vmem_shared>>
      tpu.wait_indirect_dma semaphore(%arg13 : memref<!tpu.dma_semaphore, #tpu.memory_space<semaphore_mem>>) src(%arg8 : memref<128x128xf32, #tpu.memory_space<vmem>>) dst(%dma_wait3A_177 : memref<10112x128xf32, #tpu.memory_space<vmem_shared>>)
      %add3A_178 = arith.constant 2 : i32
      %add3A_179 = arith.addi %mul3A_153, %add3A_178 : i32
      %dma_start3A_180 = arith.constant 0 : i32
      %dma_start3A_181 = tpu.memref_slice %arg6[%add3A_179, %dma_start3A_180] : memref<40x128xi32, #tpu.memory_space<vmem>> -> memref<1x128xi32, #tpu.memory_space<vmem>>
      %dma_start3A_182 = tpu.memref_squeeze %dma_start3A_181 : memref<1x128xi32, #tpu.memory_space<vmem>> -> memref<128xi32, #tpu.memory_space<vmem>>
      %dma_start3A_183 = arith.constant 0 : i32
      %dma_start3A_184 = arith.constant 0 : i32
      %dma_start3A_185 = tpu.memref_slice %arg2[%dma_start3A_183, %dma_start3A_184] : memref<10000x128xf32, #tpu.memory_space<hbm>> -> memref<10000x128xf32, #tpu.memory_space<hbm>>
      tpu.enqueue_indirect_dma source(%dma_start3A_185 : memref<10000x128xf32, #tpu.memory_space<hbm>>) target(%arg8 : memref<128x128xf32, #tpu.memory_space<vmem>>) offsets(%dma_start3A_182 : memref<128xi32, #tpu.memory_space<vmem>>) semaphore(%arg11 : memref<!tpu.dma_semaphore, #tpu.memory_space<semaphore_mem>>)
      %dma_wait3A_186 = arith.constant 0 : i32
      %dma_wait3A_187 = arith.constant 0 : i32
      %dma_wait3A_188 = tpu.memref_slice %arg6[%dma_wait3A_186, %dma_wait3A_187] : memref<40x128xi32, #tpu.memory_space<vmem>> -> memref<1x128xi32, #tpu.memory_space<vmem>>
      %dma_wait3A_189 = tpu.memref_squeeze %dma_wait3A_188 : memref<1x128xi32, #tpu.memory_space<vmem>> -> memref<128xi32, #tpu.memory_space<vmem>>
      %dma_wait3A_190 = arith.constant 0 : i32
      %dma_wait3A_191 = arith.constant 0 : i32
      %dma_wait3A_192 = tpu.memref_slice %arg2[%dma_wait3A_190, %dma_wait3A_191] : memref<10000x128xf32, #tpu.memory_space<hbm>> -> memref<10000x128xf32, #tpu.memory_space<hbm>>
      tpu.wait_indirect_dma semaphore(%arg11 : memref<!tpu.dma_semaphore, #tpu.memory_space<semaphore_mem>>) src(%dma_wait3A_192 : memref<10000x128xf32, #tpu.memory_space<hbm>>) dst(%arg8 : memref<128x128xf32, #tpu.memory_space<vmem>>)
      %add3A_193 = arith.constant 2 : i32
      %add3A_194 = arith.addi %mul3A_153, %add3A_193 : i32
      %add3A_195 = arith.constant 0 : i32
      %add3A_196 = arith.addi %add3A_195, %add3A_194 : i32
      %dma_start3A_197 = arith.constant 0 : i32
      %dma_start3A_198 = tpu.memref_slice %arg7[%add3A_196, %dma_start3A_197] : memref<80x128xi32, #tpu.memory_space<vmem>> -> memref<1x128xi32, #tpu.memory_space<vmem>>
      %dma_start3A_199 = tpu.memref_squeeze %dma_start3A_198 : memref<1x128xi32, #tpu.memory_space<vmem>> -> memref<128xi32, #tpu.memory_space<vmem>>
      %dma_start3A_200 = arith.constant 0 : i32
      %dma_start3A_201 = arith.constant 0 : i32
      %dma_start3A_202 = tpu.memref_slice %arg10[%dma_start3A_200, %dma_start3A_201] : memref<10112x128xf32, #tpu.memory_space<vmem_shared>> -> memref<10112x128xf32, #tpu.memory_space<vmem_shared>>
      tpu.enqueue_indirect_dma source(%arg8 : memref<128x128xf32, #tpu.memory_space<vmem>>) target(%dma_start3A_202 : memref<10112x128xf32, #tpu.memory_space<vmem_shared>>) offsets(%dma_start3A_199 : memref<128xi32, #tpu.memory_space<vmem>>) semaphore(%arg13 : memref<!tpu.dma_semaphore, #tpu.memory_space<semaphore_mem>>) {add = true}
      %dma_wait3A_203 = arith.constant 0 : i32
      %dma_wait3A_204 = arith.constant 0 : i32
      %dma_wait3A_205 = tpu.memref_slice %arg7[%dma_wait3A_203, %dma_wait3A_204] : memref<80x128xi32, #tpu.memory_space<vmem>> -> memref<1x128xi32, #tpu.memory_space<vmem>>
      %dma_wait3A_206 = tpu.memref_squeeze %dma_wait3A_205 : memref<1x128xi32, #tpu.memory_space<vmem>> -> memref<128xi32, #tpu.memory_space<vmem>>
      %dma_wait3A_207 = arith.constant 0 : i32
      %dma_wait3A_208 = arith.constant 0 : i32
      %dma_wait3A_209 = tpu.memref_slice %arg10[%dma_wait3A_207, %dma_wait3A_208] : memref<10112x128xf32, #tpu.memory_space<vmem_shared>> -> memref<10112x128xf32, #tpu.memory_space<vmem_shared>>
      tpu.wait_indirect_dma semaphore(%arg14 : memref<!tpu.dma_semaphore, #tpu.memory_space<semaphore_mem>>) src(%arg9 : memref<128x128xf32, #tpu.memory_space<vmem>>) dst(%dma_wait3A_209 : memref<10112x128xf32, #tpu.memory_space<vmem_shared>>)
      %add3A_210 = arith.constant 3 : i32
      %add3A_211 = arith.addi %mul3A_153, %add3A_210 : i32
      %dma_start3A_212 = arith.constant 0 : i32
      %dma_start3A_213 = tpu.memref_slice %arg6[%add3A_211, %dma_start3A_212] : memref<40x128xi32, #tpu.memory_space<vmem>> -> memref<1x128xi32, #tpu.memory_space<vmem>>
      %dma_start3A_214 = tpu.memref_squeeze %dma_start3A_213 : memref<1x128xi32, #tpu.memory_space<vmem>> -> memref<128xi32, #tpu.memory_space<vmem>>
      %dma_start3A_215 = arith.constant 0 : i32
      %dma_start3A_216 = arith.constant 0 : i32
      %dma_start3A_217 = tpu.memref_slice %arg2[%dma_start3A_215, %dma_start3A_216] : memref<10000x128xf32, #tpu.memory_space<hbm>> -> memref<10000x128xf32, #tpu.memory_space<hbm>>
      tpu.enqueue_indirect_dma source(%dma_start3A_217 : memref<10000x128xf32, #tpu.memory_space<hbm>>) target(%arg9 : memref<128x128xf32, #tpu.memory_space<vmem>>) offsets(%dma_start3A_214 : memref<128xi32, #tpu.memory_space<vmem>>) semaphore(%arg12 : memref<!tpu.dma_semaphore, #tpu.memory_space<semaphore_mem>>)
    }
    %scan3A_51 = arith.constant 19 : i32
    %dma_wait3A_52 = arith.constant 0 : i32
    %dma_wait3A_53 = arith.constant 0 : i32
    %dma_wait3A_54 = tpu.memref_slice %arg6[%dma_wait3A_52, %dma_wait3A_53] : memref<40x128xi32, #tpu.memory_space<vmem>> -> memref<1x128xi32, #tpu.memory_space<vmem>>
    %dma_wait3A_55 = tpu.memref_squeeze %dma_wait3A_54 : memref<1x128xi32, #tpu.memory_space<vmem>> -> memref<128xi32, #tpu.memory_space<vmem>>
    %dma_wait3A_56 = arith.constant 0 : i32
    %dma_wait3A_57 = arith.constant 0 : i32
    %dma_wait3A_58 = tpu.memref_slice %arg2[%dma_wait3A_56, %dma_wait3A_57] : memref<10000x128xf32, #tpu.memory_space<hbm>> -> memref<10000x128xf32, #tpu.memory_space<hbm>>
    tpu.wait_indirect_dma semaphore(%arg12 : memref<!tpu.dma_semaphore, #tpu.memory_space<semaphore_mem>>) src(%dma_wait3A_58 : memref<10000x128xf32, #tpu.memory_space<hbm>>) dst(%arg9 : memref<128x128xf32, #tpu.memory_space<vmem>>)
    %dma_start3A_59 = arith.constant 39 : i32
    %dma_start3A_60 = arith.constant 0 : i32
    %dma_start3A_61 = tpu.memref_slice %arg7[%dma_start3A_59, %dma_start3A_60] : memref<80x128xi32, #tpu.memory_space<vmem>> -> memref<1x128xi32, #tpu.memory_space<vmem>>
    %dma_start3A_62 = tpu.memref_squeeze %dma_start3A_61 : memref<1x128xi32, #tpu.memory_space<vmem>> -> memref<128xi32, #tpu.memory_space<vmem>>
    %dma_start3A_63 = arith.constant 0 : i32
    %dma_start3A_64 = arith.constant 0 : i32
    %dma_start3A_65 = tpu.memref_slice %arg10[%dma_start3A_63, %dma_start3A_64] : memref<10112x128xf32, #tpu.memory_space<vmem_shared>> -> memref<10112x128xf32, #tpu.memory_space<vmem_shared>>
    tpu.enqueue_indirect_dma source(%arg9 : memref<128x128xf32, #tpu.memory_space<vmem>>) target(%dma_start3A_65 : memref<10112x128xf32, #tpu.memory_space<vmem_shared>>) offsets(%dma_start3A_62 : memref<128xi32, #tpu.memory_space<vmem>>) semaphore(%arg14 : memref<!tpu.dma_semaphore, #tpu.memory_space<semaphore_mem>>) {add = true}
    %dma_wait3A_66 = arith.constant 0 : i32
    %dma_wait3A_67 = arith.constant 0 : i32
    %dma_wait3A_68 = tpu.memref_slice %arg7[%dma_wait3A_66, %dma_wait3A_67] : memref<80x128xi32, #tpu.memory_space<vmem>> -> memref<1x128xi32, #tpu.memory_space<vmem>>
    %dma_wait3A_69 = tpu.memref_squeeze %dma_wait3A_68 : memref<1x128xi32, #tpu.memory_space<vmem>> -> memref<128xi32, #tpu.memory_space<vmem>>
    %dma_wait3A_70 = arith.constant 0 : i32
    %dma_wait3A_71 = arith.constant 0 : i32
    %dma_wait3A_72 = tpu.memref_slice %arg10[%dma_wait3A_70, %dma_wait3A_71] : memref<10112x128xf32, #tpu.memory_space<vmem_shared>> -> memref<10112x128xf32, #tpu.memory_space<vmem_shared>>
    tpu.wait_indirect_dma semaphore(%arg13 : memref<!tpu.dma_semaphore, #tpu.memory_space<semaphore_mem>>) src(%arg8 : memref<128x128xf32, #tpu.memory_space<vmem>>) dst(%dma_wait3A_72 : memref<10112x128xf32, #tpu.memory_space<vmem_shared>>)
    %dma_wait3A_73 = arith.constant 0 : i32
    %dma_wait3A_74 = arith.constant 0 : i32
    %dma_wait3A_75 = tpu.memref_slice %arg7[%dma_wait3A_73, %dma_wait3A_74] : memref<80x128xi32, #tpu.memory_space<vmem>> -> memref<1x128xi32, #tpu.memory_space<vmem>>
    %dma_wait3A_76 = tpu.memref_squeeze %dma_wait3A_75 : memref<1x128xi32, #tpu.memory_space<vmem>> -> memref<128xi32, #tpu.memory_space<vmem>>
    %dma_wait3A_77 = arith.constant 0 : i32
    %dma_wait3A_78 = arith.constant 0 : i32
    %dma_wait3A_79 = tpu.memref_slice %arg10[%dma_wait3A_77, %dma_wait3A_78] : memref<10112x128xf32, #tpu.memory_space<vmem_shared>> -> memref<10112x128xf32, #tpu.memory_space<vmem_shared>>
    tpu.wait_indirect_dma semaphore(%arg14 : memref<!tpu.dma_semaphore, #tpu.memory_space<semaphore_mem>>) src(%arg9 : memref<128x128xf32, #tpu.memory_space<vmem>>) dst(%dma_wait3A_79 : memref<10112x128xf32, #tpu.memory_space<vmem_shared>>)
    "tpu.region"() ({
      %run_scoped3A = tpu.sem_alloc : memref<!tpu.dma_semaphore, #tpu.memory_space<semaphore_mem>>
      %dma_start3A_151 = arith.constant 40 : i32
      %dma_start3A_152 = arith.constant 0 : i32
      %dma_start3A_153 = tpu.memref_slice %arg3[%add3A, %dma_start3A_151, %dma_start3A_152] : memref<32x82x128xi32, #tpu.memory_space<hbm>> -> memref<1x40x128xi32, #tpu.memory_space<hbm>>
      %dma_start3A_154 = tpu.memref_squeeze %dma_start3A_153 : memref<1x40x128xi32, #tpu.memory_space<hbm>> -> memref<40x128xi32, #tpu.memory_space<hbm>>
      %dma_start3A_155 = arith.constant 40 : i32
      %dma_start3A_156 = arith.constant 0 : i32
      %dma_start3A_157 = tpu.memref_slice %arg3[%add3A, %dma_start3A_155, %dma_start3A_156] : memref<32x82x128xi32, #tpu.memory_space<hbm>> -> memref<1x40x128xi32, #tpu.memory_space<hbm>>
      %dma_start3A_158 = tpu.memref_squeeze %dma_start3A_157 : memref<1x40x128xi32, #tpu.memory_space<hbm>> -> memref<40x128xi32, #tpu.memory_space<hbm>>
      tpu.enqueue_dma source(%dma_start3A_158 : memref<40x128xi32, #tpu.memory_space<hbm>>) target(%arg6 : memref<40x128xi32, #tpu.memory_space<vmem>>) target_semaphore(%run_scoped3A : memref<!tpu.dma_semaphore, #tpu.memory_space<semaphore_mem>>)
      %dma_wait3A_159 = arith.constant 40 : i32
      %dma_wait3A_160 = arith.constant 0 : i32
      %dma_wait3A_161 = tpu.memref_slice %arg3[%add3A, %dma_wait3A_159, %dma_wait3A_160] : memref<32x82x128xi32, #tpu.memory_space<hbm>> -> memref<1x40x128xi32, #tpu.memory_space<hbm>>
      %dma_wait3A_162 = tpu.memref_squeeze %dma_wait3A_161 : memref<1x40x128xi32, #tpu.memory_space<hbm>> -> memref<40x128xi32, #tpu.memory_space<hbm>>
      %dma_wait3A_163 = arith.constant 40 : i32
      %dma_wait3A_164 = arith.constant 0 : i32
      %dma_wait3A_165 = tpu.memref_slice %arg3[%add3A, %dma_wait3A_163, %dma_wait3A_164] : memref<32x82x128xi32, #tpu.memory_space<hbm>> -> memref<1x40x128xi32, #tpu.memory_space<hbm>>
      %dma_wait3A_166 = tpu.memref_squeeze %dma_wait3A_165 : memref<1x40x128xi32, #tpu.memory_space<hbm>> -> memref<40x128xi32, #tpu.memory_space<hbm>>
      tpu.wait_dma2 semaphore(%run_scoped3A : memref<!tpu.dma_semaphore, #tpu.memory_space<semaphore_mem>>) src(%dma_wait3A_166 : memref<40x128xi32, #tpu.memory_space<hbm>>) dst(%arg6 : memref<40x128xi32, #tpu.memory_space<vmem>>)
      tpu.yield
    }) : () -> ()
    %dma_start3A_80 = arith.constant 0 : i32
    %dma_start3A_81 = arith.constant 0 : i32
    %dma_start3A_82 = tpu.memref_slice %arg6[%dma_start3A_80, %dma_start3A_81] : memref<40x128xi32, #tpu.memory_space<vmem>> -> memref<1x128xi32, #tpu.memory_space<vmem>>
    %dma_start3A_83 = tpu.memref_squeeze %dma_start3A_82 : memref<1x128xi32, #tpu.memory_space<vmem>> -> memref<128xi32, #tpu.memory_space<vmem>>
    %dma_start3A_84 = arith.constant 0 : i32
    %dma_start3A_85 = arith.constant 0 : i32
    %dma_start3A_86 = tpu.memref_slice %arg2[%dma_start3A_84, %dma_start3A_85] : memref<10000x128xf32, #tpu.memory_space<hbm>> -> memref<10000x128xf32, #tpu.memory_space<hbm>>
    tpu.enqueue_indirect_dma source(%dma_start3A_86 : memref<10000x128xf32, #tpu.memory_space<hbm>>) target(%arg8 : memref<128x128xf32, #tpu.memory_space<vmem>>) offsets(%dma_start3A_83 : memref<128xi32, #tpu.memory_space<vmem>>) semaphore(%arg11 : memref<!tpu.dma_semaphore, #tpu.memory_space<semaphore_mem>>)
    %dma_wait3A_87 = arith.constant 0 : i32
    %dma_wait3A_88 = arith.constant 0 : i32
    %dma_wait3A_89 = tpu.memref_slice %arg6[%dma_wait3A_87, %dma_wait3A_88] : memref<40x128xi32, #tpu.memory_space<vmem>> -> memref<1x128xi32, #tpu.memory_space<vmem>>
    %dma_wait3A_90 = tpu.memref_squeeze %dma_wait3A_89 : memref<1x128xi32, #tpu.memory_space<vmem>> -> memref<128xi32, #tpu.memory_space<vmem>>
    %dma_wait3A_91 = arith.constant 0 : i32
    %dma_wait3A_92 = arith.constant 0 : i32
    %dma_wait3A_93 = tpu.memref_slice %arg2[%dma_wait3A_91, %dma_wait3A_92] : memref<10000x128xf32, #tpu.memory_space<hbm>> -> memref<10000x128xf32, #tpu.memory_space<hbm>>
    tpu.wait_indirect_dma semaphore(%arg11 : memref<!tpu.dma_semaphore, #tpu.memory_space<semaphore_mem>>) src(%dma_wait3A_93 : memref<10000x128xf32, #tpu.memory_space<hbm>>) dst(%arg8 : memref<128x128xf32, #tpu.memory_space<vmem>>)
    %dma_start3A_94 = arith.constant 40 : i32
    %dma_start3A_95 = arith.constant 0 : i32
    %dma_start3A_96 = tpu.memref_slice %arg7[%dma_start3A_94, %dma_start3A_95] : memref<80x128xi32, #tpu.memory_space<vmem>> -> memref<1x128xi32, #tpu.memory_space<vmem>>
    %dma_start3A_97 = tpu.memref_squeeze %dma_start3A_96 : memref<1x128xi32, #tpu.memory_space<vmem>> -> memref<128xi32, #tpu.memory_space<vmem>>
    %dma_start3A_98 = arith.constant 0 : i32
    %dma_start3A_99 = arith.constant 0 : i32
    %dma_start3A_100 = tpu.memref_slice %arg10[%dma_start3A_98, %dma_start3A_99] : memref<10112x128xf32, #tpu.memory_space<vmem_shared>> -> memref<10112x128xf32, #tpu.memory_space<vmem_shared>>
    tpu.enqueue_indirect_dma source(%arg8 : memref<128x128xf32, #tpu.memory_space<vmem>>) target(%dma_start3A_100 : memref<10112x128xf32, #tpu.memory_space<vmem_shared>>) offsets(%dma_start3A_97 : memref<128xi32, #tpu.memory_space<vmem>>) semaphore(%arg13 : memref<!tpu.dma_semaphore, #tpu.memory_space<semaphore_mem>>) {add = true}
    %dma_start3A_101 = arith.constant 1 : i32
    %dma_start3A_102 = arith.constant 0 : i32
    %dma_start3A_103 = tpu.memref_slice %arg6[%dma_start3A_101, %dma_start3A_102] : memref<40x128xi32, #tpu.memory_space<vmem>> -> memref<1x128xi32, #tpu.memory_space<vmem>>
    %dma_start3A_104 = tpu.memref_squeeze %dma_start3A_103 : memref<1x128xi32, #tpu.memory_space<vmem>> -> memref<128xi32, #tpu.memory_space<vmem>>
    %dma_start3A_105 = arith.constant 0 : i32
    %dma_start3A_106 = arith.constant 0 : i32
    %dma_start3A_107 = tpu.memref_slice %arg2[%dma_start3A_105, %dma_start3A_106] : memref<10000x128xf32, #tpu.memory_space<hbm>> -> memref<10000x128xf32, #tpu.memory_space<hbm>>
    tpu.enqueue_indirect_dma source(%dma_start3A_107 : memref<10000x128xf32, #tpu.memory_space<hbm>>) target(%arg9 : memref<128x128xf32, #tpu.memory_space<vmem>>) offsets(%dma_start3A_104 : memref<128xi32, #tpu.memory_space<vmem>>) semaphore(%arg12 : memref<!tpu.dma_semaphore, #tpu.memory_space<semaphore_mem>>)
    %scan3A_108 = arith.constant 0 : i32
    %scan3A_109 = arith.constant 0 : i32
    %scan3A_110 = arith.constant 19 : i32
    %scan3A_111 = arith.addi %scan3A_109, %scan3A_110 : i32
    %scan3A_112 = arith.constant 1 : i32
    scf.for %scan3A_151 = %scan3A_109 to %scan3A_111 step %scan3A_112  : i32 {
      %mul3A_152 = arith.constant 2 : i32
      %mul3A_153 = arith.muli %mul3A_152, %scan3A_151 : i32
      %dma_wait3A_154 = arith.constant 0 : i32
      %dma_wait3A_155 = arith.constant 0 : i32
      %dma_wait3A_156 = tpu.memref_slice %arg6[%dma_wait3A_154, %dma_wait3A_155] : memref<40x128xi32, #tpu.memory_space<vmem>> -> memref<1x128xi32, #tpu.memory_space<vmem>>
      %dma_wait3A_157 = tpu.memref_squeeze %dma_wait3A_156 : memref<1x128xi32, #tpu.memory_space<vmem>> -> memref<128xi32, #tpu.memory_space<vmem>>
      %dma_wait3A_158 = arith.constant 0 : i32
      %dma_wait3A_159 = arith.constant 0 : i32
      %dma_wait3A_160 = tpu.memref_slice %arg2[%dma_wait3A_158, %dma_wait3A_159] : memref<10000x128xf32, #tpu.memory_space<hbm>> -> memref<10000x128xf32, #tpu.memory_space<hbm>>
      tpu.wait_indirect_dma semaphore(%arg12 : memref<!tpu.dma_semaphore, #tpu.memory_space<semaphore_mem>>) src(%dma_wait3A_160 : memref<10000x128xf32, #tpu.memory_space<hbm>>) dst(%arg9 : memref<128x128xf32, #tpu.memory_space<vmem>>)
      %add3A_161 = arith.constant 1 : i32
      %add3A_162 = arith.addi %mul3A_153, %add3A_161 : i32
      %add3A_163 = arith.constant 40 : i32
      %add3A_164 = arith.addi %add3A_163, %add3A_162 : i32
      %dma_start3A_165 = arith.constant 0 : i32
      %dma_start3A_166 = tpu.memref_slice %arg7[%add3A_164, %dma_start3A_165] : memref<80x128xi32, #tpu.memory_space<vmem>> -> memref<1x128xi32, #tpu.memory_space<vmem>>
      %dma_start3A_167 = tpu.memref_squeeze %dma_start3A_166 : memref<1x128xi32, #tpu.memory_space<vmem>> -> memref<128xi32, #tpu.memory_space<vmem>>
      %dma_start3A_168 = arith.constant 0 : i32
      %dma_start3A_169 = arith.constant 0 : i32
      %dma_start3A_170 = tpu.memref_slice %arg10[%dma_start3A_168, %dma_start3A_169] : memref<10112x128xf32, #tpu.memory_space<vmem_shared>> -> memref<10112x128xf32, #tpu.memory_space<vmem_shared>>
      tpu.enqueue_indirect_dma source(%arg9 : memref<128x128xf32, #tpu.memory_space<vmem>>) target(%dma_start3A_170 : memref<10112x128xf32, #tpu.memory_space<vmem_shared>>) offsets(%dma_start3A_167 : memref<128xi32, #tpu.memory_space<vmem>>) semaphore(%arg14 : memref<!tpu.dma_semaphore, #tpu.memory_space<semaphore_mem>>) {add = true}
      %dma_wait3A_171 = arith.constant 0 : i32
      %dma_wait3A_172 = arith.constant 0 : i32
      %dma_wait3A_173 = tpu.memref_slice %arg7[%dma_wait3A_171, %dma_wait3A_172] : memref<80x128xi32, #tpu.memory_space<vmem>> -> memref<1x128xi32, #tpu.memory_space<vmem>>
      %dma_wait3A_174 = tpu.memref_squeeze %dma_wait3A_173 : memref<1x128xi32, #tpu.memory_space<vmem>> -> memref<128xi32, #tpu.memory_space<vmem>>
      %dma_wait3A_175 = arith.constant 0 : i32
      %dma_wait3A_176 = arith.constant 0 : i32
      %dma_wait3A_177 = tpu.memref_slice %arg10[%dma_wait3A_175, %dma_wait3A_176] : memref<10112x128xf32, #tpu.memory_space<vmem_shared>> -> memref<10112x128xf32, #tpu.memory_space<vmem_shared>>
      tpu.wait_indirect_dma semaphore(%arg13 : memref<!tpu.dma_semaphore, #tpu.memory_space<semaphore_mem>>) src(%arg8 : memref<128x128xf32, #tpu.memory_space<vmem>>) dst(%dma_wait3A_177 : memref<10112x128xf32, #tpu.memory_space<vmem_shared>>)
      %add3A_178 = arith.constant 2 : i32
      %add3A_179 = arith.addi %mul3A_153, %add3A_178 : i32
      %dma_start3A_180 = arith.constant 0 : i32
      %dma_start3A_181 = tpu.memref_slice %arg6[%add3A_179, %dma_start3A_180] : memref<40x128xi32, #tpu.memory_space<vmem>> -> memref<1x128xi32, #tpu.memory_space<vmem>>
      %dma_start3A_182 = tpu.memref_squeeze %dma_start3A_181 : memref<1x128xi32, #tpu.memory_space<vmem>> -> memref<128xi32, #tpu.memory_space<vmem>>
      %dma_start3A_183 = arith.constant 0 : i32
      %dma_start3A_184 = arith.constant 0 : i32
      %dma_start3A_185 = tpu.memref_slice %arg2[%dma_start3A_183, %dma_start3A_184] : memref<10000x128xf32, #tpu.memory_space<hbm>> -> memref<10000x128xf32, #tpu.memory_space<hbm>>
      tpu.enqueue_indirect_dma source(%dma_start3A_185 : memref<10000x128xf32, #tpu.memory_space<hbm>>) target(%arg8 : memref<128x128xf32, #tpu.memory_space<vmem>>) offsets(%dma_start3A_182 : memref<128xi32, #tpu.memory_space<vmem>>) semaphore(%arg11 : memref<!tpu.dma_semaphore, #tpu.memory_space<semaphore_mem>>)
      %dma_wait3A_186 = arith.constant 0 : i32
      %dma_wait3A_187 = arith.constant 0 : i32
      %dma_wait3A_188 = tpu.memref_slice %arg6[%dma_wait3A_186, %dma_wait3A_187] : memref<40x128xi32, #tpu.memory_space<vmem>> -> memref<1x128xi32, #tpu.memory_space<vmem>>
      %dma_wait3A_189 = tpu.memref_squeeze %dma_wait3A_188 : memref<1x128xi32, #tpu.memory_space<vmem>> -> memref<128xi32, #tpu.memory_space<vmem>>
      %dma_wait3A_190 = arith.constant 0 : i32
      %dma_wait3A_191 = arith.constant 0 : i32
      %dma_wait3A_192 = tpu.memref_slice %arg2[%dma_wait3A_190, %dma_wait3A_191] : memref<10000x128xf32, #tpu.memory_space<hbm>> -> memref<10000x128xf32, #tpu.memory_space<hbm>>
      tpu.wait_indirect_dma semaphore(%arg11 : memref<!tpu.dma_semaphore, #tpu.memory_space<semaphore_mem>>) src(%dma_wait3A_192 : memref<10000x128xf32, #tpu.memory_space<hbm>>) dst(%arg8 : memref<128x128xf32, #tpu.memory_space<vmem>>)
      %add3A_193 = arith.constant 2 : i32
      %add3A_194 = arith.addi %mul3A_153, %add3A_193 : i32
      %add3A_195 = arith.constant 40 : i32
      %add3A_196 = arith.addi %add3A_195, %add3A_194 : i32
      %dma_start3A_197 = arith.constant 0 : i32
      %dma_start3A_198 = tpu.memref_slice %arg7[%add3A_196, %dma_start3A_197] : memref<80x128xi32, #tpu.memory_space<vmem>> -> memref<1x128xi32, #tpu.memory_space<vmem>>
      %dma_start3A_199 = tpu.memref_squeeze %dma_start3A_198 : memref<1x128xi32, #tpu.memory_space<vmem>> -> memref<128xi32, #tpu.memory_space<vmem>>
      %dma_start3A_200 = arith.constant 0 : i32
      %dma_start3A_201 = arith.constant 0 : i32
      %dma_start3A_202 = tpu.memref_slice %arg10[%dma_start3A_200, %dma_start3A_201] : memref<10112x128xf32, #tpu.memory_space<vmem_shared>> -> memref<10112x128xf32, #tpu.memory_space<vmem_shared>>
      tpu.enqueue_indirect_dma source(%arg8 : memref<128x128xf32, #tpu.memory_space<vmem>>) target(%dma_start3A_202 : memref<10112x128xf32, #tpu.memory_space<vmem_shared>>) offsets(%dma_start3A_199 : memref<128xi32, #tpu.memory_space<vmem>>) semaphore(%arg13 : memref<!tpu.dma_semaphore, #tpu.memory_space<semaphore_mem>>) {add = true}
      %dma_wait3A_203 = arith.constant 0 : i32
      %dma_wait3A_204 = arith.constant 0 : i32
      %dma_wait3A_205 = tpu.memref_slice %arg7[%dma_wait3A_203, %dma_wait3A_204] : memref<80x128xi32, #tpu.memory_space<vmem>> -> memref<1x128xi32, #tpu.memory_space<vmem>>
      %dma_wait3A_206 = tpu.memref_squeeze %dma_wait3A_205 : memref<1x128xi32, #tpu.memory_space<vmem>> -> memref<128xi32, #tpu.memory_space<vmem>>
      %dma_wait3A_207 = arith.constant 0 : i32
      %dma_wait3A_208 = arith.constant 0 : i32
      %dma_wait3A_209 = tpu.memref_slice %arg10[%dma_wait3A_207, %dma_wait3A_208] : memref<10112x128xf32, #tpu.memory_space<vmem_shared>> -> memref<10112x128xf32, #tpu.memory_space<vmem_shared>>
      tpu.wait_indirect_dma semaphore(%arg14 : memref<!tpu.dma_semaphore, #tpu.memory_space<semaphore_mem>>) src(%arg9 : memref<128x128xf32, #tpu.memory_space<vmem>>) dst(%dma_wait3A_209 : memref<10112x128xf32, #tpu.memory_space<vmem_shared>>)
      %add3A_210 = arith.constant 3 : i32
      %add3A_211 = arith.addi %mul3A_153, %add3A_210 : i32
      %dma_start3A_212 = arith.constant 0 : i32
      %dma_start3A_213 = tpu.memref_slice %arg6[%add3A_211, %dma_start3A_212] : memref<40x128xi32, #tpu.memory_space<vmem>> -> memref<1x128xi32, #tpu.memory_space<vmem>>
      %dma_start3A_214 = tpu.memref_squeeze %dma_start3A_213 : memref<1x128xi32, #tpu.memory_space<vmem>> -> memref<128xi32, #tpu.memory_space<vmem>>
      %dma_start3A_215 = arith.constant 0 : i32
      %dma_start3A_216 = arith.constant 0 : i32
      %dma_start3A_217 = tpu.memref_slice %arg2[%dma_start3A_215, %dma_start3A_216] : memref<10000x128xf32, #tpu.memory_space<hbm>> -> memref<10000x128xf32, #tpu.memory_space<hbm>>
      tpu.enqueue_indirect_dma source(%dma_start3A_217 : memref<10000x128xf32, #tpu.memory_space<hbm>>) target(%arg9 : memref<128x128xf32, #tpu.memory_space<vmem>>) offsets(%dma_start3A_214 : memref<128xi32, #tpu.memory_space<vmem>>) semaphore(%arg12 : memref<!tpu.dma_semaphore, #tpu.memory_space<semaphore_mem>>)
    }
    %scan3A_113 = arith.constant 19 : i32
    %dma_wait3A_114 = arith.constant 0 : i32
    %dma_wait3A_115 = arith.constant 0 : i32
    %dma_wait3A_116 = tpu.memref_slice %arg6[%dma_wait3A_114, %dma_wait3A_115] : memref<40x128xi32, #tpu.memory_space<vmem>> -> memref<1x128xi32, #tpu.memory_space<vmem>>
    %dma_wait3A_117 = tpu.memref_squeeze %dma_wait3A_116 : memref<1x128xi32, #tpu.memory_space<vmem>> -> memref<128xi32, #tpu.memory_space<vmem>>
    %dma_wait3A_118 = arith.constant 0 : i32
    %dma_wait3A_119 = arith.constant 0 : i32
    %dma_wait3A_120 = tpu.memref_slice %arg2[%dma_wait3A_118, %dma_wait3A_119] : memref<10000x128xf32, #tpu.memory_space<hbm>> -> memref<10000x128xf32, #tpu.memory_space<hbm>>
    tpu.wait_indirect_dma semaphore(%arg12 : memref<!tpu.dma_semaphore, #tpu.memory_space<semaphore_mem>>) src(%dma_wait3A_120 : memref<10000x128xf32, #tpu.memory_space<hbm>>) dst(%arg9 : memref<128x128xf32, #tpu.memory_space<vmem>>)
    %dma_start3A_121 = arith.constant 79 : i32
    %dma_start3A_122 = arith.constant 0 : i32
    %dma_start3A_123 = tpu.memref_slice %arg7[%dma_start3A_121, %dma_start3A_122] : memref<80x128xi32, #tpu.memory_space<vmem>> -> memref<1x128xi32, #tpu.memory_space<vmem>>
    %dma_start3A_124 = tpu.memref_squeeze %dma_start3A_123 : memref<1x128xi32, #tpu.memory_space<vmem>> -> memref<128xi32, #tpu.memory_space<vmem>>
    %dma_start3A_125 = arith.constant 0 : i32
    %dma_start3A_126 = arith.constant 0 : i32
    %dma_start3A_127 = tpu.memref_slice %arg10[%dma_start3A_125, %dma_start3A_126] : memref<10112x128xf32, #tpu.memory_space<vmem_shared>> -> memref<10112x128xf32, #tpu.memory_space<vmem_shared>>
    tpu.enqueue_indirect_dma source(%arg9 : memref<128x128xf32, #tpu.memory_space<vmem>>) target(%dma_start3A_127 : memref<10112x128xf32, #tpu.memory_space<vmem_shared>>) offsets(%dma_start3A_124 : memref<128xi32, #tpu.memory_space<vmem>>) semaphore(%arg14 : memref<!tpu.dma_semaphore, #tpu.memory_space<semaphore_mem>>) {add = true}
    %dma_wait3A_128 = arith.constant 0 : i32
    %dma_wait3A_129 = arith.constant 0 : i32
    %dma_wait3A_130 = tpu.memref_slice %arg7[%dma_wait3A_128, %dma_wait3A_129] : memref<80x128xi32, #tpu.memory_space<vmem>> -> memref<1x128xi32, #tpu.memory_space<vmem>>
    %dma_wait3A_131 = tpu.memref_squeeze %dma_wait3A_130 : memref<1x128xi32, #tpu.memory_space<vmem>> -> memref<128xi32, #tpu.memory_space<vmem>>
    %dma_wait3A_132 = arith.constant 0 : i32
    %dma_wait3A_133 = arith.constant 0 : i32
    %dma_wait3A_134 = tpu.memref_slice %arg10[%dma_wait3A_132, %dma_wait3A_133] : memref<10112x128xf32, #tpu.memory_space<vmem_shared>> -> memref<10112x128xf32, #tpu.memory_space<vmem_shared>>
    tpu.wait_indirect_dma semaphore(%arg13 : memref<!tpu.dma_semaphore, #tpu.memory_space<semaphore_mem>>) src(%arg8 : memref<128x128xf32, #tpu.memory_space<vmem>>) dst(%dma_wait3A_134 : memref<10112x128xf32, #tpu.memory_space<vmem_shared>>)
    %dma_wait3A_135 = arith.constant 0 : i32
    %dma_wait3A_136 = arith.constant 0 : i32
    %dma_wait3A_137 = tpu.memref_slice %arg7[%dma_wait3A_135, %dma_wait3A_136] : memref<80x128xi32, #tpu.memory_space<vmem>> -> memref<1x128xi32, #tpu.memory_space<vmem>>
    %dma_wait3A_138 = tpu.memref_squeeze %dma_wait3A_137 : memref<1x128xi32, #tpu.memory_space<vmem>> -> memref<128xi32, #tpu.memory_space<vmem>>
    %dma_wait3A_139 = arith.constant 0 : i32
    %dma_wait3A_140 = arith.constant 0 : i32
    %dma_wait3A_141 = tpu.memref_slice %arg10[%dma_wait3A_139, %dma_wait3A_140] : memref<10112x128xf32, #tpu.memory_space<vmem_shared>> -> memref<10112x128xf32, #tpu.memory_space<vmem_shared>>
    tpu.wait_indirect_dma semaphore(%arg14 : memref<!tpu.dma_semaphore, #tpu.memory_space<semaphore_mem>>) src(%arg9 : memref<128x128xf32, #tpu.memory_space<vmem>>) dst(%dma_wait3A_141 : memref<10112x128xf32, #tpu.memory_space<vmem_shared>>)
    %barrier3A_142 = arith.constant 0 : index
    tpu.barrier barrier_id(%barrier3A_142)
    %mul3A_143 = arith.constant 632 : i32
    %mul3A_144 = arith.muli %arg1, %mul3A_143 : i32
    %lt3A = arith.constant 15 : i32
    %lt3A_145 = arith.cmpi slt, %arg1, %lt3A : i32
    %convert_element_type3A = arith.extui %lt3A_145 : i1 to i32
    %cond3A = arith.constant 0 : i32
    %cond3A_146 = arith.cmpi ne, %convert_element_type3A, %cond3A : i32
    scf.if %cond3A_146 {
      "tpu.region"() ({
        %run_scoped3A = tpu.sem_alloc : memref<!tpu.dma_semaphore, #tpu.memory_space<semaphore_mem>>
        %dma_start3A_151 = arith.constant 0 : i32
        %dma_start3A_152 = tpu.memref_slice %arg5[%arg0, %mul3A_144, %dma_start3A_151] : memref<2x10000x128xf32, #tpu.memory_space<hbm>> -> memref<1x632x128xf32, #tpu.memory_space<hbm>>
        %dma_start3A_153 = tpu.memref_squeeze %dma_start3A_152 : memref<1x632x128xf32, #tpu.memory_space<hbm>> -> memref<632x128xf32, #tpu.memory_space<hbm>>
        %dma_start3A_154 = arith.constant 0 : i32
        %dma_start3A_155 = tpu.memref_slice %arg10[%mul3A_144, %dma_start3A_154] : memref<10112x128xf32, #tpu.memory_space<vmem_shared>> -> memref<632x128xf32, #tpu.memory_space<vmem_shared>>
        tpu.enqueue_dma source(%dma_start3A_155 : memref<632x128xf32, #tpu.memory_space<vmem_shared>>) target(%dma_start3A_153 : memref<632x128xf32, #tpu.memory_space<hbm>>) target_semaphore(%run_scoped3A : memref<!tpu.dma_semaphore, #tpu.memory_space<semaphore_mem>>)
        %dma_wait3A_156 = arith.constant 0 : i32
        %dma_wait3A_157 = tpu.memref_slice %arg5[%arg0, %mul3A_144, %dma_wait3A_156] : memref<2x10000x128xf32, #tpu.memory_space<hbm>> -> memref<1x632x128xf32, #tpu.memory_space<hbm>>
        %dma_wait3A_158 = tpu.memref_squeeze %dma_wait3A_157 : memref<1x632x128xf32, #tpu.memory_space<hbm>> -> memref<632x128xf32, #tpu.memory_space<hbm>>
        %dma_wait3A_159 = arith.constant 0 : i32
        %dma_wait3A_160 = tpu.memref_slice %arg10[%mul3A_144, %dma_wait3A_159] : memref<10112x128xf32, #tpu.memory_space<vmem_shared>> -> memref<632x128xf32, #tpu.memory_space<vmem_shared>>
        tpu.wait_dma2 semaphore(%run_scoped3A : memref<!tpu.dma_semaphore, #tpu.memory_space<semaphore_mem>>) src(%dma_wait3A_160 : memref<632x128xf32, #tpu.memory_space<vmem_shared>>) dst(%dma_wait3A_158 : memref<632x128xf32, #tpu.memory_space<hbm>>)
        tpu.yield
      }) : () -> ()
    } else {
    }
    %eq3A = arith.constant 15 : i32
    %eq3A_147 = arith.cmpi eq, %arg1, %eq3A : i32
    %convert_element_type3A_148 = arith.extui %eq3A_147 : i1 to i32
    %cond3A_149 = arith.constant 0 : i32
    %cond3A_150 = arith.cmpi ne, %convert_element_type3A_148, %cond3A_149 : i32
    scf.if %cond3A_150 {
      "tpu.region"() ({
        %run_scoped3A = tpu.sem_alloc : memref<!tpu.dma_semaphore, #tpu.memory_space<semaphore_mem>>
        %dma_start3A_151 = arith.constant 0 : i32
        %dma_start3A_152 = tpu.memref_slice %arg5[%arg0, %mul3A_144, %dma_start3A_151] : memref<2x10000x128xf32, #tpu.memory_space<hbm>> -> memref<1x520x128xf32, #tpu.memory_space<hbm>>
        %dma_start3A_153 = tpu.memref_squeeze %dma_start3A_152 : memref<1x520x128xf32, #tpu.memory_space<hbm>> -> memref<520x128xf32, #tpu.memory_space<hbm>>
        %dma_start3A_154 = arith.constant 0 : i32
        %dma_start3A_155 = tpu.memref_slice %arg10[%mul3A_144, %dma_start3A_154] : memref<10112x128xf32, #tpu.memory_space<vmem_shared>> -> memref<520x128xf32, #tpu.memory_space<vmem_shared>>
        tpu.enqueue_dma source(%dma_start3A_155 : memref<520x128xf32, #tpu.memory_space<vmem_shared>>) target(%dma_start3A_153 : memref<520x128xf32, #tpu.memory_space<hbm>>) target_semaphore(%run_scoped3A : memref<!tpu.dma_semaphore, #tpu.memory_space<semaphore_mem>>)
        %dma_wait3A_156 = arith.constant 0 : i32
        %dma_wait3A_157 = tpu.memref_slice %arg5[%arg0, %mul3A_144, %dma_wait3A_156] : memref<2x10000x128xf32, #tpu.memory_space<hbm>> -> memref<1x520x128xf32, #tpu.memory_space<hbm>>
        %dma_wait3A_158 = tpu.memref_squeeze %dma_wait3A_157 : memref<1x520x128xf32, #tpu.memory_space<hbm>> -> memref<520x128xf32, #tpu.memory_space<hbm>>
        %dma_wait3A_159 = arith.constant 0 : i32
        %dma_wait3A_160 = tpu.memref_slice %arg10[%mul3A_144, %dma_wait3A_159] : memref<10112x128xf32, #tpu.memory_space<vmem_shared>> -> memref<520x128xf32, #tpu.memory_space<vmem_shared>>
        tpu.wait_dma2 semaphore(%run_scoped3A : memref<!tpu.dma_semaphore, #tpu.memory_space<semaphore_mem>>) src(%dma_wait3A_160 : memref<520x128xf32, #tpu.memory_space<vmem_shared>>) dst(%dma_wait3A_158 : memref<520x128xf32, #tpu.memory_space<hbm>>)
        tpu.yield
      }) : () -> ()
    } else {
    }
    return
  }
}

module attributes {stable_mosaic.version = 14 : i64} {
  func.func @_tc_body(%arg0: i32, %arg1: memref<2x1000x128xf32, #tpu.memory_space<vmem>>, %arg2: memref<1000x32xf32, #tpu.memory_space<vmem>>, %arg3: memref<1000x128xf32, #tpu.memory_space<vmem>>, %arg4: memref<128x128xf32, #tpu.memory_space<vmem>>, %arg5: memref<128x128xf32, #tpu.memory_space<vmem>>, %arg6: memref<1x128xf32, #tpu.memory_space<vmem>>, %arg7: memref<1000x128xf32, #tpu.memory_space<vmem>>) attributes {dimension_semantics = [#tpu.dimension_semantics<arbitrary>], iteration_bounds = array<i64: 10>, scalar_prefetch = 0 : i64, scratch_operands = 0 : i64, tpu.core_type = #tpu.core_type<tc>, window_params = [{transform_indices = @transform_0, window_bounds = array<i64: 2, 1000, 128>}, {transform_indices = @transform_1, window_bounds = array<i64: 1000, 32>}, {transform_indices = @transform_2, window_bounds = array<i64: 1000, 128>}, {pipeline_mode = #tpu.pipeline_mode<synchronous>, transform_indices = @transform_3, window_bounds = array<i64: 128, 128>}, {pipeline_mode = #tpu.pipeline_mode<synchronous>, transform_indices = @transform_4, window_bounds = array<i64: 128, 128>}, {pipeline_mode = #tpu.pipeline_mode<synchronous>, transform_indices = @transform_5, window_bounds = array<i64: 1, 128>}, {transform_indices = @transform_6, window_bounds = array<i64: 1000, 128>}]} {
    %get3A = arith.constant 0 : index
    %get3A_0 = arith.constant 0 : index
    %get3A_1 = vector.load %arg2[%get3A, %get3A_0] : memref<1000x32xf32, #tpu.memory_space<vmem>>, vector<1000x32xf32>
    %reduce_sum3A = arith.constant dense<0.000000e+00> : vector<1000xf32>
    %reduce_sum3A_2 = vector.multi_reduction <add>, %get3A_1, %reduce_sum3A [1] : vector<1000x32xf32> to vector<1000xf32>
    %broadcast_in_dim3A = vector.shape_cast %reduce_sum3A_2 : vector<1000xf32> to vector<1000x1xf32>
    %max3A = arith.constant 1.000000e+00 : f32
    %max3A_3 = vector.broadcast %max3A : f32 to vector<1000x1xf32>
    %max3A_4 = arith.maximumf %broadcast_in_dim3A, %max3A_3 : vector<1000x1xf32>
    %div3A = arith.constant 1.000000e+00 : f32
    %div3A_5 = vector.broadcast %div3A : f32 to vector<1000x1xf32>
    %div3A_6 = arith.divf %div3A_5, %max3A_4 : vector<1000x1xf32>
    %get3A_7 = arith.constant 0 : index
    %get3A_8 = arith.constant 0 : index
    %get3A_9 = arith.constant 0 : index
    %get3A_10 = vector.load %arg1[%get3A_7, %get3A_8, %get3A_9] : memref<2x1000x128xf32, #tpu.memory_space<vmem>>, vector<1x1000x128xf32>
    %get3A_11 = vector.shape_cast %get3A_10 : vector<1x1000x128xf32> to vector<1000x128xf32>
    %get3A_12 = arith.constant 1 : index
    %get3A_13 = arith.constant 0 : index
    %get3A_14 = arith.constant 0 : index
    %get3A_15 = vector.load %arg1[%get3A_12, %get3A_13, %get3A_14] : memref<2x1000x128xf32, #tpu.memory_space<vmem>>, vector<1x1000x128xf32>
    %get3A_16 = vector.shape_cast %get3A_15 : vector<1x1000x128xf32> to vector<1000x128xf32>
    %add3A = arith.addf %get3A_11, %get3A_16 : vector<1000x128xf32>
    %mul3A = vector.broadcast %div3A_6 : vector<1000x1xf32> to vector<1000x128xf32>
    %mul3A_17 = arith.mulf %add3A, %mul3A : vector<1000x128xf32>
    %get3A_18 = arith.constant 0 : index
    %get3A_19 = arith.constant 0 : index
    %get3A_20 = vector.load %arg4[%get3A_18, %get3A_19] : memref<128x128xf32, #tpu.memory_space<vmem>>, vector<128x128xf32>
    %dot_general3A = arith.constant dense<0.000000e+00> : vector<1000x128xf32>
    %dot_general3A_21 = tpu.matmul %mul3A_17, %get3A_20, %dot_general3A {dimension_numbers = #tpu.dot_dimension_numbers<[1], [0], [0], [1], [0, 0, 1, 1], [], []>, transpose_lhs_hint = false} : vector<1000x128xf32>, vector<128x128xf32>, vector<1000x128xf32> -> vector<1000x128xf32>
    %get3A_22 = arith.constant 0 : index
    %get3A_23 = arith.constant 0 : index
    %get3A_24 = vector.load %arg3[%get3A_22, %get3A_23] : memref<1000x128xf32, #tpu.memory_space<vmem>>, vector<1000x128xf32>
    %get3A_25 = arith.constant 0 : index
    %get3A_26 = arith.constant 0 : index
    %get3A_27 = vector.load %arg5[%get3A_25, %get3A_26] : memref<128x128xf32, #tpu.memory_space<vmem>>, vector<128x128xf32>
    %dot_general3A_28 = arith.constant dense<0.000000e+00> : vector<1000x128xf32>
    %dot_general3A_29 = tpu.matmul %get3A_24, %get3A_27, %dot_general3A_28 {dimension_numbers = #tpu.dot_dimension_numbers<[1], [0], [0], [1], [0, 0, 1, 1], [], []>, transpose_lhs_hint = false} : vector<1000x128xf32>, vector<128x128xf32>, vector<1000x128xf32> -> vector<1000x128xf32>
    %add3A_30 = arith.addf %dot_general3A_21, %dot_general3A_29 : vector<1000x128xf32>
    %get3A_31 = arith.constant 0 : index
    %get3A_32 = arith.constant 0 : index
    %get3A_33 = vector.load %arg6[%get3A_31, %get3A_32] : memref<1x128xf32, #tpu.memory_space<vmem>>, vector<1x128xf32>
    %add3A_34 = vector.broadcast %get3A_33 : vector<1x128xf32> to vector<1000x128xf32>
    %add3A_35 = arith.addf %add3A_30, %add3A_34 : vector<1000x128xf32>
    %max3A_36 = arith.constant 0.000000e+00 : f32
    %max3A_37 = vector.broadcast %max3A_36 : f32 to vector<1000x128xf32>
    %max3A_38 = arith.maximumf %add3A_35, %max3A_37 : vector<1000x128xf32>
    %swap3A = arith.constant 0 : index
    %swap3A_39 = arith.constant 0 : index
    %swap3A_40 = vector.load %arg7[%swap3A, %swap3A_39] : memref<1000x128xf32, #tpu.memory_space<vmem>>, vector<1000x128xf32>
    tpu.vector_store %arg7[%swap3A, %swap3A_39], %max3A_38 {strides = array<i32>} : memref<1000x128xf32, #tpu.memory_space<vmem>>, vector<1000x128xf32>,
    return
  }
  func.func @transform_0(%arg0: i32) -> (i32, i32, i32) {
    %c0_i32 = arith.constant 0 : i32
    %c0_i32_0 = arith.constant 0 : i32
    %c0_i32_1 = arith.constant 0 : i32
    return %c0_i32, %arg0, %c0_i32_0 : i32, i32, i32
  }
  func.func @transform_1(%arg0: i32) -> (i32, i32) {
    %c0_i32 = arith.constant 0 : i32
    %c0_i32_0 = arith.constant 0 : i32
    return %arg0, %c0_i32 : i32, i32
  }
  func.func @transform_2(%arg0: i32) -> (i32, i32) {
    %c0_i32 = arith.constant 0 : i32
    %c0_i32_0 = arith.constant 0 : i32
    return %arg0, %c0_i32 : i32, i32
  }
  func.func @transform_3(%arg0: i32) -> (i32, i32) {
    %c0_i32 = arith.constant 0 : i32
    %c0_i32_0 = arith.constant 0 : i32
    %c0_i32_1 = arith.constant 0 : i32
    return %c0_i32, %c0_i32_0 : i32, i32
  }
  func.func @transform_4(%arg0: i32) -> (i32, i32) {
    %c0_i32 = arith.constant 0 : i32
    %c0_i32_0 = arith.constant 0 : i32
    %c0_i32_1 = arith.constant 0 : i32
    return %c0_i32, %c0_i32_0 : i32, i32
  }
  func.func @transform_5(%arg0: i32) -> (i32, i32) {
    %c0_i32 = arith.constant 0 : i32
    %c0_i32_0 = arith.constant 0 : i32
    %c0_i32_1 = arith.constant 0 : i32
    return %c0_i32, %c0_i32_0 : i32, i32
  }
  func.func @transform_6(%arg0: i32) -> (i32, i32) {
    %c0_i32 = arith.constant 0 : i32
    %c0_i32_0 = arith.constant 0 : i32
    return %arg0, %c0_i32 : i32, i32
  }
}

module attributes {stable_mosaic.version = 14 : i64} {
  func.func @_tc_body(%arg0: i32, %arg1: memref<2x1000x128xf32, #tpu.memory_space<vmem>>, %arg2: memref<1000x32xf32, #tpu.memory_space<vmem>>, %arg3: memref<1000x128xf32, #tpu.memory_space<vmem>>, %arg4: memref<128x128xf32, #tpu.memory_space<vmem>>, %arg5: memref<128x128xf32, #tpu.memory_space<vmem>>, %arg6: memref<1x128xf32, #tpu.memory_space<vmem>>, %arg7: memref<1000x128xf32, #tpu.memory_space<vmem>>) attributes {dimension_semantics = [#tpu.dimension_semantics<arbitrary>], iteration_bounds = array<i64: 10>, scalar_prefetch = 0 : i64, scratch_operands = 0 : i64, tpu.core_type = #tpu.core_type<tc>, window_params = [{transform_indices = @transform_0, window_bounds = array<i64: 2, 1000, 128>}, {transform_indices = @transform_1, window_bounds = array<i64: 1000, 32>}, {transform_indices = @transform_2, window_bounds = array<i64: 1000, 128>}, {pipeline_mode = #tpu.pipeline_mode<synchronous>, transform_indices = @transform_3, window_bounds = array<i64: 128, 128>}, {pipeline_mode = #tpu.pipeline_mode<synchronous>, transform_indices = @transform_4, window_bounds = array<i64: 128, 128>}, {pipeline_mode = #tpu.pipeline_mode<synchronous>, transform_indices = @transform_5, window_bounds = array<i64: 1, 128>}, {transform_indices = @transform_6, window_bounds = array<i64: 1000, 128>}]} {
    %get3A = arith.constant 0 : index
    %get3A_0 = arith.constant 0 : index
    %get3A_1 = vector.load %arg2[%get3A, %get3A_0] : memref<1000x32xf32, #tpu.memory_space<vmem>>, vector<1000x32xf32>
    %reduce_sum3A = arith.constant dense<0.000000e+00> : vector<1000xf32>
    %reduce_sum3A_2 = vector.multi_reduction <add>, %get3A_1, %reduce_sum3A [1] : vector<1000x32xf32> to vector<1000xf32>
    %broadcast_in_dim3A = vector.shape_cast %reduce_sum3A_2 : vector<1000xf32> to vector<1000x1xf32>
    %max3A = arith.constant 1.000000e+00 : f32
    %max3A_3 = vector.broadcast %max3A : f32 to vector<1000x1xf32>
    %max3A_4 = arith.maximumf %broadcast_in_dim3A, %max3A_3 : vector<1000x1xf32>
    %div3A = arith.constant 1.000000e+00 : f32
    %div3A_5 = vector.broadcast %div3A : f32 to vector<1000x1xf32>
    %div3A_6 = arith.divf %div3A_5, %max3A_4 : vector<1000x1xf32>
    %get3A_7 = arith.constant 0 : index
    %get3A_8 = arith.constant 0 : index
    %get3A_9 = arith.constant 0 : index
    %get3A_10 = vector.load %arg1[%get3A_7, %get3A_8, %get3A_9] : memref<2x1000x128xf32, #tpu.memory_space<vmem>>, vector<1x1000x128xf32>
    %get3A_11 = vector.shape_cast %get3A_10 : vector<1x1000x128xf32> to vector<1000x128xf32>
    %get3A_12 = arith.constant 1 : index
    %get3A_13 = arith.constant 0 : index
    %get3A_14 = arith.constant 0 : index
    %get3A_15 = vector.load %arg1[%get3A_12, %get3A_13, %get3A_14] : memref<2x1000x128xf32, #tpu.memory_space<vmem>>, vector<1x1000x128xf32>
    %get3A_16 = vector.shape_cast %get3A_15 : vector<1x1000x128xf32> to vector<1000x128xf32>
    %add3A = arith.addf %get3A_11, %get3A_16 : vector<1000x128xf32>
    %mul3A = vector.broadcast %div3A_6 : vector<1000x1xf32> to vector<1000x128xf32>
    %mul3A_17 = arith.mulf %add3A, %mul3A : vector<1000x128xf32>
    %get3A_18 = arith.constant 0 : index
    %get3A_19 = arith.constant 0 : index
    %get3A_20 = vector.load %arg4[%get3A_18, %get3A_19] : memref<128x128xf32, #tpu.memory_space<vmem>>, vector<128x128xf32>
    %dot_general3A = arith.constant dense<0.000000e+00> : vector<1000x128xf32>
    %dot_general3A_21 = tpu.matmul %mul3A_17, %get3A_20, %dot_general3A {dimension_numbers = #tpu.dot_dimension_numbers<[1], [0], [0], [1], [0, 0, 1, 1], [], []>, transpose_lhs_hint = false} : vector<1000x128xf32>, vector<128x128xf32>, vector<1000x128xf32> -> vector<1000x128xf32>
    %get3A_22 = arith.constant 0 : index
    %get3A_23 = arith.constant 0 : index
    %get3A_24 = vector.load %arg3[%get3A_22, %get3A_23] : memref<1000x128xf32, #tpu.memory_space<vmem>>, vector<1000x128xf32>
    %get3A_25 = arith.constant 0 : index
    %get3A_26 = arith.constant 0 : index
    %get3A_27 = vector.load %arg5[%get3A_25, %get3A_26] : memref<128x128xf32, #tpu.memory_space<vmem>>, vector<128x128xf32>
    %dot_general3A_28 = arith.constant dense<0.000000e+00> : vector<1000x128xf32>
    %dot_general3A_29 = tpu.matmul %get3A_24, %get3A_27, %dot_general3A_28 {dimension_numbers = #tpu.dot_dimension_numbers<[1], [0], [0], [1], [0, 0, 1, 1], [], []>, transpose_lhs_hint = false} : vector<1000x128xf32>, vector<128x128xf32>, vector<1000x128xf32> -> vector<1000x128xf32>
    %add3A_30 = arith.addf %dot_general3A_21, %dot_general3A_29 : vector<1000x128xf32>
    %get3A_31 = arith.constant 0 : index
    %get3A_32 = arith.constant 0 : index
    %get3A_33 = vector.load %arg6[%get3A_31, %get3A_32] : memref<1x128xf32, #tpu.memory_space<vmem>>, vector<1x128xf32>
    %add3A_34 = vector.broadcast %get3A_33 : vector<1x128xf32> to vector<1000x128xf32>
    %add3A_35 = arith.addf %add3A_30, %add3A_34 : vector<1000x128xf32>
    %swap3A = arith.constant 0 : index
    %swap3A_36 = arith.constant 0 : index
    %swap3A_37 = vector.load %arg7[%swap3A, %swap3A_36] : memref<1000x128xf32, #tpu.memory_space<vmem>>, vector<1000x128xf32>
    tpu.vector_store %arg7[%swap3A, %swap3A_36], %add3A_35 {strides = array<i32>} : memref<1000x128xf32, #tpu.memory_space<vmem>>, vector<1000x128xf32>,
    return
  }
  func.func @transform_0(%arg0: i32) -> (i32, i32, i32) {
    %c0_i32 = arith.constant 0 : i32
    %c0_i32_0 = arith.constant 0 : i32
    %c0_i32_1 = arith.constant 0 : i32
    return %c0_i32, %arg0, %c0_i32_0 : i32, i32, i32
  }
  func.func @transform_1(%arg0: i32) -> (i32, i32) {
    %c0_i32 = arith.constant 0 : i32
    %c0_i32_0 = arith.constant 0 : i32
    return %arg0, %c0_i32 : i32, i32
  }
  func.func @transform_2(%arg0: i32) -> (i32, i32) {
    %c0_i32 = arith.constant 0 : i32
    %c0_i32_0 = arith.constant 0 : i32
    return %arg0, %c0_i32 : i32, i32
  }
  func.func @transform_3(%arg0: i32) -> (i32, i32) {
    %c0_i32 = arith.constant 0 : i32
    %c0_i32_0 = arith.constant 0 : i32
    %c0_i32_1 = arith.constant 0 : i32
    return %c0_i32, %c0_i32_0 : i32, i32
  }
  func.func @transform_4(%arg0: i32) -> (i32, i32) {
    %c0_i32 = arith.constant 0 : i32
    %c0_i32_0 = arith.constant 0 : i32
    %c0_i32_1 = arith.constant 0 : i32
    return %c0_i32, %c0_i32_0 : i32, i32
  }
  func.func @transform_5(%arg0: i32) -> (i32, i32) {
    %c0_i32 = arith.constant 0 : i32
    %c0_i32_0 = arith.constant 0 : i32
    %c0_i32_1 = arith.constant 0 : i32
    return %c0_i32, %c0_i32_0 : i32, i32
  }
  func.func @transform_6(%arg0: i32) -> (i32, i32) {
    %c0_i32 = arith.constant 0 : i32
    %c0_i32_0 = arith.constant 0 : i32
    return %arg0, %c0_i32 : i32, i32
  }
}

</mosaic_0001>

<sc_bundles>
// kernel: kernel.11.cloned.1.call-start
scs
__scs_entry_jumppad:
0x0: {  	(pc) =	sbr.rel $0x88, $3  }
0x1: {  	(tag) =	ssettag $0x0;
	lr =	simm.s32 $0x1  }
0x2: {  	[smem:$0x3F96] =	sst lr;
	_ =	strace $0xD0000000  }
0x3: {  	_ = 	snop  }
0x4: {  	_ = 	snop  }
0x5: {  	_ = 	snop  }
0x6: {  	_ = 	snop  }
0x7: {  	_ = 	snop  }
__scs_overlays_trampoline_lowered:
0x8: {  	[smem:$0x3FA5] =	sst s0  }
0x9: {  	[smem:$0x3FA6] =	sst s1  }
0xa: {  	[smem:$0x3FA7] =	sst s2  }
0xb: {  	[smem:$0x3FA8] =	sst s3  }
0xc: {  	[smem:$0x3FA9] =	sst s4  }
0xd: {  	[smem:$0x3FAA] =	sst s5  }
0xe: {  	[smem:$0x3FAB] =	sst s6  }
0xf: {  	[smem:$0x3FAC] =	sst s7  }
0x10: {  	[smem:$0x3FAD] =	sst s8  }
0x11: {  	[smem:$0x3FAE] =	sst s9;
	s0 =	simm.s32 @!p0 $0x0  }
0x12: {  	s1 =	sld [smem:$0x3F94];
	s0 =	simm.s32 @p0 $0x1  }
0x13: {  	[smem:$0x3FAF] =	sst s0;
	s0 =	simm.s32 @!p1 $0x0  }
0x14: {  	s2 =	sld [smem:$0x3F93];
	s0 =	simm.s32 @p1 $0x1  }
0x15: {  	[smem:$0x3FB0] =	sst s0;
	s0 =	simm.s32 @!p2 $0x0  }
0x16: {  	s3 =	sld [smem:$0x3FDB];
	s0 =	simm.s32 @p2 $0x1  }
0x17: {  	s4 =	simm.s32 $0x1BF5;
	[smem:$0x3FB2] =	sst s0  }
0x18: {  	s0 =	sld [smem:$0x3F95];
	_ =	swait.ge [sflag:s4], $0x0  }
0x19: {  	s7 =	sld [smem:$0x3F96]  }
0x1a: {  	s8 =	sadd.s32 $0xFFFFE003, lr  }
0x1b: {  	s9 =	sadd.s32 $0xFFFFFEF7, lr;
	s5 =	simm.s32 $0xFFFFFFFF;
	p2 =	slt.u32 s8, $0xFFFFF086  }
0x1c: {  	p1 =	slt.u32 s9, $0xF7A;
	s5 =	simm.s32 @!p2 $0x0  }
0x1d: {  	s5 =	simm.s32 @p1 $0x1;
	p0 =	seq.s32 s7, s2  }
0x1e: {  	s7 =	smul.u32 @!p0 $0xF7A, s2;
	p2 =	seq.s32 @!p0 s5, $0x0  }
0x1f: {  	s9 =	smul.u32 $0xF7A, s1;
	s8 =	simm.s32 @!p0 $0x1BF5;
	p2 =	por !p2, p0  }
0x20: {  	[sflag:s8] =	ssyncset.s32 @!p0 $0xFFFFF086;
	s6 =	sadd.s32 @!p0 s3, s7;
	s7 =	simm.s32 @!p0 $0x108  }
0x21: {  	s3 =	sadd.s32 s3, s9;
	s6 =	sadd.s32 @!p0 $0x88, s6;
	s7 =	simm.s32 @p2 $0x1082  }
0x22: {  	[simem:s7], [sflag:s8] =	dma.local @!p0 [hbm:s6], $0xF7A  }
0x23: {  	s9 =	sor.u32 $0xD0000000, s2;
	s6 =	simm.s32 $0x108;
	_ =	swait.ge @!p0 [sflag:s8], $0x0  }
0x24: {  	s3 =	sadd.s32 $0x88, s3;
	s6 =	simm.s32 @!p1 $0x1082;
	[sflag:s4] =	ssyncset.s32 $0xFFFFF086  }
0x25: {  	[simem:s6], [sflag:s4] =	dma.local [hbm:s3], $0xF7A  }
0x26: {  	[smem:$0x3F96] =	sst s1;
	(tag) =	ssettag s2;
	_ =	strace s9  }
0x27: {  	s1 =	sld [smem:$0x3FA6]  }
0x28: {  	s2 =	sld [smem:$0x3FA7]  }
0x29: {  	s4 =	sld [smem:$0x3FA9]  }
0x2a: {  	p0 =	seq.s32 s5, $0x0;
	s5 =	sld [smem:$0x3FAA]  }
0x2b: {  	s6 =	sld [smem:$0x3FAB]  }
0x2c: {  	s7 =	sld [smem:$0x3FAC]  }
0x2d: {  	s3 =	simm.s32 $0x108;
	s8 =	sld [smem:$0x3FAD]  }
0x2e: {  	s3 =	simm.s32 @!p0 $0x1082;
	s9 =	sld [smem:$0x3FAE]  }
0x2f: {  	lr =	sadd.s32 s0, s3;
	s0 =	sld [smem:$0x3FA5]  }
0x30: {  	s3 =	sld [smem:$0x3FA8]  }
0x31: {  	[smem:$0x3FB1] =	sst s10  }
0x32: {  	s10 =	sld [smem:$0x3FAF];
	_ =	sdelay $0x3  }
0x33: {  	p0 =	seq.s32 s10, $0x1;
	s10 =	sld [smem:$0x3FB1];
	_ =	sdelay $0x3  }
0x34: {  	[smem:$0x3FB1] =	sst s10  }
0x35: {  	s10 =	sld [smem:$0x3FB0];
	_ =	sdelay $0x3  }
0x36: {  	p1 =	seq.s32 s10, $0x1;
	s10 =	sld [smem:$0x3FB1];
	_ =	sdelay $0x3  }
0x37: {  	[smem:$0x3FB1] =	sst s10  }
0x38: {  	s10 =	sld [smem:$0x3FB2]  }
0x39: {  	_ = 	snop;
	(pc) =	sbr.ind lr, $3  }
0x3a: {  	_ = 	snop  }
0x3b: {  	_ = 	snop  }
0x3c: {  	p2 =	seq.s32 s10, $0x1;
	s10 =	sld [smem:$0x3FB1]  }
0x3d: {  	_ =	shalt  }
0x3e: {  	_ =	shalt  }
0x3f: {  	_ =	shalt  }
0x40: {  	_ =	shalt  }
0x41: {  	_ =	shalt  }
0x42: {  	_ =	shalt  }
0x43: {  	_ =	shalt  }
0x44: {  	_ =	shalt  }
0x45: {  	_ =	shalt  }
0x46: {  	_ =	shalt  }
0x47: {  	_ =	shalt  }
0x48: {  	_ =	shalt  }
0x49: {  	_ =	shalt  }
0x4a: {  	_ =	shalt  }
0x4b: {  	_ =	shalt  }
0x4c: {  	_ =	shalt  }
0x4d: {  	_ =	shalt  }
0x4e: {  	_ =	shalt  }
0x4f: {  	_ =	shalt  }
0x50: {  	_ =	shalt  }
0x51: {  	_ =	shalt  }
0x52: {  	_ =	shalt  }
0x53: {  	_ =	shalt  }
0x54: {  	_ =	shalt  }
0x55: {  	_ =	shalt  }
0x56: {  	_ =	shalt  }
0x57: {  	_ =	shalt  }
0x58: {  	_ =	shalt  }
0x59: {  	_ =	shalt  }
0x5a: {  	_ =	shalt  }
0x5b: {  	_ =	shalt  }
0x5c: {  	_ =	shalt  }
0x5d: {  	_ =	shalt  }
0x5e: {  	_ =	shalt  }
0x5f: {  	_ =	shalt  }
0x60: {  	_ =	shalt  }
0x61: {  	_ =	shalt  }
0x62: {  	_ =	shalt  }
0x63: {  	_ =	shalt  }
0x64: {  	_ =	shalt  }
0x65: {  	_ =	shalt  }
0x66: {  	_ =	shalt  }
0x67: {  	_ =	shalt  }
0x68: {  	_ =	shalt  }
0x69: {  	_ =	shalt  }
0x6a: {  	_ =	shalt  }
0x6b: {  	_ =	shalt  }
0x6c: {  	_ =	shalt  }
0x6d: {  	_ =	shalt  }
0x6e: {  	_ =	shalt  }
0x6f: {  	_ =	shalt  }
0x70: {  	_ =	shalt  }
0x71: {  	_ =	shalt  }
0x72: {  	_ =	shalt  }
0x73: {  	_ =	shalt  }
0x74: {  	_ =	shalt  }
0x75: {  	_ =	shalt  }
0x76: {  	_ =	shalt  }
0x77: {  	_ =	shalt  }
0x78: {  	_ =	shalt  }
0x79: {  	_ =	shalt  }
0x7a: {  	_ =	shalt  }
0x7b: {  	_ =	shalt  }
0x7c: {  	_ =	shalt  }
0x7d: {  	_ =	shalt  }
0x7e: {  	_ =	shalt  }
0x7f: {  	_ =	shalt  }
0x80: {  	_ =	shalt  }
0x81: {  	_ =	shalt  }
0x82: {  	_ =	shalt  }
0x83: {  	_ =	shalt  }
0x84: {  	_ =	shalt  }
0x85: {  	_ =	shalt  }
0x86: {  	_ =	shalt  }
0x87: {  	_ =	shalt  }
.Lfunc_end0:
.L_simem_size_0:
called_computation.1_lowered:
.L_overlay_start_0:
0x88: {  	s2 =	sld [smem:$0x3FD9]  }
0x89: {  	s3 =	sld [smem:$0x3FFE];
	_ =	sdelay $0x1  }
0x8a: {  	s1 =	srdreg.scid  }
0x8b: {  	s0 =	sand.u32 $0x1, s1  }
0x8c: {  	s17 =	sshll.u32 s0, $0xA;
	s2 =	sadd.s32 s3, s2  }
0x8d: {  	s2 =	sadd.s32 s2, s17  }
0x8e: {  	[smem:$0x3FBD] =	sst s2  }
0x8f: {  	_ = 	snop  }
0x90: {  	s2 =	sld [smem:$0x3FD0];
	(tm) =	ssettm $0x1  }
0x91: {  	s18 =	sld [smem:$0x3FFB];
	_ =	sdelay $0x3  }
0x92: {  	_ =	strace s18  }
0x93: {  	s3 =	sld [smem:$0x3FFC];
	_ =	sdelay $0x3  }
0x94: {  	_ =	strace s3  }
0x95: {  	s3 =	sld [smem:$0x3FFD];
	_ =	sdelay $0x3  }
0x96: {  	_ =	strace s3  }
0x97: {  	_ =	strace $0x8FFFFFFF  }
0x98: {  	s19 =	sld [smem:$0x3FDB];
	_ =	sdelay $0x1  }
0x99: {  	s4 =	simm.s32 $_scs_section_size  }
0x9a: {  	s5 =	simm.s32 $_size__tile_overlayer_lowered;
	s6 =	simm.s32 $_tile_overlayer_lowered  }
0x9b: {  	s22 =	simm.s32 $0x1BFF;
	s21 =	sshll.u32 s6, $0x1;
	s3 =	sadd.s32 s4, s19  }
0x9c: {  	s7 =	simm.s32 $0x0;
	s20 =	sshll.u32 s5, $0x1;
	s5 =	sadd.s32 s21, s3  }
0x9d: {  	[timem:s7], [sflag:s22] =	dma.local [hbm:s5], s20  }
0x9e: {  	_ =	swait.ge [sflag:s22], s20  }
0x9f: {  	s4 =	ssub.s32 $0x0, s20;
	[sflag:s22] =	ssyncset.done $0x0  }
0xa0: {  	[sflag:s22] =	ssyncadd.s32 s4;
	_ =	sdelay $0x1  }
0xa1: {  	s23 =	simm.s32 $0x1B8B  }
0xa2: {  	_ =	swait.ge [sflag:s23], $0x1  }
0xa3: {  	[sflag:s23] =	ssyncset.done $0x0  }
0xa4: {  	s25 =	simm.s32 $0x1B8E;
	s24 =	sld [smem:$0x3FFE];
	[sflag:s23] =	ssyncadd.s32 $0xFFFFFFFF  }
0xa5: {  	s26 =	simm.s32 $execute0_lowered;
	[smem:$0x3FD2] =	sst s25  }
0xa6: {  	s5 =	sshll.u32 s26, $0x1;
	_ =	strace $0x80000049;
	[dreg:$0x1] =	wrdreg $0xFFFFFFFF  }
0xa7: {  	s28 =	simm.s32 $_size_execute0_lowered;
	s3 =	sadd.s32 s3, s5;
	[dreg:$0x0] =	wrdreg $0x0  }
0xa8: {  	s5 =	sshll.u32 s28, $0x1;
	[dreg:$0x2] =	wrdreg s3  }
0xa9: {  	[dreg:$0x3] =	wrdreg s5  }
0xaa: {  	[dreg:$0x4] =	wrdreg $0xC0  }
0xab: {  	_ =	task [dreg:s7], $0x5FFFF  }
0xac: {  	[dreg:$0x1] =	wrdreg $0xFFFFFFFF  }
0xad: {  	[dreg:$0x0] =	wrdreg $0x60  }
0xae: {  	[dreg:$0x2] =	wrdreg s2  }
0xaf: {  	[dreg:$0x3] =	wrdreg s24  }
0xb0: {  	[dreg:$0x4] =	wrdreg $0xBC000  }
0xb1: {  	[dreg:$0x5] =	wrdreg $0x9  }
0xb2: {  	_ =	task.clear_ibuf [dreg:s7], $0x6FFFF;
	_ =	strace $0x90000049  }
0xb3: {  	s29 =	simm.s32 $0x9;
	_ =	strace $0x8000004B  }
0xb4: {  	_ =	swait.ge [sflag:s29], $0x1  }
0xb5: {  	[sflag:s29] =	ssyncadd.s32 $0xFFFFFFFF  }
0xb6: {  	_ =	strace $0x9000004B  }
0xb7: {  	_ =	sfence  }
0xb8: {  	s30 =	sld [smem:$0x0];
	_ =	sdelay $0x2  }
0xb9: {  	s31 =	sshll.u32 s1, $0xD;
	s1 =	sshrl.u32 s1, $0x2  }
0xba: {  	s3 =	sand.u32 $0x4000, s31;
	s1 =	sadd.s32 s1, s30  }
0xbb: {  	s0 =	sor.u32 s3, s0;
	s1 =	sshll.u32 s1, $0x11  }
0xbc: {  	s0 =	sor.u32 s1, s0  }
0xbd: {  	s0 =	sadd.s32 $0x8F2B, s0  }
0xbe: {  	[sflag:s0] =	ssyncadd.remote.s32 $0x1  }
0xbf: {  	_ =	sfence.sel $0xFFFF  }
0xc0: {  	[dreg:$0x0] =	wrdreg $0xFFFFFFFF;
	(pc) =	sbr.abs _section_cstart, $3  }
0xc1: {  	[dreg:$0x1] =	wrdreg $0xFFFFFFFF  }
0xc2: {  	_ =	task.clear_ibuf [dreg:s7], $0x2FFFF;
	_ =	strace $0x9FFFFFFF  }
0xc3: {  	(tm) =	ssettm $0x7FFFFFFF  }
tec
execute0_lowered:
.L_overlay_start_1:
0x0: {  	(tag) =	ssettag $0x1  }
0x1: {  	s1 =	rddreg [dreg:$0x0]  }
0x2: {  	s5 =	rddreg [dreg:$0x1]  }
0x3: {  	s0 =	srdreg.scid;
	s3 =	rddreg [dreg:$0x2];
	s4 =	simm.s32 $0x0  }
0x4: {  	s17 =	simm.s32 $0x5;
	s18 =	simm.s32 $0x1400;
	s19 =	simm.s32 $0x80  }
0x5: {  	s20 =	simm.s32 $0x1;
	s21 =	simm.s32 $0x7C00;
	s22 =	simm.s32 $0x2  }
0x6: {  	s23 =	simm.s32 $0x3;
	s24 =	simm.s32 $0x4;
	s25 =	simm.s32 $0x2780  }
0x7: {  	s28 =	simm.s32 $0x3B80;
	s6 =	sand.u32 $0x1, s0;
	s0 =	stileid.u32  }
0x8: {  	s29 =	simm.s32 $0x0;
	[smem:$0x7FF] =	sst s4;
	s9 =	smul.u32 $0x4F000, s0  }
0x9: {  	s13 =	sadd.s32 $0x17E00, s5;
	s2 =	sshll.u32 s6, $0x4;
	s11 =	smul.u32 $0x138800, s6  }
0xa: {  	_ =	strace $0x8000004A;
	s14 =	smul.u32 $0x13C00, s0;
	s7 =	sor.u32 s0, s2  }
0xb: {  	s26 =	ssub.s32 $0x2, s6;
	p0 =	seq.s32 s0, $0xF;
	s8 =	smul.u32 $0x2C00, s7  }
0xc: {  	s31 =	sshrl.u32 s26, $0x1;
	s7 =	smul.u32 $0x500, s7;
	s30 =	sshrl.u32 s9, $0x2  }
0xd: {  	s15 =	ssub.s32 s26, s31;
	s14 =	sadd.s32 s14, s11;
	s16 =	sshrl.u32 s11, $0x3  }
0xe: {  	s26 =	simm.s32 $0x2800;
	s14 =	sshrl.u32 s14, $0x3;
	s16 =	sadd.s32 s13, s16  }
0xf: {  	s15 =	smax.u32 s15, $0x1;
	s8 =	sshrl.u32 s8, $0x3;
	s10 =	sadd.s32 s7, s5  }
0x10: {  	s13 =	sadd.s32 s13, s14;
	s14 =	sadd.s32 $0x25080, s16;
	s16 =	simm.s32 $0x3C00  }
0x11: {  	s12 =	sadd.s32 s8, s5;
	s5 =	sadd.s32 s30, s3;
	s10 =	sadd.s32 $0x2E00, s10  }
0x12: {  	s6 =	sadd.s32 $0x4000, s5;
	s7 =	sadd.s32 $0x8000, s5;
	s8 =	sadd.s32 $0xC000, s5  }
0x13: {  	v0 =	vimm.f32 $0.0e+00;
	s9 =	sadd.s32 $0x10000, s5;
	s11 =	sadd.s32 $0xCE00, s12;
	s12 =	sadd.s32 $0xD080, s12  }
.LBB2_1:
0x14: {  	s30 =	simm.s32 $0x0;
	s31 =	simm.s32 $0x200  }
.LBB2_2:
0x15: {  	p1 =	sne.s32 s31, $0xFE00;
	[tilespmem:s30+$0x3C70] =	vst v0  }
0x16: {  	[tilespmem:s30+$0x3C00] =	vst v0  }
0x17: {  	[tilespmem:s30+$0x3C10] =	vst v0  }
.Ltmp0:
0x18: {  	[tilespmem:s30+$0x3C20] =	vst v0;
	(pc) =	sbr.rel @p1 .LBB2_2-.Ltmp0, $4  }
0x19: {  	[tilespmem:s30+$0x3C30] =	vst v0  }
0x1a: {  	[tilespmem:s30+$0x3C40] =	vst v0  }
0x1b: {  	[tilespmem:s30+$0x3C50] =	vst v0  }
0x1c: {  	[tilespmem:s30+$0x3C60] =	vst v0;
	s30 =	sshra.s32 s31, $0x2;
	s31 =	sadd.s32 $0x200, s31  }
0x1d: {  	[tilespmem:s30+$0x3C70] =	vst v0  }
0x1e: {  	[tilespmem:s30+$0x3C00] =	vst v0  }
0x1f: {  	[tilespmem:s30+$0x3C10] =	vst v0  }
0x20: {  	[tilespmem:s30+$0x3C20] =	vst v0  }
0x21: {  	[tilespmem:s30+$0x3C30] =	vst v0  }
0x22: {  	[tilespmem:s30+$0x3C40] =	vst v0  }
0x23: {  	[tilespmem:s30+$0x3C50] =	vst v0  }
0x24: {  	[tilespmem:s30+$0x3C60] =	vst v0  }
0x25: {  	[spmem:s5] =	stream.linear.scatter [tilespmem:s16], [sflag:$0x5], $0x4000, $0x38;
	[tilespmem:$0x1F800] =	vst v63  }
0x26: {  	_ =	swait.ge [sflag:s17], $0x4000  }
0x27: {  	[sflag:s17] =	ssyncset.done $0x0  }
0x28: {  	[sflag:s17] =	ssyncadd.s32 $0xFFFFC000  }
0x29: {  	[spmem:s6] =	stream.linear.scatter [tilespmem:s16], [sflag:$0x5], $0x4000, $0x38;
	[tilespmem:$0x1F800] =	vst v63  }
0x2a: {  	_ =	swait.ge [sflag:s17], $0x4000  }
0x2b: {  	[sflag:s17] =	ssyncset.done $0x0  }
0x2c: {  	[sflag:s17] =	ssyncadd.s32 $0xFFFFC000  }
0x2d: {  	[spmem:s7] =	stream.linear.scatter [tilespmem:s16], [sflag:$0x5], $0x4000, $0x38;
	[tilespmem:$0x1F800] =	vst v63  }
0x2e: {  	_ =	swait.ge [sflag:s17], $0x4000  }
0x2f: {  	[sflag:s17] =	ssyncset.done $0x0  }
0x30: {  	[sflag:s17] =	ssyncadd.s32 $0xFFFFC000  }
0x31: {  	[spmem:s8] =	stream.linear.scatter [tilespmem:s16], [sflag:$0x5], $0x4000, $0x38;
	[tilespmem:$0x1F800] =	vst v63  }
0x32: {  	_ =	swait.ge [sflag:s17], $0x4000  }
0x33: {  	[sflag:s17] =	ssyncset.done $0x0  }
0x34: {  	[sflag:s17] =	ssyncadd.s32 $0xFFFFC000  }
0x35: {  	[spmem:s9] =	stream.linear.scatter [tilespmem:s16], [sflag:$0x5], $0x3C00, $0x38;
	[tilespmem:$0x1F800] =	vst v63  }
0x36: {  	_ =	swait.ge [sflag:s17], $0x3C00  }
0x37: {  	[sflag:s17] =	ssyncset.done $0x0  }
0x38: {  	[sflag:s17] =	ssyncadd.s32 $0xFFFFC400  }
0x39: {  	[tilespmem:s18], [sflag:$0x5] =	stream.linear.gather [hbm4b:s10+s4], $0x2800, $0x38;
	[tilespmem:$0x1F800] =	vst v63  }
0x3a: {  	_ =	swait.ge [sflag:s17], $0x2800  }
0x3b: {  	[sflag:s17] =	ssyncset.done $0x0  }
0x3c: {  	[sflag:s17] =	ssyncadd.s32 $0xFFFFD800  }
0x3d: {  	[bflag:$0x0] =	sbarrier.arrive $0xFFFF  }
0x3e: {  	[tilespmem:s4], [sflag:$0x5] =	stream.linear.gather [hbm4b:s11+s4], $0x1400, $0x38;
	[tilespmem:$0x1F800] =	vst v63  }
0x3f: {  	_ =	swait.ge [sflag:s17], $0x1400  }
0x40: {  	[sflag:s17] =	ssyncset.done $0x0  }
0x41: {  	[sflag:s17] =	ssyncadd.s32 $0xFFFFEC00  }
0x42: {  	[tilespmem:s16], [sflag:$0x1] =	stream.indirect.gather [hbm4b:s1+s19], $0x80, s4, s19, $0xb8;
	[tilespmem:$0x1F800] =	vst v63  }
0x43: {  	_ =	swait.ge [sflag:s20], $0x4000  }
0x44: {  	[sflag:s20] =	ssyncset.done $0x0  }
0x45: {  	[sflag:s20] =	ssyncadd.s32 $0xFFFFC000  }
0x46: {  	[spmem:s3] =	stream.indirect.scatter.add.f32 [tilespmem:s16], [sflag:$0x3], $0x80, s18, s19, $0xb8;
	[tilespmem:$0x1F800] =	vst v63  }
0x47: {  	_ = 	snop  }
0x48: {  	[tilespmem:s21], [sflag:$0x2] =	stream.indirect.gather [hbm4b:s1+s19], $0x80, s19, s19, $0xb8;
	[tilespmem:$0x1F800] =	vst v63  }
0x49: {  	_ =	swait.ge [sflag:s22], $0x4000  }
0x4a: {  	[sflag:s22] =	ssyncset.done $0x0  }
0x4b: {  	s30 =	simm.s32 $0x1480;
	[sflag:s22] =	ssyncadd.s32 $0xFFFFC000  }
0x4c: {  	[spmem:s3] =	stream.indirect.scatter.add.f32 [tilespmem:s21], [sflag:$0x4], $0x80, s30, s19, $0xb8;
	[tilespmem:$0x1F800] =	vst v63  }
0x4d: {  	_ =	swait.ge [sflag:s23], $0x4000  }
0x4e: {  	[sflag:s23] =	ssyncset.done $0x0  }
0x4f: {  	s30 =	simm.s32 $0x100;
	[sflag:s23] =	ssyncadd.s32 $0xFFFFC000  }
0x50: {  	[tilespmem:s16], [sflag:$0x1] =	stream.indirect.gather [hbm4b:s1+s19], $0x80, s30, s19, $0xb8;
	[tilespmem:$0x1F800] =	vst v63  }
0x51: {  	_ =	swait.ge [sflag:s20], $0x4000  }
0x52: {  	[sflag:s20] =	ssyncset.done $0x0  }
0x53: {  	s30 =	simm.s32 $0x1500;
	[sflag:s20] =	ssyncadd.s32 $0xFFFFC000  }
0x54: {  	[spmem:s3] =	stream.indirect.scatter.add.f32 [tilespmem:s16], [sflag:$0x3], $0x80, s30, s19, $0xb8;
	[tilespmem:$0x1F800] =	vst v63  }
0x55: {  	_ =	swait.ge [sflag:s24], $0x4000  }
0x56: {  	[sflag:s24] =	ssyncset.done $0x0  }
0x57: {  	s31 =	simm.s32 $0x180;
	s30 =	simm.s32 $0xFFFFB800;
	[sflag:s24] =	ssyncadd.s32 $0xFFFFC000  }
.LBB2_4:
0x58: {  	[tilespmem:s21], [sflag:$0x2] =	stream.indirect.gather [hbm4b:s1+s19], $0x80, s31, s19, $0xb8;
	[tilespmem:$0x1F800] =	vst v63  }
0x59: {  	s31 =	smov.u32 s30  }
0x5a: {  	p1 =	sne.s32 s30, $0xFFFFFC00;
	s30 =	sadd.s32 $0x400, s30;
	_ =	swait.ge [sflag:s22], $0x4000  }
0x5b: {  	s31 =	sshra.s32 s31, $0x2;
	[sflag:s22] =	ssyncset.done $0x0  }
0x5c: {  	s2 =	sadd.s32 $0x2780, s31;
	[sflag:s22] =	ssyncadd.s32 $0xFFFFC000  }
0x5d: {  	[spmem:s3] =	stream.indirect.scatter.add.f32 [tilespmem:s21], [sflag:$0x4], $0x80, s2, s19, $0xb8;
	[tilespmem:$0x1F800] =	vst v63  }
0x5e: {  	_ =	swait.ge [sflag:s23], $0x4000  }
0x5f: {  	[sflag:s23] =	ssyncset.done $0x0  }
0x60: {  	s2 =	sadd.s32 $0x1400, s31;
	[sflag:s23] =	ssyncadd.s32 $0xFFFFC000  }
0x61: {  	[tilespmem:s16], [sflag:$0x1] =	stream.indirect.gather [hbm4b:s1+s19], $0x80, s2, s19, $0xb8;
	[tilespmem:$0x1F800] =	vst v63  }
0x62: {  	_ =	swait.ge [sflag:s20], $0x4000  }
0x63: {  	[sflag:s20] =	ssyncset.done $0x0  }
.Ltmp1:
0x64: {  	s2 =	sadd.s32 $0x2800, s31;
	[sflag:s20] =	ssyncadd.s32 $0xFFFFC000;
	(pc) =	sbr.rel @p1 .LBB2_4-.Ltmp1, $4  }
0x65: {  	[spmem:s3] =	stream.indirect.scatter.add.f32 [tilespmem:s16], [sflag:$0x3], $0x80, s2, s19, $0xb8;
	[tilespmem:$0x1F800] =	vst v63  }
0x66: {  	_ =	swait.ge [sflag:s24], $0x4000  }
0x67: {  	[sflag:s24] =	ssyncset.done $0x0  }
0x68: {  	s31 =	sadd.s32 $0x1480, s31;
	[sflag:s24] =	ssyncadd.s32 $0xFFFFC000  }
0x69: {  	[tilespmem:s21], [sflag:$0x2] =	stream.indirect.gather [hbm4b:s1+s19], $0x80, s31, s19, $0xb8;
	[tilespmem:$0x1F800] =	vst v63  }
0x6a: {  	_ =	swait.ge [sflag:s22], $0x4000  }
0x6b: {  	[sflag:s22] =	ssyncset.done $0x0  }
0x6c: {  	[sflag:s22] =	ssyncadd.s32 $0xFFFFC000  }
0x6d: {  	[spmem:s3] =	stream.indirect.scatter.add.f32 [tilespmem:s21], [sflag:$0x4], $0x80, s25, s19, $0xb8;
	[tilespmem:$0x1F800] =	vst v63  }
0x6e: {  	_ =	swait.ge [sflag:s23], $0x4000  }
0x6f: {  	[sflag:s23] =	ssyncset.done $0x0  }
0x70: {  	[sflag:s23] =	ssyncadd.s32 $0xFFFFC000  }
0x71: {  	_ =	swait.ge [sflag:s24], $0x4000  }
0x72: {  	[sflag:s24] =	ssyncset.done $0x0  }
0x73: {  	[sflag:s24] =	ssyncadd.s32 $0xFFFFC000  }
0x74: {  	[tilespmem:s4], [sflag:$0x5] =	stream.linear.gather [hbm4b:s12+s4], $0x1400, $0x38;
	[tilespmem:$0x1F800] =	vst v63  }
0x75: {  	_ =	swait.ge [sflag:s17], $0x1400  }
0x76: {  	[sflag:s17] =	ssyncset.done $0x0  }
0x77: {  	[sflag:s17] =	ssyncadd.s32 $0xFFFFEC00  }
0x78: {  	[tilespmem:s16], [sflag:$0x1] =	stream.indirect.gather [hbm4b:s1+s19], $0x80, s4, s19, $0xb8;
	[tilespmem:$0x1F800] =	vst v63  }
0x79: {  	_ =	swait.ge [sflag:s20], $0x4000  }
0x7a: {  	[sflag:s20] =	ssyncset.done $0x0  }
0x7b: {  	[sflag:s20] =	ssyncadd.s32 $0xFFFFC000  }
0x7c: {  	[spmem:s3] =	stream.indirect.scatter.add.f32 [tilespmem:s16], [sflag:$0x3], $0x80, s26, s19, $0xb8;
	[tilespmem:$0x1F800] =	vst v63  }
0x7d: {  	_ = 	snop  }
0x7e: {  	[tilespmem:s21], [sflag:$0x2] =	stream.indirect.gather [hbm4b:s1+s19], $0x80, s19, s19, $0xb8;
	[tilespmem:$0x1F800] =	vst v63  }
0x7f: {  	_ =	swait.ge [sflag:s22], $0x4000  }
0x80: {  	[sflag:s22] =	ssyncset.done $0x0  }
0x81: {  	s2 =	simm.s32 $0x2880;
	[sflag:s22] =	ssyncadd.s32 $0xFFFFC000  }
0x82: {  	[spmem:s3] =	stream.indirect.scatter.add.f32 [tilespmem:s21], [sflag:$0x4], $0x80, s2, s19, $0xb8;
	[tilespmem:$0x1F800] =	vst v63  }
0x83: {  	_ =	swait.ge [sflag:s23], $0x4000  }
0x84: {  	[sflag:s23] =	ssyncset.done $0x0  }
0x85: {  	s2 =	simm.s32 $0x100;
	[sflag:s23] =	ssyncadd.s32 $0xFFFFC000  }
0x86: {  	[tilespmem:s16], [sflag:$0x1] =	stream.indirect.gather [hbm4b:s1+s19], $0x80, s2, s19, $0xb8;
	[tilespmem:$0x1F800] =	vst v63  }
0x87: {  	_ =	swait.ge [sflag:s20], $0x4000  }
0x88: {  	[sflag:s20] =	ssyncset.done $0x0  }
0x89: {  	s2 =	simm.s32 $0x2900;
	[sflag:s20] =	ssyncadd.s32 $0xFFFFC000  }
0x8a: {  	[spmem:s3] =	stream.indirect.scatter.add.f32 [tilespmem:s16], [sflag:$0x3], $0x80, s2, s19, $0xb8;
	[tilespmem:$0x1F800] =	vst v63  }
0x8b: {  	_ =	swait.ge [sflag:s24], $0x4000  }
0x8c: {  	[sflag:s24] =	ssyncset.done $0x0  }
0x8d: {  	s30 =	simm.s32 $0xFFFFB800;
	s31 =	simm.s32 $0x180;
	[sflag:s24] =	ssyncadd.s32 $0xFFFFC000  }
.LBB2_6:
0x8e: {  	[tilespmem:s21], [sflag:$0x2] =	stream.indirect.gather [hbm4b:s1+s19], $0x80, s31, s19, $0xb8;
	[tilespmem:$0x1F800] =	vst v63  }
0x8f: {  	s2 =	smov.u32 s30  }
0x90: {  	p1 =	sne.s32 s30, $0xFFFFFC00;
	s30 =	sadd.s32 $0x400, s30;
	_ =	swait.ge [sflag:s22], $0x4000  }
0x91: {  	s2 =	sshra.s32 s2, $0x2;
	[sflag:s22] =	ssyncset.done $0x0  }
0x92: {  	s31 =	sadd.s32 $0x3B80, s2;
	[sflag:s22] =	ssyncadd.s32 $0xFFFFC000  }
0x93: {  	[spmem:s3] =	stream.indirect.scatter.add.f32 [tilespmem:s21], [sflag:$0x4], $0x80, s31, s19, $0xb8;
	[tilespmem:$0x1F800] =	vst v63  }
0x94: {  	_ =	swait.ge [sflag:s23], $0x4000  }
0x95: {  	[sflag:s23] =	ssyncset.done $0x0  }
0x96: {  	s31 =	sadd.s32 $0x1400, s2;
	[sflag:s23] =	ssyncadd.s32 $0xFFFFC000  }
0x97: {  	[tilespmem:s16], [sflag:$0x1] =	stream.indirect.gather [hbm4b:s1+s19], $0x80, s31, s19, $0xb8;
	[tilespmem:$0x1F800] =	vst v63  }
0x98: {  	_ =	swait.ge [sflag:s20], $0x4000  }
0x99: {  	[sflag:s20] =	ssyncset.done $0x0  }
.Ltmp2:
0x9a: {  	s31 =	sadd.s32 $0x3C00, s2;
	[sflag:s20] =	ssyncadd.s32 $0xFFFFC000;
	(pc) =	sbr.rel @p1 .LBB2_6-.Ltmp2, $4  }
0x9b: {  	[spmem:s3] =	stream.indirect.scatter.add.f32 [tilespmem:s16], [sflag:$0x3], $0x80, s31, s19, $0xb8;
	[tilespmem:$0x1F800] =	vst v63  }
0x9c: {  	_ =	swait.ge [sflag:s24], $0x4000  }
0x9d: {  	[sflag:s24] =	ssyncset.done $0x0  }
0x9e: {  	s31 =	sadd.s32 $0x1480, s2;
	[sflag:s24] =	ssyncadd.s32 $0xFFFFC000  }
0x9f: {  	[tilespmem:s21], [sflag:$0x2] =	stream.indirect.gather [hbm4b:s1+s19], $0x80, s31, s19, $0xb8;
	[tilespmem:$0x1F800] =	vst v63  }
0xa0: {  	_ =	swait.ge [sflag:s22], $0x4000  }
0xa1: {  	[sflag:s22] =	ssyncset.done $0x0  }
0xa2: {  	[sflag:s22] =	ssyncadd.s32 $0xFFFFC000  }
0xa3: {  	[spmem:s3] =	stream.indirect.scatter.add.f32 [tilespmem:s21], [sflag:$0x4], $0x80, s28, s19, $0xb8;
	[tilespmem:$0x1F800] =	vst v63  }
0xa4: {  	_ =	swait.ge [sflag:s23], $0x4000  }
0xa5: {  	[sflag:s23] =	ssyncset.done $0x0  }
0xa6: {  	[sflag:s23] =	ssyncadd.s32 $0xFFFFC000  }
0xa7: {  	_ =	swait.ge [sflag:s24], $0x4000  }
0xa8: {  	[sflag:s24] =	ssyncset.done $0x0  }
0xa9: {  	[sflag:s24] =	ssyncadd.s32 $0xFFFFC000  }
0xaa: {  	s2 =	sshrl.u32 @p0 s5, $0x3;
	s30 =	simm.s32 @p0 $0x1FC5;
	[bflag:$0x0] =	sbarrier.arrive $0xFFFF  }
0xab: {  	[hbm:s14], [sflag:s30] =	dma.local @p0 [spmem:s2], $0x2080  }
0xac: {  	s2 =	simm.s32 @p0 $0x5  }
0xad: {  	s29 =	sadd.s32 $0x1, s29;
	_ =	swait.ge @p0 [sflag:s2], $0x2080  }
0xae: {  	p1 =	sne.s32 s29, s15;
	s30 =	sshll.u32 @!p0 s0, $0x6;
	[sflag:s2] =	ssyncset.done @p0 $0x0  }
0xaf: {  	[sflag:s2] =	ssyncadd.s32 @p0 $0xFFFFDF80;
	s2 =	sor.u32 @!p0 $0x1C05, s30;
	s30 =	sshrl.u32 @!p0 s5, $0x3  }
0xb0: {  	[hbm:s13], [sflag:s2] =	dma.local @!p0 [spmem:s30], $0x2780  }
.Ltmp3:
0xb1: {  	_ = 	snop;
	(pc) =	sbr.rel @p1 .LBB2_1-.Ltmp3, $4  }
0xb2: {  	s2 =	simm.s32 @!p0 $0x5  }
0xb3: {  	_ =	swait.ge @!p0 [sflag:s2], $0x2780  }
0xb4: {  	[sflag:s2] =	ssyncset.done @!p0 $0x0  }
0xb5: {  	[sflag:s2] =	ssyncadd.s32 @!p0 $0xFFFFD880  }
0xb6: {  	_ =	sfence.sel $0x180000  }
0xb7: {  	[bflag:$0x0] =	sbarrier.arrive $0xFFFF  }
0xb8: {  	_ =	strace $0x9000004A  }
0xb9: {  	[bflag:$0x2] =	sbarrier.arrive $0xFFFF  }
0xba: {  	p0 =	sne.s32 s0, $0x0;
	s0 =	rddreg [dreg:$0x3]  }
0xbb: {  	s0 =	sadd.s32 @!p0 $0x100000, s0  }
0xbc: {  	[sflag:s0] =	ssyncadd.tile.s32 @!p0 $0x1;
	_ =	shalt  }
.Lfunc_end2:
_tile_overlayer_lowered:
.L_overlay_start_2:
0xbd: {  	(tag) =	ssettag $0x2  }
0xbe: {  	s0 =	rddreg [dreg:$0x0];
	s2 =	stileid.u32  }
0xbf: {  	s1 =	rddreg [dreg:$0x1];
	p0 =	sne.s32 s2, $0x0  }
0xc0: {  	s3 =	rddreg [dreg:$0x2];
	[bflag:$0x3] =	sbarrier.arrive $0xFFFF;
	s2 =	simm.s32 @!p0 $0x1C05  }
0xc1: {  	[timem:s3], [sflag:s2] =	dma.local @!p0 [hbm:s0], s1  }
0xc2: {  	s0 =	simm.s32 @!p0 $0x5  }
0xc3: {  	_ =	swait.ge @!p0 [sflag:s0], s1  }
0xc4: {  	s1 =	ssub.s32 @!p0 $0x0, s1;
	[sflag:s0] =	ssyncset.done @!p0 $0x0  }
0xc5: {  	[sflag:s0] =	ssyncadd.s32 @!p0 s1  }
0xc6: {  	[bflag:$0x3] =	sbarrier.arrive $0xFFFF  }
0xc7: {  	_ =	shalt  }

// kernel: kernel.14.cloned.1.call-start
scs
__scs_entry_jumppad:
0x0: {  	(pc) =	sbr.rel $0x88, $3  }
0x1: {  	(tag) =	ssettag $0x0;
	lr =	simm.s32 $0x1  }
0x2: {  	[smem:$0x3F96] =	sst lr;
	_ =	strace $0xD0000000  }
0x3: {  	_ = 	snop  }
0x4: {  	_ = 	snop  }
0x5: {  	_ = 	snop  }
0x6: {  	_ = 	snop  }
0x7: {  	_ = 	snop  }
__scs_overlays_trampoline_lowered:
0x8: {  	[smem:$0x3FA5] =	sst s0  }
0x9: {  	[smem:$0x3FA6] =	sst s1  }
0xa: {  	[smem:$0x3FA7] =	sst s2  }
0xb: {  	[smem:$0x3FA8] =	sst s3  }
0xc: {  	[smem:$0x3FA9] =	sst s4  }
0xd: {  	[smem:$0x3FAA] =	sst s5  }
0xe: {  	[smem:$0x3FAB] =	sst s6  }
0xf: {  	[smem:$0x3FAC] =	sst s7  }
0x10: {  	[smem:$0x3FAD] =	sst s8  }
0x11: {  	[smem:$0x3FAE] =	sst s9;
	s0 =	simm.s32 @!p0 $0x0  }
0x12: {  	s1 =	sld [smem:$0x3F94];
	s0 =	simm.s32 @p0 $0x1  }
0x13: {  	[smem:$0x3FAF] =	sst s0;
	s0 =	simm.s32 @!p1 $0x0  }
0x14: {  	s2 =	sld [smem:$0x3F93];
	s0 =	simm.s32 @p1 $0x1  }
0x15: {  	[smem:$0x3FB0] =	sst s0;
	s0 =	simm.s32 @!p2 $0x0  }
0x16: {  	s3 =	sld [smem:$0x3FDB];
	s0 =	simm.s32 @p2 $0x1  }
0x17: {  	s4 =	simm.s32 $0x1BF5;
	[smem:$0x3FB2] =	sst s0  }
0x18: {  	s0 =	sld [smem:$0x3F95];
	_ =	swait.ge [sflag:s4], $0x0  }
0x19: {  	s7 =	sld [smem:$0x3F96]  }
0x1a: {  	s8 =	sadd.s32 $0xFFFFE003, lr  }
0x1b: {  	s9 =	sadd.s32 $0xFFFFFEF7, lr;
	s5 =	simm.s32 $0xFFFFFFFF;
	p2 =	slt.u32 s8, $0xFFFFF086  }
0x1c: {  	p1 =	slt.u32 s9, $0xF7A;
	s5 =	simm.s32 @!p2 $0x0  }
0x1d: {  	s5 =	simm.s32 @p1 $0x1;
	p0 =	seq.s32 s7, s2  }
0x1e: {  	s7 =	smul.u32 @!p0 $0xF7A, s2;
	p2 =	seq.s32 @!p0 s5, $0x0  }
0x1f: {  	s9 =	smul.u32 $0xF7A, s1;
	s8 =	simm.s32 @!p0 $0x1BF5;
	p2 =	por !p2, p0  }
0x20: {  	[sflag:s8] =	ssyncset.s32 @!p0 $0xFFFFF086;
	s6 =	sadd.s32 @!p0 s3, s7;
	s7 =	simm.s32 @!p0 $0x108  }
0x21: {  	s3 =	sadd.s32 s3, s9;
	s6 =	sadd.s32 @!p0 $0x88, s6;
	s7 =	simm.s32 @p2 $0x1082  }
0x22: {  	[simem:s7], [sflag:s8] =	dma.local @!p0 [hbm:s6], $0xF7A  }
0x23: {  	s9 =	sor.u32 $0xD0000000, s2;
	s6 =	simm.s32 $0x108;
	_ =	swait.ge @!p0 [sflag:s8], $0x0  }
0x24: {  	s3 =	sadd.s32 $0x88, s3;
	s6 =	simm.s32 @!p1 $0x1082;
	[sflag:s4] =	ssyncset.s32 $0xFFFFF086  }
0x25: {  	[simem:s6], [sflag:s4] =	dma.local [hbm:s3], $0xF7A  }
0x26: {  	[smem:$0x3F96] =	sst s1;
	(tag) =	ssettag s2;
	_ =	strace s9  }
0x27: {  	s1 =	sld [smem:$0x3FA6]  }
0x28: {  	s2 =	sld [smem:$0x3FA7]  }
0x29: {  	s4 =	sld [smem:$0x3FA9]  }
0x2a: {  	p0 =	seq.s32 s5, $0x0;
	s5 =	sld [smem:$0x3FAA]  }
0x2b: {  	s6 =	sld [smem:$0x3FAB]  }
0x2c: {  	s7 =	sld [smem:$0x3FAC]  }
0x2d: {  	s3 =	simm.s32 $0x108;
	s8 =	sld [smem:$0x3FAD]  }
0x2e: {  	s3 =	simm.s32 @!p0 $0x1082;
	s9 =	sld [smem:$0x3FAE]  }
0x2f: {  	lr =	sadd.s32 s0, s3;
	s0 =	sld [smem:$0x3FA5]  }
0x30: {  	s3 =	sld [smem:$0x3FA8]  }
0x31: {  	[smem:$0x3FB1] =	sst s10  }
0x32: {  	s10 =	sld [smem:$0x3FAF];
	_ =	sdelay $0x3  }
0x33: {  	p0 =	seq.s32 s10, $0x1;
	s10 =	sld [smem:$0x3FB1];
	_ =	sdelay $0x3  }
0x34: {  	[smem:$0x3FB1] =	sst s10  }
0x35: {  	s10 =	sld [smem:$0x3FB0];
	_ =	sdelay $0x3  }
0x36: {  	p1 =	seq.s32 s10, $0x1;
	s10 =	sld [smem:$0x3FB1];
	_ =	sdelay $0x3  }
0x37: {  	[smem:$0x3FB1] =	sst s10  }
0x38: {  	s10 =	sld [smem:$0x3FB2]  }
0x39: {  	_ = 	snop;
	(pc) =	sbr.ind lr, $3  }
0x3a: {  	_ = 	snop  }
0x3b: {  	_ = 	snop  }
0x3c: {  	p2 =	seq.s32 s10, $0x1;
	s10 =	sld [smem:$0x3FB1]  }
0x3d: {  	_ =	shalt  }
0x3e: {  	_ =	shalt  }
0x3f: {  	_ =	shalt  }
0x40: {  	_ =	shalt  }
0x41: {  	_ =	shalt  }
0x42: {  	_ =	shalt  }
0x43: {  	_ =	shalt  }
0x44: {  	_ =	shalt  }
0x45: {  	_ =	shalt  }
0x46: {  	_ =	shalt  }
0x47: {  	_ =	shalt  }
0x48: {  	_ =	shalt  }
0x49: {  	_ =	shalt  }
0x4a: {  	_ =	shalt  }
0x4b: {  	_ =	shalt  }
0x4c: {  	_ =	shalt  }
0x4d: {  	_ =	shalt  }
0x4e: {  	_ =	shalt  }
0x4f: {  	_ =	shalt  }
0x50: {  	_ =	shalt  }
0x51: {  	_ =	shalt  }
0x52: {  	_ =	shalt  }
0x53: {  	_ =	shalt  }
0x54: {  	_ =	shalt  }
0x55: {  	_ =	shalt  }
0x56: {  	_ =	shalt  }
0x57: {  	_ =	shalt  }
0x58: {  	_ =	shalt  }
0x59: {  	_ =	shalt  }
0x5a: {  	_ =	shalt  }
0x5b: {  	_ =	shalt  }
0x5c: {  	_ =	shalt  }
0x5d: {  	_ =	shalt  }
0x5e: {  	_ =	shalt  }
0x5f: {  	_ =	shalt  }
0x60: {  	_ =	shalt  }
0x61: {  	_ =	shalt  }
0x62: {  	_ =	shalt  }
0x63: {  	_ =	shalt  }
0x64: {  	_ =	shalt  }
0x65: {  	_ =	shalt  }
0x66: {  	_ =	shalt  }
0x67: {  	_ =	shalt  }
0x68: {  	_ =	shalt  }
0x69: {  	_ =	shalt  }
0x6a: {  	_ =	shalt  }
0x6b: {  	_ =	shalt  }
0x6c: {  	_ =	shalt  }
0x6d: {  	_ =	shalt  }
0x6e: {  	_ =	shalt  }
0x6f: {  	_ =	shalt  }
0x70: {  	_ =	shalt  }
0x71: {  	_ =	shalt  }
0x72: {  	_ =	shalt  }
0x73: {  	_ =	shalt  }
0x74: {  	_ =	shalt  }
0x75: {  	_ =	shalt  }
0x76: {  	_ =	shalt  }
0x77: {  	_ =	shalt  }
0x78: {  	_ =	shalt  }
0x79: {  	_ =	shalt  }
0x7a: {  	_ =	shalt  }
0x7b: {  	_ =	shalt  }
0x7c: {  	_ =	shalt  }
0x7d: {  	_ =	shalt  }
0x7e: {  	_ =	shalt  }
0x7f: {  	_ =	shalt  }
0x80: {  	_ =	shalt  }
0x81: {  	_ =	shalt  }
0x82: {  	_ =	shalt  }
0x83: {  	_ =	shalt  }
0x84: {  	_ =	shalt  }
0x85: {  	_ =	shalt  }
0x86: {  	_ =	shalt  }
0x87: {  	_ =	shalt  }
.Lfunc_end0:
.L_simem_size_0:
called_computation.2_lowered:
.L_overlay_start_0:
0x88: {  	s2 =	sld [smem:$0x3FD9]  }
0x89: {  	s3 =	sld [smem:$0x3FFE];
	_ =	sdelay $0x1  }
0x8a: {  	s1 =	srdreg.scid  }
0x8b: {  	s0 =	sand.u32 $0x1, s1  }
0x8c: {  	s17 =	sshll.u32 s0, $0xA;
	s2 =	sadd.s32 s3, s2  }
0x8d: {  	s2 =	sadd.s32 s2, s17  }
0x8e: {  	[smem:$0x3FBD] =	sst s2  }
0x8f: {  	_ = 	snop  }
0x90: {  	s2 =	sld [smem:$0x3FD0];
	(tm) =	ssettm $0x1  }
0x91: {  	s18 =	sld [smem:$0x3FFB];
	_ =	sdelay $0x3  }
0x92: {  	_ =	strace s18  }
0x93: {  	s3 =	sld [smem:$0x3FFC];
	_ =	sdelay $0x3  }
0x94: {  	_ =	strace s3  }
0x95: {  	s3 =	sld [smem:$0x3FFD];
	_ =	sdelay $0x3  }
0x96: {  	_ =	strace s3  }
0x97: {  	_ =	strace $0x8FFFFFFF  }
0x98: {  	s19 =	sld [smem:$0x3FDB];
	_ =	sdelay $0x1  }
0x99: {  	s4 =	simm.s32 $_scs_section_size  }
0x9a: {  	s5 =	simm.s32 $_size__tile_overlayer_lowered;
	s6 =	simm.s32 $_tile_overlayer_lowered  }
0x9b: {  	s22 =	simm.s32 $0x1BFF;
	s21 =	sshll.u32 s6, $0x1;
	s3 =	sadd.s32 s4, s19  }
0x9c: {  	s7 =	simm.s32 $0x0;
	s20 =	sshll.u32 s5, $0x1;
	s5 =	sadd.s32 s21, s3  }
0x9d: {  	[timem:s7], [sflag:s22] =	dma.local [hbm:s5], s20  }
0x9e: {  	_ =	swait.ge [sflag:s22], s20  }
0x9f: {  	s4 =	ssub.s32 $0x0, s20;
	[sflag:s22] =	ssyncset.done $0x0  }
0xa0: {  	[sflag:s22] =	ssyncadd.s32 s4;
	_ =	sdelay $0x1  }
0xa1: {  	s23 =	simm.s32 $0x1B8B  }
0xa2: {  	_ =	swait.ge [sflag:s23], $0x1  }
0xa3: {  	[sflag:s23] =	ssyncset.done $0x0  }
0xa4: {  	s25 =	simm.s32 $0x1B8E;
	s24 =	sld [smem:$0x3FFE];
	[sflag:s23] =	ssyncadd.s32 $0xFFFFFFFF  }
0xa5: {  	s26 =	simm.s32 $execute0_lowered;
	[smem:$0x3FD2] =	sst s25  }
0xa6: {  	s5 =	sshll.u32 s26, $0x1;
	_ =	strace $0x8000004C;
	[dreg:$0x1] =	wrdreg $0xFFFFFFFF  }
0xa7: {  	s28 =	simm.s32 $_size_execute0_lowered;
	s3 =	sadd.s32 s3, s5;
	[dreg:$0x0] =	wrdreg $0x0  }
0xa8: {  	s5 =	sshll.u32 s28, $0x1;
	[dreg:$0x2] =	wrdreg s3  }
0xa9: {  	[dreg:$0x3] =	wrdreg s5  }
0xaa: {  	[dreg:$0x4] =	wrdreg $0xC0  }
0xab: {  	_ =	task [dreg:s7], $0x5FFFF  }
0xac: {  	[dreg:$0x1] =	wrdreg $0xFFFFFFFF  }
0xad: {  	[dreg:$0x0] =	wrdreg $0x60  }
0xae: {  	[dreg:$0x2] =	wrdreg s2  }
0xaf: {  	[dreg:$0x3] =	wrdreg s24  }
0xb0: {  	[dreg:$0x4] =	wrdreg $0xBC000  }
0xb1: {  	[dreg:$0x5] =	wrdreg $0x9  }
0xb2: {  	_ =	task.clear_ibuf [dreg:s7], $0x6FFFF;
	_ =	strace $0x9000004C  }
0xb3: {  	s29 =	simm.s32 $0x9;
	_ =	strace $0x8000004E  }
0xb4: {  	_ =	swait.ge [sflag:s29], $0x1  }
0xb5: {  	[sflag:s29] =	ssyncadd.s32 $0xFFFFFFFF  }
0xb6: {  	_ =	strace $0x9000004E  }
0xb7: {  	_ =	sfence  }
0xb8: {  	s30 =	sld [smem:$0x0];
	_ =	sdelay $0x2  }
0xb9: {  	s31 =	sshll.u32 s1, $0xD;
	s1 =	sshrl.u32 s1, $0x2  }
0xba: {  	s3 =	sand.u32 $0x4000, s31;
	s1 =	sadd.s32 s1, s30  }
0xbb: {  	s0 =	sor.u32 s3, s0;
	s1 =	sshll.u32 s1, $0x11  }
0xbc: {  	s0 =	sor.u32 s1, s0  }
0xbd: {  	s0 =	sadd.s32 $0x8F2B, s0  }
0xbe: {  	[sflag:s0] =	ssyncadd.remote.s32 $0x1  }
0xbf: {  	_ =	sfence.sel $0xFFFF  }
0xc0: {  	[dreg:$0x0] =	wrdreg $0xFFFFFFFF;
	(pc) =	sbr.abs _section_cstart, $3  }
0xc1: {  	[dreg:$0x1] =	wrdreg $0xFFFFFFFF  }
0xc2: {  	_ =	task.clear_ibuf [dreg:s7], $0x2FFFF;
	_ =	strace $0x9FFFFFFF  }
0xc3: {  	(tm) =	ssettm $0x7FFFFFFF  }
tec
execute0_lowered:
.L_overlay_start_1:
0x0: {  	(tag) =	ssettag $0x1  }
0x1: {  	s1 =	rddreg [dreg:$0x0]  }
0x2: {  	s5 =	rddreg [dreg:$0x1]  }
0x3: {  	s0 =	srdreg.scid;
	s3 =	rddreg [dreg:$0x2];
	s4 =	simm.s32 $0x0  }
0x4: {  	s17 =	simm.s32 $0x5;
	s18 =	simm.s32 $0x1400;
	s19 =	simm.s32 $0x80  }
0x5: {  	s20 =	simm.s32 $0x1;
	s21 =	simm.s32 $0x7C00;
	s22 =	simm.s32 $0x2  }
0x6: {  	s23 =	simm.s32 $0x3;
	s24 =	simm.s32 $0x4;
	s25 =	simm.s32 $0x2780  }
0x7: {  	s28 =	simm.s32 $0x3B80;
	s6 =	sand.u32 $0x1, s0;
	s0 =	stileid.u32  }
0x8: {  	s29 =	simm.s32 $0x0;
	[smem:$0x7FF] =	sst s4;
	s9 =	smul.u32 $0x4F000, s0  }
0x9: {  	s13 =	sadd.s32 $0x17E00, s5;
	s2 =	sshll.u32 s6, $0x4;
	s11 =	smul.u32 $0x138800, s6  }
0xa: {  	_ =	strace $0x8000004D;
	s14 =	smul.u32 $0x13C00, s0;
	s7 =	sor.u32 s0, s2  }
0xb: {  	s26 =	ssub.s32 $0x2, s6;
	p0 =	seq.s32 s0, $0xF;
	s8 =	smul.u32 $0x2C00, s7  }
0xc: {  	s31 =	sshrl.u32 s26, $0x1;
	s7 =	smul.u32 $0x500, s7;
	s30 =	sshrl.u32 s9, $0x2  }
0xd: {  	s15 =	ssub.s32 s26, s31;
	s14 =	sadd.s32 s14, s11;
	s16 =	sshrl.u32 s11, $0x3  }
0xe: {  	s26 =	simm.s32 $0x2800;
	s14 =	sshrl.u32 s14, $0x3;
	s16 =	sadd.s32 s13, s16  }
0xf: {  	s15 =	smax.u32 s15, $0x1;
	s8 =	sshrl.u32 s8, $0x3;
	s10 =	sadd.s32 s7, s5  }
0x10: {  	s13 =	sadd.s32 s13, s14;
	s14 =	sadd.s32 $0x25080, s16;
	s16 =	simm.s32 $0x3C00  }
0x11: {  	s12 =	sadd.s32 s8, s5;
	s5 =	sadd.s32 s30, s3;
	s10 =	sadd.s32 $0x2E00, s10  }
0x12: {  	s6 =	sadd.s32 $0x4000, s5;
	s7 =	sadd.s32 $0x8000, s5;
	s8 =	sadd.s32 $0xC000, s5  }
0x13: {  	v0 =	vimm.f32 $0.0e+00;
	s9 =	sadd.s32 $0x10000, s5;
	s11 =	sadd.s32 $0xCE00, s12;
	s12 =	sadd.s32 $0xD080, s12  }
.LBB2_1:
0x14: {  	s30 =	simm.s32 $0x0;
	s31 =	simm.s32 $0x200  }
.LBB2_2:
0x15: {  	p1 =	sne.s32 s31, $0xFE00;
	[tilespmem:s30+$0x3C70] =	vst v0  }
0x16: {  	[tilespmem:s30+$0x3C00] =	vst v0  }
0x17: {  	[tilespmem:s30+$0x3C10] =	vst v0  }
.Ltmp0:
0x18: {  	[tilespmem:s30+$0x3C20] =	vst v0;
	(pc) =	sbr.rel @p1 .LBB2_2-.Ltmp0, $4  }
0x19: {  	[tilespmem:s30+$0x3C30] =	vst v0  }
0x1a: {  	[tilespmem:s30+$0x3C40] =	vst v0  }
0x1b: {  	[tilespmem:s30+$0x3C50] =	vst v0  }
0x1c: {  	[tilespmem:s30+$0x3C60] =	vst v0;
	s30 =	sshra.s32 s31, $0x2;
	s31 =	sadd.s32 $0x200, s31  }
0x1d: {  	[tilespmem:s30+$0x3C70] =	vst v0  }
0x1e: {  	[tilespmem:s30+$0x3C00] =	vst v0  }
0x1f: {  	[tilespmem:s30+$0x3C10] =	vst v0  }
0x20: {  	[tilespmem:s30+$0x3C20] =	vst v0  }
0x21: {  	[tilespmem:s30+$0x3C30] =	vst v0  }
0x22: {  	[tilespmem:s30+$0x3C40] =	vst v0  }
0x23: {  	[tilespmem:s30+$0x3C50] =	vst v0  }
0x24: {  	[tilespmem:s30+$0x3C60] =	vst v0  }
0x25: {  	[spmem:s5] =	stream.linear.scatter [tilespmem:s16], [sflag:$0x5], $0x4000, $0x38;
	[tilespmem:$0x1F800] =	vst v63  }
0x26: {  	_ =	swait.ge [sflag:s17], $0x4000  }
0x27: {  	[sflag:s17] =	ssyncset.done $0x0  }
0x28: {  	[sflag:s17] =	ssyncadd.s32 $0xFFFFC000  }
0x29: {  	[spmem:s6] =	stream.linear.scatter [tilespmem:s16], [sflag:$0x5], $0x4000, $0x38;
	[tilespmem:$0x1F800] =	vst v63  }
0x2a: {  	_ =	swait.ge [sflag:s17], $0x4000  }
0x2b: {  	[sflag:s17] =	ssyncset.done $0x0  }
0x2c: {  	[sflag:s17] =	ssyncadd.s32 $0xFFFFC000  }
0x2d: {  	[spmem:s7] =	stream.linear.scatter [tilespmem:s16], [sflag:$0x5], $0x4000, $0x38;
	[tilespmem:$0x1F800] =	vst v63  }
0x2e: {  	_ =	swait.ge [sflag:s17], $0x4000  }
0x2f: {  	[sflag:s17] =	ssyncset.done $0x0  }
0x30: {  	[sflag:s17] =	ssyncadd.s32 $0xFFFFC000  }
0x31: {  	[spmem:s8] =	stream.linear.scatter [tilespmem:s16], [sflag:$0x5], $0x4000, $0x38;
	[tilespmem:$0x1F800] =	vst v63  }
0x32: {  	_ =	swait.ge [sflag:s17], $0x4000  }
0x33: {  	[sflag:s17] =	ssyncset.done $0x0  }
0x34: {  	[sflag:s17] =	ssyncadd.s32 $0xFFFFC000  }
0x35: {  	[spmem:s9] =	stream.linear.scatter [tilespmem:s16], [sflag:$0x5], $0x3C00, $0x38;
	[tilespmem:$0x1F800] =	vst v63  }
0x36: {  	_ =	swait.ge [sflag:s17], $0x3C00  }
0x37: {  	[sflag:s17] =	ssyncset.done $0x0  }
0x38: {  	[sflag:s17] =	ssyncadd.s32 $0xFFFFC400  }
0x39: {  	[tilespmem:s18], [sflag:$0x5] =	stream.linear.gather [hbm4b:s10+s4], $0x2800, $0x38;
	[tilespmem:$0x1F800] =	vst v63  }
0x3a: {  	_ =	swait.ge [sflag:s17], $0x2800  }
0x3b: {  	[sflag:s17] =	ssyncset.done $0x0  }
0x3c: {  	[sflag:s17] =	ssyncadd.s32 $0xFFFFD800  }
0x3d: {  	[bflag:$0x0] =	sbarrier.arrive $0xFFFF  }
0x3e: {  	[tilespmem:s4], [sflag:$0x5] =	stream.linear.gather [hbm4b:s11+s4], $0x1400, $0x38;
	[tilespmem:$0x1F800] =	vst v63  }
0x3f: {  	_ =	swait.ge [sflag:s17], $0x1400  }
0x40: {  	[sflag:s17] =	ssyncset.done $0x0  }
0x41: {  	[sflag:s17] =	ssyncadd.s32 $0xFFFFEC00  }
0x42: {  	[tilespmem:s16], [sflag:$0x1] =	stream.indirect.gather [hbm4b:s1+s19], $0x80, s4, s19, $0xb8;
	[tilespmem:$0x1F800] =	vst v63  }
0x43: {  	_ =	swait.ge [sflag:s20], $0x4000  }
0x44: {  	[sflag:s20] =	ssyncset.done $0x0  }
0x45: {  	[sflag:s20] =	ssyncadd.s32 $0xFFFFC000  }
0x46: {  	[spmem:s3] =	stream.indirect.scatter.add.f32 [tilespmem:s16], [sflag:$0x3], $0x80, s18, s19, $0xb8;
	[tilespmem:$0x1F800] =	vst v63  }
0x47: {  	_ = 	snop  }
0x48: {  	[tilespmem:s21], [sflag:$0x2] =	stream.indirect.gather [hbm4b:s1+s19], $0x80, s19, s19, $0xb8;
	[tilespmem:$0x1F800] =	vst v63  }
0x49: {  	_ =	swait.ge [sflag:s22], $0x4000  }
0x4a: {  	[sflag:s22] =	ssyncset.done $0x0  }
0x4b: {  	s30 =	simm.s32 $0x1480;
	[sflag:s22] =	ssyncadd.s32 $0xFFFFC000  }
0x4c: {  	[spmem:s3] =	stream.indirect.scatter.add.f32 [tilespmem:s21], [sflag:$0x4], $0x80, s30, s19, $0xb8;
	[tilespmem:$0x1F800] =	vst v63  }
0x4d: {  	_ =	swait.ge [sflag:s23], $0x4000  }
0x4e: {  	[sflag:s23] =	ssyncset.done $0x0  }
0x4f: {  	s30 =	simm.s32 $0x100;
	[sflag:s23] =	ssyncadd.s32 $0xFFFFC000  }
0x50: {  	[tilespmem:s16], [sflag:$0x1] =	stream.indirect.gather [hbm4b:s1+s19], $0x80, s30, s19, $0xb8;
	[tilespmem:$0x1F800] =	vst v63  }
0x51: {  	_ =	swait.ge [sflag:s20], $0x4000  }
0x52: {  	[sflag:s20] =	ssyncset.done $0x0  }
0x53: {  	s30 =	simm.s32 $0x1500;
	[sflag:s20] =	ssyncadd.s32 $0xFFFFC000  }
0x54: {  	[spmem:s3] =	stream.indirect.scatter.add.f32 [tilespmem:s16], [sflag:$0x3], $0x80, s30, s19, $0xb8;
	[tilespmem:$0x1F800] =	vst v63  }
0x55: {  	_ =	swait.ge [sflag:s24], $0x4000  }
0x56: {  	[sflag:s24] =	ssyncset.done $0x0  }
0x57: {  	s31 =	simm.s32 $0x180;
	s30 =	simm.s32 $0xFFFFB800;
	[sflag:s24] =	ssyncadd.s32 $0xFFFFC000  }
.LBB2_4:
0x58: {  	[tilespmem:s21], [sflag:$0x2] =	stream.indirect.gather [hbm4b:s1+s19], $0x80, s31, s19, $0xb8;
	[tilespmem:$0x1F800] =	vst v63  }
0x59: {  	s31 =	smov.u32 s30  }
0x5a: {  	p1 =	sne.s32 s30, $0xFFFFFC00;
	s30 =	sadd.s32 $0x400, s30;
	_ =	swait.ge [sflag:s22], $0x4000  }
0x5b: {  	s31 =	sshra.s32 s31, $0x2;
	[sflag:s22] =	ssyncset.done $0x0  }
0x5c: {  	s2 =	sadd.s32 $0x2780, s31;
	[sflag:s22] =	ssyncadd.s32 $0xFFFFC000  }
0x5d: {  	[spmem:s3] =	stream.indirect.scatter.add.f32 [tilespmem:s21], [sflag:$0x4], $0x80, s2, s19, $0xb8;
	[tilespmem:$0x1F800] =	vst v63  }
0x5e: {  	_ =	swait.ge [sflag:s23], $0x4000  }
0x5f: {  	[sflag:s23] =	ssyncset.done $0x0  }
0x60: {  	s2 =	sadd.s32 $0x1400, s31;
	[sflag:s23] =	ssyncadd.s32 $0xFFFFC000  }
0x61: {  	[tilespmem:s16], [sflag:$0x1] =	stream.indirect.gather [hbm4b:s1+s19], $0x80, s2, s19, $0xb8;
	[tilespmem:$0x1F800] =	vst v63  }
0x62: {  	_ =	swait.ge [sflag:s20], $0x4000  }
0x63: {  	[sflag:s20] =	ssyncset.done $0x0  }
.Ltmp1:
0x64: {  	s2 =	sadd.s32 $0x2800, s31;
	[sflag:s20] =	ssyncadd.s32 $0xFFFFC000;
	(pc) =	sbr.rel @p1 .LBB2_4-.Ltmp1, $4  }
0x65: {  	[spmem:s3] =	stream.indirect.scatter.add.f32 [tilespmem:s16], [sflag:$0x3], $0x80, s2, s19, $0xb8;
	[tilespmem:$0x1F800] =	vst v63  }
0x66: {  	_ =	swait.ge [sflag:s24], $0x4000  }
0x67: {  	[sflag:s24] =	ssyncset.done $0x0  }
0x68: {  	s31 =	sadd.s32 $0x1480, s31;
	[sflag:s24] =	ssyncadd.s32 $0xFFFFC000  }
0x69: {  	[tilespmem:s21], [sflag:$0x2] =	stream.indirect.gather [hbm4b:s1+s19], $0x80, s31, s19, $0xb8;
	[tilespmem:$0x1F800] =	vst v63  }
0x6a: {  	_ =	swait.ge [sflag:s22], $0x4000  }
0x6b: {  	[sflag:s22] =	ssyncset.done $0x0  }
0x6c: {  	[sflag:s22] =	ssyncadd.s32 $0xFFFFC000  }
0x6d: {  	[spmem:s3] =	stream.indirect.scatter.add.f32 [tilespmem:s21], [sflag:$0x4], $0x80, s25, s19, $0xb8;
	[tilespmem:$0x1F800] =	vst v63  }
0x6e: {  	_ =	swait.ge [sflag:s23], $0x4000  }
0x6f: {  	[sflag:s23] =	ssyncset.done $0x0  }
0x70: {  	[sflag:s23] =	ssyncadd.s32 $0xFFFFC000  }
0x71: {  	_ =	swait.ge [sflag:s24], $0x4000  }
0x72: {  	[sflag:s24] =	ssyncset.done $0x0  }
0x73: {  	[sflag:s24] =	ssyncadd.s32 $0xFFFFC000  }
0x74: {  	[tilespmem:s4], [sflag:$0x5] =	stream.linear.gather [hbm4b:s12+s4], $0x1400, $0x38;
	[tilespmem:$0x1F800] =	vst v63  }
0x75: {  	_ =	swait.ge [sflag:s17], $0x1400  }
0x76: {  	[sflag:s17] =	ssyncset.done $0x0  }
0x77: {  	[sflag:s17] =	ssyncadd.s32 $0xFFFFEC00  }
0x78: {  	[tilespmem:s16], [sflag:$0x1] =	stream.indirect.gather [hbm4b:s1+s19], $0x80, s4, s19, $0xb8;
	[tilespmem:$0x1F800] =	vst v63  }
0x79: {  	_ =	swait.ge [sflag:s20], $0x4000  }
0x7a: {  	[sflag:s20] =	ssyncset.done $0x0  }
0x7b: {  	[sflag:s20] =	ssyncadd.s32 $0xFFFFC000  }
0x7c: {  	[spmem:s3] =	stream.indirect.scatter.add.f32 [tilespmem:s16], [sflag:$0x3], $0x80, s26, s19, $0xb8;
	[tilespmem:$0x1F800] =	vst v63  }
0x7d: {  	_ = 	snop  }
0x7e: {  	[tilespmem:s21], [sflag:$0x2] =	stream.indirect.gather [hbm4b:s1+s19], $0x80, s19, s19, $0xb8;
	[tilespmem:$0x1F800] =	vst v63  }
0x7f: {  	_ =	swait.ge [sflag:s22], $0x4000  }
0x80: {  	[sflag:s22] =	ssyncset.done $0x0  }
0x81: {  	s2 =	simm.s32 $0x2880;
	[sflag:s22] =	ssyncadd.s32 $0xFFFFC000  }
0x82: {  	[spmem:s3] =	stream.indirect.scatter.add.f32 [tilespmem:s21], [sflag:$0x4], $0x80, s2, s19, $0xb8;
	[tilespmem:$0x1F800] =	vst v63  }
0x83: {  	_ =	swait.ge [sflag:s23], $0x4000  }
0x84: {  	[sflag:s23] =	ssyncset.done $0x0  }
0x85: {  	s2 =	simm.s32 $0x100;
	[sflag:s23] =	ssyncadd.s32 $0xFFFFC000  }
0x86: {  	[tilespmem:s16], [sflag:$0x1] =	stream.indirect.gather [hbm4b:s1+s19], $0x80, s2, s19, $0xb8;
	[tilespmem:$0x1F800] =	vst v63  }
0x87: {  	_ =	swait.ge [sflag:s20], $0x4000  }
0x88: {  	[sflag:s20] =	ssyncset.done $0x0  }
0x89: {  	s2 =	simm.s32 $0x2900;
	[sflag:s20] =	ssyncadd.s32 $0xFFFFC000  }
0x8a: {  	[spmem:s3] =	stream.indirect.scatter.add.f32 [tilespmem:s16], [sflag:$0x3], $0x80, s2, s19, $0xb8;
	[tilespmem:$0x1F800] =	vst v63  }
0x8b: {  	_ =	swait.ge [sflag:s24], $0x4000  }
0x8c: {  	[sflag:s24] =	ssyncset.done $0x0  }
0x8d: {  	s30 =	simm.s32 $0xFFFFB800;
	s31 =	simm.s32 $0x180;
	[sflag:s24] =	ssyncadd.s32 $0xFFFFC000  }
.LBB2_6:
0x8e: {  	[tilespmem:s21], [sflag:$0x2] =	stream.indirect.gather [hbm4b:s1+s19], $0x80, s31, s19, $0xb8;
	[tilespmem:$0x1F800] =	vst v63  }
0x8f: {  	s2 =	smov.u32 s30  }
0x90: {  	p1 =	sne.s32 s30, $0xFFFFFC00;
	s30 =	sadd.s32 $0x400, s30;
	_ =	swait.ge [sflag:s22], $0x4000  }
0x91: {  	s2 =	sshra.s32 s2, $0x2;
	[sflag:s22] =	ssyncset.done $0x0  }
0x92: {  	s31 =	sadd.s32 $0x3B80, s2;
	[sflag:s22] =	ssyncadd.s32 $0xFFFFC000  }
0x93: {  	[spmem:s3] =	stream.indirect.scatter.add.f32 [tilespmem:s21], [sflag:$0x4], $0x80, s31, s19, $0xb8;
	[tilespmem:$0x1F800] =	vst v63  }
0x94: {  	_ =	swait.ge [sflag:s23], $0x4000  }
0x95: {  	[sflag:s23] =	ssyncset.done $0x0  }
0x96: {  	s31 =	sadd.s32 $0x1400, s2;
	[sflag:s23] =	ssyncadd.s32 $0xFFFFC000  }
0x97: {  	[tilespmem:s16], [sflag:$0x1] =	stream.indirect.gather [hbm4b:s1+s19], $0x80, s31, s19, $0xb8;
	[tilespmem:$0x1F800] =	vst v63  }
0x98: {  	_ =	swait.ge [sflag:s20], $0x4000  }
0x99: {  	[sflag:s20] =	ssyncset.done $0x0  }
.Ltmp2:
0x9a: {  	s31 =	sadd.s32 $0x3C00, s2;
	[sflag:s20] =	ssyncadd.s32 $0xFFFFC000;
	(pc) =	sbr.rel @p1 .LBB2_6-.Ltmp2, $4  }
0x9b: {  	[spmem:s3] =	stream.indirect.scatter.add.f32 [tilespmem:s16], [sflag:$0x3], $0x80, s31, s19, $0xb8;
	[tilespmem:$0x1F800] =	vst v63  }
0x9c: {  	_ =	swait.ge [sflag:s24], $0x4000  }
0x9d: {  	[sflag:s24] =	ssyncset.done $0x0  }
0x9e: {  	s31 =	sadd.s32 $0x1480, s2;
	[sflag:s24] =	ssyncadd.s32 $0xFFFFC000  }
0x9f: {  	[tilespmem:s21], [sflag:$0x2] =	stream.indirect.gather [hbm4b:s1+s19], $0x80, s31, s19, $0xb8;
	[tilespmem:$0x1F800] =	vst v63  }
0xa0: {  	_ =	swait.ge [sflag:s22], $0x4000  }
0xa1: {  	[sflag:s22] =	ssyncset.done $0x0  }
0xa2: {  	[sflag:s22] =	ssyncadd.s32 $0xFFFFC000  }
0xa3: {  	[spmem:s3] =	stream.indirect.scatter.add.f32 [tilespmem:s21], [sflag:$0x4], $0x80, s28, s19, $0xb8;
	[tilespmem:$0x1F800] =	vst v63  }
0xa4: {  	_ =	swait.ge [sflag:s23], $0x4000  }
0xa5: {  	[sflag:s23] =	ssyncset.done $0x0  }
0xa6: {  	[sflag:s23] =	ssyncadd.s32 $0xFFFFC000  }
0xa7: {  	_ =	swait.ge [sflag:s24], $0x4000  }
0xa8: {  	[sflag:s24] =	ssyncset.done $0x0  }
0xa9: {  	[sflag:s24] =	ssyncadd.s32 $0xFFFFC000  }
0xaa: {  	s2 =	sshrl.u32 @p0 s5, $0x3;
	s30 =	simm.s32 @p0 $0x1FC5;
	[bflag:$0x0] =	sbarrier.arrive $0xFFFF  }
0xab: {  	[hbm:s14], [sflag:s30] =	dma.local @p0 [spmem:s2], $0x2080  }
0xac: {  	s2 =	simm.s32 @p0 $0x5  }
0xad: {  	s29 =	sadd.s32 $0x1, s29;
	_ =	swait.ge @p0 [sflag:s2], $0x2080  }
0xae: {  	p1 =	sne.s32 s29, s15;
	s30 =	sshll.u32 @!p0 s0, $0x6;
	[sflag:s2] =	ssyncset.done @p0 $0x0  }
0xaf: {  	[sflag:s2] =	ssyncadd.s32 @p0 $0xFFFFDF80;
	s2 =	sor.u32 @!p0 $0x1C05, s30;
	s30 =	sshrl.u32 @!p0 s5, $0x3  }
0xb0: {  	[hbm:s13], [sflag:s2] =	dma.local @!p0 [spmem:s30], $0x2780  }
.Ltmp3:
0xb1: {  	_ = 	snop;
	(pc) =	sbr.rel @p1 .LBB2_1-.Ltmp3, $4  }
0xb2: {  	s2 =	simm.s32 @!p0 $0x5  }
0xb3: {  	_ =	swait.ge @!p0 [sflag:s2], $0x2780  }
0xb4: {  	[sflag:s2] =	ssyncset.done @!p0 $0x0  }
0xb5: {  	[sflag:s2] =	ssyncadd.s32 @!p0 $0xFFFFD880  }
0xb6: {  	_ =	sfence.sel $0x180000  }
0xb7: {  	[bflag:$0x0] =	sbarrier.arrive $0xFFFF  }
0xb8: {  	_ =	strace $0x9000004D  }
0xb9: {  	[bflag:$0x2] =	sbarrier.arrive $0xFFFF  }
0xba: {  	p0 =	sne.s32 s0, $0x0;
	s0 =	rddreg [dreg:$0x3]  }
0xbb: {  	s0 =	sadd.s32 @!p0 $0x100000, s0  }
0xbc: {  	[sflag:s0] =	ssyncadd.tile.s32 @!p0 $0x1;
	_ =	shalt  }
.Lfunc_end2:
_tile_overlayer_lowered:
.L_overlay_start_2:
0xbd: {  	(tag) =	ssettag $0x2  }
0xbe: {  	s0 =	rddreg [dreg:$0x0];
	s2 =	stileid.u32  }
0xbf: {  	s1 =	rddreg [dreg:$0x1];
	p0 =	sne.s32 s2, $0x0  }
0xc0: {  	s3 =	rddreg [dreg:$0x2];
	[bflag:$0x3] =	sbarrier.arrive $0xFFFF;
	s2 =	simm.s32 @!p0 $0x1C05  }
0xc1: {  	[timem:s3], [sflag:s2] =	dma.local @!p0 [hbm:s0], s1  }
0xc2: {  	s0 =	simm.s32 @!p0 $0x5  }
0xc3: {  	_ =	swait.ge @!p0 [sflag:s0], s1  }
0xc4: {  	s1 =	ssub.s32 @!p0 $0x0, s1;
	[sflag:s0] =	ssyncset.done @!p0 $0x0  }
0xc5: {  	[sflag:s0] =	ssyncadd.s32 @!p0 s1  }
0xc6: {  	[bflag:$0x3] =	sbarrier.arrive $0xFFFF  }
0xc7: {  	_ =	shalt  }

// kernel: kernel.8.cloned.1.call-start
scs
__scs_entry_jumppad:
0x0: {  	(pc) =	sbr.rel $0x88, $3  }
0x1: {  	(tag) =	ssettag $0x0;
	lr =	simm.s32 $0x1  }
0x2: {  	[smem:$0x3F96] =	sst lr;
	_ =	strace $0xD0000000  }
0x3: {  	_ = 	snop  }
0x4: {  	_ = 	snop  }
0x5: {  	_ = 	snop  }
0x6: {  	_ = 	snop  }
0x7: {  	_ = 	snop  }
__scs_overlays_trampoline_lowered:
0x8: {  	[smem:$0x3FA5] =	sst s0  }
0x9: {  	[smem:$0x3FA6] =	sst s1  }
0xa: {  	[smem:$0x3FA7] =	sst s2  }
0xb: {  	[smem:$0x3FA8] =	sst s3  }
0xc: {  	[smem:$0x3FA9] =	sst s4  }
0xd: {  	[smem:$0x3FAA] =	sst s5  }
0xe: {  	[smem:$0x3FAB] =	sst s6  }
0xf: {  	[smem:$0x3FAC] =	sst s7  }
0x10: {  	[smem:$0x3FAD] =	sst s8  }
0x11: {  	[smem:$0x3FAE] =	sst s9;
	s0 =	simm.s32 @!p0 $0x0  }
0x12: {  	s1 =	sld [smem:$0x3F94];
	s0 =	simm.s32 @p0 $0x1  }
0x13: {  	[smem:$0x3FAF] =	sst s0;
	s0 =	simm.s32 @!p1 $0x0  }
0x14: {  	s2 =	sld [smem:$0x3F93];
	s0 =	simm.s32 @p1 $0x1  }
0x15: {  	[smem:$0x3FB0] =	sst s0;
	s0 =	simm.s32 @!p2 $0x0  }
0x16: {  	s3 =	sld [smem:$0x3FDB];
	s0 =	simm.s32 @p2 $0x1  }
0x17: {  	s4 =	simm.s32 $0x1BF5;
	[smem:$0x3FB2] =	sst s0  }
0x18: {  	s0 =	sld [smem:$0x3F95];
	_ =	swait.ge [sflag:s4], $0x0  }
0x19: {  	s7 =	sld [smem:$0x3F96]  }
0x1a: {  	s8 =	sadd.s32 $0xFFFFE003, lr  }
0x1b: {  	s9 =	sadd.s32 $0xFFFFFEF7, lr;
	s5 =	simm.s32 $0xFFFFFFFF;
	p2 =	slt.u32 s8, $0xFFFFF086  }
0x1c: {  	p1 =	slt.u32 s9, $0xF7A;
	s5 =	simm.s32 @!p2 $0x0  }
0x1d: {  	s5 =	simm.s32 @p1 $0x1;
	p0 =	seq.s32 s7, s2  }
0x1e: {  	s7 =	smul.u32 @!p0 $0xF7A, s2;
	p2 =	seq.s32 @!p0 s5, $0x0  }
0x1f: {  	s9 =	smul.u32 $0xF7A, s1;
	s8 =	simm.s32 @!p0 $0x1BF5;
	p2 =	por !p2, p0  }
0x20: {  	[sflag:s8] =	ssyncset.s32 @!p0 $0xFFFFF086;
	s6 =	sadd.s32 @!p0 s3, s7;
	s7 =	simm.s32 @!p0 $0x108  }
0x21: {  	s3 =	sadd.s32 s3, s9;
	s6 =	sadd.s32 @!p0 $0x88, s6;
	s7 =	simm.s32 @p2 $0x1082  }
0x22: {  	[simem:s7], [sflag:s8] =	dma.local @!p0 [hbm:s6], $0xF7A  }
0x23: {  	s9 =	sor.u32 $0xD0000000, s2;
	s6 =	simm.s32 $0x108;
	_ =	swait.ge @!p0 [sflag:s8], $0x0  }
0x24: {  	s3 =	sadd.s32 $0x88, s3;
	s6 =	simm.s32 @!p1 $0x1082;
	[sflag:s4] =	ssyncset.s32 $0xFFFFF086  }
0x25: {  	[simem:s6], [sflag:s4] =	dma.local [hbm:s3], $0xF7A  }
0x26: {  	[smem:$0x3F96] =	sst s1;
	(tag) =	ssettag s2;
	_ =	strace s9  }
0x27: {  	s1 =	sld [smem:$0x3FA6]  }
0x28: {  	s2 =	sld [smem:$0x3FA7]  }
0x29: {  	s4 =	sld [smem:$0x3FA9]  }
0x2a: {  	p0 =	seq.s32 s5, $0x0;
	s5 =	sld [smem:$0x3FAA]  }
0x2b: {  	s6 =	sld [smem:$0x3FAB]  }
0x2c: {  	s7 =	sld [smem:$0x3FAC]  }
0x2d: {  	s3 =	simm.s32 $0x108;
	s8 =	sld [smem:$0x3FAD]  }
0x2e: {  	s3 =	simm.s32 @!p0 $0x1082;
	s9 =	sld [smem:$0x3FAE]  }
0x2f: {  	lr =	sadd.s32 s0, s3;
	s0 =	sld [smem:$0x3FA5]  }
0x30: {  	s3 =	sld [smem:$0x3FA8]  }
0x31: {  	[smem:$0x3FB1] =	sst s10  }
0x32: {  	s10 =	sld [smem:$0x3FAF];
	_ =	sdelay $0x3  }
0x33: {  	p0 =	seq.s32 s10, $0x1;
	s10 =	sld [smem:$0x3FB1];
	_ =	sdelay $0x3  }
0x34: {  	[smem:$0x3FB1] =	sst s10  }
0x35: {  	s10 =	sld [smem:$0x3FB0];
	_ =	sdelay $0x3  }
0x36: {  	p1 =	seq.s32 s10, $0x1;
	s10 =	sld [smem:$0x3FB1];
	_ =	sdelay $0x3  }
0x37: {  	[smem:$0x3FB1] =	sst s10  }
0x38: {  	s10 =	sld [smem:$0x3FB2]  }
0x39: {  	_ = 	snop;
	(pc) =	sbr.ind lr, $3  }
0x3a: {  	_ = 	snop  }
0x3b: {  	_ = 	snop  }
0x3c: {  	p2 =	seq.s32 s10, $0x1;
	s10 =	sld [smem:$0x3FB1]  }
0x3d: {  	_ =	shalt  }
0x3e: {  	_ =	shalt  }
0x3f: {  	_ =	shalt  }
0x40: {  	_ =	shalt  }
0x41: {  	_ =	shalt  }
0x42: {  	_ =	shalt  }
0x43: {  	_ =	shalt  }
0x44: {  	_ =	shalt  }
0x45: {  	_ =	shalt  }
0x46: {  	_ =	shalt  }
0x47: {  	_ =	shalt  }
0x48: {  	_ =	shalt  }
0x49: {  	_ =	shalt  }
0x4a: {  	_ =	shalt  }
0x4b: {  	_ =	shalt  }
0x4c: {  	_ =	shalt  }
0x4d: {  	_ =	shalt  }
0x4e: {  	_ =	shalt  }
0x4f: {  	_ =	shalt  }
0x50: {  	_ =	shalt  }
0x51: {  	_ =	shalt  }
0x52: {  	_ =	shalt  }
0x53: {  	_ =	shalt  }
0x54: {  	_ =	shalt  }
0x55: {  	_ =	shalt  }
0x56: {  	_ =	shalt  }
0x57: {  	_ =	shalt  }
0x58: {  	_ =	shalt  }
0x59: {  	_ =	shalt  }
0x5a: {  	_ =	shalt  }
0x5b: {  	_ =	shalt  }
0x5c: {  	_ =	shalt  }
0x5d: {  	_ =	shalt  }
0x5e: {  	_ =	shalt  }
0x5f: {  	_ =	shalt  }
0x60: {  	_ =	shalt  }
0x61: {  	_ =	shalt  }
0x62: {  	_ =	shalt  }
0x63: {  	_ =	shalt  }
0x64: {  	_ =	shalt  }
0x65: {  	_ =	shalt  }
0x66: {  	_ =	shalt  }
0x67: {  	_ =	shalt  }
0x68: {  	_ =	shalt  }
0x69: {  	_ =	shalt  }
0x6a: {  	_ =	shalt  }
0x6b: {  	_ =	shalt  }
0x6c: {  	_ =	shalt  }
0x6d: {  	_ =	shalt  }
0x6e: {  	_ =	shalt  }
0x6f: {  	_ =	shalt  }
0x70: {  	_ =	shalt  }
0x71: {  	_ =	shalt  }
0x72: {  	_ =	shalt  }
0x73: {  	_ =	shalt  }
0x74: {  	_ =	shalt  }
0x75: {  	_ =	shalt  }
0x76: {  	_ =	shalt  }
0x77: {  	_ =	shalt  }
0x78: {  	_ =	shalt  }
0x79: {  	_ =	shalt  }
0x7a: {  	_ =	shalt  }
0x7b: {  	_ =	shalt  }
0x7c: {  	_ =	shalt  }
0x7d: {  	_ =	shalt  }
0x7e: {  	_ =	shalt  }
0x7f: {  	_ =	shalt  }
0x80: {  	_ =	shalt  }
0x81: {  	_ =	shalt  }
0x82: {  	_ =	shalt  }
0x83: {  	_ =	shalt  }
0x84: {  	_ =	shalt  }
0x85: {  	_ =	shalt  }
0x86: {  	_ =	shalt  }
0x87: {  	_ =	shalt  }
.Lfunc_end0:
.L_simem_size_0:
called_computation_lowered:
.L_overlay_start_0:
0x88: {  	s2 =	sld [smem:$0x3FD9]  }
0x89: {  	s3 =	sld [smem:$0x3FFE];
	_ =	sdelay $0x1  }
0x8a: {  	s1 =	srdreg.scid  }
0x8b: {  	s0 =	sand.u32 $0x1, s1  }
0x8c: {  	s17 =	sshll.u32 s0, $0xA;
	s2 =	sadd.s32 s3, s2  }
0x8d: {  	s2 =	sadd.s32 s2, s17  }
0x8e: {  	[smem:$0x3FBD] =	sst s2  }
0x8f: {  	_ = 	snop  }
0x90: {  	s2 =	sld [smem:$0x3FC9]  }
0x91: {  	s18 =	sld [smem:$0x3FD0];
	(tm) =	ssettm $0x1  }
0x92: {  	s4 =	sld [smem:$0x3FFB];
	_ =	sdelay $0x3  }
0x93: {  	_ =	strace s4  }
0x94: {  	s4 =	sld [smem:$0x3FFC];
	_ =	sdelay $0x3  }
0x95: {  	_ =	strace s4  }
0x96: {  	s4 =	sld [smem:$0x3FFD];
	_ =	sdelay $0x3  }
0x97: {  	_ =	strace s4  }
0x98: {  	_ =	strace $0x8FFFFFFF  }
0x99: {  	s19 =	sld [smem:$0x3FDB];
	_ =	sdelay $0x1  }
0x9a: {  	s5 =	simm.s32 $_scs_section_size  }
0x9b: {  	s6 =	simm.s32 $_size__tile_overlayer_lowered;
	s7 =	simm.s32 $_tile_overlayer_lowered  }
0x9c: {  	s22 =	simm.s32 $0x1BFF;
	s21 =	sshll.u32 s7, $0x1;
	s4 =	sadd.s32 s5, s19  }
0x9d: {  	s8 =	simm.s32 $0x0;
	s20 =	sshll.u32 s6, $0x1;
	s6 =	sadd.s32 s21, s4  }
0x9e: {  	[timem:s8], [sflag:s22] =	dma.local [hbm:s6], s20  }
0x9f: {  	_ =	swait.ge [sflag:s22], s20  }
0xa0: {  	s5 =	ssub.s32 $0x0, s20;
	[sflag:s22] =	ssyncset.done $0x0  }
0xa1: {  	[sflag:s22] =	ssyncadd.s32 s5;
	_ =	sdelay $0x1  }
0xa2: {  	s23 =	simm.s32 $0x1B8B  }
0xa3: {  	_ =	swait.ge [sflag:s23], $0x1  }
0xa4: {  	[sflag:s23] =	ssyncset.done $0x0  }
0xa5: {  	s25 =	simm.s32 $0x1B8E;
	s24 =	sld [smem:$0x3FFE];
	[sflag:s23] =	ssyncadd.s32 $0xFFFFFFFF  }
0xa6: {  	s26 =	simm.s32 $execute0_lowered;
	[smem:$0x3FD2] =	sst s25  }
0xa7: {  	s6 =	sshll.u32 s26, $0x1;
	_ =	strace $0x80000046;
	[dreg:$0x1] =	wrdreg $0xFFFFFFFF  }
0xa8: {  	s28 =	simm.s32 $_size_execute0_lowered;
	s4 =	sadd.s32 s4, s6;
	[dreg:$0x0] =	wrdreg $0x0  }
0xa9: {  	s6 =	sshll.u32 s28, $0x1;
	[dreg:$0x2] =	wrdreg s4  }
0xaa: {  	[dreg:$0x3] =	wrdreg s6  }
0xab: {  	[dreg:$0x4] =	wrdreg $0xC0  }
0xac: {  	_ =	task [dreg:s8], $0x5FFFF  }
0xad: {  	[dreg:$0x1] =	wrdreg $0xFFFFFFFF  }
0xae: {  	[dreg:$0x0] =	wrdreg $0x60  }
0xaf: {  	[dreg:$0x2] =	wrdreg s2  }
0xb0: {  	[dreg:$0x3] =	wrdreg s24  }
0xb1: {  	[dreg:$0x4] =	wrdreg s18  }
0xb2: {  	[dreg:$0x5] =	wrdreg $0xBC800  }
0xb3: {  	[dreg:$0x6] =	wrdreg $0x9  }
0xb4: {  	_ =	task.clear_ibuf [dreg:s8], $0x7FFFF;
	_ =	strace $0x90000046  }
0xb5: {  	s29 =	simm.s32 $0x9;
	_ =	strace $0x80000048  }
0xb6: {  	_ =	swait.ge [sflag:s29], $0x1  }
0xb7: {  	[sflag:s29] =	ssyncadd.s32 $0xFFFFFFFF  }
0xb8: {  	_ =	strace $0x90000048  }
0xb9: {  	_ =	sfence  }
0xba: {  	s30 =	sld [smem:$0x0];
	_ =	sdelay $0x2  }
0xbb: {  	s31 =	sshll.u32 s1, $0xD;
	s1 =	sshrl.u32 s1, $0x2  }
0xbc: {  	s3 =	sand.u32 $0x4000, s31;
	s1 =	sadd.s32 s1, s30  }
0xbd: {  	s0 =	sor.u32 s3, s0;
	s1 =	sshll.u32 s1, $0x11  }
0xbe: {  	s0 =	sor.u32 s1, s0  }
0xbf: {  	s0 =	sadd.s32 $0x8F2B, s0  }
0xc0: {  	[sflag:s0] =	ssyncadd.remote.s32 $0x1  }
0xc1: {  	_ =	sfence.sel $0xFFFF  }
0xc2: {  	[dreg:$0x0] =	wrdreg $0xFFFFFFFF;
	(pc) =	sbr.abs _section_cstart, $3  }
0xc3: {  	[dreg:$0x1] =	wrdreg $0xFFFFFFFF  }
0xc4: {  	_ =	task.clear_ibuf [dreg:s8], $0x2FFFF;
	_ =	strace $0x9FFFFFFF  }
0xc5: {  	(tm) =	ssettm $0x7FFFFFFF  }
tec
execute0_lowered:
.L_overlay_start_1:
0x0: {  	(tag) =	ssettag $0x1  }
0x1: {  	s0 =	srdreg.scid;
	s1 =	rddreg [dreg:$0x0]  }
0x2: {  	s2 =	rddreg [dreg:$0x1];
	s15 =	stileid.u32  }
0x3: {  	s8 =	rddreg [dreg:$0x2];
	s4 =	simm.s32 $0x0;
	s28 =	simm.s32 $0x80  }
0x4: {  	s29 =	simm.s32 $0x5;
	s30 =	simm.s32 $0x1;
	s9 =	smul.u32 $0x4F000, s15  }
0x5: {  	s31 =	simm.s32 $0x9500;
	s0 =	sand.u32 $0x1, s0;
	s23 =	smul.u32 $0x13C00, s15  }
0x6: {  	[smem:$0x7FF] =	sst s4;
	s20 =	sshrl.u32 s15, $0x3;
	s17 =	smul.u32 $0x138800, s0  }
0x7: {  	s3 =	sshll.u32 s0, $0x4;
	s11 =	ssub.s32 $0x2, s0;
	s0 =	smul.u32 $0x27800, s0  }
0x8: {  	p0 =	seq.s32 s15, $0xF;
	s21 =	smul.u32 $0x13C00, s20;
	s7 =	sor.u32 s15, s3  }
0x9: {  	s3 =	rddreg [dreg:$0x3];
	_ =	strace $0x80000047;
	s5 =	smul.u32 $0x2800, s7  }
0xa: {  	s24 =	sshrl.u32 s9, $0x2;
	s25 =	sshrl.u32 s11, $0x1;
	s7 =	smul.u32 $0x2C00, s7  }
0xb: {  	s9 =	ssub.s32 s11, s25;
	s0 =	sadd.s32 s0, s21;
	s6 =	sshrl.u32 s5, $0x3  }
0xc: {  	s11 =	sshrl.u32 s17, $0x3;
	s10 =	sadd.s32 s6, s2;
	s6 =	sadd.s32 s24, s3  }
0xd: {  	s5 =	sadd.s32 $0xCE00, s2;
	s16 =	sshrl.u32 s7, $0x3;
	s26 =	sadd.s32 $0x4000, s6  }
0xe: {  	s2 =	sadd.s32 $0x17E00, s2;
	s12 =	sadd.s32 $0x8000, s6;
	[dreg:$0x5] =	wrdreg s26  }
0xf: {  	s24 =	sshll.u32 s15, $0x7;
	s13 =	sadd.s32 $0xC000, s6;
	[dreg:$0x6] =	wrdreg s12  }
0x10: {  	s14 =	sadd.s32 $0x10000, s6;
	s25 =	sand.u32 $0x380, s24;
	[dreg:$0x7] =	wrdreg s13  }
0x11: {  	s11 =	sadd.s32 s2, s11;
	s24 =	simm.s32 $0x1500;
	[dreg:$0x8] =	wrdreg s14  }
0x12: {  	s12 =	sadd.s32 $0x2E00, s10;
	s13 =	sadd.s32 s5, s16;
	s10 =	sadd.s32 $0x3080, s10  }
0x13: {  	s0 =	sor.u32 s25, s0;
	s21 =	sadd.s32 $0x25080, s11;
	s25 =	simm.s32 $0x7  }
0x14: {  	s11 =	simm.s32 $0x1480;
	[dreg:$0x9] =	wrdreg s12;
	s19 =	sadd.s32 $0x10, s13  }
0x15: {  	s14 =	sadd.s32 $0x20, s13;
	[dreg:$0xc] =	wrdreg s10;
	s22 =	sadd.s32 $0x280, s13  }
0x16: {  	s18 =	sadd.s32 $0x290, s13;
	s12 =	sadd.s32 s23, s17;
	[dreg:$0xa] =	wrdreg s19  }
0x17: {  	s0 =	sshrl.u32 s0, $0x3;
	s23 =	smax.u32 s9, $0x1;
	[dreg:$0xb] =	wrdreg s14  }
0x18: {  	s9 =	simm.s32 $0x3;
	s10 =	simm.s32 $0x4;
	[dreg:$0xd] =	wrdreg s22  }
0x19: {  	s19 =	sadd.s32 $0x2A0, s13;
	s26 =	sshrl.u32 s12, $0x3;
	s22 =	sadd.s32 s8, s0  }
0x1a: {  	s0 =	simm.s32 $0x5500;
	s8 =	simm.s32 $0x2;
	s12 =	simm.s32 $0x0  }
0x1b: {  	v0 =	vimm.f32 $0.0e+00;
	v1 =	vimm.f32 $1.000000000e+00;
	s20 =	sadd.s32 s2, s26;
	s26 =	simm.s32 $0x100;
	s2 =	simm.s32 $0x6  }
.LBB2_1:
0x1c: {  	s14 =	simm.s32 $0x0;
	s15 =	simm.s32 $0x200  }
.LBB2_2:
0x1d: {  	p1 =	sne.s32 s15, $0xFE00;
	[tilespmem:s14+$0x1570] =	vst v0  }
0x1e: {  	[tilespmem:s14+$0x1500] =	vst v0  }
0x1f: {  	[tilespmem:s14+$0x1510] =	vst v0  }
.Ltmp0:
0x20: {  	[tilespmem:s14+$0x1520] =	vst v0;
	(pc) =	sbr.rel @p1 .LBB2_2-.Ltmp0, $4  }
0x21: {  	[tilespmem:s14+$0x1530] =	vst v0  }
0x22: {  	[tilespmem:s14+$0x1540] =	vst v0  }
0x23: {  	[tilespmem:s14+$0x1550] =	vst v0  }
0x24: {  	[tilespmem:s14+$0x1560] =	vst v0;
	s14 =	sshra.s32 s15, $0x2;
	s15 =	sadd.s32 $0x200, s15  }
0x25: {  	[tilespmem:s14+$0x1570] =	vst v0  }
0x26: {  	[tilespmem:s14+$0x1500] =	vst v0  }
0x27: {  	[tilespmem:s14+$0x1510] =	vst v0  }
0x28: {  	[tilespmem:s14+$0x1520] =	vst v0  }
0x29: {  	[tilespmem:s14+$0x1530] =	vst v0  }
0x2a: {  	[tilespmem:s14+$0x1540] =	vst v0  }
0x2b: {  	[tilespmem:s14+$0x1550] =	vst v0  }
0x2c: {  	[tilespmem:s14+$0x1560] =	vst v0  }
0x2d: {  	[spmem:s6] =	stream.linear.scatter [tilespmem:s24], [sflag:$0x7], $0x4000, $0x38;
	[tilespmem:$0x1F880] =	vst v63  }
0x2e: {  	_ =	swait.ge [sflag:s25], $0x4000  }
0x2f: {  	[sflag:s25] =	ssyncset.done $0x0  }
0x30: {  	s17 =	rddreg [dreg:$0x5];
	[sflag:s25] =	ssyncadd.s32 $0xFFFFC000  }
0x31: {  	[spmem:s17] =	stream.linear.scatter [tilespmem:s24], [sflag:$0x7], $0x4000, $0x38;
	[tilespmem:$0x1F880] =	vst v63  }
0x32: {  	_ =	swait.ge [sflag:s25], $0x4000  }
0x33: {  	[sflag:s25] =	ssyncset.done $0x0  }
0x34: {  	s15 =	rddreg [dreg:$0x6];
	[sflag:s25] =	ssyncadd.s32 $0xFFFFC000  }
0x35: {  	[spmem:s15] =	stream.linear.scatter [tilespmem:s24], [sflag:$0x7], $0x4000, $0x38;
	[tilespmem:$0x1F880] =	vst v63  }
0x36: {  	_ =	swait.ge [sflag:s25], $0x4000  }
0x37: {  	[sflag:s25] =	ssyncset.done $0x0  }
0x38: {  	s16 =	rddreg [dreg:$0x7];
	[sflag:s25] =	ssyncadd.s32 $0xFFFFC000  }
0x39: {  	[spmem:s16] =	stream.linear.scatter [tilespmem:s24], [sflag:$0x7], $0x4000, $0x38;
	[tilespmem:$0x1F880] =	vst v63  }
0x3a: {  	_ =	swait.ge [sflag:s25], $0x4000  }
0x3b: {  	[sflag:s25] =	ssyncset.done $0x0  }
0x3c: {  	s17 =	rddreg [dreg:$0x8];
	[sflag:s25] =	ssyncadd.s32 $0xFFFFC000  }
0x3d: {  	[spmem:s17] =	stream.linear.scatter [tilespmem:s24], [sflag:$0x7], $0x3C00, $0x38;
	[tilespmem:$0x1F880] =	vst v63  }
0x3e: {  	_ =	swait.ge [sflag:s25], $0x3C00  }
0x3f: {  	[sflag:s25] =	ssyncset.done $0x0  }
0x40: {  	s14 =	simm.s32 $0x40;
	s15 =	simm.s32 $0x0;
	[sflag:s25] =	ssyncadd.s32 $0xFFFFC400  }
.LBB2_4:
0x41: {  	p1 =	sne.s32 s14, $0x9DC0;
	[tilespmem:s15+$0x9500] =	vst v0;
	s15 =	smov.u32 s14;
	s14 =	sadd.s32 $0x40, s14  }
.Ltmp1:
0x42: {  	(pc) =	sbr.rel @p1 .LBB2_4-.Ltmp1, $2  }
0x43: {  	_ =	sdelay $0x2  }
0x44: {  	s15 =	sshra.s32 s15, $0x2  }
0x45: {  	[tilespmem:s15+$0x9500] =	vst v0  }
0x46: {  	[bflag:$0x0] =	sbarrier.arrive $0xFFFF  }
0x47: {  	s14 =	rddreg [dreg:$0x9]  }
0x48: {  	[tilespmem:s26], [sflag:$0x7] =	stream.linear.gather [hbm4b:s14+s4], $0x1400, $0x38;
	[tilespmem:$0x1F880] =	vst v63  }
0x49: {  	_ =	swait.ge [sflag:s25], $0x1400  }
0x4a: {  	[sflag:s25] =	ssyncset.done $0x0  }
0x4b: {  	[sflag:s25] =	ssyncadd.s32 $0xFFFFEC00  }
0x4c: {  	[tilespmem:s4], [sflag:$0x5] =	stream.linear.gather [hbm4b:s13+s4], $0x80, $0x38;
	[tilespmem:$0x1F880] =	vst v63  }
0x4d: {  	s16 =	rddreg [dreg:$0xa]  }
0x4e: {  	[tilespmem:s28], [sflag:$0x6] =	stream.linear.gather [hbm4b:s16+s4], $0x80, $0x38;
	[tilespmem:$0x1F880] =	vst v63  }
0x4f: {  	_ =	swait.ge [sflag:s29], $0x80  }
0x50: {  	[sflag:s29] =	ssyncset.done $0x0  }
0x51: {  	[sflag:s29] =	ssyncadd.s32 $0xFFFFFF80  }
0x52: {  	[tilespmem:s24], [sflag:$0x1] =	stream.indirect.gather [hbm4b:s1+s28], $0x80, s4, s28, $0xb8;
	[tilespmem:$0x1F880] =	vst v63  }
0x53: {  	_ =	swait.ge [sflag:s30], $0x4000  }
0x54: {  	[sflag:s30] =	ssyncset.done $0x0  }
0x55: {  	[sflag:s30] =	ssyncadd.s32 $0xFFFFC000  }
0x56: {  	[spmem:s3] =	stream.indirect.scatter.add.f32 [tilespmem:s24], [sflag:$0x3], $0x80, s26, s28, $0xb8;
	[tilespmem:$0x1F880] =	vst v63  }
0x57: {  	v2 =	vld [tilespmem:$0x100];
	_ =	sdelay $0x7  }
0x58: {  	[tilespmem:v2+s31+$0x0] =	vst.idx.add.f32.msk $0xffff, v1  }
0x59: {  	v2 =	vld [tilespmem:$0x110];
	_ =	sdelay $0x7  }
0x5a: {  	[tilespmem:v2+s31+$0x0] =	vst.idx.add.f32.msk $0xffff, v1  }
0x5b: {  	v2 =	vld [tilespmem:$0x120];
	_ =	sdelay $0x7  }
0x5c: {  	[tilespmem:v2+s31+$0x0] =	vst.idx.add.f32.msk $0xffff, v1  }
0x5d: {  	v2 =	vld [tilespmem:$0x130];
	_ =	sdelay $0x7  }
0x5e: {  	[tilespmem:v2+s31+$0x0] =	vst.idx.add.f32.msk $0xffff, v1  }
0x5f: {  	v2 =	vld [tilespmem:$0x140];
	_ =	sdelay $0x7  }
0x60: {  	[tilespmem:v2+s31+$0x0] =	vst.idx.add.f32.msk $0xffff, v1  }
0x61: {  	v2 =	vld [tilespmem:$0x150];
	_ =	sdelay $0x7  }
0x62: {  	[tilespmem:v2+s31+$0x0] =	vst.idx.add.f32.msk $0xffff, v1  }
0x63: {  	v2 =	vld [tilespmem:$0x160];
	_ =	sdelay $0x7  }
0x64: {  	[tilespmem:v2+s31+$0x0] =	vst.idx.add.f32.msk $0xffff, v1  }
0x65: {  	v2 =	vld [tilespmem:$0x170];
	_ =	sdelay $0x7  }
0x66: {  	s17 =	rddreg [dreg:$0xb];
	[tilespmem:v2+s31+$0x0] =	vst.idx.add.f32.msk $0xffff, v1  }
0x67: {  	[tilespmem:s4], [sflag:$0x5] =	stream.linear.gather [hbm4b:s17+s4], $0x80, $0x38;
	[tilespmem:$0x1F880] =	vst v63  }
0x68: {  	_ =	swait.ge [sflag:s2], $0x80  }
0x69: {  	[sflag:s2] =	ssyncset.done $0x0  }
0x6a: {  	s15 =	simm.s32 $0x1C0;
	s14 =	simm.s32 $0x200;
	[sflag:s2] =	ssyncadd.s32 $0xFFFFFF80  }
0x6b: {  	[tilespmem:s0], [sflag:$0x2] =	stream.indirect.gather [hbm4b:s1+s28], $0x80, s28, s28, $0xb8;
	[tilespmem:$0x1F880] =	vst v63  }
.LBB2_6:
0x6c: {  	_ =	swait.ge [sflag:s8], $0x4000  }
0x6d: {  	[sflag:s8] =	ssyncset.done $0x0  }
0x6e: {  	s16 =	sadd.s32 $0xFFFFFFC0, s15;
	[sflag:s8] =	ssyncadd.s32 $0xFFFFC000  }
0x6f: {  	[spmem:s3] =	stream.indirect.scatter.add.f32 [tilespmem:s0], [sflag:$0x4], $0x80, s16, s28, $0xb8;
	[tilespmem:$0x1F880] =	vst v63  }
0x70: {  	v2 =	vld [tilespmem:s15+$0xFFFFFFC0];
	_ =	sdelay $0x7  }
0x71: {  	[tilespmem:v2+s31+$0x0] =	vst.idx.add.f32.msk $0xffff, v1  }
0x72: {  	v2 =	vld [tilespmem:s15+$0xFFFFFFD0];
	_ =	sdelay $0x7  }
0x73: {  	[tilespmem:v2+s31+$0x0] =	vst.idx.add.f32.msk $0xffff, v1  }
0x74: {  	v2 =	vld [tilespmem:s15+$0xFFFFFFE0];
	_ =	sdelay $0x7  }
0x75: {  	[tilespmem:v2+s31+$0x0] =	vst.idx.add.f32.msk $0xffff, v1  }
0x76: {  	v2 =	vld [tilespmem:s15+$0xFFFFFFF0];
	_ =	sdelay $0x7  }
0x77: {  	[tilespmem:v2+s31+$0x0] =	vst.idx.add.f32.msk $0xffff, v1  }
0x78: {  	v2 =	vld [tilespmem:s15+$0x0];
	_ =	sdelay $0x7  }
0x79: {  	[tilespmem:v2+s31+$0x0] =	vst.idx.add.f32.msk $0xffff, v1  }
0x7a: {  	v2 =	vld [tilespmem:s15+$0x10];
	_ =	sdelay $0x7  }
0x7b: {  	[tilespmem:v2+s31+$0x0] =	vst.idx.add.f32.msk $0xffff, v1  }
0x7c: {  	v2 =	vld [tilespmem:s15+$0x20];
	_ =	sdelay $0x7  }
0x7d: {  	[tilespmem:v2+s31+$0x0] =	vst.idx.add.f32.msk $0xffff, v1  }
0x7e: {  	v2 =	vld [tilespmem:s15+$0x30];
	_ =	sdelay $0x2  }
0x7f: {  	s16 =	sadd.s32 $0xFFFFFF80, s14  }
0x80: {  	s17 =	sand.u32 $0x3C00, s16  }
0x81: {  	s16 =	sand.u32 $0x380, s16;
	s17 =	sadd.s32 s7, s17  }
0x82: {  	s16 =	sor.u32 s16, s17  }
0x83: {  	s16 =	sshrl.u32 s16, $0x3  }
0x84: {  	s16 =	sadd.s32 s5, s16;
	[tilespmem:v2+s31+$0x0] =	vst.idx.add.f32.msk $0xffff, v1  }
0x85: {  	[tilespmem:s28], [sflag:$0x6] =	stream.linear.gather [hbm4b:s16+s4], $0x80, $0x38;
	[tilespmem:$0x1F880] =	vst v63  }
0x86: {  	_ =	swait.ge [sflag:s9], $0x4000  }
0x87: {  	[sflag:s9] =	ssyncset.done $0x0  }
0x88: {  	[sflag:s9] =	ssyncadd.s32 $0xFFFFC000  }
0x89: {  	_ =	swait.ge [sflag:s29], $0x80  }
0x8a: {  	[sflag:s29] =	ssyncset.done $0x0  }
0x8b: {  	[sflag:s29] =	ssyncadd.s32 $0xFFFFFF80  }
0x8c: {  	[tilespmem:s24], [sflag:$0x1] =	stream.indirect.gather [hbm4b:s1+s28], $0x80, s4, s28, $0xb8;
	[tilespmem:$0x1F880] =	vst v63  }
0x8d: {  	_ =	swait.ge [sflag:s30], $0x4000  }
0x8e: {  	[sflag:s30] =	ssyncset.done $0x0  }
0x8f: {  	s17 =	sadd.s32 $0x40, s15;
	[sflag:s30] =	ssyncadd.s32 $0xFFFFC000  }
0x90: {  	[spmem:s3] =	stream.indirect.scatter.add.f32 [tilespmem:s24], [sflag:$0x3], $0x80, s17, s28, $0xb8;
	[tilespmem:$0x1F880] =	vst v63  }
0x91: {  	v2 =	vld [tilespmem:s15+$0x40];
	_ =	sdelay $0x7  }
0x92: {  	[tilespmem:v2+s31+$0x0] =	vst.idx.add.f32.msk $0xffff, v1  }
0x93: {  	v2 =	vld [tilespmem:s15+$0x50];
	_ =	sdelay $0x7  }
0x94: {  	[tilespmem:v2+s31+$0x0] =	vst.idx.add.f32.msk $0xffff, v1  }
0x95: {  	v2 =	vld [tilespmem:s15+$0x60];
	_ =	sdelay $0x7  }
0x96: {  	[tilespmem:v2+s31+$0x0] =	vst.idx.add.f32.msk $0xffff, v1  }
0x97: {  	v2 =	vld [tilespmem:s15+$0x70];
	_ =	sdelay $0x7  }
0x98: {  	[tilespmem:v2+s31+$0x0] =	vst.idx.add.f32.msk $0xffff, v1  }
0x99: {  	v2 =	vld [tilespmem:s15+$0x80];
	_ =	sdelay $0x7  }
0x9a: {  	[tilespmem:v2+s31+$0x0] =	vst.idx.add.f32.msk $0xffff, v1  }
0x9b: {  	v2 =	vld [tilespmem:s15+$0x90];
	_ =	sdelay $0x7  }
0x9c: {  	[tilespmem:v2+s31+$0x0] =	vst.idx.add.f32.msk $0xffff, v1  }
0x9d: {  	v2 =	vld [tilespmem:s15+$0xA0];
	_ =	sdelay $0x7  }
0x9e: {  	[tilespmem:v2+s31+$0x0] =	vst.idx.add.f32.msk $0xffff, v1  }
0x9f: {  	v2 =	vld [tilespmem:s15+$0xB0];
	_ =	sdelay $0x3  }
0xa0: {  	s17 =	sand.u32 $0x3C00, s14  }
0xa1: {  	s16 =	sadd.s32 s7, s17;
	s17 =	sand.u32 $0x300, s14  }
0xa2: {  	s16 =	sor.u32 s17, s16  }
0xa3: {  	s16 =	sshrl.u32 s16, $0x3  }
0xa4: {  	s16 =	sadd.s32 s5, s16;
	[tilespmem:v2+s31+$0x0] =	vst.idx.add.f32.msk $0xffff, v1  }
0xa5: {  	[tilespmem:s4], [sflag:$0x5] =	stream.linear.gather [hbm4b:s16+s4], $0x80, $0x38;
	[tilespmem:$0x1F880] =	vst v63  }
0xa6: {  	_ =	swait.ge [sflag:s10], $0x4000  }
0xa7: {  	p1 =	sne.s32 s14, $0x1400;
	[sflag:s10] =	ssyncset.done $0x0  }
.Ltmp2:
0xa8: {  	[sflag:s10] =	ssyncadd.s32 $0xFFFFC000;
	(pc) =	sbr.rel @p1 .LBB2_6-.Ltmp2, $4  }
0xa9: {  	_ =	swait.ge [sflag:s2], $0x80  }
0xaa: {  	[sflag:s2] =	ssyncset.done $0x0  }
0xab: {  	s14 =	sadd.s32 $0x100, s14;
	s15 =	sadd.s32 $0x100, s15;
	[sflag:s2] =	ssyncadd.s32 $0xFFFFFF80  }
0xac: {  	[tilespmem:s0], [sflag:$0x2] =	stream.indirect.gather [hbm4b:s1+s28], $0x80, s28, s28, $0xb8;
	[tilespmem:$0x1F880] =	vst v63  }
0xad: {  	_ =	swait.ge [sflag:s8], $0x4000  }
0xae: {  	[sflag:s8] =	ssyncset.done $0x0  }
0xaf: {  	[sflag:s8] =	ssyncadd.s32 $0xFFFFC000  }
0xb0: {  	[spmem:s3] =	stream.indirect.scatter.add.f32 [tilespmem:s0], [sflag:$0x4], $0x80, s11, s28, $0xb8;
	[tilespmem:$0x1F880] =	vst v63  }
0xb1: {  	v2 =	vld [tilespmem:$0x1480];
	_ =	sdelay $0x7  }
0xb2: {  	[tilespmem:v2+s31+$0x0] =	vst.idx.add.f32.msk $0xffff, v1  }
0xb3: {  	v2 =	vld [tilespmem:$0x1490];
	_ =	sdelay $0x7  }
0xb4: {  	[tilespmem:v2+s31+$0x0] =	vst.idx.add.f32.msk $0xffff, v1  }
0xb5: {  	v2 =	vld [tilespmem:$0x14A0];
	_ =	sdelay $0x7  }
0xb6: {  	[tilespmem:v2+s31+$0x0] =	vst.idx.add.f32.msk $0xffff, v1  }
0xb7: {  	v2 =	vld [tilespmem:$0x14B0];
	_ =	sdelay $0x7  }
0xb8: {  	[tilespmem:v2+s31+$0x0] =	vst.idx.add.f32.msk $0xffff, v1  }
0xb9: {  	v2 =	vld [tilespmem:$0x14C0];
	_ =	sdelay $0x7  }
0xba: {  	[tilespmem:v2+s31+$0x0] =	vst.idx.add.f32.msk $0xffff, v1  }
0xbb: {  	v2 =	vld [tilespmem:$0x14D0];
	_ =	sdelay $0x7  }
0xbc: {  	[tilespmem:v2+s31+$0x0] =	vst.idx.add.f32.msk $0xffff, v1  }
0xbd: {  	v2 =	vld [tilespmem:$0x14E0];
	_ =	sdelay $0x7  }
0xbe: {  	[tilespmem:v2+s31+$0x0] =	vst.idx.add.f32.msk $0xffff, v1  }
0xbf: {  	v2 =	vld [tilespmem:$0x14F0];
	_ =	sdelay $0x7  }
0xc0: {  	[tilespmem:v2+s31+$0x0] =	vst.idx.add.f32.msk $0xffff, v1  }
0xc1: {  	_ =	swait.ge [sflag:s9], $0x4000  }
0xc2: {  	[sflag:s9] =	ssyncset.done $0x0  }
0xc3: {  	[sflag:s9] =	ssyncadd.s32 $0xFFFFC000  }
0xc4: {  	_ =	swait.ge [sflag:s10], $0x4000  }
0xc5: {  	[sflag:s10] =	ssyncset.done $0x0  }
0xc6: {  	[sflag:s10] =	ssyncadd.s32 $0xFFFFC000  }
0xc7: {  	_ =	swait.ge [sflag:s29], $0x80  }
0xc8: {  	[sflag:s29] =	ssyncset.done $0x0  }
0xc9: {  	s14 =	rddreg [dreg:$0xc];
	[sflag:s29] =	ssyncadd.s32 $0xFFFFFF80  }
0xca: {  	[tilespmem:s26], [sflag:$0x7] =	stream.linear.gather [hbm4b:s14+s4], $0x1400, $0x38;
	[tilespmem:$0x1F880] =	vst v63  }
0xcb: {  	_ =	swait.ge [sflag:s25], $0x1400  }
0xcc: {  	[sflag:s25] =	ssyncset.done $0x0  }
0xcd: {  	s17 =	rddreg [dreg:$0xd];
	[sflag:s25] =	ssyncadd.s32 $0xFFFFEC00  }
0xce: {  	[tilespmem:s4], [sflag:$0x5] =	stream.linear.gather [hbm4b:s17+s4], $0x80, $0x38;
	[tilespmem:$0x1F880] =	vst v63  }
0xcf: {  	_ = 	snop  }
0xd0: {  	[tilespmem:s28], [sflag:$0x6] =	stream.linear.gather [hbm4b:s18+s4], $0x80, $0x38;
	[tilespmem:$0x1F880] =	vst v63  }
0xd1: {  	_ =	swait.ge [sflag:s29], $0x80  }
0xd2: {  	[sflag:s29] =	ssyncset.done $0x0  }
0xd3: {  	[sflag:s29] =	ssyncadd.s32 $0xFFFFFF80  }
0xd4: {  	[tilespmem:s24], [sflag:$0x1] =	stream.indirect.gather [hbm4b:s1+s28], $0x80, s4, s28, $0xb8;
	[tilespmem:$0x1F880] =	vst v63  }
0xd5: {  	_ =	swait.ge [sflag:s30], $0x4000  }
0xd6: {  	[sflag:s30] =	ssyncset.done $0x0  }
0xd7: {  	[sflag:s30] =	ssyncadd.s32 $0xFFFFC000  }
0xd8: {  	[spmem:s3] =	stream.indirect.scatter.add.f32 [tilespmem:s24], [sflag:$0x3], $0x80, s26, s28, $0xb8;
	[tilespmem:$0x1F880] =	vst v63  }
0xd9: {  	v2 =	vld [tilespmem:$0x100];
	_ =	sdelay $0x7  }
0xda: {  	[tilespmem:v2+s31+$0x0] =	vst.idx.add.f32.msk $0xffff, v1  }
0xdb: {  	v2 =	vld [tilespmem:$0x110];
	_ =	sdelay $0x7  }
0xdc: {  	[tilespmem:v2+s31+$0x0] =	vst.idx.add.f32.msk $0xffff, v1  }
0xdd: {  	v2 =	vld [tilespmem:$0x120];
	_ =	sdelay $0x7  }
0xde: {  	[tilespmem:v2+s31+$0x0] =	vst.idx.add.f32.msk $0xffff, v1  }
0xdf: {  	v2 =	vld [tilespmem:$0x130];
	_ =	sdelay $0x7  }
0xe0: {  	[tilespmem:v2+s31+$0x0] =	vst.idx.add.f32.msk $0xffff, v1  }
0xe1: {  	v2 =	vld [tilespmem:$0x140];
	_ =	sdelay $0x7  }
0xe2: {  	[tilespmem:v2+s31+$0x0] =	vst.idx.add.f32.msk $0xffff, v1  }
0xe3: {  	v2 =	vld [tilespmem:$0x150];
	_ =	sdelay $0x7  }
0xe4: {  	[tilespmem:v2+s31+$0x0] =	vst.idx.add.f32.msk $0xffff, v1  }
0xe5: {  	v2 =	vld [tilespmem:$0x160];
	_ =	sdelay $0x7  }
0xe6: {  	[tilespmem:v2+s31+$0x0] =	vst.idx.add.f32.msk $0xffff, v1  }
0xe7: {  	v2 =	vld [tilespmem:$0x170];
	_ =	sdelay $0x7  }
0xe8: {  	[tilespmem:v2+s31+$0x0] =	vst.idx.add.f32.msk $0xffff, v1  }
0xe9: {  	[tilespmem:s4], [sflag:$0x5] =	stream.linear.gather [hbm4b:s19+s4], $0x80, $0x38;
	[tilespmem:$0x1F880] =	vst v63  }
0xea: {  	_ =	swait.ge [sflag:s2], $0x80  }
0xeb: {  	[sflag:s2] =	ssyncset.done $0x0  }
0xec: {  	s15 =	simm.s32 $0x1C0;
	s14 =	simm.s32 $0x1580;
	[sflag:s2] =	ssyncadd.s32 $0xFFFFFF80  }
0xed: {  	[tilespmem:s0], [sflag:$0x2] =	stream.indirect.gather [hbm4b:s1+s28], $0x80, s28, s28, $0xb8;
	[tilespmem:$0x1F880] =	vst v63  }
.LBB2_8:
0xee: {  	_ =	swait.ge [sflag:s8], $0x4000  }
0xef: {  	[sflag:s8] =	ssyncset.done $0x0  }
0xf0: {  	s16 =	sadd.s32 $0xFFFFFFC0, s15;
	[sflag:s8] =	ssyncadd.s32 $0xFFFFC000  }
0xf1: {  	[spmem:s3] =	stream.indirect.scatter.add.f32 [tilespmem:s0], [sflag:$0x4], $0x80, s16, s28, $0xb8;
	[tilespmem:$0x1F880] =	vst v63  }
0xf2: {  	v2 =	vld [tilespmem:s15+$0xFFFFFFC0];
	_ =	sdelay $0x7  }
0xf3: {  	[tilespmem:v2+s31+$0x0] =	vst.idx.add.f32.msk $0xffff, v1  }
0xf4: {  	v2 =	vld [tilespmem:s15+$0xFFFFFFD0];
	_ =	sdelay $0x7  }
0xf5: {  	[tilespmem:v2+s31+$0x0] =	vst.idx.add.f32.msk $0xffff, v1  }
0xf6: {  	v2 =	vld [tilespmem:s15+$0xFFFFFFE0];
	_ =	sdelay $0x7  }
0xf7: {  	[tilespmem:v2+s31+$0x0] =	vst.idx.add.f32.msk $0xffff, v1  }
0xf8: {  	v2 =	vld [tilespmem:s15+$0xFFFFFFF0];
	_ =	sdelay $0x7  }
0xf9: {  	[tilespmem:v2+s31+$0x0] =	vst.idx.add.f32.msk $0xffff, v1  }
0xfa: {  	v2 =	vld [tilespmem:s15+$0x0];
	_ =	sdelay $0x7  }
0xfb: {  	[tilespmem:v2+s31+$0x0] =	vst.idx.add.f32.msk $0xffff, v1  }
0xfc: {  	v2 =	vld [tilespmem:s15+$0x10];
	_ =	sdelay $0x7  }
0xfd: {  	[tilespmem:v2+s31+$0x0] =	vst.idx.add.f32.msk $0xffff, v1  }
0xfe: {  	v2 =	vld [tilespmem:s15+$0x20];
	_ =	sdelay $0x7  }
0xff: {  	[tilespmem:v2+s31+$0x0] =	vst.idx.add.f32.msk $0xffff, v1  }
0x100: {  	v2 =	vld [tilespmem:s15+$0x30];
	_ =	sdelay $0x3  }
0x101: {  	s17 =	sand.u32 $0x3C00, s14  }
0x102: {  	s16 =	sadd.s32 s7, s17;
	s17 =	sand.u32 $0x380, s14  }
0x103: {  	s16 =	sor.u32 s17, s16  }
0x104: {  	s16 =	sshrl.u32 s16, $0x3  }
0x105: {  	s16 =	sadd.s32 s5, s16;
	[tilespmem:v2+s31+$0x0] =	vst.idx.add.f32.msk $0xffff, v1  }
0x106: {  	[tilespmem:s28], [sflag:$0x6] =	stream.linear.gather [hbm4b:s16+s4], $0x80, $0x38;
	[tilespmem:$0x1F880] =	vst v63  }
0x107: {  	_ =	swait.ge [sflag:s9], $0x4000  }
0x108: {  	[sflag:s9] =	ssyncset.done $0x0  }
0x109: {  	[sflag:s9] =	ssyncadd.s32 $0xFFFFC000  }
0x10a: {  	_ =	swait.ge [sflag:s29], $0x80  }
0x10b: {  	[sflag:s29] =	ssyncset.done $0x0  }
0x10c: {  	[sflag:s29] =	ssyncadd.s32 $0xFFFFFF80  }
0x10d: {  	[tilespmem:s24], [sflag:$0x1] =	stream.indirect.gather [hbm4b:s1+s28], $0x80, s4, s28, $0xb8;
	[tilespmem:$0x1F880] =	vst v63  }
0x10e: {  	_ =	swait.ge [sflag:s30], $0x4000  }
0x10f: {  	[sflag:s30] =	ssyncset.done $0x0  }
0x110: {  	s17 =	sadd.s32 $0x40, s15;
	[sflag:s30] =	ssyncadd.s32 $0xFFFFC000  }
0x111: {  	[spmem:s3] =	stream.indirect.scatter.add.f32 [tilespmem:s24], [sflag:$0x3], $0x80, s17, s28, $0xb8;
	[tilespmem:$0x1F880] =	vst v63  }
0x112: {  	v2 =	vld [tilespmem:s15+$0x40];
	_ =	sdelay $0x7  }
0x113: {  	[tilespmem:v2+s31+$0x0] =	vst.idx.add.f32.msk $0xffff, v1  }
0x114: {  	v2 =	vld [tilespmem:s15+$0x50];
	_ =	sdelay $0x7  }
0x115: {  	[tilespmem:v2+s31+$0x0] =	vst.idx.add.f32.msk $0xffff, v1  }
0x116: {  	v2 =	vld [tilespmem:s15+$0x60];
	_ =	sdelay $0x7  }
0x117: {  	[tilespmem:v2+s31+$0x0] =	vst.idx.add.f32.msk $0xffff, v1  }
0x118: {  	v2 =	vld [tilespmem:s15+$0x70];
	_ =	sdelay $0x7  }
0x119: {  	[tilespmem:v2+s31+$0x0] =	vst.idx.add.f32.msk $0xffff, v1  }
0x11a: {  	v2 =	vld [tilespmem:s15+$0x80];
	_ =	sdelay $0x7  }
0x11b: {  	[tilespmem:v2+s31+$0x0] =	vst.idx.add.f32.msk $0xffff, v1  }
0x11c: {  	v2 =	vld [tilespmem:s15+$0x90];
	_ =	sdelay $0x7  }
0x11d: {  	[tilespmem:v2+s31+$0x0] =	vst.idx.add.f32.msk $0xffff, v1  }
0x11e: {  	v2 =	vld [tilespmem:s15+$0xA0];
	_ =	sdelay $0x7  }
0x11f: {  	[tilespmem:v2+s31+$0x0] =	vst.idx.add.f32.msk $0xffff, v1  }
0x120: {  	v2 =	vld [tilespmem:s15+$0xB0];
	_ =	sdelay $0x2  }
0x121: {  	s16 =	sadd.s32 $0x80, s14  }
0x122: {  	s17 =	sand.u32 $0x3C00, s16  }
0x123: {  	s16 =	sand.u32 $0x300, s16;
	s17 =	sadd.s32 s7, s17  }
0x124: {  	s16 =	sor.u32 s16, s17  }
0x125: {  	s16 =	sshrl.u32 s16, $0x3  }
0x126: {  	s16 =	sadd.s32 s5, s16;
	[tilespmem:v2+s31+$0x0] =	vst.idx.add.f32.msk $0xffff, v1  }
0x127: {  	[tilespmem:s4], [sflag:$0x5] =	stream.linear.gather [hbm4b:s16+s4], $0x80, $0x38;
	[tilespmem:$0x1F880] =	vst v63  }
0x128: {  	_ =	swait.ge [sflag:s10], $0x4000  }
0x129: {  	p1 =	sne.s32 s14, $0x2780;
	[sflag:s10] =	ssyncset.done $0x0  }
.Ltmp3:
0x12a: {  	[sflag:s10] =	ssyncadd.s32 $0xFFFFC000;
	(pc) =	sbr.rel @p1 .LBB2_8-.Ltmp3, $4  }
0x12b: {  	_ =	swait.ge [sflag:s2], $0x80  }
0x12c: {  	[sflag:s2] =	ssyncset.done $0x0  }
0x12d: {  	s14 =	sadd.s32 $0x100, s14;
	s15 =	sadd.s32 $0x100, s15;
	[sflag:s2] =	ssyncadd.s32 $0xFFFFFF80  }
0x12e: {  	[tilespmem:s0], [sflag:$0x2] =	stream.indirect.gather [hbm4b:s1+s28], $0x80, s28, s28, $0xb8;
	[tilespmem:$0x1F880] =	vst v63  }
0x12f: {  	_ =	swait.ge [sflag:s8], $0x4000  }
0x130: {  	[sflag:s8] =	ssyncset.done $0x0  }
0x131: {  	[sflag:s8] =	ssyncadd.s32 $0xFFFFC000  }
0x132: {  	[spmem:s3] =	stream.indirect.scatter.add.f32 [tilespmem:s0], [sflag:$0x4], $0x80, s11, s28, $0xb8;
	[tilespmem:$0x1F880] =	vst v63  }
0x133: {  	v2 =	vld [tilespmem:$0x1480];
	_ =	sdelay $0x7  }
0x134: {  	[tilespmem:v2+s31+$0x0] =	vst.idx.add.f32.msk $0xffff, v1  }
0x135: {  	v2 =	vld [tilespmem:$0x1490];
	_ =	sdelay $0x7  }
0x136: {  	[tilespmem:v2+s31+$0x0] =	vst.idx.add.f32.msk $0xffff, v1  }
0x137: {  	v2 =	vld [tilespmem:$0x14A0];
	_ =	sdelay $0x7  }
0x138: {  	[tilespmem:v2+s31+$0x0] =	vst.idx.add.f32.msk $0xffff, v1  }
0x139: {  	v2 =	vld [tilespmem:$0x14B0];
	_ =	sdelay $0x7  }
0x13a: {  	[tilespmem:v2+s31+$0x0] =	vst.idx.add.f32.msk $0xffff, v1  }
0x13b: {  	v2 =	vld [tilespmem:$0x14C0];
	_ =	sdelay $0x7  }
0x13c: {  	[tilespmem:v2+s31+$0x0] =	vst.idx.add.f32.msk $0xffff, v1  }
0x13d: {  	v2 =	vld [tilespmem:$0x14D0];
	_ =	sdelay $0x7  }
0x13e: {  	[tilespmem:v2+s31+$0x0] =	vst.idx.add.f32.msk $0xffff, v1  }
0x13f: {  	v2 =	vld [tilespmem:$0x14E0];
	_ =	sdelay $0x7  }
0x140: {  	[tilespmem:v2+s31+$0x0] =	vst.idx.add.f32.msk $0xffff, v1  }
0x141: {  	v2 =	vld [tilespmem:$0x14F0];
	_ =	sdelay $0x7  }
0x142: {  	[tilespmem:v2+s31+$0x0] =	vst.idx.add.f32.msk $0xffff, v1  }
0x143: {  	_ =	swait.ge [sflag:s9], $0x4000  }
0x144: {  	[sflag:s9] =	ssyncset.done $0x0  }
0x145: {  	[sflag:s9] =	ssyncadd.s32 $0xFFFFC000  }
0x146: {  	_ =	swait.ge [sflag:s10], $0x4000  }
0x147: {  	[sflag:s10] =	ssyncset.done $0x0  }
0x148: {  	[sflag:s10] =	ssyncadd.s32 $0xFFFFC000  }
0x149: {  	_ =	swait.ge [sflag:s29], $0x80  }
0x14a: {  	[sflag:s29] =	ssyncset.done $0x0  }
0x14b: {  	[sflag:s29] =	ssyncadd.s32 $0xFFFFFF80  }
0x14c: {  	s14 =	sshrl.u32 @p0 s6, $0x3;
	s15 =	simm.s32 @p0 $0x1FC7;
	[bflag:$0x0] =	sbarrier.arrive $0xFFFF  }
0x14d: {  	[hbm:s21], [sflag:s15] =	dma.local @p0 [spmem:s14], $0x2080  }
0x14e: {  	s14 =	simm.s32 @p0 $0x7  }
0x14f: {  	s15 =	stileid.u32;
	_ =	swait.ge @p0 [sflag:s14], $0x2080  }
0x150: {  	s15 =	sshll.u32 @!p0 s15, $0x6;
	[sflag:s14] =	ssyncset.done @p0 $0x0  }
0x151: {  	[sflag:s14] =	ssyncadd.s32 @p0 $0xFFFFDF80;
	s14 =	sor.u32 @!p0 $0x1C07, s15;
	s15 =	sshrl.u32 @!p0 s6, $0x3  }
0x152: {  	[hbm:s20], [sflag:s14] =	dma.local @!p0 [spmem:s15], $0x2780  }
0x153: {  	s14 =	simm.s32 @!p0 $0x7  }
0x154: {  	s12 =	sadd.s32 $0x1, s12;
	_ =	swait.ge @!p0 [sflag:s14], $0x2780  }
0x155: {  	p1 =	sne.s32 s12, s23;
	[sflag:s14] =	ssyncset.done @!p0 $0x0  }
.Ltmp4:
0x156: {  	s17 =	simm.s32 $0x400;
	[sflag:s14] =	ssyncadd.s32 @!p0 $0xFFFFD880;
	(pc) =	sbr.rel @p1 .LBB2_1-.Ltmp4, $4  }
0x157: {  	[hbm4b:s22+s28] =	stream.strided.scatter [tilespmem:s31], [sflag:$0x7], $0x2780, s17, s28, $0x38;
	[tilespmem:$0x1F880] =	vst v63  }
0x158: {  	_ =	swait.ge [sflag:s25], $0x2780  }
0x159: {  	[sflag:s25] =	ssyncset.done $0x0  }
0x15a: {  	[sflag:s25] =	ssyncadd.s32 $0xFFFFD880  }
0x15b: {  	_ =	sfence.sel $0x180000  }
0x15c: {  	[bflag:$0x0] =	sbarrier.arrive $0xFFFF  }
0x15d: {  	_ =	strace $0x90000047  }
0x15e: {  	s0 =	stileid.u32;
	[bflag:$0x2] =	sbarrier.arrive $0xFFFF  }
0x15f: {  	p0 =	sne.s32 s0, $0x0;
	s0 =	rddreg [dreg:$0x4]  }
0x160: {  	s0 =	sadd.s32 @!p0 $0x100000, s0  }
0x161: {  	[sflag:s0] =	ssyncadd.tile.s32 @!p0 $0x1;
	_ =	shalt  }
.Lfunc_end2:
_tile_overlayer_lowered:
.L_overlay_start_2:
0x162: {  	(tag) =	ssettag $0x2  }
0x163: {  	s0 =	rddreg [dreg:$0x0];
	s2 =	stileid.u32  }
0x164: {  	s1 =	rddreg [dreg:$0x1];
	p0 =	sne.s32 s2, $0x0  }
0x165: {  	s3 =	rddreg [dreg:$0x2];
	[bflag:$0x3] =	sbarrier.arrive $0xFFFF;
	s2 =	simm.s32 @!p0 $0x1C07  }
0x166: {  	[timem:s3], [sflag:s2] =	dma.local @!p0 [hbm:s0], s1  }
0x167: {  	s0 =	simm.s32 @!p0 $0x7  }
0x168: {  	_ =	swait.ge @!p0 [sflag:s0], s1  }
0x169: {  	s1 =	ssub.s32 @!p0 $0x0, s1;
	[sflag:s0] =	ssyncset.done @!p0 $0x0  }
0x16a: {  	[sflag:s0] =	ssyncadd.s32 @!p0 s1  }
0x16b: {  	[bflag:$0x3] =	sbarrier.arrive $0xFFFF  }
0x16c: {  	_ =	shalt  }

</sc_bundles>
